<compile_context>
chip_gen: v7x
topology: tpu7x:2x2x1
jax: 0.10.2.dev20260603
libtpu: 0.0.44.dev20260713+nightly
codegen_flags: <defaults>
</compile_context>

<pallas_src>
import functools

import jax
import jax.numpy as jnp
import numpy as np
from jax import lax
from jax.experimental import pallas as pl
from jax.experimental.pallas import tpu as pltpu
from jax.experimental.pallas import tpu_sc as plsc

_N = 10000
_E = 320000
_G = 256
_D = 128
_H = 32
_NT = 64
_PH = 32
_BNC = float(1.0 / np.sqrt(np.float32(1.0 + 1e-5)))

_NC = 2
_NS = 16
_CH = 125
_NCHUNK = _E // _NS // _CH
_K = 8
_NPAD = 10240
_RPT = _NPAD // _NS
_RH = _RPT // 4
_RB = 2000
_NB = _N // _RB

_pcall = pl.pallas_call


def _sc_edge_aggregate(tab, e0, e1):
    mesh = plsc.VectorSubcoreMesh(core_axis_name="c", subcore_axis_name="s")

    @functools.partial(
        pl.kernel,
        out_type=jax.ShapeDtypeStruct((_NC, _NPAD, _H), jnp.float32),
        mesh=mesh,
        scratch_types=[
            pltpu.VMEM((_NCHUNK, _CH), jnp.int32),
            pltpu.VMEM((_NCHUNK, _CH), jnp.int32),
            pltpu.VMEM((_K, _CH, _H), jnp.float32),
            pltpu.VMEM((_RH, _H), jnp.float32),
            pltpu.VMEM_SHARED((_NPAD, _H), jnp.float32),
        ] + [pltpu.SemaphoreType.DMA] * _K,
        compiler_params=pltpu.CompilerParams(use_tc_tiling_on_sc=False),
    )
    def agg(tab_hbm, e0_hbm, e1_hbm, out_hbm, srcv, dstv, rows, zbuf, acc,
            *gsem):
        c = lax.axis_index("c")
        s = lax.axis_index("s")

        zeros16 = jnp.zeros((16,), jnp.float32)

        @pl.loop(0, _RH)
        def _(i):
            zbuf[i, pl.ds(0, 16)] = zeros16
            zbuf[i, pl.ds(16, 16)] = zeros16

        for q in range(4):
            pltpu.sync_copy(zbuf, acc.at[pl.ds(s * _RPT + q * _RH, _RH)])
        plsc.subcore_barrier()

        @pl.when(c == 0)
        def _():
            pltpu.sync_copy(e0_hbm.at[0, s], srcv)
            pltpu.sync_copy(e0_hbm.at[1, s], dstv)

        @pl.when(c == 1)
        def _():
            pltpu.sync_copy(e1_hbm.at[0, s], srcv)
            pltpu.sync_copy(e1_hbm.at[1, s], dstv)

        for b in range(_K):
            pltpu.async_copy(tab_hbm.at[srcv.at[b]], rows.at[b], gsem[b])

        @pl.loop(0, _NCHUNK // _K)
        def _(g):
            base = g * _K
            for b in range(_K):
                j = base + b
                pltpu.make_async_copy(
                    tab_hbm.at[pl.ds(0, _CH)], rows.at[b], gsem[b]).wait()
                pltpu.sync_copy(rows.at[b], acc.at[dstv.at[j]], add=True)

                @pl.when(j + _K < _NCHUNK)
                def _():
                    pltpu.async_copy(
                        tab_hbm.at[srcv.at[j + _K]], rows.at[b], gsem[b])

        plsc.subcore_barrier()
        for q in range(4):
            pltpu.sync_copy(acc.at[pl.ds(s * _RPT + q * _RH, _RH)], zbuf)
            pltpu.sync_copy(zbuf, out_hbm.at[c, pl.ds(s * _RPT + q * _RH, _RH)])

    return agg(tab, e0, e1)


def _tc_dense1(x0, x1, Ws, Wrs, brs):
    def body(x0_ref, x1_ref, W_ref, Wr_ref, br_ref, hpre_ref, res_ref):
        p = pl.program_id(0)
        x = jnp.where(p == 0, x0_ref[...], x1_ref[...])
        hpre_ref[0] = jnp.dot(x, W_ref[0], preferred_element_type=jnp.float32)
        r = jnp.dot(x, Wr_ref[0], preferred_element_type=jnp.float32) + br_ref[0]
        res_ref[0] = jnp.maximum(r, 0.0)

    return _pcall(
        body,
        grid=(2, _NB),
        in_specs=[
            pl.BlockSpec((_RB, _D), lambda p, i: ((1 - p) * i, 0)),
            pl.BlockSpec((_RB, _D), lambda p, i: (p * i, 0)),
            pl.BlockSpec((1, _D, _H), lambda p, i: (p, 0, 0)),
            pl.BlockSpec((1, _D, _H), lambda p, i: (p, 0, 0)),
            pl.BlockSpec((1, 1, _H), lambda p, i: (p, 0, 0)),
        ],
        out_specs=[
            pl.BlockSpec((1, _RB, _H), lambda p, i: (p, i, 0)),
            pl.BlockSpec((1, _RB, _H), lambda p, i: (p, i, 0)),
        ],
        out_shape=[jax.ShapeDtypeStruct((2, _N, _H), jnp.float32)] * 2,
    )(x0, x1, Ws, Wrs, brs)


def _tc_dense2(parts, res1, b1s, g1s, be1s, W2s, Wr2s, br2s):
    def body(pr, res_ref, b1, g1, be1, W2, Wr2, br2, hpre2_ref, res2_ref):
        agg = pr[0]
        h1 = (jnp.maximum(agg + b1[0], 0.0) + res_ref[0]) * (g1[0] * _BNC) + be1[0]
        hpre2_ref[0] = jnp.dot(h1, W2[0], preferred_element_type=jnp.float32)
        r = jnp.dot(h1, Wr2[0], preferred_element_type=jnp.float32) + br2[0]
        res2_ref[0] = jnp.maximum(r, 0.0)

    return _pcall(
        body,
        grid=(2, _NB),
        in_specs=[
            pl.BlockSpec((1, _RB, _H), lambda p, i: (p, i, 0)),
            pl.BlockSpec((1, _RB, _H), lambda p, i: (p, i, 0)),
            pl.BlockSpec((1, 1, _H), lambda p, i: (p, 0, 0)),
            pl.BlockSpec((1, 1, _H), lambda p, i: (p, 0, 0)),
            pl.BlockSpec((1, 1, _H), lambda p, i: (p, 0, 0)),
            pl.BlockSpec((1, _H, _H), lambda p, i: (p, 0, 0)),
            pl.BlockSpec((1, _H, _H), lambda p, i: (p, 0, 0)),
            pl.BlockSpec((1, 1, _H), lambda p, i: (p, 0, 0)),
        ],
        out_specs=[
            pl.BlockSpec((1, _RB, _H), lambda p, i: (p, i, 0)),
            pl.BlockSpec((1, _RB, _H), lambda p, i: (p, i, 0)),
        ],
        out_shape=[jax.ShapeDtypeStruct((2, _N, _H), jnp.float32)] * 2,
    )(parts, res1, b1s, g1s, be1s, W2s, Wr2s, br2s)


def _tc_readout(parts, res2, b2s, g2s, be2s, Wgs, bgs, gidr):
    def body(pr, res_ref, b2, g2, be2, Wg, bg, gid_ref, hsum_ref, maxT_ref):
        i = pl.program_id(1)
        agg = pr[0]
        h2 = (jnp.maximum(agg + b2[0], 0.0) + res_ref[0]) * (g2[0] * _BNC) + be2[0]
        h2b = h2.astype(jnp.bfloat16).astype(jnp.float32)
        wgb = Wg[0].astype(jnp.bfloat16).astype(jnp.float32)
        logit = jnp.sum(h2b * wgb, axis=1, keepdims=True) + bg[0]
        w = jax.nn.sigmoid(logit)
        wh = w * h2
        gid = gid_ref[0]
        iota_g = lax.broadcasted_iota(jnp.int32, (1, _G), 1)
        ohf = (gid == iota_g).astype(jnp.float32)
        contrib = lax.dot_general(
            ohf, wh, (((0,), (0,)), ((), ())),
            preferred_element_type=jnp.float32,
            precision=lax.Precision.HIGHEST)
        val = h2
        s = 1
        while s < _RB:
            sh_val = jnp.concatenate(
                [jnp.full((s, _H), -jnp.inf, jnp.float32), val[:-s]], axis=0)
            sh_gid = jnp.concatenate(
                [jnp.full((s, 1), -1, jnp.int32), gid[:-s]], axis=0)
            val = jnp.maximum(
                val, jnp.where(sh_gid == gid, sh_val, -jnp.inf))
            s *= 2
        nxt_gid = jnp.concatenate(
            [gid[1:], jnp.full((1, 1), -2, jnp.int32)], axis=0)
        lastf = (gid != nxt_gid).astype(jnp.float32)
        ext = lax.dot_general(
            ohf * lastf,
            jnp.concatenate([val, jnp.ones((_RB, 1), jnp.float32)], axis=1),
            (((0,), (0,)), ((), ())),
            preferred_element_type=jnp.float32,
            precision=lax.Precision.HIGHEST)
        M = jnp.where(ext[:, _H:_H + 1] > 0.0, ext[:, :_H], -jnp.inf)

        @pl.when(i == 0)
        def _():
            hsum_ref[0] = contrib
            maxT_ref[0] = M

        @pl.when(i != 0)
        def _():
            hsum_ref[0] += contrib
            maxT_ref[0] = jnp.maximum(maxT_ref[0], M)

    return _pcall(
        body,
        grid=(2, _NB),
        in_specs=[
            pl.BlockSpec((1, _RB, _H), lambda p, i: (p, i, 0)),
            pl.BlockSpec((1, _RB, _H), lambda p, i: (p, i, 0)),
            pl.BlockSpec((1, 1, _H), lambda p, i: (p, 0, 0)),
            pl.BlockSpec((1, 1, _H), lambda p, i: (p, 0, 0)),
            pl.BlockSpec((1, 1, _H), lambda p, i: (p, 0, 0)),
            pl.BlockSpec((1, 1, _H), lambda p, i: (p, 0, 0)),
            pl.BlockSpec((1, 1, 1), lambda p, i: (p, 0, 0)),
            pl.BlockSpec((1, _RB, 1), lambda p, i: (p, i, 0)),
        ],
        out_specs=[
            pl.BlockSpec((1, _G, _H), lambda p, i: (p, 0, 0)),
            pl.BlockSpec((1, _G, _H), lambda p, i: (p, 0, 0)),
        ],
        out_shape=[
            jax.ShapeDtypeStruct((2, _G, _H), jnp.float32),
            jax.ShapeDtypeStruct((2, _G, _H), jnp.float32),
        ],
    )(parts, res2, b2s, g2s, be2s, Wgs, bgs, gidr)


def _tc_head(hsum, maxT, Wm1s, bm1s, gms, bems, Wm2s, bm2s, Wp1, bp1, Wp2, bp2):
    def body(hsum_ref, maxT_ref, Wm1, bm1, gm, bem, Wm2, bm2,
             Wp1_ref, bp1_ref, Wp2_ref, bp2_ref, out_ref):
        fs = []
        for p in range(2):
            hs = hsum_ref[p]
            hm = maxT_ref[p]
            hm = jnp.where(hm > -jnp.inf, hm, 0.0)
            z = jnp.dot(hs, Wm1[p, :_H], preferred_element_type=jnp.float32)
            z = z + jnp.dot(hm, Wm1[p, _H:],
                            preferred_element_type=jnp.float32)
            z = jnp.maximum(z + bm1[p], 0.0)
            z = z * (gm[p] * _BNC) + bem[p]
            fs.append(jnp.dot(z, Wm2[p], preferred_element_type=jnp.float32)
                      + bm2[p])
        f = jnp.concatenate(fs, axis=1)
        zt = jnp.maximum(
            jnp.dot(f, Wp1_ref[...], preferred_element_type=jnp.float32)
            + bp1_ref[...], 0.0)
        ztb = zt.astype(jnp.bfloat16).astype(jnp.float32)
        wpb = Wp2_ref[...].astype(jnp.bfloat16).astype(jnp.float32)
        out_ref[...] = (jnp.sum(ztb * wpb, axis=1, keepdims=True)
                        + bp2_ref[...])

    return _pcall(
        body,
        out_shape=jax.ShapeDtypeStruct((_G, 1), jnp.float32),
    )(hsum, maxT, Wm1s, bm1s, gms, bems, Wm2s, bm2s, Wp1, bp1, Wp2, bp2)


def kernel(x0, x1, edge_index0, edge_index1, graph_id0, graph_id1,
           params1, params2, head):
    st = lambda k: jnp.stack([params1[k], params2[k]])
    vt = lambda k: jnp.stack([params1[k], params2[k]])[:, None, :]

    e0 = edge_index0.reshape(2, _NS, _NCHUNK, _CH)
    e1 = (edge_index1 + jnp.array([[_N], [0]], jnp.int32)
          ).reshape(2, _NS, _NCHUNK, _CH)
    gidr = jnp.stack([graph_id0, graph_id1])[:, :, None]

    hpre1, res1 = _tc_dense1(x0, x1, st('W1'), st('Wr1'), vt('br1'))
    parts1 = _sc_edge_aggregate(hpre1.reshape(2 * _N, _H), e0, e1)
    hpre2, res2 = _tc_dense2(parts1, res1, vt('b1'), vt('g1'), vt('be1'),
                             st('W2'), st('Wr2'), vt('br2'))
    parts2 = _sc_edge_aggregate(hpre2.reshape(2 * _N, _H), e0, e1)
    hsum, maxT = _tc_readout(parts2, res2, vt('b2'), vt('g2'), vt('be2'),
                             st('Wg')[:, :, 0][:, None, :],
                             st('bg')[:, :, None], gidr)
    return _tc_head(hsum, maxT, st('Wm1'), vt('bm1'), vt('gm'), vt('bem'),
                    st('Wm2'), vt('bm2'),
                    head['Wp1'], head['bp1'][None, :],
                    head['Wp2'].reshape(1, _NT), head['bp2'][None, :])

# --- scband reference (transcript-rebuilt; emitter-appended) ---
"""Pipeline reference for scband-predictor-61529701483249 (READ-ONLY COPY).

The authoritative reference and input builder live on the scoring server;
editing this copy changes nothing except your own understanding.
"""

import jax
import jax.numpy as jnp
import numpy as np

N = 10000
E = 320000
G = 256
D_IN = 128
H = 32
NT = 64
PH = 32
EPS = 1e-5


def _lin(k, i, o):
    return (jax.random.normal(k, (i, o), jnp.float32) / np.sqrt(i)).astype(jnp.float32)


def _net_params(key):
    ks = jax.random.split(key, 7)
    z = lambda n: jnp.zeros((n,), jnp.float32)
    o = lambda n: jnp.ones((n,), jnp.float32)
    return {
        'W1': _lin(ks[0], D_IN, H), 'b1': z(H),
        'Wr1': _lin(ks[1], D_IN, H), 'br1': z(H),
        'g1': o(H), 'be1': z(H),
        'W2': _lin(ks[2], H, H), 'b2': z(H),
        'Wr2': _lin(ks[3], H, H), 'br2': z(H),
        'g2': o(H), 'be2': z(H),
        'Wg': _lin(ks[4], H, 1), 'bg': z(1),
        'Wm1': _lin(ks[5], 2 * H, PH), 'bm1': z(PH),
        'gm': o(PH), 'bem': z(PH),
        'Wm2': _lin(ks[6], PH, NT), 'bm2': z(NT),
    }


def setup_inputs(seed: int = 0):
    key = jax.random.key(seed)
    ks = jax.random.split(key, 12)
    head = {
        'Wp1': _lin(ks[8], 2 * NT, 64), 'bp1': jnp.zeros((64,), jnp.float32),
        'Wp2': _lin(ks[9], 64, 1), 'bp2': jnp.zeros((1,), jnp.float32),
    }
    return {
        'x0': jax.random.normal(ks[0], (N, D_IN), jnp.float32),
        'x1': jax.random.normal(ks[1], (N, D_IN), jnp.float32),
        'edge_index0': jax.random.randint(ks[2], (2, E), 0, N, dtype=jnp.int32),
        'edge_index1': jax.random.randint(ks[3], (2, E), 0, N, dtype=jnp.int32),
        'graph_id0': jnp.sort(jax.random.randint(ks[4], (N,), 0, G, dtype=jnp.int32)),
        'graph_id1': jnp.sort(jax.random.randint(ks[5], (N,), 0, G, dtype=jnp.int32)),
        'params1': _net_params(ks[6]),
        'params2': _net_params(ks[7]),
        'head': head,
    }


def _bn(x, g, b):
    # BatchNorm1d in eval mode with fresh running stats (mean=0, var=1)
    return x * (g / jnp.sqrt(1.0 + EPS)) + b


def _gcn_layer(x, src, dst, W, b, Wr, br, g, be):
    # dgl GraphConv(norm='none'): h = A @ (x W) + b, then activation
    h = x @ W
    agg = jax.ops.segment_sum(h[src], dst, num_segments=N)
    agg = jax.nn.relu(agg + b)
    # dgllife GCNLayer residual connection: relu(Linear(x))
    res = jax.nn.relu(x @ Wr + br)
    return _bn(agg + res, g, be)  # dropout=0 -> identity


def _gcn_predictor(x, ei, gid, p):
    src, dst = ei[0], ei[1]
    h = _gcn_layer(x, src, dst, p['W1'], p['b1'], p['Wr1'], p['br1'], p['g1'], p['be1'])
    h = _gcn_layer(h, src, dst, p['W2'], p['b2'], p['Wr2'], p['br2'], p['g2'], p['be2'])
    # WeightedSumAndMax readout
    w = jax.nn.sigmoid(h @ p['Wg'] + p['bg'])
    h_sum = jax.ops.segment_sum(w * h, gid, num_segments=G)
    h_max = jax.ops.segment_max(h, gid, num_segments=G)
    h_max = jnp.where(jnp.isfinite(h_max), h_max, 0.0)
    hg = jnp.concatenate([h_sum, h_max], axis=1)
    # MLPPredictor: Dropout(0) -> Linear -> ReLU -> BatchNorm1d -> Linear
    zt = jax.nn.relu(hg @ p['Wm1'] + p['bm1'])
    zt = _bn(zt, p['gm'], p['bem'])
    return zt @ p['Wm2'] + p['bm2']


def reference(x0, x1, edge_index0, edge_index1, graph_id0, graph_id1, params1, params2, head):
    wt = _gcn_predictor(x0, edge_index0, graph_id0, params1)
    mut = _gcn_predictor(x1, edge_index1, graph_id1, params2)
    f = jnp.concatenate([wt, mut], axis=1)
    zt = jax.nn.relu(f @ head['Wp1'] + head['bp1'])
    return zt @ head['Wp2'] + head['bp2']

if __name__ == "__main__":
    import jax
    _d = setup_inputs()
    print(jax.jit(kernel)(*tuple(_d.values())))

</pallas_src>

<mosaic_0001>
#map = affine_map<(d0, d1) -> (0, 0)>
#map1 = affine_map<(d0, d1) -> (0, 0, 0, 0)>
#map2 = affine_map<(d0, d1) -> (0, 0, 0)>
module attributes {stable_mosaic.version = 14 : i64} {
  func.func @agg(%arg0: i32, %arg1: i32, %arg2: memref<20000x32xf32, #tpu.memory_space<hbm>>, %arg3: memref<2x16x160x125xi32, #tpu.memory_space<hbm>>, %arg4: memref<2x16x160x125xi32, #tpu.memory_space<hbm>>, %arg5: memref<2x10240x32xf32, #tpu.memory_space<hbm>>, %arg6: memref<160x125xi32, #tpu.memory_space<vmem>>, %arg7: memref<160x125xi32, #tpu.memory_space<vmem>>, %arg8: memref<8x125x32xf32, #tpu.memory_space<vmem>>, %arg9: memref<160x32xf32, #tpu.memory_space<vmem>>, %arg10: memref<10240x32xf32, #tpu.memory_space<vmem_shared>>, %arg11: memref<!tpu.dma_semaphore, #tpu.memory_space<semaphore_mem>>, %arg12: memref<!tpu.dma_semaphore, #tpu.memory_space<semaphore_mem>>, %arg13: memref<!tpu.dma_semaphore, #tpu.memory_space<semaphore_mem>>, %arg14: memref<!tpu.dma_semaphore, #tpu.memory_space<semaphore_mem>>, %arg15: memref<!tpu.dma_semaphore, #tpu.memory_space<semaphore_mem>>, %arg16: memref<!tpu.dma_semaphore, #tpu.memory_space<semaphore_mem>>, %arg17: memref<!tpu.dma_semaphore, #tpu.memory_space<semaphore_mem>>, %arg18: memref<!tpu.dma_semaphore, #tpu.memory_space<semaphore_mem>>) attributes {dimension_semantics = [#tpu.dimension_semantics<core_parallel>, #tpu.dimension_semantics<subcore_parallel>], iteration_bounds = array<i64: 2, 16>, scalar_prefetch = 0 : i64, scratch_operands = 13 : i64, tpu.core_type = #tpu.core_type<sc_vector_subcore>, window_params = [{transform_indices = #map}, {transform_indices = #map1}, {transform_indices = #map1}, {transform_indices = #map2}]} {
    %broadcast_in_dim3A = arith.constant 0.000000e+00 : f32
    %broadcast_in_dim3A_0 = vector.broadcast %broadcast_in_dim3A : f32 to vector<16xf32>
    %scan3A = arith.constant 0 : i32
    %scan3A_1 = arith.constant 160 : i32
    %scan3A_2 = arith.addi %scan3A, %scan3A_1 : i32
    %scan3A_3 = arith.constant 1 : i32
    scf.for %scan3A_159 = %scan3A to %scan3A_2 step %scan3A_3  : i32 {
      %mul3A_160 = arith.constant 1 : i32
      %mul3A_161 = arith.muli %scan3A_159, %mul3A_160 : i32
      %add3A_162 = arith.constant 0 : i32
      %add3A_163 = arith.addi %add3A_162, %mul3A_161 : i32
      %swap3A = arith.index_cast %add3A_163 : i32 to index
      %swap3A_164 = arith.constant 0 : index
      %swap3A_165 = tpu.vector_load %arg9[%swap3A, %swap3A_164] {strides = array<i32>} : memref<160x32xf32, #tpu.memory_space<vmem>>, vector<1x16xf32>,
      %swap3A_166 = vector.shape_cast %swap3A_165 : vector<1x16xf32> to vector<16xf32>
      %swap3A_167 = vector.shape_cast %broadcast_in_dim3A_0 : vector<16xf32> to vector<1x16xf32>
      tpu.vector_store %arg9[%swap3A, %swap3A_164], %swap3A_167 {strides = array<i32>} : memref<160x32xf32, #tpu.memory_space<vmem>>, vector<1x16xf32>,
      %swap3A_168 = arith.index_cast %add3A_163 : i32 to index
      %swap3A_169 = arith.constant 16 : index
      %swap3A_170 = tpu.vector_load %arg9[%swap3A_168, %swap3A_169] {strides = array<i32>} : memref<160x32xf32, #tpu.memory_space<vmem>>, vector<1x16xf32>,
      %swap3A_171 = vector.shape_cast %swap3A_170 : vector<1x16xf32> to vector<16xf32>
      %swap3A_172 = vector.shape_cast %broadcast_in_dim3A_0 : vector<16xf32> to vector<1x16xf32>
      tpu.vector_store %arg9[%swap3A_168, %swap3A_169], %swap3A_172 {strides = array<i32>} : memref<160x32xf32, #tpu.memory_space<vmem>>, vector<1x16xf32>,
    }
    %scan3A_4 = arith.constant 160 : i32
    %mul3A = arith.constant 640 : i32
    %mul3A_5 = arith.muli %arg1, %mul3A : i32
    %add3A = arith.constant 0 : i32
    %add3A_6 = arith.addi %mul3A_5, %add3A : i32
    "tpu.region"() ({
      %run_scoped3A = tpu.sem_alloc : memref<!tpu.dma_semaphore, #tpu.memory_space<semaphore_mem>>
      %dma_start3A_159 = arith.constant 0 : i32
      %dma_start3A_160 = tpu.memref_slice %arg10[%add3A_6, %dma_start3A_159] : memref<10240x32xf32, #tpu.memory_space<vmem_shared>> -> memref<160x32xf32, #tpu.memory_space<vmem_shared>>
      %dma_start3A_161 = arith.constant 0 : i32
      %dma_start3A_162 = tpu.memref_slice %arg10[%add3A_6, %dma_start3A_161] : memref<10240x32xf32, #tpu.memory_space<vmem_shared>> -> memref<160x32xf32, #tpu.memory_space<vmem_shared>>
      tpu.enqueue_dma source(%arg9 : memref<160x32xf32, #tpu.memory_space<vmem>>) target(%dma_start3A_162 : memref<160x32xf32, #tpu.memory_space<vmem_shared>>) target_semaphore(%run_scoped3A : memref<!tpu.dma_semaphore, #tpu.memory_space<semaphore_mem>>)
      %dma_wait3A = arith.constant 0 : i32
      %dma_wait3A_163 = tpu.memref_slice %arg10[%add3A_6, %dma_wait3A] : memref<10240x32xf32, #tpu.memory_space<vmem_shared>> -> memref<160x32xf32, #tpu.memory_space<vmem_shared>>
      %dma_wait3A_164 = arith.constant 0 : i32
      %dma_wait3A_165 = tpu.memref_slice %arg10[%add3A_6, %dma_wait3A_164] : memref<10240x32xf32, #tpu.memory_space<vmem_shared>> -> memref<160x32xf32, #tpu.memory_space<vmem_shared>>
      tpu.wait_dma2 semaphore(%run_scoped3A : memref<!tpu.dma_semaphore, #tpu.memory_space<semaphore_mem>>) src(%arg9 : memref<160x32xf32, #tpu.memory_space<vmem>>) dst(%dma_wait3A_165 : memref<160x32xf32, #tpu.memory_space<vmem_shared>>)
      tpu.yield
    }) : () -> ()
    %mul3A_7 = arith.constant 640 : i32
    %mul3A_8 = arith.muli %arg1, %mul3A_7 : i32
    %add3A_9 = arith.constant 160 : i32
    %add3A_10 = arith.addi %mul3A_8, %add3A_9 : i32
    "tpu.region"() ({
      %run_scoped3A = tpu.sem_alloc : memref<!tpu.dma_semaphore, #tpu.memory_space<semaphore_mem>>
      %dma_start3A_159 = arith.constant 0 : i32
      %dma_start3A_160 = tpu.memref_slice %arg10[%add3A_10, %dma_start3A_159] : memref<10240x32xf32, #tpu.memory_space<vmem_shared>> -> memref<160x32xf32, #tpu.memory_space<vmem_shared>>
      %dma_start3A_161 = arith.constant 0 : i32
      %dma_start3A_162 = tpu.memref_slice %arg10[%add3A_10, %dma_start3A_161] : memref<10240x32xf32, #tpu.memory_space<vmem_shared>> -> memref<160x32xf32, #tpu.memory_space<vmem_shared>>
      tpu.enqueue_dma source(%arg9 : memref<160x32xf32, #tpu.memory_space<vmem>>) target(%dma_start3A_162 : memref<160x32xf32, #tpu.memory_space<vmem_shared>>) target_semaphore(%run_scoped3A : memref<!tpu.dma_semaphore, #tpu.memory_space<semaphore_mem>>)
      %dma_wait3A = arith.constant 0 : i32
      %dma_wait3A_163 = tpu.memref_slice %arg10[%add3A_10, %dma_wait3A] : memref<10240x32xf32, #tpu.memory_space<vmem_shared>> -> memref<160x32xf32, #tpu.memory_space<vmem_shared>>
      %dma_wait3A_164 = arith.constant 0 : i32
      %dma_wait3A_165 = tpu.memref_slice %arg10[%add3A_10, %dma_wait3A_164] : memref<10240x32xf32, #tpu.memory_space<vmem_shared>> -> memref<160x32xf32, #tpu.memory_space<vmem_shared>>
      tpu.wait_dma2 semaphore(%run_scoped3A : memref<!tpu.dma_semaphore, #tpu.memory_space<semaphore_mem>>) src(%arg9 : memref<160x32xf32, #tpu.memory_space<vmem>>) dst(%dma_wait3A_165 : memref<160x32xf32, #tpu.memory_space<vmem_shared>>)
      tpu.yield
    }) : () -> ()
    %mul3A_11 = arith.constant 640 : i32
    %mul3A_12 = arith.muli %arg1, %mul3A_11 : i32
    %add3A_13 = arith.constant 320 : i32
    %add3A_14 = arith.addi %mul3A_12, %add3A_13 : i32
    "tpu.region"() ({
      %run_scoped3A = tpu.sem_alloc : memref<!tpu.dma_semaphore, #tpu.memory_space<semaphore_mem>>
      %dma_start3A_159 = arith.constant 0 : i32
      %dma_start3A_160 = tpu.memref_slice %arg10[%add3A_14, %dma_start3A_159] : memref<10240x32xf32, #tpu.memory_space<vmem_shared>> -> memref<160x32xf32, #tpu.memory_space<vmem_shared>>
      %dma_start3A_161 = arith.constant 0 : i32
      %dma_start3A_162 = tpu.memref_slice %arg10[%add3A_14, %dma_start3A_161] : memref<10240x32xf32, #tpu.memory_space<vmem_shared>> -> memref<160x32xf32, #tpu.memory_space<vmem_shared>>
      tpu.enqueue_dma source(%arg9 : memref<160x32xf32, #tpu.memory_space<vmem>>) target(%dma_start3A_162 : memref<160x32xf32, #tpu.memory_space<vmem_shared>>) target_semaphore(%run_scoped3A : memref<!tpu.dma_semaphore, #tpu.memory_space<semaphore_mem>>)
      %dma_wait3A = arith.constant 0 : i32
      %dma_wait3A_163 = tpu.memref_slice %arg10[%add3A_14, %dma_wait3A] : memref<10240x32xf32, #tpu.memory_space<vmem_shared>> -> memref<160x32xf32, #tpu.memory_space<vmem_shared>>
      %dma_wait3A_164 = arith.constant 0 : i32
      %dma_wait3A_165 = tpu.memref_slice %arg10[%add3A_14, %dma_wait3A_164] : memref<10240x32xf32, #tpu.memory_space<vmem_shared>> -> memref<160x32xf32, #tpu.memory_space<vmem_shared>>
      tpu.wait_dma2 semaphore(%run_scoped3A : memref<!tpu.dma_semaphore, #tpu.memory_space<semaphore_mem>>) src(%arg9 : memref<160x32xf32, #tpu.memory_space<vmem>>) dst(%dma_wait3A_165 : memref<160x32xf32, #tpu.memory_space<vmem_shared>>)
      tpu.yield
    }) : () -> ()
    %mul3A_15 = arith.constant 640 : i32
    %mul3A_16 = arith.muli %arg1, %mul3A_15 : i32
    %add3A_17 = arith.constant 480 : i32
    %add3A_18 = arith.addi %mul3A_16, %add3A_17 : i32
    "tpu.region"() ({
      %run_scoped3A = tpu.sem_alloc : memref<!tpu.dma_semaphore, #tpu.memory_space<semaphore_mem>>
      %dma_start3A_159 = arith.constant 0 : i32
      %dma_start3A_160 = tpu.memref_slice %arg10[%add3A_18, %dma_start3A_159] : memref<10240x32xf32, #tpu.memory_space<vmem_shared>> -> memref<160x32xf32, #tpu.memory_space<vmem_shared>>
      %dma_start3A_161 = arith.constant 0 : i32
      %dma_start3A_162 = tpu.memref_slice %arg10[%add3A_18, %dma_start3A_161] : memref<10240x32xf32, #tpu.memory_space<vmem_shared>> -> memref<160x32xf32, #tpu.memory_space<vmem_shared>>
      tpu.enqueue_dma source(%arg9 : memref<160x32xf32, #tpu.memory_space<vmem>>) target(%dma_start3A_162 : memref<160x32xf32, #tpu.memory_space<vmem_shared>>) target_semaphore(%run_scoped3A : memref<!tpu.dma_semaphore, #tpu.memory_space<semaphore_mem>>)
      %dma_wait3A = arith.constant 0 : i32
      %dma_wait3A_163 = tpu.memref_slice %arg10[%add3A_18, %dma_wait3A] : memref<10240x32xf32, #tpu.memory_space<vmem_shared>> -> memref<160x32xf32, #tpu.memory_space<vmem_shared>>
      %dma_wait3A_164 = arith.constant 0 : i32
      %dma_wait3A_165 = tpu.memref_slice %arg10[%add3A_18, %dma_wait3A_164] : memref<10240x32xf32, #tpu.memory_space<vmem_shared>> -> memref<160x32xf32, #tpu.memory_space<vmem_shared>>
      tpu.wait_dma2 semaphore(%run_scoped3A : memref<!tpu.dma_semaphore, #tpu.memory_space<semaphore_mem>>) src(%arg9 : memref<160x32xf32, #tpu.memory_space<vmem>>) dst(%dma_wait3A_165 : memref<160x32xf32, #tpu.memory_space<vmem_shared>>)
      tpu.yield
    }) : () -> ()
    %barrier3A = arith.constant 0 : index
    tpu.barrier barrier_id(%barrier3A)
    %eq3A = arith.constant 0 : i32
    %eq3A_19 = arith.cmpi eq, %arg0, %eq3A : i32
    %convert_element_type3A = arith.extui %eq3A_19 : i1 to i32
    %cond3A = arith.constant 0 : i32
    %cond3A_20 = arith.cmpi ne, %convert_element_type3A, %cond3A : i32
    scf.if %cond3A_20 {
      %run_scoped3A = arith.constant 0 : i32
      "tpu.region"() ({
        %run_scoped3A_160 = tpu.sem_alloc : memref<!tpu.dma_semaphore, #tpu.memory_space<semaphore_mem>>
        %dma_start3A_161 = arith.constant 0 : i32
        %dma_start3A_162 = arith.constant 0 : i32
        %dma_start3A_163 = tpu.memref_slice %arg3[%run_scoped3A, %arg1, %dma_start3A_161, %dma_start3A_162] : memref<2x16x160x125xi32, #tpu.memory_space<hbm>> -> memref<1x1x160x125xi32, #tpu.memory_space<hbm>>
        %dma_start3A_164 = tpu.memref_squeeze %dma_start3A_163 : memref<1x1x160x125xi32, #tpu.memory_space<hbm>> -> memref<160x125xi32, #tpu.memory_space<hbm>>
        %dma_start3A_165 = arith.constant 0 : i32
        %dma_start3A_166 = arith.constant 0 : i32
        %dma_start3A_167 = tpu.memref_slice %arg3[%run_scoped3A, %arg1, %dma_start3A_165, %dma_start3A_166] : memref<2x16x160x125xi32, #tpu.memory_space<hbm>> -> memref<1x1x160x125xi32, #tpu.memory_space<hbm>>
        %dma_start3A_168 = tpu.memref_squeeze %dma_start3A_167 : memref<1x1x160x125xi32, #tpu.memory_space<hbm>> -> memref<160x125xi32, #tpu.memory_space<hbm>>
        tpu.enqueue_dma source(%dma_start3A_168 : memref<160x125xi32, #tpu.memory_space<hbm>>) target(%arg6 : memref<160x125xi32, #tpu.memory_space<vmem>>) target_semaphore(%run_scoped3A_160 : memref<!tpu.dma_semaphore, #tpu.memory_space<semaphore_mem>>)
        %dma_wait3A = arith.constant 0 : i32
        %dma_wait3A_169 = arith.constant 0 : i32
        %dma_wait3A_170 = tpu.memref_slice %arg3[%run_scoped3A, %arg1, %dma_wait3A, %dma_wait3A_169] : memref<2x16x160x125xi32, #tpu.memory_space<hbm>> -> memref<1x1x160x125xi32, #tpu.memory_space<hbm>>
        %dma_wait3A_171 = tpu.memref_squeeze %dma_wait3A_170 : memref<1x1x160x125xi32, #tpu.memory_space<hbm>> -> memref<160x125xi32, #tpu.memory_space<hbm>>
        %dma_wait3A_172 = arith.constant 0 : i32
        %dma_wait3A_173 = arith.constant 0 : i32
        %dma_wait3A_174 = tpu.memref_slice %arg3[%run_scoped3A, %arg1, %dma_wait3A_172, %dma_wait3A_173] : memref<2x16x160x125xi32, #tpu.memory_space<hbm>> -> memref<1x1x160x125xi32, #tpu.memory_space<hbm>>
        %dma_wait3A_175 = tpu.memref_squeeze %dma_wait3A_174 : memref<1x1x160x125xi32, #tpu.memory_space<hbm>> -> memref<160x125xi32, #tpu.memory_space<hbm>>
        tpu.wait_dma2 semaphore(%run_scoped3A_160 : memref<!tpu.dma_semaphore, #tpu.memory_space<semaphore_mem>>) src(%dma_wait3A_175 : memref<160x125xi32, #tpu.memory_space<hbm>>) dst(%arg6 : memref<160x125xi32, #tpu.memory_space<vmem>>)
        tpu.yield
      }) : () -> ()
      %run_scoped3A_159 = arith.constant 1 : i32
      "tpu.region"() ({
        %run_scoped3A_160 = tpu.sem_alloc : memref<!tpu.dma_semaphore, #tpu.memory_space<semaphore_mem>>
        %dma_start3A_161 = arith.constant 0 : i32
        %dma_start3A_162 = arith.constant 0 : i32
        %dma_start3A_163 = tpu.memref_slice %arg3[%run_scoped3A_159, %arg1, %dma_start3A_161, %dma_start3A_162] : memref<2x16x160x125xi32, #tpu.memory_space<hbm>> -> memref<1x1x160x125xi32, #tpu.memory_space<hbm>>
        %dma_start3A_164 = tpu.memref_squeeze %dma_start3A_163 : memref<1x1x160x125xi32, #tpu.memory_space<hbm>> -> memref<160x125xi32, #tpu.memory_space<hbm>>
        %dma_start3A_165 = arith.constant 0 : i32
        %dma_start3A_166 = arith.constant 0 : i32
        %dma_start3A_167 = tpu.memref_slice %arg3[%run_scoped3A_159, %arg1, %dma_start3A_165, %dma_start3A_166] : memref<2x16x160x125xi32, #tpu.memory_space<hbm>> -> memref<1x1x160x125xi32, #tpu.memory_space<hbm>>
        %dma_start3A_168 = tpu.memref_squeeze %dma_start3A_167 : memref<1x1x160x125xi32, #tpu.memory_space<hbm>> -> memref<160x125xi32, #tpu.memory_space<hbm>>
        tpu.enqueue_dma source(%dma_start3A_168 : memref<160x125xi32, #tpu.memory_space<hbm>>) target(%arg7 : memref<160x125xi32, #tpu.memory_space<vmem>>) target_semaphore(%run_scoped3A_160 : memref<!tpu.dma_semaphore, #tpu.memory_space<semaphore_mem>>)
        %dma_wait3A = arith.constant 0 : i32
        %dma_wait3A_169 = arith.constant 0 : i32
        %dma_wait3A_170 = tpu.memref_slice %arg3[%run_scoped3A_159, %arg1, %dma_wait3A, %dma_wait3A_169] : memref<2x16x160x125xi32, #tpu.memory_space<hbm>> -> memref<1x1x160x125xi32, #tpu.memory_space<hbm>>
        %dma_wait3A_171 = tpu.memref_squeeze %dma_wait3A_170 : memref<1x1x160x125xi32, #tpu.memory_space<hbm>> -> memref<160x125xi32, #tpu.memory_space<hbm>>
        %dma_wait3A_172 = arith.constant 0 : i32
        %dma_wait3A_173 = arith.constant 0 : i32
        %dma_wait3A_174 = tpu.memref_slice %arg3[%run_scoped3A_159, %arg1, %dma_wait3A_172, %dma_wait3A_173] : memref<2x16x160x125xi32, #tpu.memory_space<hbm>> -> memref<1x1x160x125xi32, #tpu.memory_space<hbm>>
        %dma_wait3A_175 = tpu.memref_squeeze %dma_wait3A_174 : memref<1x1x160x125xi32, #tpu.memory_space<hbm>> -> memref<160x125xi32, #tpu.memory_space<hbm>>
        tpu.wait_dma2 semaphore(%run_scoped3A_160 : memref<!tpu.dma_semaphore, #tpu.memory_space<semaphore_mem>>) src(%dma_wait3A_175 : memref<160x125xi32, #tpu.memory_space<hbm>>) dst(%arg7 : memref<160x125xi32, #tpu.memory_space<vmem>>)
        tpu.yield
      }) : () -> ()
    } else {
    }
    %eq3A_21 = arith.constant 1 : i32
    %eq3A_22 = arith.cmpi eq, %arg0, %eq3A_21 : i32
    %convert_element_type3A_23 = arith.extui %eq3A_22 : i1 to i32
    %cond3A_24 = arith.constant 0 : i32
    %cond3A_25 = arith.cmpi ne, %convert_element_type3A_23, %cond3A_24 : i32
    scf.if %cond3A_25 {
      %run_scoped3A = arith.constant 0 : i32
      "tpu.region"() ({
        %run_scoped3A_160 = tpu.sem_alloc : memref<!tpu.dma_semaphore, #tpu.memory_space<semaphore_mem>>
        %dma_start3A_161 = arith.constant 0 : i32
        %dma_start3A_162 = arith.constant 0 : i32
        %dma_start3A_163 = tpu.memref_slice %arg4[%run_scoped3A, %arg1, %dma_start3A_161, %dma_start3A_162] : memref<2x16x160x125xi32, #tpu.memory_space<hbm>> -> memref<1x1x160x125xi32, #tpu.memory_space<hbm>>
        %dma_start3A_164 = tpu.memref_squeeze %dma_start3A_163 : memref<1x1x160x125xi32, #tpu.memory_space<hbm>> -> memref<160x125xi32, #tpu.memory_space<hbm>>
        %dma_start3A_165 = arith.constant 0 : i32
        %dma_start3A_166 = arith.constant 0 : i32
        %dma_start3A_167 = tpu.memref_slice %arg4[%run_scoped3A, %arg1, %dma_start3A_165, %dma_start3A_166] : memref<2x16x160x125xi32, #tpu.memory_space<hbm>> -> memref<1x1x160x125xi32, #tpu.memory_space<hbm>>
        %dma_start3A_168 = tpu.memref_squeeze %dma_start3A_167 : memref<1x1x160x125xi32, #tpu.memory_space<hbm>> -> memref<160x125xi32, #tpu.memory_space<hbm>>
        tpu.enqueue_dma source(%dma_start3A_168 : memref<160x125xi32, #tpu.memory_space<hbm>>) target(%arg6 : memref<160x125xi32, #tpu.memory_space<vmem>>) target_semaphore(%run_scoped3A_160 : memref<!tpu.dma_semaphore, #tpu.memory_space<semaphore_mem>>)
        %dma_wait3A = arith.constant 0 : i32
        %dma_wait3A_169 = arith.constant 0 : i32
        %dma_wait3A_170 = tpu.memref_slice %arg4[%run_scoped3A, %arg1, %dma_wait3A, %dma_wait3A_169] : memref<2x16x160x125xi32, #tpu.memory_space<hbm>> -> memref<1x1x160x125xi32, #tpu.memory_space<hbm>>
        %dma_wait3A_171 = tpu.memref_squeeze %dma_wait3A_170 : memref<1x1x160x125xi32, #tpu.memory_space<hbm>> -> memref<160x125xi32, #tpu.memory_space<hbm>>
        %dma_wait3A_172 = arith.constant 0 : i32
        %dma_wait3A_173 = arith.constant 0 : i32
        %dma_wait3A_174 = tpu.memref_slice %arg4[%run_scoped3A, %arg1, %dma_wait3A_172, %dma_wait3A_173] : memref<2x16x160x125xi32, #tpu.memory_space<hbm>> -> memref<1x1x160x125xi32, #tpu.memory_space<hbm>>
        %dma_wait3A_175 = tpu.memref_squeeze %dma_wait3A_174 : memref<1x1x160x125xi32, #tpu.memory_space<hbm>> -> memref<160x125xi32, #tpu.memory_space<hbm>>
        tpu.wait_dma2 semaphore(%run_scoped3A_160 : memref<!tpu.dma_semaphore, #tpu.memory_space<semaphore_mem>>) src(%dma_wait3A_175 : memref<160x125xi32, #tpu.memory_space<hbm>>) dst(%arg6 : memref<160x125xi32, #tpu.memory_space<vmem>>)
        tpu.yield
      }) : () -> ()
      %run_scoped3A_159 = arith.constant 1 : i32
      "tpu.region"() ({
        %run_scoped3A_160 = tpu.sem_alloc : memref<!tpu.dma_semaphore, #tpu.memory_space<semaphore_mem>>
        %dma_start3A_161 = arith.constant 0 : i32
        %dma_start3A_162 = arith.constant 0 : i32
        %dma_start3A_163 = tpu.memref_slice %arg4[%run_scoped3A_159, %arg1, %dma_start3A_161, %dma_start3A_162] : memref<2x16x160x125xi32, #tpu.memory_space<hbm>> -> memref<1x1x160x125xi32, #tpu.memory_space<hbm>>
        %dma_start3A_164 = tpu.memref_squeeze %dma_start3A_163 : memref<1x1x160x125xi32, #tpu.memory_space<hbm>> -> memref<160x125xi32, #tpu.memory_space<hbm>>
        %dma_start3A_165 = arith.constant 0 : i32
        %dma_start3A_166 = arith.constant 0 : i32
        %dma_start3A_167 = tpu.memref_slice %arg4[%run_scoped3A_159, %arg1, %dma_start3A_165, %dma_start3A_166] : memref<2x16x160x125xi32, #tpu.memory_space<hbm>> -> memref<1x1x160x125xi32, #tpu.memory_space<hbm>>
        %dma_start3A_168 = tpu.memref_squeeze %dma_start3A_167 : memref<1x1x160x125xi32, #tpu.memory_space<hbm>> -> memref<160x125xi32, #tpu.memory_space<hbm>>
        tpu.enqueue_dma source(%dma_start3A_168 : memref<160x125xi32, #tpu.memory_space<hbm>>) target(%arg7 : memref<160x125xi32, #tpu.memory_space<vmem>>) target_semaphore(%run_scoped3A_160 : memref<!tpu.dma_semaphore, #tpu.memory_space<semaphore_mem>>)
        %dma_wait3A = arith.constant 0 : i32
        %dma_wait3A_169 = arith.constant 0 : i32
        %dma_wait3A_170 = tpu.memref_slice %arg4[%run_scoped3A_159, %arg1, %dma_wait3A, %dma_wait3A_169] : memref<2x16x160x125xi32, #tpu.memory_space<hbm>> -> memref<1x1x160x125xi32, #tpu.memory_space<hbm>>
        %dma_wait3A_171 = tpu.memref_squeeze %dma_wait3A_170 : memref<1x1x160x125xi32, #tpu.memory_space<hbm>> -> memref<160x125xi32, #tpu.memory_space<hbm>>
        %dma_wait3A_172 = arith.constant 0 : i32
        %dma_wait3A_173 = arith.constant 0 : i32
        %dma_wait3A_174 = tpu.memref_slice %arg4[%run_scoped3A_159, %arg1, %dma_wait3A_172, %dma_wait3A_173] : memref<2x16x160x125xi32, #tpu.memory_space<hbm>> -> memref<1x1x160x125xi32, #tpu.memory_space<hbm>>
        %dma_wait3A_175 = tpu.memref_squeeze %dma_wait3A_174 : memref<1x1x160x125xi32, #tpu.memory_space<hbm>> -> memref<160x125xi32, #tpu.memory_space<hbm>>
        tpu.wait_dma2 semaphore(%run_scoped3A_160 : memref<!tpu.dma_semaphore, #tpu.memory_space<semaphore_mem>>) src(%dma_wait3A_175 : memref<160x125xi32, #tpu.memory_space<hbm>>) dst(%arg7 : memref<160x125xi32, #tpu.memory_space<vmem>>)
        tpu.yield
      }) : () -> ()
    } else {
    }
    %dma_start3A = arith.constant 0 : i32
    %dma_start3A_26 = arith.constant 0 : i32
    %dma_start3A_27 = arith.constant 0 : i32
    %dma_start3A_28 = arith.constant 0 : i32
    %dma_start3A_29 = tpu.memref_slice %arg8[%dma_start3A_26, %dma_start3A_27, %dma_start3A_28] : memref<8x125x32xf32, #tpu.memory_space<vmem>> -> memref<1x125x32xf32, #tpu.memory_space<vmem>>
    %dma_start3A_30 = tpu.memref_squeeze %dma_start3A_29 : memref<1x125x32xf32, #tpu.memory_space<vmem>> -> memref<125x32xf32, #tpu.memory_space<vmem>>
    %dma_start3A_31 = arith.constant 0 : i32
    %dma_start3A_32 = tpu.memref_slice %arg6[%dma_start3A, %dma_start3A_31] : memref<160x125xi32, #tpu.memory_space<vmem>> -> memref<1x125xi32, #tpu.memory_space<vmem>>
    %dma_start3A_33 = tpu.memref_squeeze %dma_start3A_32 : memref<1x125xi32, #tpu.memory_space<vmem>> -> memref<125xi32, #tpu.memory_space<vmem>>
    %dma_start3A_34 = arith.constant 0 : i32
    %dma_start3A_35 = arith.constant 0 : i32
    %dma_start3A_36 = tpu.memref_slice %arg2[%dma_start3A_34, %dma_start3A_35] : memref<20000x32xf32, #tpu.memory_space<hbm>> -> memref<20000x32xf32, #tpu.memory_space<hbm>>
    tpu.enqueue_indirect_dma source(%dma_start3A_36 : memref<20000x32xf32, #tpu.memory_space<hbm>>) target(%dma_start3A_30 : memref<125x32xf32, #tpu.memory_space<vmem>>) offsets(%dma_start3A_33 : memref<125xi32, #tpu.memory_space<vmem>>) semaphore(%arg11 : memref<!tpu.dma_semaphore, #tpu.memory_space<semaphore_mem>>)
    %dma_start3A_37 = arith.constant 1 : i32
    %dma_start3A_38 = arith.constant 1 : i32
    %dma_start3A_39 = arith.constant 0 : i32
    %dma_start3A_40 = arith.constant 0 : i32
    %dma_start3A_41 = tpu.memref_slice %arg8[%dma_start3A_38, %dma_start3A_39, %dma_start3A_40] : memref<8x125x32xf32, #tpu.memory_space<vmem>> -> memref<1x125x32xf32, #tpu.memory_space<vmem>>
    %dma_start3A_42 = tpu.memref_squeeze %dma_start3A_41 : memref<1x125x32xf32, #tpu.memory_space<vmem>> -> memref<125x32xf32, #tpu.memory_space<vmem>>
    %dma_start3A_43 = arith.constant 0 : i32
    %dma_start3A_44 = tpu.memref_slice %arg6[%dma_start3A_37, %dma_start3A_43] : memref<160x125xi32, #tpu.memory_space<vmem>> -> memref<1x125xi32, #tpu.memory_space<vmem>>
    %dma_start3A_45 = tpu.memref_squeeze %dma_start3A_44 : memref<1x125xi32, #tpu.memory_space<vmem>> -> memref<125xi32, #tpu.memory_space<vmem>>
    %dma_start3A_46 = arith.constant 0 : i32
    %dma_start3A_47 = arith.constant 0 : i32
    %dma_start3A_48 = tpu.memref_slice %arg2[%dma_start3A_46, %dma_start3A_47] : memref<20000x32xf32, #tpu.memory_space<hbm>> -> memref<20000x32xf32, #tpu.memory_space<hbm>>
    tpu.enqueue_indirect_dma source(%dma_start3A_48 : memref<20000x32xf32, #tpu.memory_space<hbm>>) target(%dma_start3A_42 : memref<125x32xf32, #tpu.memory_space<vmem>>) offsets(%dma_start3A_45 : memref<125xi32, #tpu.memory_space<vmem>>) semaphore(%arg12 : memref<!tpu.dma_semaphore, #tpu.memory_space<semaphore_mem>>)
    %dma_start3A_49 = arith.constant 2 : i32
    %dma_start3A_50 = arith.constant 2 : i32
    %dma_start3A_51 = arith.constant 0 : i32
    %dma_start3A_52 = arith.constant 0 : i32
    %dma_start3A_53 = tpu.memref_slice %arg8[%dma_start3A_50, %dma_start3A_51, %dma_start3A_52] : memref<8x125x32xf32, #tpu.memory_space<vmem>> -> memref<1x125x32xf32, #tpu.memory_space<vmem>>
    %dma_start3A_54 = tpu.memref_squeeze %dma_start3A_53 : memref<1x125x32xf32, #tpu.memory_space<vmem>> -> memref<125x32xf32, #tpu.memory_space<vmem>>
    %dma_start3A_55 = arith.constant 0 : i32
    %dma_start3A_56 = tpu.memref_slice %arg6[%dma_start3A_49, %dma_start3A_55] : memref<160x125xi32, #tpu.memory_space<vmem>> -> memref<1x125xi32, #tpu.memory_space<vmem>>
    %dma_start3A_57 = tpu.memref_squeeze %dma_start3A_56 : memref<1x125xi32, #tpu.memory_space<vmem>> -> memref<125xi32, #tpu.memory_space<vmem>>
    %dma_start3A_58 = arith.constant 0 : i32
    %dma_start3A_59 = arith.constant 0 : i32
    %dma_start3A_60 = tpu.memref_slice %arg2[%dma_start3A_58, %dma_start3A_59] : memref<20000x32xf32, #tpu.memory_space<hbm>> -> memref<20000x32xf32, #tpu.memory_space<hbm>>
    tpu.enqueue_indirect_dma source(%dma_start3A_60 : memref<20000x32xf32, #tpu.memory_space<hbm>>) target(%dma_start3A_54 : memref<125x32xf32, #tpu.memory_space<vmem>>) offsets(%dma_start3A_57 : memref<125xi32, #tpu.memory_space<vmem>>) semaphore(%arg13 : memref<!tpu.dma_semaphore, #tpu.memory_space<semaphore_mem>>)
    %dma_start3A_61 = arith.constant 3 : i32
    %dma_start3A_62 = arith.constant 3 : i32
    %dma_start3A_63 = arith.constant 0 : i32
    %dma_start3A_64 = arith.constant 0 : i32
    %dma_start3A_65 = tpu.memref_slice %arg8[%dma_start3A_62, %dma_start3A_63, %dma_start3A_64] : memref<8x125x32xf32, #tpu.memory_space<vmem>> -> memref<1x125x32xf32, #tpu.memory_space<vmem>>
    %dma_start3A_66 = tpu.memref_squeeze %dma_start3A_65 : memref<1x125x32xf32, #tpu.memory_space<vmem>> -> memref<125x32xf32, #tpu.memory_space<vmem>>
    %dma_start3A_67 = arith.constant 0 : i32
    %dma_start3A_68 = tpu.memref_slice %arg6[%dma_start3A_61, %dma_start3A_67] : memref<160x125xi32, #tpu.memory_space<vmem>> -> memref<1x125xi32, #tpu.memory_space<vmem>>
    %dma_start3A_69 = tpu.memref_squeeze %dma_start3A_68 : memref<1x125xi32, #tpu.memory_space<vmem>> -> memref<125xi32, #tpu.memory_space<vmem>>
    %dma_start3A_70 = arith.constant 0 : i32
    %dma_start3A_71 = arith.constant 0 : i32
    %dma_start3A_72 = tpu.memref_slice %arg2[%dma_start3A_70, %dma_start3A_71] : memref<20000x32xf32, #tpu.memory_space<hbm>> -> memref<20000x32xf32, #tpu.memory_space<hbm>>
    tpu.enqueue_indirect_dma source(%dma_start3A_72 : memref<20000x32xf32, #tpu.memory_space<hbm>>) target(%dma_start3A_66 : memref<125x32xf32, #tpu.memory_space<vmem>>) offsets(%dma_start3A_69 : memref<125xi32, #tpu.memory_space<vmem>>) semaphore(%arg14 : memref<!tpu.dma_semaphore, #tpu.memory_space<semaphore_mem>>)
    %dma_start3A_73 = arith.constant 4 : i32
    %dma_start3A_74 = arith.constant 4 : i32
    %dma_start3A_75 = arith.constant 0 : i32
    %dma_start3A_76 = arith.constant 0 : i32
    %dma_start3A_77 = tpu.memref_slice %arg8[%dma_start3A_74, %dma_start3A_75, %dma_start3A_76] : memref<8x125x32xf32, #tpu.memory_space<vmem>> -> memref<1x125x32xf32, #tpu.memory_space<vmem>>
    %dma_start3A_78 = tpu.memref_squeeze %dma_start3A_77 : memref<1x125x32xf32, #tpu.memory_space<vmem>> -> memref<125x32xf32, #tpu.memory_space<vmem>>
    %dma_start3A_79 = arith.constant 0 : i32
    %dma_start3A_80 = tpu.memref_slice %arg6[%dma_start3A_73, %dma_start3A_79] : memref<160x125xi32, #tpu.memory_space<vmem>> -> memref<1x125xi32, #tpu.memory_space<vmem>>
    %dma_start3A_81 = tpu.memref_squeeze %dma_start3A_80 : memref<1x125xi32, #tpu.memory_space<vmem>> -> memref<125xi32, #tpu.memory_space<vmem>>
    %dma_start3A_82 = arith.constant 0 : i32
    %dma_start3A_83 = arith.constant 0 : i32
    %dma_start3A_84 = tpu.memref_slice %arg2[%dma_start3A_82, %dma_start3A_83] : memref<20000x32xf32, #tpu.memory_space<hbm>> -> memref<20000x32xf32, #tpu.memory_space<hbm>>
    tpu.enqueue_indirect_dma source(%dma_start3A_84 : memref<20000x32xf32, #tpu.memory_space<hbm>>) target(%dma_start3A_78 : memref<125x32xf32, #tpu.memory_space<vmem>>) offsets(%dma_start3A_81 : memref<125xi32, #tpu.memory_space<vmem>>) semaphore(%arg15 : memref<!tpu.dma_semaphore, #tpu.memory_space<semaphore_mem>>)
    %dma_start3A_85 = arith.constant 5 : i32
    %dma_start3A_86 = arith.constant 5 : i32
    %dma_start3A_87 = arith.constant 0 : i32
    %dma_start3A_88 = arith.constant 0 : i32
    %dma_start3A_89 = tpu.memref_slice %arg8[%dma_start3A_86, %dma_start3A_87, %dma_start3A_88] : memref<8x125x32xf32, #tpu.memory_space<vmem>> -> memref<1x125x32xf32, #tpu.memory_space<vmem>>
    %dma_start3A_90 = tpu.memref_squeeze %dma_start3A_89 : memref<1x125x32xf32, #tpu.memory_space<vmem>> -> memref<125x32xf32, #tpu.memory_space<vmem>>
    %dma_start3A_91 = arith.constant 0 : i32
    %dma_start3A_92 = tpu.memref_slice %arg6[%dma_start3A_85, %dma_start3A_91] : memref<160x125xi32, #tpu.memory_space<vmem>> -> memref<1x125xi32, #tpu.memory_space<vmem>>
    %dma_start3A_93 = tpu.memref_squeeze %dma_start3A_92 : memref<1x125xi32, #tpu.memory_space<vmem>> -> memref<125xi32, #tpu.memory_space<vmem>>
    %dma_start3A_94 = arith.constant 0 : i32
    %dma_start3A_95 = arith.constant 0 : i32
    %dma_start3A_96 = tpu.memref_slice %arg2[%dma_start3A_94, %dma_start3A_95] : memref<20000x32xf32, #tpu.memory_space<hbm>> -> memref<20000x32xf32, #tpu.memory_space<hbm>>
    tpu.enqueue_indirect_dma source(%dma_start3A_96 : memref<20000x32xf32, #tpu.memory_space<hbm>>) target(%dma_start3A_90 : memref<125x32xf32, #tpu.memory_space<vmem>>) offsets(%dma_start3A_93 : memref<125xi32, #tpu.memory_space<vmem>>) semaphore(%arg16 : memref<!tpu.dma_semaphore, #tpu.memory_space<semaphore_mem>>)
    %dma_start3A_97 = arith.constant 6 : i32
    %dma_start3A_98 = arith.constant 6 : i32
    %dma_start3A_99 = arith.constant 0 : i32
    %dma_start3A_100 = arith.constant 0 : i32
    %dma_start3A_101 = tpu.memref_slice %arg8[%dma_start3A_98, %dma_start3A_99, %dma_start3A_100] : memref<8x125x32xf32, #tpu.memory_space<vmem>> -> memref<1x125x32xf32, #tpu.memory_space<vmem>>
    %dma_start3A_102 = tpu.memref_squeeze %dma_start3A_101 : memref<1x125x32xf32, #tpu.memory_space<vmem>> -> memref<125x32xf32, #tpu.memory_space<vmem>>
    %dma_start3A_103 = arith.constant 0 : i32
    %dma_start3A_104 = tpu.memref_slice %arg6[%dma_start3A_97, %dma_start3A_103] : memref<160x125xi32, #tpu.memory_space<vmem>> -> memref<1x125xi32, #tpu.memory_space<vmem>>
    %dma_start3A_105 = tpu.memref_squeeze %dma_start3A_104 : memref<1x125xi32, #tpu.memory_space<vmem>> -> memref<125xi32, #tpu.memory_space<vmem>>
    %dma_start3A_106 = arith.constant 0 : i32
    %dma_start3A_107 = arith.constant 0 : i32
    %dma_start3A_108 = tpu.memref_slice %arg2[%dma_start3A_106, %dma_start3A_107] : memref<20000x32xf32, #tpu.memory_space<hbm>> -> memref<20000x32xf32, #tpu.memory_space<hbm>>
    tpu.enqueue_indirect_dma source(%dma_start3A_108 : memref<20000x32xf32, #tpu.memory_space<hbm>>) target(%dma_start3A_102 : memref<125x32xf32, #tpu.memory_space<vmem>>) offsets(%dma_start3A_105 : memref<125xi32, #tpu.memory_space<vmem>>) semaphore(%arg17 : memref<!tpu.dma_semaphore, #tpu.memory_space<semaphore_mem>>)
    %dma_start3A_109 = arith.constant 7 : i32
    %dma_start3A_110 = arith.constant 7 : i32
    %dma_start3A_111 = arith.constant 0 : i32
    %dma_start3A_112 = arith.constant 0 : i32
    %dma_start3A_113 = tpu.memref_slice %arg8[%dma_start3A_110, %dma_start3A_111, %dma_start3A_112] : memref<8x125x32xf32, #tpu.memory_space<vmem>> -> memref<1x125x32xf32, #tpu.memory_space<vmem>>
    %dma_start3A_114 = tpu.memref_squeeze %dma_start3A_113 : memref<1x125x32xf32, #tpu.memory_space<vmem>> -> memref<125x32xf32, #tpu.memory_space<vmem>>
    %dma_start3A_115 = arith.constant 0 : i32
    %dma_start3A_116 = tpu.memref_slice %arg6[%dma_start3A_109, %dma_start3A_115] : memref<160x125xi32, #tpu.memory_space<vmem>> -> memref<1x125xi32, #tpu.memory_space<vmem>>
    %dma_start3A_117 = tpu.memref_squeeze %dma_start3A_116 : memref<1x125xi32, #tpu.memory_space<vmem>> -> memref<125xi32, #tpu.memory_space<vmem>>
    %dma_start3A_118 = arith.constant 0 : i32
    %dma_start3A_119 = arith.constant 0 : i32
    %dma_start3A_120 = tpu.memref_slice %arg2[%dma_start3A_118, %dma_start3A_119] : memref<20000x32xf32, #tpu.memory_space<hbm>> -> memref<20000x32xf32, #tpu.memory_space<hbm>>
    tpu.enqueue_indirect_dma source(%dma_start3A_120 : memref<20000x32xf32, #tpu.memory_space<hbm>>) target(%dma_start3A_114 : memref<125x32xf32, #tpu.memory_space<vmem>>) offsets(%dma_start3A_117 : memref<125xi32, #tpu.memory_space<vmem>>) semaphore(%arg18 : memref<!tpu.dma_semaphore, #tpu.memory_space<semaphore_mem>>)
    %scan3A_121 = arith.constant 0 : i32
    %scan3A_122 = arith.constant 20 : i32
    %scan3A_123 = arith.addi %scan3A_121, %scan3A_122 : i32
    %scan3A_124 = arith.constant 1 : i32
    scf.for %scan3A_159 = %scan3A_121 to %scan3A_123 step %scan3A_124  : i32 {
      %mul3A_160 = arith.constant 1 : i32
      %mul3A_161 = arith.muli %scan3A_159, %mul3A_160 : i32
      %add3A_162 = arith.constant 0 : i32
      %add3A_163 = arith.addi %add3A_162, %mul3A_161 : i32
      %mul3A_164 = arith.constant 8 : i32
      %mul3A_165 = arith.muli %add3A_163, %mul3A_164 : i32
      %add3A_166 = arith.constant 0 : i32
      %add3A_167 = arith.addi %mul3A_165, %add3A_166 : i32
      %dma_wait3A = arith.constant 0 : i32
      %dma_wait3A_168 = arith.constant 0 : i32
      %dma_wait3A_169 = arith.constant 0 : i32
      %dma_wait3A_170 = tpu.memref_slice %arg8[%dma_wait3A, %dma_wait3A_168, %dma_wait3A_169] : memref<8x125x32xf32, #tpu.memory_space<vmem>> -> memref<1x125x32xf32, #tpu.memory_space<vmem>>
      %dma_wait3A_171 = tpu.memref_squeeze %dma_wait3A_170 : memref<1x125x32xf32, #tpu.memory_space<vmem>> -> memref<125x32xf32, #tpu.memory_space<vmem>>
      %dma_wait3A_172 = arith.constant 0 : i32
      %dma_wait3A_173 = arith.constant 0 : i32
      %dma_wait3A_174 = tpu.memref_slice %arg2[%dma_wait3A_172, %dma_wait3A_173] : memref<20000x32xf32, #tpu.memory_space<hbm>> -> memref<125x32xf32, #tpu.memory_space<hbm>>
      %dma_wait3A_175 = arith.constant 0 : i32
      %dma_wait3A_176 = arith.constant 0 : i32
      %dma_wait3A_177 = tpu.memref_slice %arg8[%dma_wait3A, %dma_wait3A_175, %dma_wait3A_176] : memref<8x125x32xf32, #tpu.memory_space<vmem>> -> memref<1x125x32xf32, #tpu.memory_space<vmem>>
      %dma_wait3A_178 = tpu.memref_squeeze %dma_wait3A_177 : memref<1x125x32xf32, #tpu.memory_space<vmem>> -> memref<125x32xf32, #tpu.memory_space<vmem>>
      %dma_wait3A_179 = arith.constant 0 : i32
      %dma_wait3A_180 = arith.constant 0 : i32
      %dma_wait3A_181 = tpu.memref_slice %arg2[%dma_wait3A_179, %dma_wait3A_180] : memref<20000x32xf32, #tpu.memory_space<hbm>> -> memref<125x32xf32, #tpu.memory_space<hbm>>
      tpu.wait_dma2 semaphore(%arg11 : memref<!tpu.dma_semaphore, #tpu.memory_space<semaphore_mem>>) src(%dma_wait3A_181 : memref<125x32xf32, #tpu.memory_space<hbm>>) dst(%dma_wait3A_178 : memref<125x32xf32, #tpu.memory_space<vmem>>)
      %run_scoped3A = arith.constant 0 : i32
      "tpu.region"() ({
        %run_scoped3A_363 = tpu.sem_alloc : memref<!tpu.dma_semaphore, #tpu.memory_space<semaphore_mem>>
        %dma_start3A_364 = arith.constant 0 : i32
        %dma_start3A_365 = arith.constant 0 : i32
        %dma_start3A_366 = tpu.memref_slice %arg8[%run_scoped3A, %dma_start3A_364, %dma_start3A_365] : memref<8x125x32xf32, #tpu.memory_space<vmem>> -> memref<1x125x32xf32, #tpu.memory_space<vmem>>
        %dma_start3A_367 = tpu.memref_squeeze %dma_start3A_366 : memref<1x125x32xf32, #tpu.memory_space<vmem>> -> memref<125x32xf32, #tpu.memory_space<vmem>>
        %dma_start3A_368 = arith.constant 0 : i32
        %dma_start3A_369 = tpu.memref_slice %arg7[%add3A_167, %dma_start3A_368] : memref<160x125xi32, #tpu.memory_space<vmem>> -> memref<1x125xi32, #tpu.memory_space<vmem>>
        %dma_start3A_370 = tpu.memref_squeeze %dma_start3A_369 : memref<1x125xi32, #tpu.memory_space<vmem>> -> memref<125xi32, #tpu.memory_space<vmem>>
        %dma_start3A_371 = arith.constant 0 : i32
        %dma_start3A_372 = arith.constant 0 : i32
        %dma_start3A_373 = tpu.memref_slice %arg10[%dma_start3A_371, %dma_start3A_372] : memref<10240x32xf32, #tpu.memory_space<vmem_shared>> -> memref<10240x32xf32, #tpu.memory_space<vmem_shared>>
        tpu.enqueue_indirect_dma source(%dma_start3A_367 : memref<125x32xf32, #tpu.memory_space<vmem>>) target(%dma_start3A_373 : memref<10240x32xf32, #tpu.memory_space<vmem_shared>>) offsets(%dma_start3A_370 : memref<125xi32, #tpu.memory_space<vmem>>) semaphore(%run_scoped3A_363 : memref<!tpu.dma_semaphore, #tpu.memory_space<semaphore_mem>>) {add = true}
        %dma_wait3A_374 = arith.constant 0 : i32
        %dma_wait3A_375 = arith.constant 0 : i32
        %dma_wait3A_376 = tpu.memref_slice %arg8[%run_scoped3A, %dma_wait3A_374, %dma_wait3A_375] : memref<8x125x32xf32, #tpu.memory_space<vmem>> -> memref<1x125x32xf32, #tpu.memory_space<vmem>>
        %dma_wait3A_377 = tpu.memref_squeeze %dma_wait3A_376 : memref<1x125x32xf32, #tpu.memory_space<vmem>> -> memref<125x32xf32, #tpu.memory_space<vmem>>
        %dma_wait3A_378 = arith.constant 0 : i32
        %dma_wait3A_379 = tpu.memref_slice %arg7[%add3A_167, %dma_wait3A_378] : memref<160x125xi32, #tpu.memory_space<vmem>> -> memref<1x125xi32, #tpu.memory_space<vmem>>
        %dma_wait3A_380 = tpu.memref_squeeze %dma_wait3A_379 : memref<1x125xi32, #tpu.memory_space<vmem>> -> memref<125xi32, #tpu.memory_space<vmem>>
        %dma_wait3A_381 = arith.constant 0 : i32
        %dma_wait3A_382 = arith.constant 0 : i32
        %dma_wait3A_383 = tpu.memref_slice %arg10[%dma_wait3A_381, %dma_wait3A_382] : memref<10240x32xf32, #tpu.memory_space<vmem_shared>> -> memref<10240x32xf32, #tpu.memory_space<vmem_shared>>
        tpu.wait_indirect_dma semaphore(%run_scoped3A_363 : memref<!tpu.dma_semaphore, #tpu.memory_space<semaphore_mem>>) src(%dma_wait3A_377 : memref<125x32xf32, #tpu.memory_space<vmem>>) dst(%dma_wait3A_383 : memref<10240x32xf32, #tpu.memory_space<vmem_shared>>)
        tpu.yield
      }) : () -> ()
      %add3A_182 = arith.constant 8 : i32
      %add3A_183 = arith.addi %add3A_167, %add3A_182 : i32
      %lt3A = arith.constant 160 : i32
      %lt3A_184 = arith.cmpi slt, %add3A_183, %lt3A : i32
      %convert_element_type3A_185 = arith.extui %lt3A_184 : i1 to i32
      %cond3A_186 = arith.constant 0 : i32
      %cond3A_187 = arith.cmpi ne, %convert_element_type3A_185, %cond3A_186 : i32
      scf.if %cond3A_187 {
        %add3A_363 = arith.constant 8 : i32
        %add3A_364 = arith.addi %add3A_167, %add3A_363 : i32
        %dma_start3A_365 = arith.constant 0 : i32
        %dma_start3A_366 = arith.constant 0 : i32
        %dma_start3A_367 = arith.constant 0 : i32
        %dma_start3A_368 = tpu.memref_slice %arg8[%dma_start3A_365, %dma_start3A_366, %dma_start3A_367] : memref<8x125x32xf32, #tpu.memory_space<vmem>> -> memref<1x125x32xf32, #tpu.memory_space<vmem>>
        %dma_start3A_369 = tpu.memref_squeeze %dma_start3A_368 : memref<1x125x32xf32, #tpu.memory_space<vmem>> -> memref<125x32xf32, #tpu.memory_space<vmem>>
        %dma_start3A_370 = arith.constant 0 : i32
        %dma_start3A_371 = tpu.memref_slice %arg6[%add3A_364, %dma_start3A_370] : memref<160x125xi32, #tpu.memory_space<vmem>> -> memref<1x125xi32, #tpu.memory_space<vmem>>
        %dma_start3A_372 = tpu.memref_squeeze %dma_start3A_371 : memref<1x125xi32, #tpu.memory_space<vmem>> -> memref<125xi32, #tpu.memory_space<vmem>>
        %dma_start3A_373 = arith.constant 0 : i32
        %dma_start3A_374 = arith.constant 0 : i32
        %dma_start3A_375 = tpu.memref_slice %arg2[%dma_start3A_373, %dma_start3A_374] : memref<20000x32xf32, #tpu.memory_space<hbm>> -> memref<20000x32xf32, #tpu.memory_space<hbm>>
        tpu.enqueue_indirect_dma source(%dma_start3A_375 : memref<20000x32xf32, #tpu.memory_space<hbm>>) target(%dma_start3A_369 : memref<125x32xf32, #tpu.memory_space<vmem>>) offsets(%dma_start3A_372 : memref<125xi32, #tpu.memory_space<vmem>>) semaphore(%arg11 : memref<!tpu.dma_semaphore, #tpu.memory_space<semaphore_mem>>)
      } else {
      }
      %add3A_188 = arith.constant 1 : i32
      %add3A_189 = arith.addi %mul3A_165, %add3A_188 : i32
      %dma_wait3A_190 = arith.constant 1 : i32
      %dma_wait3A_191 = arith.constant 0 : i32
      %dma_wait3A_192 = arith.constant 0 : i32
      %dma_wait3A_193 = tpu.memref_slice %arg8[%dma_wait3A_190, %dma_wait3A_191, %dma_wait3A_192] : memref<8x125x32xf32, #tpu.memory_space<vmem>> -> memref<1x125x32xf32, #tpu.memory_space<vmem>>
      %dma_wait3A_194 = tpu.memref_squeeze %dma_wait3A_193 : memref<1x125x32xf32, #tpu.memory_space<vmem>> -> memref<125x32xf32, #tpu.memory_space<vmem>>
      %dma_wait3A_195 = arith.constant 0 : i32
      %dma_wait3A_196 = arith.constant 0 : i32
      %dma_wait3A_197 = tpu.memref_slice %arg2[%dma_wait3A_195, %dma_wait3A_196] : memref<20000x32xf32, #tpu.memory_space<hbm>> -> memref<125x32xf32, #tpu.memory_space<hbm>>
      %dma_wait3A_198 = arith.constant 0 : i32
      %dma_wait3A_199 = arith.constant 0 : i32
      %dma_wait3A_200 = tpu.memref_slice %arg8[%dma_wait3A_190, %dma_wait3A_198, %dma_wait3A_199] : memref<8x125x32xf32, #tpu.memory_space<vmem>> -> memref<1x125x32xf32, #tpu.memory_space<vmem>>
      %dma_wait3A_201 = tpu.memref_squeeze %dma_wait3A_200 : memref<1x125x32xf32, #tpu.memory_space<vmem>> -> memref<125x32xf32, #tpu.memory_space<vmem>>
      %dma_wait3A_202 = arith.constant 0 : i32
      %dma_wait3A_203 = arith.constant 0 : i32
      %dma_wait3A_204 = tpu.memref_slice %arg2[%dma_wait3A_202, %dma_wait3A_203] : memref<20000x32xf32, #tpu.memory_space<hbm>> -> memref<125x32xf32, #tpu.memory_space<hbm>>
      tpu.wait_dma2 semaphore(%arg12 : memref<!tpu.dma_semaphore, #tpu.memory_space<semaphore_mem>>) src(%dma_wait3A_204 : memref<125x32xf32, #tpu.memory_space<hbm>>) dst(%dma_wait3A_201 : memref<125x32xf32, #tpu.memory_space<vmem>>)
      %run_scoped3A_205 = arith.constant 1 : i32
      "tpu.region"() ({
        %run_scoped3A_363 = tpu.sem_alloc : memref<!tpu.dma_semaphore, #tpu.memory_space<semaphore_mem>>
        %dma_start3A_364 = arith.constant 0 : i32
        %dma_start3A_365 = arith.constant 0 : i32
        %dma_start3A_366 = tpu.memref_slice %arg8[%run_scoped3A_205, %dma_start3A_364, %dma_start3A_365] : memref<8x125x32xf32, #tpu.memory_space<vmem>> -> memref<1x125x32xf32, #tpu.memory_space<vmem>>
        %dma_start3A_367 = tpu.memref_squeeze %dma_start3A_366 : memref<1x125x32xf32, #tpu.memory_space<vmem>> -> memref<125x32xf32, #tpu.memory_space<vmem>>
        %dma_start3A_368 = arith.constant 0 : i32
        %dma_start3A_369 = tpu.memref_slice %arg7[%add3A_189, %dma_start3A_368] : memref<160x125xi32, #tpu.memory_space<vmem>> -> memref<1x125xi32, #tpu.memory_space<vmem>>
        %dma_start3A_370 = tpu.memref_squeeze %dma_start3A_369 : memref<1x125xi32, #tpu.memory_space<vmem>> -> memref<125xi32, #tpu.memory_space<vmem>>
        %dma_start3A_371 = arith.constant 0 : i32
        %dma_start3A_372 = arith.constant 0 : i32
        %dma_start3A_373 = tpu.memref_slice %arg10[%dma_start3A_371, %dma_start3A_372] : memref<10240x32xf32, #tpu.memory_space<vmem_shared>> -> memref<10240x32xf32, #tpu.memory_space<vmem_shared>>
        tpu.enqueue_indirect_dma source(%dma_start3A_367 : memref<125x32xf32, #tpu.memory_space<vmem>>) target(%dma_start3A_373 : memref<10240x32xf32, #tpu.memory_space<vmem_shared>>) offsets(%dma_start3A_370 : memref<125xi32, #tpu.memory_space<vmem>>) semaphore(%run_scoped3A_363 : memref<!tpu.dma_semaphore, #tpu.memory_space<semaphore_mem>>) {add = true}
        %dma_wait3A_374 = arith.constant 0 : i32
        %dma_wait3A_375 = arith.constant 0 : i32
        %dma_wait3A_376 = tpu.memref_slice %arg8[%run_scoped3A_205, %dma_wait3A_374, %dma_wait3A_375] : memref<8x125x32xf32, #tpu.memory_space<vmem>> -> memref<1x125x32xf32, #tpu.memory_space<vmem>>
        %dma_wait3A_377 = tpu.memref_squeeze %dma_wait3A_376 : memref<1x125x32xf32, #tpu.memory_space<vmem>> -> memref<125x32xf32, #tpu.memory_space<vmem>>
        %dma_wait3A_378 = arith.constant 0 : i32
        %dma_wait3A_379 = tpu.memref_slice %arg7[%add3A_189, %dma_wait3A_378] : memref<160x125xi32, #tpu.memory_space<vmem>> -> memref<1x125xi32, #tpu.memory_space<vmem>>
        %dma_wait3A_380 = tpu.memref_squeeze %dma_wait3A_379 : memref<1x125xi32, #tpu.memory_space<vmem>> -> memref<125xi32, #tpu.memory_space<vmem>>
        %dma_wait3A_381 = arith.constant 0 : i32
        %dma_wait3A_382 = arith.constant 0 : i32
        %dma_wait3A_383 = tpu.memref_slice %arg10[%dma_wait3A_381, %dma_wait3A_382] : memref<10240x32xf32, #tpu.memory_space<vmem_shared>> -> memref<10240x32xf32, #tpu.memory_space<vmem_shared>>
        tpu.wait_indirect_dma semaphore(%run_scoped3A_363 : memref<!tpu.dma_semaphore, #tpu.memory_space<semaphore_mem>>) src(%dma_wait3A_377 : memref<125x32xf32, #tpu.memory_space<vmem>>) dst(%dma_wait3A_383 : memref<10240x32xf32, #tpu.memory_space<vmem_shared>>)
        tpu.yield
      }) : () -> ()
      %add3A_206 = arith.constant 8 : i32
      %add3A_207 = arith.addi %add3A_189, %add3A_206 : i32
      %lt3A_208 = arith.constant 160 : i32
      %lt3A_209 = arith.cmpi slt, %add3A_207, %lt3A_208 : i32
      %convert_element_type3A_210 = arith.extui %lt3A_209 : i1 to i32
      %cond3A_211 = arith.constant 0 : i32
      %cond3A_212 = arith.cmpi ne, %convert_element_type3A_210, %cond3A_211 : i32
      scf.if %cond3A_212 {
        %add3A_363 = arith.constant 8 : i32
        %add3A_364 = arith.addi %add3A_189, %add3A_363 : i32
        %dma_start3A_365 = arith.constant 1 : i32
        %dma_start3A_366 = arith.constant 0 : i32
        %dma_start3A_367 = arith.constant 0 : i32
        %dma_start3A_368 = tpu.memref_slice %arg8[%dma_start3A_365, %dma_start3A_366, %dma_start3A_367] : memref<8x125x32xf32, #tpu.memory_space<vmem>> -> memref<1x125x32xf32, #tpu.memory_space<vmem>>
        %dma_start3A_369 = tpu.memref_squeeze %dma_start3A_368 : memref<1x125x32xf32, #tpu.memory_space<vmem>> -> memref<125x32xf32, #tpu.memory_space<vmem>>
        %dma_start3A_370 = arith.constant 0 : i32
        %dma_start3A_371 = tpu.memref_slice %arg6[%add3A_364, %dma_start3A_370] : memref<160x125xi32, #tpu.memory_space<vmem>> -> memref<1x125xi32, #tpu.memory_space<vmem>>
        %dma_start3A_372 = tpu.memref_squeeze %dma_start3A_371 : memref<1x125xi32, #tpu.memory_space<vmem>> -> memref<125xi32, #tpu.memory_space<vmem>>
        %dma_start3A_373 = arith.constant 0 : i32
        %dma_start3A_374 = arith.constant 0 : i32
        %dma_start3A_375 = tpu.memref_slice %arg2[%dma_start3A_373, %dma_start3A_374] : memref<20000x32xf32, #tpu.memory_space<hbm>> -> memref<20000x32xf32, #tpu.memory_space<hbm>>
        tpu.enqueue_indirect_dma source(%dma_start3A_375 : memref<20000x32xf32, #tpu.memory_space<hbm>>) target(%dma_start3A_369 : memref<125x32xf32, #tpu.memory_space<vmem>>) offsets(%dma_start3A_372 : memref<125xi32, #tpu.memory_space<vmem>>) semaphore(%arg12 : memref<!tpu.dma_semaphore, #tpu.memory_space<semaphore_mem>>)
      } else {
      }
      %add3A_213 = arith.constant 2 : i32
      %add3A_214 = arith.addi %mul3A_165, %add3A_213 : i32
      %dma_wait3A_215 = arith.constant 2 : i32
      %dma_wait3A_216 = arith.constant 0 : i32
      %dma_wait3A_217 = arith.constant 0 : i32
      %dma_wait3A_218 = tpu.memref_slice %arg8[%dma_wait3A_215, %dma_wait3A_216, %dma_wait3A_217] : memref<8x125x32xf32, #tpu.memory_space<vmem>> -> memref<1x125x32xf32, #tpu.memory_space<vmem>>
      %dma_wait3A_219 = tpu.memref_squeeze %dma_wait3A_218 : memref<1x125x32xf32, #tpu.memory_space<vmem>> -> memref<125x32xf32, #tpu.memory_space<vmem>>
      %dma_wait3A_220 = arith.constant 0 : i32
      %dma_wait3A_221 = arith.constant 0 : i32
      %dma_wait3A_222 = tpu.memref_slice %arg2[%dma_wait3A_220, %dma_wait3A_221] : memref<20000x32xf32, #tpu.memory_space<hbm>> -> memref<125x32xf32, #tpu.memory_space<hbm>>
      %dma_wait3A_223 = arith.constant 0 : i32
      %dma_wait3A_224 = arith.constant 0 : i32
      %dma_wait3A_225 = tpu.memref_slice %arg8[%dma_wait3A_215, %dma_wait3A_223, %dma_wait3A_224] : memref<8x125x32xf32, #tpu.memory_space<vmem>> -> memref<1x125x32xf32, #tpu.memory_space<vmem>>
      %dma_wait3A_226 = tpu.memref_squeeze %dma_wait3A_225 : memref<1x125x32xf32, #tpu.memory_space<vmem>> -> memref<125x32xf32, #tpu.memory_space<vmem>>
      %dma_wait3A_227 = arith.constant 0 : i32
      %dma_wait3A_228 = arith.constant 0 : i32
      %dma_wait3A_229 = tpu.memref_slice %arg2[%dma_wait3A_227, %dma_wait3A_228] : memref<20000x32xf32, #tpu.memory_space<hbm>> -> memref<125x32xf32, #tpu.memory_space<hbm>>
      tpu.wait_dma2 semaphore(%arg13 : memref<!tpu.dma_semaphore, #tpu.memory_space<semaphore_mem>>) src(%dma_wait3A_229 : memref<125x32xf32, #tpu.memory_space<hbm>>) dst(%dma_wait3A_226 : memref<125x32xf32, #tpu.memory_space<vmem>>)
      %run_scoped3A_230 = arith.constant 2 : i32
      "tpu.region"() ({
        %run_scoped3A_363 = tpu.sem_alloc : memref<!tpu.dma_semaphore, #tpu.memory_space<semaphore_mem>>
        %dma_start3A_364 = arith.constant 0 : i32
        %dma_start3A_365 = arith.constant 0 : i32
        %dma_start3A_366 = tpu.memref_slice %arg8[%run_scoped3A_230, %dma_start3A_364, %dma_start3A_365] : memref<8x125x32xf32, #tpu.memory_space<vmem>> -> memref<1x125x32xf32, #tpu.memory_space<vmem>>
        %dma_start3A_367 = tpu.memref_squeeze %dma_start3A_366 : memref<1x125x32xf32, #tpu.memory_space<vmem>> -> memref<125x32xf32, #tpu.memory_space<vmem>>
        %dma_start3A_368 = arith.constant 0 : i32
        %dma_start3A_369 = tpu.memref_slice %arg7[%add3A_214, %dma_start3A_368] : memref<160x125xi32, #tpu.memory_space<vmem>> -> memref<1x125xi32, #tpu.memory_space<vmem>>
        %dma_start3A_370 = tpu.memref_squeeze %dma_start3A_369 : memref<1x125xi32, #tpu.memory_space<vmem>> -> memref<125xi32, #tpu.memory_space<vmem>>
        %dma_start3A_371 = arith.constant 0 : i32
        %dma_start3A_372 = arith.constant 0 : i32
        %dma_start3A_373 = tpu.memref_slice %arg10[%dma_start3A_371, %dma_start3A_372] : memref<10240x32xf32, #tpu.memory_space<vmem_shared>> -> memref<10240x32xf32, #tpu.memory_space<vmem_shared>>
        tpu.enqueue_indirect_dma source(%dma_start3A_367 : memref<125x32xf32, #tpu.memory_space<vmem>>) target(%dma_start3A_373 : memref<10240x32xf32, #tpu.memory_space<vmem_shared>>) offsets(%dma_start3A_370 : memref<125xi32, #tpu.memory_space<vmem>>) semaphore(%run_scoped3A_363 : memref<!tpu.dma_semaphore, #tpu.memory_space<semaphore_mem>>) {add = true}
        %dma_wait3A_374 = arith.constant 0 : i32
        %dma_wait3A_375 = arith.constant 0 : i32
        %dma_wait3A_376 = tpu.memref_slice %arg8[%run_scoped3A_230, %dma_wait3A_374, %dma_wait3A_375] : memref<8x125x32xf32, #tpu.memory_space<vmem>> -> memref<1x125x32xf32, #tpu.memory_space<vmem>>
        %dma_wait3A_377 = tpu.memref_squeeze %dma_wait3A_376 : memref<1x125x32xf32, #tpu.memory_space<vmem>> -> memref<125x32xf32, #tpu.memory_space<vmem>>
        %dma_wait3A_378 = arith.constant 0 : i32
        %dma_wait3A_379 = tpu.memref_slice %arg7[%add3A_214, %dma_wait3A_378] : memref<160x125xi32, #tpu.memory_space<vmem>> -> memref<1x125xi32, #tpu.memory_space<vmem>>
        %dma_wait3A_380 = tpu.memref_squeeze %dma_wait3A_379 : memref<1x125xi32, #tpu.memory_space<vmem>> -> memref<125xi32, #tpu.memory_space<vmem>>
        %dma_wait3A_381 = arith.constant 0 : i32
        %dma_wait3A_382 = arith.constant 0 : i32
        %dma_wait3A_383 = tpu.memref_slice %arg10[%dma_wait3A_381, %dma_wait3A_382] : memref<10240x32xf32, #tpu.memory_space<vmem_shared>> -> memref<10240x32xf32, #tpu.memory_space<vmem_shared>>
        tpu.wait_indirect_dma semaphore(%run_scoped3A_363 : memref<!tpu.dma_semaphore, #tpu.memory_space<semaphore_mem>>) src(%dma_wait3A_377 : memref<125x32xf32, #tpu.memory_space<vmem>>) dst(%dma_wait3A_383 : memref<10240x32xf32, #tpu.memory_space<vmem_shared>>)
        tpu.yield
      }) : () -> ()
      %add3A_231 = arith.constant 8 : i32
      %add3A_232 = arith.addi %add3A_214, %add3A_231 : i32
      %lt3A_233 = arith.constant 160 : i32
      %lt3A_234 = arith.cmpi slt, %add3A_232, %lt3A_233 : i32
      %convert_element_type3A_235 = arith.extui %lt3A_234 : i1 to i32
      %cond3A_236 = arith.constant 0 : i32
      %cond3A_237 = arith.cmpi ne, %convert_element_type3A_235, %cond3A_236 : i32
      scf.if %cond3A_237 {
        %add3A_363 = arith.constant 8 : i32
        %add3A_364 = arith.addi %add3A_214, %add3A_363 : i32
        %dma_start3A_365 = arith.constant 2 : i32
        %dma_start3A_366 = arith.constant 0 : i32
        %dma_start3A_367 = arith.constant 0 : i32
        %dma_start3A_368 = tpu.memref_slice %arg8[%dma_start3A_365, %dma_start3A_366, %dma_start3A_367] : memref<8x125x32xf32, #tpu.memory_space<vmem>> -> memref<1x125x32xf32, #tpu.memory_space<vmem>>
        %dma_start3A_369 = tpu.memref_squeeze %dma_start3A_368 : memref<1x125x32xf32, #tpu.memory_space<vmem>> -> memref<125x32xf32, #tpu.memory_space<vmem>>
        %dma_start3A_370 = arith.constant 0 : i32
        %dma_start3A_371 = tpu.memref_slice %arg6[%add3A_364, %dma_start3A_370] : memref<160x125xi32, #tpu.memory_space<vmem>> -> memref<1x125xi32, #tpu.memory_space<vmem>>
        %dma_start3A_372 = tpu.memref_squeeze %dma_start3A_371 : memref<1x125xi32, #tpu.memory_space<vmem>> -> memref<125xi32, #tpu.memory_space<vmem>>
        %dma_start3A_373 = arith.constant 0 : i32
        %dma_start3A_374 = arith.constant 0 : i32
        %dma_start3A_375 = tpu.memref_slice %arg2[%dma_start3A_373, %dma_start3A_374] : memref<20000x32xf32, #tpu.memory_space<hbm>> -> memref<20000x32xf32, #tpu.memory_space<hbm>>
        tpu.enqueue_indirect_dma source(%dma_start3A_375 : memref<20000x32xf32, #tpu.memory_space<hbm>>) target(%dma_start3A_369 : memref<125x32xf32, #tpu.memory_space<vmem>>) offsets(%dma_start3A_372 : memref<125xi32, #tpu.memory_space<vmem>>) semaphore(%arg13 : memref<!tpu.dma_semaphore, #tpu.memory_space<semaphore_mem>>)
      } else {
      }
      %add3A_238 = arith.constant 3 : i32
      %add3A_239 = arith.addi %mul3A_165, %add3A_238 : i32
      %dma_wait3A_240 = arith.constant 3 : i32
      %dma_wait3A_241 = arith.constant 0 : i32
      %dma_wait3A_242 = arith.constant 0 : i32
      %dma_wait3A_243 = tpu.memref_slice %arg8[%dma_wait3A_240, %dma_wait3A_241, %dma_wait3A_242] : memref<8x125x32xf32, #tpu.memory_space<vmem>> -> memref<1x125x32xf32, #tpu.memory_space<vmem>>
      %dma_wait3A_244 = tpu.memref_squeeze %dma_wait3A_243 : memref<1x125x32xf32, #tpu.memory_space<vmem>> -> memref<125x32xf32, #tpu.memory_space<vmem>>
      %dma_wait3A_245 = arith.constant 0 : i32
      %dma_wait3A_246 = arith.constant 0 : i32
      %dma_wait3A_247 = tpu.memref_slice %arg2[%dma_wait3A_245, %dma_wait3A_246] : memref<20000x32xf32, #tpu.memory_space<hbm>> -> memref<125x32xf32, #tpu.memory_space<hbm>>
      %dma_wait3A_248 = arith.constant 0 : i32
      %dma_wait3A_249 = arith.constant 0 : i32
      %dma_wait3A_250 = tpu.memref_slice %arg8[%dma_wait3A_240, %dma_wait3A_248, %dma_wait3A_249] : memref<8x125x32xf32, #tpu.memory_space<vmem>> -> memref<1x125x32xf32, #tpu.memory_space<vmem>>
      %dma_wait3A_251 = tpu.memref_squeeze %dma_wait3A_250 : memref<1x125x32xf32, #tpu.memory_space<vmem>> -> memref<125x32xf32, #tpu.memory_space<vmem>>
      %dma_wait3A_252 = arith.constant 0 : i32
      %dma_wait3A_253 = arith.constant 0 : i32
      %dma_wait3A_254 = tpu.memref_slice %arg2[%dma_wait3A_252, %dma_wait3A_253] : memref<20000x32xf32, #tpu.memory_space<hbm>> -> memref<125x32xf32, #tpu.memory_space<hbm>>
      tpu.wait_dma2 semaphore(%arg14 : memref<!tpu.dma_semaphore, #tpu.memory_space<semaphore_mem>>) src(%dma_wait3A_254 : memref<125x32xf32, #tpu.memory_space<hbm>>) dst(%dma_wait3A_251 : memref<125x32xf32, #tpu.memory_space<vmem>>)
      %run_scoped3A_255 = arith.constant 3 : i32
      "tpu.region"() ({
        %run_scoped3A_363 = tpu.sem_alloc : memref<!tpu.dma_semaphore, #tpu.memory_space<semaphore_mem>>
        %dma_start3A_364 = arith.constant 0 : i32
        %dma_start3A_365 = arith.constant 0 : i32
        %dma_start3A_366 = tpu.memref_slice %arg8[%run_scoped3A_255, %dma_start3A_364, %dma_start3A_365] : memref<8x125x32xf32, #tpu.memory_space<vmem>> -> memref<1x125x32xf32, #tpu.memory_space<vmem>>
        %dma_start3A_367 = tpu.memref_squeeze %dma_start3A_366 : memref<1x125x32xf32, #tpu.memory_space<vmem>> -> memref<125x32xf32, #tpu.memory_space<vmem>>
        %dma_start3A_368 = arith.constant 0 : i32
        %dma_start3A_369 = tpu.memref_slice %arg7[%add3A_239, %dma_start3A_368] : memref<160x125xi32, #tpu.memory_space<vmem>> -> memref<1x125xi32, #tpu.memory_space<vmem>>
        %dma_start3A_370 = tpu.memref_squeeze %dma_start3A_369 : memref<1x125xi32, #tpu.memory_space<vmem>> -> memref<125xi32, #tpu.memory_space<vmem>>
        %dma_start3A_371 = arith.constant 0 : i32
        %dma_start3A_372 = arith.constant 0 : i32
        %dma_start3A_373 = tpu.memref_slice %arg10[%dma_start3A_371, %dma_start3A_372] : memref<10240x32xf32, #tpu.memory_space<vmem_shared>> -> memref<10240x32xf32, #tpu.memory_space<vmem_shared>>
        tpu.enqueue_indirect_dma source(%dma_start3A_367 : memref<125x32xf32, #tpu.memory_space<vmem>>) target(%dma_start3A_373 : memref<10240x32xf32, #tpu.memory_space<vmem_shared>>) offsets(%dma_start3A_370 : memref<125xi32, #tpu.memory_space<vmem>>) semaphore(%run_scoped3A_363 : memref<!tpu.dma_semaphore, #tpu.memory_space<semaphore_mem>>) {add = true}
        %dma_wait3A_374 = arith.constant 0 : i32
        %dma_wait3A_375 = arith.constant 0 : i32
        %dma_wait3A_376 = tpu.memref_slice %arg8[%run_scoped3A_255, %dma_wait3A_374, %dma_wait3A_375] : memref<8x125x32xf32, #tpu.memory_space<vmem>> -> memref<1x125x32xf32, #tpu.memory_space<vmem>>
        %dma_wait3A_377 = tpu.memref_squeeze %dma_wait3A_376 : memref<1x125x32xf32, #tpu.memory_space<vmem>> -> memref<125x32xf32, #tpu.memory_space<vmem>>
        %dma_wait3A_378 = arith.constant 0 : i32
        %dma_wait3A_379 = tpu.memref_slice %arg7[%add3A_239, %dma_wait3A_378] : memref<160x125xi32, #tpu.memory_space<vmem>> -> memref<1x125xi32, #tpu.memory_space<vmem>>
        %dma_wait3A_380 = tpu.memref_squeeze %dma_wait3A_379 : memref<1x125xi32, #tpu.memory_space<vmem>> -> memref<125xi32, #tpu.memory_space<vmem>>
        %dma_wait3A_381 = arith.constant 0 : i32
        %dma_wait3A_382 = arith.constant 0 : i32
        %dma_wait3A_383 = tpu.memref_slice %arg10[%dma_wait3A_381, %dma_wait3A_382] : memref<10240x32xf32, #tpu.memory_space<vmem_shared>> -> memref<10240x32xf32, #tpu.memory_space<vmem_shared>>
        tpu.wait_indirect_dma semaphore(%run_scoped3A_363 : memref<!tpu.dma_semaphore, #tpu.memory_space<semaphore_mem>>) src(%dma_wait3A_377 : memref<125x32xf32, #tpu.memory_space<vmem>>) dst(%dma_wait3A_383 : memref<10240x32xf32, #tpu.memory_space<vmem_shared>>)
        tpu.yield
      }) : () -> ()
      %add3A_256 = arith.constant 8 : i32
      %add3A_257 = arith.addi %add3A_239, %add3A_256 : i32
      %lt3A_258 = arith.constant 160 : i32
      %lt3A_259 = arith.cmpi slt, %add3A_257, %lt3A_258 : i32
      %convert_element_type3A_260 = arith.extui %lt3A_259 : i1 to i32
      %cond3A_261 = arith.constant 0 : i32
      %cond3A_262 = arith.cmpi ne, %convert_element_type3A_260, %cond3A_261 : i32
      scf.if %cond3A_262 {
        %add3A_363 = arith.constant 8 : i32
        %add3A_364 = arith.addi %add3A_239, %add3A_363 : i32
        %dma_start3A_365 = arith.constant 3 : i32
        %dma_start3A_366 = arith.constant 0 : i32
        %dma_start3A_367 = arith.constant 0 : i32
        %dma_start3A_368 = tpu.memref_slice %arg8[%dma_start3A_365, %dma_start3A_366, %dma_start3A_367] : memref<8x125x32xf32, #tpu.memory_space<vmem>> -> memref<1x125x32xf32, #tpu.memory_space<vmem>>
        %dma_start3A_369 = tpu.memref_squeeze %dma_start3A_368 : memref<1x125x32xf32, #tpu.memory_space<vmem>> -> memref<125x32xf32, #tpu.memory_space<vmem>>
        %dma_start3A_370 = arith.constant 0 : i32
        %dma_start3A_371 = tpu.memref_slice %arg6[%add3A_364, %dma_start3A_370] : memref<160x125xi32, #tpu.memory_space<vmem>> -> memref<1x125xi32, #tpu.memory_space<vmem>>
        %dma_start3A_372 = tpu.memref_squeeze %dma_start3A_371 : memref<1x125xi32, #tpu.memory_space<vmem>> -> memref<125xi32, #tpu.memory_space<vmem>>
        %dma_start3A_373 = arith.constant 0 : i32
        %dma_start3A_374 = arith.constant 0 : i32
        %dma_start3A_375 = tpu.memref_slice %arg2[%dma_start3A_373, %dma_start3A_374] : memref<20000x32xf32, #tpu.memory_space<hbm>> -> memref<20000x32xf32, #tpu.memory_space<hbm>>
        tpu.enqueue_indirect_dma source(%dma_start3A_375 : memref<20000x32xf32, #tpu.memory_space<hbm>>) target(%dma_start3A_369 : memref<125x32xf32, #tpu.memory_space<vmem>>) offsets(%dma_start3A_372 : memref<125xi32, #tpu.memory_space<vmem>>) semaphore(%arg14 : memref<!tpu.dma_semaphore, #tpu.memory_space<semaphore_mem>>)
      } else {
      }
      %add3A_263 = arith.constant 4 : i32
      %add3A_264 = arith.addi %mul3A_165, %add3A_263 : i32
      %dma_wait3A_265 = arith.constant 4 : i32
      %dma_wait3A_266 = arith.constant 0 : i32
      %dma_wait3A_267 = arith.constant 0 : i32
      %dma_wait3A_268 = tpu.memref_slice %arg8[%dma_wait3A_265, %dma_wait3A_266, %dma_wait3A_267] : memref<8x125x32xf32, #tpu.memory_space<vmem>> -> memref<1x125x32xf32, #tpu.memory_space<vmem>>
      %dma_wait3A_269 = tpu.memref_squeeze %dma_wait3A_268 : memref<1x125x32xf32, #tpu.memory_space<vmem>> -> memref<125x32xf32, #tpu.memory_space<vmem>>
      %dma_wait3A_270 = arith.constant 0 : i32
      %dma_wait3A_271 = arith.constant 0 : i32
      %dma_wait3A_272 = tpu.memref_slice %arg2[%dma_wait3A_270, %dma_wait3A_271] : memref<20000x32xf32, #tpu.memory_space<hbm>> -> memref<125x32xf32, #tpu.memory_space<hbm>>
      %dma_wait3A_273 = arith.constant 0 : i32
      %dma_wait3A_274 = arith.constant 0 : i32
      %dma_wait3A_275 = tpu.memref_slice %arg8[%dma_wait3A_265, %dma_wait3A_273, %dma_wait3A_274] : memref<8x125x32xf32, #tpu.memory_space<vmem>> -> memref<1x125x32xf32, #tpu.memory_space<vmem>>
      %dma_wait3A_276 = tpu.memref_squeeze %dma_wait3A_275 : memref<1x125x32xf32, #tpu.memory_space<vmem>> -> memref<125x32xf32, #tpu.memory_space<vmem>>
      %dma_wait3A_277 = arith.constant 0 : i32
      %dma_wait3A_278 = arith.constant 0 : i32
      %dma_wait3A_279 = tpu.memref_slice %arg2[%dma_wait3A_277, %dma_wait3A_278] : memref<20000x32xf32, #tpu.memory_space<hbm>> -> memref<125x32xf32, #tpu.memory_space<hbm>>
      tpu.wait_dma2 semaphore(%arg15 : memref<!tpu.dma_semaphore, #tpu.memory_space<semaphore_mem>>) src(%dma_wait3A_279 : memref<125x32xf32, #tpu.memory_space<hbm>>) dst(%dma_wait3A_276 : memref<125x32xf32, #tpu.memory_space<vmem>>)
      %run_scoped3A_280 = arith.constant 4 : i32
      "tpu.region"() ({
        %run_scoped3A_363 = tpu.sem_alloc : memref<!tpu.dma_semaphore, #tpu.memory_space<semaphore_mem>>
        %dma_start3A_364 = arith.constant 0 : i32
        %dma_start3A_365 = arith.constant 0 : i32
        %dma_start3A_366 = tpu.memref_slice %arg8[%run_scoped3A_280, %dma_start3A_364, %dma_start3A_365] : memref<8x125x32xf32, #tpu.memory_space<vmem>> -> memref<1x125x32xf32, #tpu.memory_space<vmem>>
        %dma_start3A_367 = tpu.memref_squeeze %dma_start3A_366 : memref<1x125x32xf32, #tpu.memory_space<vmem>> -> memref<125x32xf32, #tpu.memory_space<vmem>>
        %dma_start3A_368 = arith.constant 0 : i32
        %dma_start3A_369 = tpu.memref_slice %arg7[%add3A_264, %dma_start3A_368] : memref<160x125xi32, #tpu.memory_space<vmem>> -> memref<1x125xi32, #tpu.memory_space<vmem>>
        %dma_start3A_370 = tpu.memref_squeeze %dma_start3A_369 : memref<1x125xi32, #tpu.memory_space<vmem>> -> memref<125xi32, #tpu.memory_space<vmem>>
        %dma_start3A_371 = arith.constant 0 : i32
        %dma_start3A_372 = arith.constant 0 : i32
        %dma_start3A_373 = tpu.memref_slice %arg10[%dma_start3A_371, %dma_start3A_372] : memref<10240x32xf32, #tpu.memory_space<vmem_shared>> -> memref<10240x32xf32, #tpu.memory_space<vmem_shared>>
        tpu.enqueue_indirect_dma source(%dma_start3A_367 : memref<125x32xf32, #tpu.memory_space<vmem>>) target(%dma_start3A_373 : memref<10240x32xf32, #tpu.memory_space<vmem_shared>>) offsets(%dma_start3A_370 : memref<125xi32, #tpu.memory_space<vmem>>) semaphore(%run_scoped3A_363 : memref<!tpu.dma_semaphore, #tpu.memory_space<semaphore_mem>>) {add = true}
        %dma_wait3A_374 = arith.constant 0 : i32
        %dma_wait3A_375 = arith.constant 0 : i32
        %dma_wait3A_376 = tpu.memref_slice %arg8[%run_scoped3A_280, %dma_wait3A_374, %dma_wait3A_375] : memref<8x125x32xf32, #tpu.memory_space<vmem>> -> memref<1x125x32xf32, #tpu.memory_space<vmem>>
        %dma_wait3A_377 = tpu.memref_squeeze %dma_wait3A_376 : memref<1x125x32xf32, #tpu.memory_space<vmem>> -> memref<125x32xf32, #tpu.memory_space<vmem>>
        %dma_wait3A_378 = arith.constant 0 : i32
        %dma_wait3A_379 = tpu.memref_slice %arg7[%add3A_264, %dma_wait3A_378] : memref<160x125xi32, #tpu.memory_space<vmem>> -> memref<1x125xi32, #tpu.memory_space<vmem>>
        %dma_wait3A_380 = tpu.memref_squeeze %dma_wait3A_379 : memref<1x125xi32, #tpu.memory_space<vmem>> -> memref<125xi32, #tpu.memory_space<vmem>>
        %dma_wait3A_381 = arith.constant 0 : i32
        %dma_wait3A_382 = arith.constant 0 : i32
        %dma_wait3A_383 = tpu.memref_slice %arg10[%dma_wait3A_381, %dma_wait3A_382] : memref<10240x32xf32, #tpu.memory_space<vmem_shared>> -> memref<10240x32xf32, #tpu.memory_space<vmem_shared>>
        tpu.wait_indirect_dma semaphore(%run_scoped3A_363 : memref<!tpu.dma_semaphore, #tpu.memory_space<semaphore_mem>>) src(%dma_wait3A_377 : memref<125x32xf32, #tpu.memory_space<vmem>>) dst(%dma_wait3A_383 : memref<10240x32xf32, #tpu.memory_space<vmem_shared>>)
        tpu.yield
      }) : () -> ()
      %add3A_281 = arith.constant 8 : i32
      %add3A_282 = arith.addi %add3A_264, %add3A_281 : i32
      %lt3A_283 = arith.constant 160 : i32
      %lt3A_284 = arith.cmpi slt, %add3A_282, %lt3A_283 : i32
      %convert_element_type3A_285 = arith.extui %lt3A_284 : i1 to i32
      %cond3A_286 = arith.constant 0 : i32
      %cond3A_287 = arith.cmpi ne, %convert_element_type3A_285, %cond3A_286 : i32
      scf.if %cond3A_287 {
        %add3A_363 = arith.constant 8 : i32
        %add3A_364 = arith.addi %add3A_264, %add3A_363 : i32
        %dma_start3A_365 = arith.constant 4 : i32
        %dma_start3A_366 = arith.constant 0 : i32
        %dma_start3A_367 = arith.constant 0 : i32
        %dma_start3A_368 = tpu.memref_slice %arg8[%dma_start3A_365, %dma_start3A_366, %dma_start3A_367] : memref<8x125x32xf32, #tpu.memory_space<vmem>> -> memref<1x125x32xf32, #tpu.memory_space<vmem>>
        %dma_start3A_369 = tpu.memref_squeeze %dma_start3A_368 : memref<1x125x32xf32, #tpu.memory_space<vmem>> -> memref<125x32xf32, #tpu.memory_space<vmem>>
        %dma_start3A_370 = arith.constant 0 : i32
        %dma_start3A_371 = tpu.memref_slice %arg6[%add3A_364, %dma_start3A_370] : memref<160x125xi32, #tpu.memory_space<vmem>> -> memref<1x125xi32, #tpu.memory_space<vmem>>
        %dma_start3A_372 = tpu.memref_squeeze %dma_start3A_371 : memref<1x125xi32, #tpu.memory_space<vmem>> -> memref<125xi32, #tpu.memory_space<vmem>>
        %dma_start3A_373 = arith.constant 0 : i32
        %dma_start3A_374 = arith.constant 0 : i32
        %dma_start3A_375 = tpu.memref_slice %arg2[%dma_start3A_373, %dma_start3A_374] : memref<20000x32xf32, #tpu.memory_space<hbm>> -> memref<20000x32xf32, #tpu.memory_space<hbm>>
        tpu.enqueue_indirect_dma source(%dma_start3A_375 : memref<20000x32xf32, #tpu.memory_space<hbm>>) target(%dma_start3A_369 : memref<125x32xf32, #tpu.memory_space<vmem>>) offsets(%dma_start3A_372 : memref<125xi32, #tpu.memory_space<vmem>>) semaphore(%arg15 : memref<!tpu.dma_semaphore, #tpu.memory_space<semaphore_mem>>)
      } else {
      }
      %add3A_288 = arith.constant 5 : i32
      %add3A_289 = arith.addi %mul3A_165, %add3A_288 : i32
      %dma_wait3A_290 = arith.constant 5 : i32
      %dma_wait3A_291 = arith.constant 0 : i32
      %dma_wait3A_292 = arith.constant 0 : i32
      %dma_wait3A_293 = tpu.memref_slice %arg8[%dma_wait3A_290, %dma_wait3A_291, %dma_wait3A_292] : memref<8x125x32xf32, #tpu.memory_space<vmem>> -> memref<1x125x32xf32, #tpu.memory_space<vmem>>
      %dma_wait3A_294 = tpu.memref_squeeze %dma_wait3A_293 : memref<1x125x32xf32, #tpu.memory_space<vmem>> -> memref<125x32xf32, #tpu.memory_space<vmem>>
      %dma_wait3A_295 = arith.constant 0 : i32
      %dma_wait3A_296 = arith.constant 0 : i32
      %dma_wait3A_297 = tpu.memref_slice %arg2[%dma_wait3A_295, %dma_wait3A_296] : memref<20000x32xf32, #tpu.memory_space<hbm>> -> memref<125x32xf32, #tpu.memory_space<hbm>>
      %dma_wait3A_298 = arith.constant 0 : i32
      %dma_wait3A_299 = arith.constant 0 : i32
      %dma_wait3A_300 = tpu.memref_slice %arg8[%dma_wait3A_290, %dma_wait3A_298, %dma_wait3A_299] : memref<8x125x32xf32, #tpu.memory_space<vmem>> -> memref<1x125x32xf32, #tpu.memory_space<vmem>>
      %dma_wait3A_301 = tpu.memref_squeeze %dma_wait3A_300 : memref<1x125x32xf32, #tpu.memory_space<vmem>> -> memref<125x32xf32, #tpu.memory_space<vmem>>
      %dma_wait3A_302 = arith.constant 0 : i32
      %dma_wait3A_303 = arith.constant 0 : i32
      %dma_wait3A_304 = tpu.memref_slice %arg2[%dma_wait3A_302, %dma_wait3A_303] : memref<20000x32xf32, #tpu.memory_space<hbm>> -> memref<125x32xf32, #tpu.memory_space<hbm>>
      tpu.wait_dma2 semaphore(%arg16 : memref<!tpu.dma_semaphore, #tpu.memory_space<semaphore_mem>>) src(%dma_wait3A_304 : memref<125x32xf32, #tpu.memory_space<hbm>>) dst(%dma_wait3A_301 : memref<125x32xf32, #tpu.memory_space<vmem>>)
      %run_scoped3A_305 = arith.constant 5 : i32
      "tpu.region"() ({
        %run_scoped3A_363 = tpu.sem_alloc : memref<!tpu.dma_semaphore, #tpu.memory_space<semaphore_mem>>
        %dma_start3A_364 = arith.constant 0 : i32
        %dma_start3A_365 = arith.constant 0 : i32
        %dma_start3A_366 = tpu.memref_slice %arg8[%run_scoped3A_305, %dma_start3A_364, %dma_start3A_365] : memref<8x125x32xf32, #tpu.memory_space<vmem>> -> memref<1x125x32xf32, #tpu.memory_space<vmem>>
        %dma_start3A_367 = tpu.memref_squeeze %dma_start3A_366 : memref<1x125x32xf32, #tpu.memory_space<vmem>> -> memref<125x32xf32, #tpu.memory_space<vmem>>
        %dma_start3A_368 = arith.constant 0 : i32
        %dma_start3A_369 = tpu.memref_slice %arg7[%add3A_289, %dma_start3A_368] : memref<160x125xi32, #tpu.memory_space<vmem>> -> memref<1x125xi32, #tpu.memory_space<vmem>>
        %dma_start3A_370 = tpu.memref_squeeze %dma_start3A_369 : memref<1x125xi32, #tpu.memory_space<vmem>> -> memref<125xi32, #tpu.memory_space<vmem>>
        %dma_start3A_371 = arith.constant 0 : i32
        %dma_start3A_372 = arith.constant 0 : i32
        %dma_start3A_373 = tpu.memref_slice %arg10[%dma_start3A_371, %dma_start3A_372] : memref<10240x32xf32, #tpu.memory_space<vmem_shared>> -> memref<10240x32xf32, #tpu.memory_space<vmem_shared>>
        tpu.enqueue_indirect_dma source(%dma_start3A_367 : memref<125x32xf32, #tpu.memory_space<vmem>>) target(%dma_start3A_373 : memref<10240x32xf32, #tpu.memory_space<vmem_shared>>) offsets(%dma_start3A_370 : memref<125xi32, #tpu.memory_space<vmem>>) semaphore(%run_scoped3A_363 : memref<!tpu.dma_semaphore, #tpu.memory_space<semaphore_mem>>) {add = true}
        %dma_wait3A_374 = arith.constant 0 : i32
        %dma_wait3A_375 = arith.constant 0 : i32
        %dma_wait3A_376 = tpu.memref_slice %arg8[%run_scoped3A_305, %dma_wait3A_374, %dma_wait3A_375] : memref<8x125x32xf32, #tpu.memory_space<vmem>> -> memref<1x125x32xf32, #tpu.memory_space<vmem>>
        %dma_wait3A_377 = tpu.memref_squeeze %dma_wait3A_376 : memref<1x125x32xf32, #tpu.memory_space<vmem>> -> memref<125x32xf32, #tpu.memory_space<vmem>>
        %dma_wait3A_378 = arith.constant 0 : i32
        %dma_wait3A_379 = tpu.memref_slice %arg7[%add3A_289, %dma_wait3A_378] : memref<160x125xi32, #tpu.memory_space<vmem>> -> memref<1x125xi32, #tpu.memory_space<vmem>>
        %dma_wait3A_380 = tpu.memref_squeeze %dma_wait3A_379 : memref<1x125xi32, #tpu.memory_space<vmem>> -> memref<125xi32, #tpu.memory_space<vmem>>
        %dma_wait3A_381 = arith.constant 0 : i32
        %dma_wait3A_382 = arith.constant 0 : i32
        %dma_wait3A_383 = tpu.memref_slice %arg10[%dma_wait3A_381, %dma_wait3A_382] : memref<10240x32xf32, #tpu.memory_space<vmem_shared>> -> memref<10240x32xf32, #tpu.memory_space<vmem_shared>>
        tpu.wait_indirect_dma semaphore(%run_scoped3A_363 : memref<!tpu.dma_semaphore, #tpu.memory_space<semaphore_mem>>) src(%dma_wait3A_377 : memref<125x32xf32, #tpu.memory_space<vmem>>) dst(%dma_wait3A_383 : memref<10240x32xf32, #tpu.memory_space<vmem_shared>>)
        tpu.yield
      }) : () -> ()
      %add3A_306 = arith.constant 8 : i32
      %add3A_307 = arith.addi %add3A_289, %add3A_306 : i32
      %lt3A_308 = arith.constant 160 : i32
      %lt3A_309 = arith.cmpi slt, %add3A_307, %lt3A_308 : i32
      %convert_element_type3A_310 = arith.extui %lt3A_309 : i1 to i32
      %cond3A_311 = arith.constant 0 : i32
      %cond3A_312 = arith.cmpi ne, %convert_element_type3A_310, %cond3A_311 : i32
      scf.if %cond3A_312 {
        %add3A_363 = arith.constant 8 : i32
        %add3A_364 = arith.addi %add3A_289, %add3A_363 : i32
        %dma_start3A_365 = arith.constant 5 : i32
        %dma_start3A_366 = arith.constant 0 : i32
        %dma_start3A_367 = arith.constant 0 : i32
        %dma_start3A_368 = tpu.memref_slice %arg8[%dma_start3A_365, %dma_start3A_366, %dma_start3A_367] : memref<8x125x32xf32, #tpu.memory_space<vmem>> -> memref<1x125x32xf32, #tpu.memory_space<vmem>>
        %dma_start3A_369 = tpu.memref_squeeze %dma_start3A_368 : memref<1x125x32xf32, #tpu.memory_space<vmem>> -> memref<125x32xf32, #tpu.memory_space<vmem>>
        %dma_start3A_370 = arith.constant 0 : i32
        %dma_start3A_371 = tpu.memref_slice %arg6[%add3A_364, %dma_start3A_370] : memref<160x125xi32, #tpu.memory_space<vmem>> -> memref<1x125xi32, #tpu.memory_space<vmem>>
        %dma_start3A_372 = tpu.memref_squeeze %dma_start3A_371 : memref<1x125xi32, #tpu.memory_space<vmem>> -> memref<125xi32, #tpu.memory_space<vmem>>
        %dma_start3A_373 = arith.constant 0 : i32
        %dma_start3A_374 = arith.constant 0 : i32
        %dma_start3A_375 = tpu.memref_slice %arg2[%dma_start3A_373, %dma_start3A_374] : memref<20000x32xf32, #tpu.memory_space<hbm>> -> memref<20000x32xf32, #tpu.memory_space<hbm>>
        tpu.enqueue_indirect_dma source(%dma_start3A_375 : memref<20000x32xf32, #tpu.memory_space<hbm>>) target(%dma_start3A_369 : memref<125x32xf32, #tpu.memory_space<vmem>>) offsets(%dma_start3A_372 : memref<125xi32, #tpu.memory_space<vmem>>) semaphore(%arg16 : memref<!tpu.dma_semaphore, #tpu.memory_space<semaphore_mem>>)
      } else {
      }
      %add3A_313 = arith.constant 6 : i32
      %add3A_314 = arith.addi %mul3A_165, %add3A_313 : i32
      %dma_wait3A_315 = arith.constant 6 : i32
      %dma_wait3A_316 = arith.constant 0 : i32
      %dma_wait3A_317 = arith.constant 0 : i32
      %dma_wait3A_318 = tpu.memref_slice %arg8[%dma_wait3A_315, %dma_wait3A_316, %dma_wait3A_317] : memref<8x125x32xf32, #tpu.memory_space<vmem>> -> memref<1x125x32xf32, #tpu.memory_space<vmem>>
      %dma_wait3A_319 = tpu.memref_squeeze %dma_wait3A_318 : memref<1x125x32xf32, #tpu.memory_space<vmem>> -> memref<125x32xf32, #tpu.memory_space<vmem>>
      %dma_wait3A_320 = arith.constant 0 : i32
      %dma_wait3A_321 = arith.constant 0 : i32
      %dma_wait3A_322 = tpu.memref_slice %arg2[%dma_wait3A_320, %dma_wait3A_321] : memref<20000x32xf32, #tpu.memory_space<hbm>> -> memref<125x32xf32, #tpu.memory_space<hbm>>
      %dma_wait3A_323 = arith.constant 0 : i32
      %dma_wait3A_324 = arith.constant 0 : i32
      %dma_wait3A_325 = tpu.memref_slice %arg8[%dma_wait3A_315, %dma_wait3A_323, %dma_wait3A_324] : memref<8x125x32xf32, #tpu.memory_space<vmem>> -> memref<1x125x32xf32, #tpu.memory_space<vmem>>
      %dma_wait3A_326 = tpu.memref_squeeze %dma_wait3A_325 : memref<1x125x32xf32, #tpu.memory_space<vmem>> -> memref<125x32xf32, #tpu.memory_space<vmem>>
      %dma_wait3A_327 = arith.constant 0 : i32
      %dma_wait3A_328 = arith.constant 0 : i32
      %dma_wait3A_329 = tpu.memref_slice %arg2[%dma_wait3A_327, %dma_wait3A_328] : memref<20000x32xf32, #tpu.memory_space<hbm>> -> memref<125x32xf32, #tpu.memory_space<hbm>>
      tpu.wait_dma2 semaphore(%arg17 : memref<!tpu.dma_semaphore, #tpu.memory_space<semaphore_mem>>) src(%dma_wait3A_329 : memref<125x32xf32, #tpu.memory_space<hbm>>) dst(%dma_wait3A_326 : memref<125x32xf32, #tpu.memory_space<vmem>>)
      %run_scoped3A_330 = arith.constant 6 : i32
      "tpu.region"() ({
        %run_scoped3A_363 = tpu.sem_alloc : memref<!tpu.dma_semaphore, #tpu.memory_space<semaphore_mem>>
        %dma_start3A_364 = arith.constant 0 : i32
        %dma_start3A_365 = arith.constant 0 : i32
        %dma_start3A_366 = tpu.memref_slice %arg8[%run_scoped3A_330, %dma_start3A_364, %dma_start3A_365] : memref<8x125x32xf32, #tpu.memory_space<vmem>> -> memref<1x125x32xf32, #tpu.memory_space<vmem>>
        %dma_start3A_367 = tpu.memref_squeeze %dma_start3A_366 : memref<1x125x32xf32, #tpu.memory_space<vmem>> -> memref<125x32xf32, #tpu.memory_space<vmem>>
        %dma_start3A_368 = arith.constant 0 : i32
        %dma_start3A_369 = tpu.memref_slice %arg7[%add3A_314, %dma_start3A_368] : memref<160x125xi32, #tpu.memory_space<vmem>> -> memref<1x125xi32, #tpu.memory_space<vmem>>
        %dma_start3A_370 = tpu.memref_squeeze %dma_start3A_369 : memref<1x125xi32, #tpu.memory_space<vmem>> -> memref<125xi32, #tpu.memory_space<vmem>>
        %dma_start3A_371 = arith.constant 0 : i32
        %dma_start3A_372 = arith.constant 0 : i32
        %dma_start3A_373 = tpu.memref_slice %arg10[%dma_start3A_371, %dma_start3A_372] : memref<10240x32xf32, #tpu.memory_space<vmem_shared>> -> memref<10240x32xf32, #tpu.memory_space<vmem_shared>>
        tpu.enqueue_indirect_dma source(%dma_start3A_367 : memref<125x32xf32, #tpu.memory_space<vmem>>) target(%dma_start3A_373 : memref<10240x32xf32, #tpu.memory_space<vmem_shared>>) offsets(%dma_start3A_370 : memref<125xi32, #tpu.memory_space<vmem>>) semaphore(%run_scoped3A_363 : memref<!tpu.dma_semaphore, #tpu.memory_space<semaphore_mem>>) {add = true}
        %dma_wait3A_374 = arith.constant 0 : i32
        %dma_wait3A_375 = arith.constant 0 : i32
        %dma_wait3A_376 = tpu.memref_slice %arg8[%run_scoped3A_330, %dma_wait3A_374, %dma_wait3A_375] : memref<8x125x32xf32, #tpu.memory_space<vmem>> -> memref<1x125x32xf32, #tpu.memory_space<vmem>>
        %dma_wait3A_377 = tpu.memref_squeeze %dma_wait3A_376 : memref<1x125x32xf32, #tpu.memory_space<vmem>> -> memref<125x32xf32, #tpu.memory_space<vmem>>
        %dma_wait3A_378 = arith.constant 0 : i32
        %dma_wait3A_379 = tpu.memref_slice %arg7[%add3A_314, %dma_wait3A_378] : memref<160x125xi32, #tpu.memory_space<vmem>> -> memref<1x125xi32, #tpu.memory_space<vmem>>
        %dma_wait3A_380 = tpu.memref_squeeze %dma_wait3A_379 : memref<1x125xi32, #tpu.memory_space<vmem>> -> memref<125xi32, #tpu.memory_space<vmem>>
        %dma_wait3A_381 = arith.constant 0 : i32
        %dma_wait3A_382 = arith.constant 0 : i32
        %dma_wait3A_383 = tpu.memref_slice %arg10[%dma_wait3A_381, %dma_wait3A_382] : memref<10240x32xf32, #tpu.memory_space<vmem_shared>> -> memref<10240x32xf32, #tpu.memory_space<vmem_shared>>
        tpu.wait_indirect_dma semaphore(%run_scoped3A_363 : memref<!tpu.dma_semaphore, #tpu.memory_space<semaphore_mem>>) src(%dma_wait3A_377 : memref<125x32xf32, #tpu.memory_space<vmem>>) dst(%dma_wait3A_383 : memref<10240x32xf32, #tpu.memory_space<vmem_shared>>)
        tpu.yield
      }) : () -> ()
      %add3A_331 = arith.constant 8 : i32
      %add3A_332 = arith.addi %add3A_314, %add3A_331 : i32
      %lt3A_333 = arith.constant 160 : i32
      %lt3A_334 = arith.cmpi slt, %add3A_332, %lt3A_333 : i32
      %convert_element_type3A_335 = arith.extui %lt3A_334 : i1 to i32
      %cond3A_336 = arith.constant 0 : i32
      %cond3A_337 = arith.cmpi ne, %convert_element_type3A_335, %cond3A_336 : i32
      scf.if %cond3A_337 {
        %add3A_363 = arith.constant 8 : i32
        %add3A_364 = arith.addi %add3A_314, %add3A_363 : i32
        %dma_start3A_365 = arith.constant 6 : i32
        %dma_start3A_366 = arith.constant 0 : i32
        %dma_start3A_367 = arith.constant 0 : i32
        %dma_start3A_368 = tpu.memref_slice %arg8[%dma_start3A_365, %dma_start3A_366, %dma_start3A_367] : memref<8x125x32xf32, #tpu.memory_space<vmem>> -> memref<1x125x32xf32, #tpu.memory_space<vmem>>
        %dma_start3A_369 = tpu.memref_squeeze %dma_start3A_368 : memref<1x125x32xf32, #tpu.memory_space<vmem>> -> memref<125x32xf32, #tpu.memory_space<vmem>>
        %dma_start3A_370 = arith.constant 0 : i32
        %dma_start3A_371 = tpu.memref_slice %arg6[%add3A_364, %dma_start3A_370] : memref<160x125xi32, #tpu.memory_space<vmem>> -> memref<1x125xi32, #tpu.memory_space<vmem>>
        %dma_start3A_372 = tpu.memref_squeeze %dma_start3A_371 : memref<1x125xi32, #tpu.memory_space<vmem>> -> memref<125xi32, #tpu.memory_space<vmem>>
        %dma_start3A_373 = arith.constant 0 : i32
        %dma_start3A_374 = arith.constant 0 : i32
        %dma_start3A_375 = tpu.memref_slice %arg2[%dma_start3A_373, %dma_start3A_374] : memref<20000x32xf32, #tpu.memory_space<hbm>> -> memref<20000x32xf32, #tpu.memory_space<hbm>>
        tpu.enqueue_indirect_dma source(%dma_start3A_375 : memref<20000x32xf32, #tpu.memory_space<hbm>>) target(%dma_start3A_369 : memref<125x32xf32, #tpu.memory_space<vmem>>) offsets(%dma_start3A_372 : memref<125xi32, #tpu.memory_space<vmem>>) semaphore(%arg17 : memref<!tpu.dma_semaphore, #tpu.memory_space<semaphore_mem>>)
      } else {
      }
      %add3A_338 = arith.constant 7 : i32
      %add3A_339 = arith.addi %mul3A_165, %add3A_338 : i32
      %dma_wait3A_340 = arith.constant 7 : i32
      %dma_wait3A_341 = arith.constant 0 : i32
      %dma_wait3A_342 = arith.constant 0 : i32
      %dma_wait3A_343 = tpu.memref_slice %arg8[%dma_wait3A_340, %dma_wait3A_341, %dma_wait3A_342] : memref<8x125x32xf32, #tpu.memory_space<vmem>> -> memref<1x125x32xf32, #tpu.memory_space<vmem>>
      %dma_wait3A_344 = tpu.memref_squeeze %dma_wait3A_343 : memref<1x125x32xf32, #tpu.memory_space<vmem>> -> memref<125x32xf32, #tpu.memory_space<vmem>>
      %dma_wait3A_345 = arith.constant 0 : i32
      %dma_wait3A_346 = arith.constant 0 : i32
      %dma_wait3A_347 = tpu.memref_slice %arg2[%dma_wait3A_345, %dma_wait3A_346] : memref<20000x32xf32, #tpu.memory_space<hbm>> -> memref<125x32xf32, #tpu.memory_space<hbm>>
      %dma_wait3A_348 = arith.constant 0 : i32
      %dma_wait3A_349 = arith.constant 0 : i32
      %dma_wait3A_350 = tpu.memref_slice %arg8[%dma_wait3A_340, %dma_wait3A_348, %dma_wait3A_349] : memref<8x125x32xf32, #tpu.memory_space<vmem>> -> memref<1x125x32xf32, #tpu.memory_space<vmem>>
      %dma_wait3A_351 = tpu.memref_squeeze %dma_wait3A_350 : memref<1x125x32xf32, #tpu.memory_space<vmem>> -> memref<125x32xf32, #tpu.memory_space<vmem>>
      %dma_wait3A_352 = arith.constant 0 : i32
      %dma_wait3A_353 = arith.constant 0 : i32
      %dma_wait3A_354 = tpu.memref_slice %arg2[%dma_wait3A_352, %dma_wait3A_353] : memref<20000x32xf32, #tpu.memory_space<hbm>> -> memref<125x32xf32, #tpu.memory_space<hbm>>
      tpu.wait_dma2 semaphore(%arg18 : memref<!tpu.dma_semaphore, #tpu.memory_space<semaphore_mem>>) src(%dma_wait3A_354 : memref<125x32xf32, #tpu.memory_space<hbm>>) dst(%dma_wait3A_351 : memref<125x32xf32, #tpu.memory_space<vmem>>)
      %run_scoped3A_355 = arith.constant 7 : i32
      "tpu.region"() ({
        %run_scoped3A_363 = tpu.sem_alloc : memref<!tpu.dma_semaphore, #tpu.memory_space<semaphore_mem>>
        %dma_start3A_364 = arith.constant 0 : i32
        %dma_start3A_365 = arith.constant 0 : i32
        %dma_start3A_366 = tpu.memref_slice %arg8[%run_scoped3A_355, %dma_start3A_364, %dma_start3A_365] : memref<8x125x32xf32, #tpu.memory_space<vmem>> -> memref<1x125x32xf32, #tpu.memory_space<vmem>>
        %dma_start3A_367 = tpu.memref_squeeze %dma_start3A_366 : memref<1x125x32xf32, #tpu.memory_space<vmem>> -> memref<125x32xf32, #tpu.memory_space<vmem>>
        %dma_start3A_368 = arith.constant 0 : i32
        %dma_start3A_369 = tpu.memref_slice %arg7[%add3A_339, %dma_start3A_368] : memref<160x125xi32, #tpu.memory_space<vmem>> -> memref<1x125xi32, #tpu.memory_space<vmem>>
        %dma_start3A_370 = tpu.memref_squeeze %dma_start3A_369 : memref<1x125xi32, #tpu.memory_space<vmem>> -> memref<125xi32, #tpu.memory_space<vmem>>
        %dma_start3A_371 = arith.constant 0 : i32
        %dma_start3A_372 = arith.constant 0 : i32
        %dma_start3A_373 = tpu.memref_slice %arg10[%dma_start3A_371, %dma_start3A_372] : memref<10240x32xf32, #tpu.memory_space<vmem_shared>> -> memref<10240x32xf32, #tpu.memory_space<vmem_shared>>
        tpu.enqueue_indirect_dma source(%dma_start3A_367 : memref<125x32xf32, #tpu.memory_space<vmem>>) target(%dma_start3A_373 : memref<10240x32xf32, #tpu.memory_space<vmem_shared>>) offsets(%dma_start3A_370 : memref<125xi32, #tpu.memory_space<vmem>>) semaphore(%run_scoped3A_363 : memref<!tpu.dma_semaphore, #tpu.memory_space<semaphore_mem>>) {add = true}
        %dma_wait3A_374 = arith.constant 0 : i32
        %dma_wait3A_375 = arith.constant 0 : i32
        %dma_wait3A_376 = tpu.memref_slice %arg8[%run_scoped3A_355, %dma_wait3A_374, %dma_wait3A_375] : memref<8x125x32xf32, #tpu.memory_space<vmem>> -> memref<1x125x32xf32, #tpu.memory_space<vmem>>
        %dma_wait3A_377 = tpu.memref_squeeze %dma_wait3A_376 : memref<1x125x32xf32, #tpu.memory_space<vmem>> -> memref<125x32xf32, #tpu.memory_space<vmem>>
        %dma_wait3A_378 = arith.constant 0 : i32
        %dma_wait3A_379 = tpu.memref_slice %arg7[%add3A_339, %dma_wait3A_378] : memref<160x125xi32, #tpu.memory_space<vmem>> -> memref<1x125xi32, #tpu.memory_space<vmem>>
        %dma_wait3A_380 = tpu.memref_squeeze %dma_wait3A_379 : memref<1x125xi32, #tpu.memory_space<vmem>> -> memref<125xi32, #tpu.memory_space<vmem>>
        %dma_wait3A_381 = arith.constant 0 : i32
        %dma_wait3A_382 = arith.constant 0 : i32
        %dma_wait3A_383 = tpu.memref_slice %arg10[%dma_wait3A_381, %dma_wait3A_382] : memref<10240x32xf32, #tpu.memory_space<vmem_shared>> -> memref<10240x32xf32, #tpu.memory_space<vmem_shared>>
        tpu.wait_indirect_dma semaphore(%run_scoped3A_363 : memref<!tpu.dma_semaphore, #tpu.memory_space<semaphore_mem>>) src(%dma_wait3A_377 : memref<125x32xf32, #tpu.memory_space<vmem>>) dst(%dma_wait3A_383 : memref<10240x32xf32, #tpu.memory_space<vmem_shared>>)
        tpu.yield
      }) : () -> ()
      %add3A_356 = arith.constant 8 : i32
      %add3A_357 = arith.addi %add3A_339, %add3A_356 : i32
      %lt3A_358 = arith.constant 160 : i32
      %lt3A_359 = arith.cmpi slt, %add3A_357, %lt3A_358 : i32
      %convert_element_type3A_360 = arith.extui %lt3A_359 : i1 to i32
      %cond3A_361 = arith.constant 0 : i32
      %cond3A_362 = arith.cmpi ne, %convert_element_type3A_360, %cond3A_361 : i32
      scf.if %cond3A_362 {
        %add3A_363 = arith.constant 8 : i32
        %add3A_364 = arith.addi %add3A_339, %add3A_363 : i32
        %dma_start3A_365 = arith.constant 7 : i32
        %dma_start3A_366 = arith.constant 0 : i32
        %dma_start3A_367 = arith.constant 0 : i32
        %dma_start3A_368 = tpu.memref_slice %arg8[%dma_start3A_365, %dma_start3A_366, %dma_start3A_367] : memref<8x125x32xf32, #tpu.memory_space<vmem>> -> memref<1x125x32xf32, #tpu.memory_space<vmem>>
        %dma_start3A_369 = tpu.memref_squeeze %dma_start3A_368 : memref<1x125x32xf32, #tpu.memory_space<vmem>> -> memref<125x32xf32, #tpu.memory_space<vmem>>
        %dma_start3A_370 = arith.constant 0 : i32
        %dma_start3A_371 = tpu.memref_slice %arg6[%add3A_364, %dma_start3A_370] : memref<160x125xi32, #tpu.memory_space<vmem>> -> memref<1x125xi32, #tpu.memory_space<vmem>>
        %dma_start3A_372 = tpu.memref_squeeze %dma_start3A_371 : memref<1x125xi32, #tpu.memory_space<vmem>> -> memref<125xi32, #tpu.memory_space<vmem>>
        %dma_start3A_373 = arith.constant 0 : i32
        %dma_start3A_374 = arith.constant 0 : i32
        %dma_start3A_375 = tpu.memref_slice %arg2[%dma_start3A_373, %dma_start3A_374] : memref<20000x32xf32, #tpu.memory_space<hbm>> -> memref<20000x32xf32, #tpu.memory_space<hbm>>
        tpu.enqueue_indirect_dma source(%dma_start3A_375 : memref<20000x32xf32, #tpu.memory_space<hbm>>) target(%dma_start3A_369 : memref<125x32xf32, #tpu.memory_space<vmem>>) offsets(%dma_start3A_372 : memref<125xi32, #tpu.memory_space<vmem>>) semaphore(%arg18 : memref<!tpu.dma_semaphore, #tpu.memory_space<semaphore_mem>>)
      } else {
      }
    }
    %scan3A_125 = arith.constant 20 : i32
    %barrier3A_126 = arith.constant 0 : index
    tpu.barrier barrier_id(%barrier3A_126)
    %mul3A_127 = arith.constant 640 : i32
    %mul3A_128 = arith.muli %arg1, %mul3A_127 : i32
    %add3A_129 = arith.constant 0 : i32
    %add3A_130 = arith.addi %mul3A_128, %add3A_129 : i32
    "tpu.region"() ({
      %run_scoped3A = tpu.sem_alloc : memref<!tpu.dma_semaphore, #tpu.memory_space<semaphore_mem>>
      %dma_start3A_159 = arith.constant 0 : i32
      %dma_start3A_160 = tpu.memref_slice %arg10[%add3A_130, %dma_start3A_159] : memref<10240x32xf32, #tpu.memory_space<vmem_shared>> -> memref<160x32xf32, #tpu.memory_space<vmem_shared>>
      %dma_start3A_161 = arith.constant 0 : i32
      %dma_start3A_162 = tpu.memref_slice %arg10[%add3A_130, %dma_start3A_161] : memref<10240x32xf32, #tpu.memory_space<vmem_shared>> -> memref<160x32xf32, #tpu.memory_space<vmem_shared>>
      tpu.enqueue_dma source(%dma_start3A_162 : memref<160x32xf32, #tpu.memory_space<vmem_shared>>) target(%arg9 : memref<160x32xf32, #tpu.memory_space<vmem>>) target_semaphore(%run_scoped3A : memref<!tpu.dma_semaphore, #tpu.memory_space<semaphore_mem>>)
      %dma_wait3A = arith.constant 0 : i32
      %dma_wait3A_163 = tpu.memref_slice %arg10[%add3A_130, %dma_wait3A] : memref<10240x32xf32, #tpu.memory_space<vmem_shared>> -> memref<160x32xf32, #tpu.memory_space<vmem_shared>>
      %dma_wait3A_164 = arith.constant 0 : i32
      %dma_wait3A_165 = tpu.memref_slice %arg10[%add3A_130, %dma_wait3A_164] : memref<10240x32xf32, #tpu.memory_space<vmem_shared>> -> memref<160x32xf32, #tpu.memory_space<vmem_shared>>
      tpu.wait_dma2 semaphore(%run_scoped3A : memref<!tpu.dma_semaphore, #tpu.memory_space<semaphore_mem>>) src(%dma_wait3A_165 : memref<160x32xf32, #tpu.memory_space<vmem_shared>>) dst(%arg9 : memref<160x32xf32, #tpu.memory_space<vmem>>)
      tpu.yield
    }) : () -> ()
    %mul3A_131 = arith.constant 640 : i32
    %mul3A_132 = arith.muli %arg1, %mul3A_131 : i32
    %add3A_133 = arith.constant 0 : i32
    %add3A_134 = arith.addi %mul3A_132, %add3A_133 : i32
    "tpu.region"() ({
      %run_scoped3A = tpu.sem_alloc : memref<!tpu.dma_semaphore, #tpu.memory_space<semaphore_mem>>
      %dma_start3A_159 = arith.constant 0 : i32
      %dma_start3A_160 = tpu.memref_slice %arg5[%arg0, %add3A_134, %dma_start3A_159] : memref<2x10240x32xf32, #tpu.memory_space<hbm>> -> memref<1x160x32xf32, #tpu.memory_space<hbm>>
      %dma_start3A_161 = tpu.memref_squeeze %dma_start3A_160 : memref<1x160x32xf32, #tpu.memory_space<hbm>> -> memref<160x32xf32, #tpu.memory_space<hbm>>
      %dma_start3A_162 = arith.constant 0 : i32
      %dma_start3A_163 = tpu.memref_slice %arg5[%arg0, %add3A_134, %dma_start3A_162] : memref<2x10240x32xf32, #tpu.memory_space<hbm>> -> memref<1x160x32xf32, #tpu.memory_space<hbm>>
      %dma_start3A_164 = tpu.memref_squeeze %dma_start3A_163 : memref<1x160x32xf32, #tpu.memory_space<hbm>> -> memref<160x32xf32, #tpu.memory_space<hbm>>
      tpu.enqueue_dma source(%arg9 : memref<160x32xf32, #tpu.memory_space<vmem>>) target(%dma_start3A_164 : memref<160x32xf32, #tpu.memory_space<hbm>>) target_semaphore(%run_scoped3A : memref<!tpu.dma_semaphore, #tpu.memory_space<semaphore_mem>>)
      %dma_wait3A = arith.constant 0 : i32
      %dma_wait3A_165 = tpu.memref_slice %arg5[%arg0, %add3A_134, %dma_wait3A] : memref<2x10240x32xf32, #tpu.memory_space<hbm>> -> memref<1x160x32xf32, #tpu.memory_space<hbm>>
      %dma_wait3A_166 = tpu.memref_squeeze %dma_wait3A_165 : memref<1x160x32xf32, #tpu.memory_space<hbm>> -> memref<160x32xf32, #tpu.memory_space<hbm>>
      %dma_wait3A_167 = arith.constant 0 : i32
      %dma_wait3A_168 = tpu.memref_slice %arg5[%arg0, %add3A_134, %dma_wait3A_167] : memref<2x10240x32xf32, #tpu.memory_space<hbm>> -> memref<1x160x32xf32, #tpu.memory_space<hbm>>
      %dma_wait3A_169 = tpu.memref_squeeze %dma_wait3A_168 : memref<1x160x32xf32, #tpu.memory_space<hbm>> -> memref<160x32xf32, #tpu.memory_space<hbm>>
      tpu.wait_dma2 semaphore(%run_scoped3A : memref<!tpu.dma_semaphore, #tpu.memory_space<semaphore_mem>>) src(%arg9 : memref<160x32xf32, #tpu.memory_space<vmem>>) dst(%dma_wait3A_169 : memref<160x32xf32, #tpu.memory_space<hbm>>)
      tpu.yield
    }) : () -> ()
    %mul3A_135 = arith.constant 640 : i32
    %mul3A_136 = arith.muli %arg1, %mul3A_135 : i32
    %add3A_137 = arith.constant 160 : i32
    %add3A_138 = arith.addi %mul3A_136, %add3A_137 : i32
    "tpu.region"() ({
      %run_scoped3A = tpu.sem_alloc : memref<!tpu.dma_semaphore, #tpu.memory_space<semaphore_mem>>
      %dma_start3A_159 = arith.constant 0 : i32
      %dma_start3A_160 = tpu.memref_slice %arg10[%add3A_138, %dma_start3A_159] : memref<10240x32xf32, #tpu.memory_space<vmem_shared>> -> memref<160x32xf32, #tpu.memory_space<vmem_shared>>
      %dma_start3A_161 = arith.constant 0 : i32
      %dma_start3A_162 = tpu.memref_slice %arg10[%add3A_138, %dma_start3A_161] : memref<10240x32xf32, #tpu.memory_space<vmem_shared>> -> memref<160x32xf32, #tpu.memory_space<vmem_shared>>
      tpu.enqueue_dma source(%dma_start3A_162 : memref<160x32xf32, #tpu.memory_space<vmem_shared>>) target(%arg9 : memref<160x32xf32, #tpu.memory_space<vmem>>) target_semaphore(%run_scoped3A : memref<!tpu.dma_semaphore, #tpu.memory_space<semaphore_mem>>)
      %dma_wait3A = arith.constant 0 : i32
      %dma_wait3A_163 = tpu.memref_slice %arg10[%add3A_138, %dma_wait3A] : memref<10240x32xf32, #tpu.memory_space<vmem_shared>> -> memref<160x32xf32, #tpu.memory_space<vmem_shared>>
      %dma_wait3A_164 = arith.constant 0 : i32
      %dma_wait3A_165 = tpu.memref_slice %arg10[%add3A_138, %dma_wait3A_164] : memref<10240x32xf32, #tpu.memory_space<vmem_shared>> -> memref<160x32xf32, #tpu.memory_space<vmem_shared>>
      tpu.wait_dma2 semaphore(%run_scoped3A : memref<!tpu.dma_semaphore, #tpu.memory_space<semaphore_mem>>) src(%dma_wait3A_165 : memref<160x32xf32, #tpu.memory_space<vmem_shared>>) dst(%arg9 : memref<160x32xf32, #tpu.memory_space<vmem>>)
      tpu.yield
    }) : () -> ()
    %mul3A_139 = arith.constant 640 : i32
    %mul3A_140 = arith.muli %arg1, %mul3A_139 : i32
    %add3A_141 = arith.constant 160 : i32
    %add3A_142 = arith.addi %mul3A_140, %add3A_141 : i32
    "tpu.region"() ({
      %run_scoped3A = tpu.sem_alloc : memref<!tpu.dma_semaphore, #tpu.memory_space<semaphore_mem>>
      %dma_start3A_159 = arith.constant 0 : i32
      %dma_start3A_160 = tpu.memref_slice %arg5[%arg0, %add3A_142, %dma_start3A_159] : memref<2x10240x32xf32, #tpu.memory_space<hbm>> -> memref<1x160x32xf32, #tpu.memory_space<hbm>>
      %dma_start3A_161 = tpu.memref_squeeze %dma_start3A_160 : memref<1x160x32xf32, #tpu.memory_space<hbm>> -> memref<160x32xf32, #tpu.memory_space<hbm>>
      %dma_start3A_162 = arith.constant 0 : i32
      %dma_start3A_163 = tpu.memref_slice %arg5[%arg0, %add3A_142, %dma_start3A_162] : memref<2x10240x32xf32, #tpu.memory_space<hbm>> -> memref<1x160x32xf32, #tpu.memory_space<hbm>>
      %dma_start3A_164 = tpu.memref_squeeze %dma_start3A_163 : memref<1x160x32xf32, #tpu.memory_space<hbm>> -> memref<160x32xf32, #tpu.memory_space<hbm>>
      tpu.enqueue_dma source(%arg9 : memref<160x32xf32, #tpu.memory_space<vmem>>) target(%dma_start3A_164 : memref<160x32xf32, #tpu.memory_space<hbm>>) target_semaphore(%run_scoped3A : memref<!tpu.dma_semaphore, #tpu.memory_space<semaphore_mem>>)
      %dma_wait3A = arith.constant 0 : i32
      %dma_wait3A_165 = tpu.memref_slice %arg5[%arg0, %add3A_142, %dma_wait3A] : memref<2x10240x32xf32, #tpu.memory_space<hbm>> -> memref<1x160x32xf32, #tpu.memory_space<hbm>>
      %dma_wait3A_166 = tpu.memref_squeeze %dma_wait3A_165 : memref<1x160x32xf32, #tpu.memory_space<hbm>> -> memref<160x32xf32, #tpu.memory_space<hbm>>
      %dma_wait3A_167 = arith.constant 0 : i32
      %dma_wait3A_168 = tpu.memref_slice %arg5[%arg0, %add3A_142, %dma_wait3A_167] : memref<2x10240x32xf32, #tpu.memory_space<hbm>> -> memref<1x160x32xf32, #tpu.memory_space<hbm>>
      %dma_wait3A_169 = tpu.memref_squeeze %dma_wait3A_168 : memref<1x160x32xf32, #tpu.memory_space<hbm>> -> memref<160x32xf32, #tpu.memory_space<hbm>>
      tpu.wait_dma2 semaphore(%run_scoped3A : memref<!tpu.dma_semaphore, #tpu.memory_space<semaphore_mem>>) src(%arg9 : memref<160x32xf32, #tpu.memory_space<vmem>>) dst(%dma_wait3A_169 : memref<160x32xf32, #tpu.memory_space<hbm>>)
      tpu.yield
    }) : () -> ()
    %mul3A_143 = arith.constant 640 : i32
    %mul3A_144 = arith.muli %arg1, %mul3A_143 : i32
    %add3A_145 = arith.constant 320 : i32
    %add3A_146 = arith.addi %mul3A_144, %add3A_145 : i32
    "tpu.region"() ({
      %run_scoped3A = tpu.sem_alloc : memref<!tpu.dma_semaphore, #tpu.memory_space<semaphore_mem>>
      %dma_start3A_159 = arith.constant 0 : i32
      %dma_start3A_160 = tpu.memref_slice %arg10[%add3A_146, %dma_start3A_159] : memref<10240x32xf32, #tpu.memory_space<vmem_shared>> -> memref<160x32xf32, #tpu.memory_space<vmem_shared>>
      %dma_start3A_161 = arith.constant 0 : i32
      %dma_start3A_162 = tpu.memref_slice %arg10[%add3A_146, %dma_start3A_161] : memref<10240x32xf32, #tpu.memory_space<vmem_shared>> -> memref<160x32xf32, #tpu.memory_space<vmem_shared>>
      tpu.enqueue_dma source(%dma_start3A_162 : memref<160x32xf32, #tpu.memory_space<vmem_shared>>) target(%arg9 : memref<160x32xf32, #tpu.memory_space<vmem>>) target_semaphore(%run_scoped3A : memref<!tpu.dma_semaphore, #tpu.memory_space<semaphore_mem>>)
      %dma_wait3A = arith.constant 0 : i32
      %dma_wait3A_163 = tpu.memref_slice %arg10[%add3A_146, %dma_wait3A] : memref<10240x32xf32, #tpu.memory_space<vmem_shared>> -> memref<160x32xf32, #tpu.memory_space<vmem_shared>>
      %dma_wait3A_164 = arith.constant 0 : i32
      %dma_wait3A_165 = tpu.memref_slice %arg10[%add3A_146, %dma_wait3A_164] : memref<10240x32xf32, #tpu.memory_space<vmem_shared>> -> memref<160x32xf32, #tpu.memory_space<vmem_shared>>
      tpu.wait_dma2 semaphore(%run_scoped3A : memref<!tpu.dma_semaphore, #tpu.memory_space<semaphore_mem>>) src(%dma_wait3A_165 : memref<160x32xf32, #tpu.memory_space<vmem_shared>>) dst(%arg9 : memref<160x32xf32, #tpu.memory_space<vmem>>)
      tpu.yield
    }) : () -> ()
    %mul3A_147 = arith.constant 640 : i32
    %mul3A_148 = arith.muli %arg1, %mul3A_147 : i32
    %add3A_149 = arith.constant 320 : i32
    %add3A_150 = arith.addi %mul3A_148, %add3A_149 : i32
    "tpu.region"() ({
      %run_scoped3A = tpu.sem_alloc : memref<!tpu.dma_semaphore, #tpu.memory_space<semaphore_mem>>
      %dma_start3A_159 = arith.constant 0 : i32
      %dma_start3A_160 = tpu.memref_slice %arg5[%arg0, %add3A_150, %dma_start3A_159] : memref<2x10240x32xf32, #tpu.memory_space<hbm>> -> memref<1x160x32xf32, #tpu.memory_space<hbm>>
      %dma_start3A_161 = tpu.memref_squeeze %dma_start3A_160 : memref<1x160x32xf32, #tpu.memory_space<hbm>> -> memref<160x32xf32, #tpu.memory_space<hbm>>
      %dma_start3A_162 = arith.constant 0 : i32
      %dma_start3A_163 = tpu.memref_slice %arg5[%arg0, %add3A_150, %dma_start3A_162] : memref<2x10240x32xf32, #tpu.memory_space<hbm>> -> memref<1x160x32xf32, #tpu.memory_space<hbm>>
      %dma_start3A_164 = tpu.memref_squeeze %dma_start3A_163 : memref<1x160x32xf32, #tpu.memory_space<hbm>> -> memref<160x32xf32, #tpu.memory_space<hbm>>
      tpu.enqueue_dma source(%arg9 : memref<160x32xf32, #tpu.memory_space<vmem>>) target(%dma_start3A_164 : memref<160x32xf32, #tpu.memory_space<hbm>>) target_semaphore(%run_scoped3A : memref<!tpu.dma_semaphore, #tpu.memory_space<semaphore_mem>>)
      %dma_wait3A = arith.constant 0 : i32
      %dma_wait3A_165 = tpu.memref_slice %arg5[%arg0, %add3A_150, %dma_wait3A] : memref<2x10240x32xf32, #tpu.memory_space<hbm>> -> memref<1x160x32xf32, #tpu.memory_space<hbm>>
      %dma_wait3A_166 = tpu.memref_squeeze %dma_wait3A_165 : memref<1x160x32xf32, #tpu.memory_space<hbm>> -> memref<160x32xf32, #tpu.memory_space<hbm>>
      %dma_wait3A_167 = arith.constant 0 : i32
      %dma_wait3A_168 = tpu.memref_slice %arg5[%arg0, %add3A_150, %dma_wait3A_167] : memref<2x10240x32xf32, #tpu.memory_space<hbm>> -> memref<1x160x32xf32, #tpu.memory_space<hbm>>
      %dma_wait3A_169 = tpu.memref_squeeze %dma_wait3A_168 : memref<1x160x32xf32, #tpu.memory_space<hbm>> -> memref<160x32xf32, #tpu.memory_space<hbm>>
      tpu.wait_dma2 semaphore(%run_scoped3A : memref<!tpu.dma_semaphore, #tpu.memory_space<semaphore_mem>>) src(%arg9 : memref<160x32xf32, #tpu.memory_space<vmem>>) dst(%dma_wait3A_169 : memref<160x32xf32, #tpu.memory_space<hbm>>)
      tpu.yield
    }) : () -> ()
    %mul3A_151 = arith.constant 640 : i32
    %mul3A_152 = arith.muli %arg1, %mul3A_151 : i32
    %add3A_153 = arith.constant 480 : i32
    %add3A_154 = arith.addi %mul3A_152, %add3A_153 : i32
    "tpu.region"() ({
      %run_scoped3A = tpu.sem_alloc : memref<!tpu.dma_semaphore, #tpu.memory_space<semaphore_mem>>
      %dma_start3A_159 = arith.constant 0 : i32
      %dma_start3A_160 = tpu.memref_slice %arg10[%add3A_154, %dma_start3A_159] : memref<10240x32xf32, #tpu.memory_space<vmem_shared>> -> memref<160x32xf32, #tpu.memory_space<vmem_shared>>
      %dma_start3A_161 = arith.constant 0 : i32
      %dma_start3A_162 = tpu.memref_slice %arg10[%add3A_154, %dma_start3A_161] : memref<10240x32xf32, #tpu.memory_space<vmem_shared>> -> memref<160x32xf32, #tpu.memory_space<vmem_shared>>
      tpu.enqueue_dma source(%dma_start3A_162 : memref<160x32xf32, #tpu.memory_space<vmem_shared>>) target(%arg9 : memref<160x32xf32, #tpu.memory_space<vmem>>) target_semaphore(%run_scoped3A : memref<!tpu.dma_semaphore, #tpu.memory_space<semaphore_mem>>)
      %dma_wait3A = arith.constant 0 : i32
      %dma_wait3A_163 = tpu.memref_slice %arg10[%add3A_154, %dma_wait3A] : memref<10240x32xf32, #tpu.memory_space<vmem_shared>> -> memref<160x32xf32, #tpu.memory_space<vmem_shared>>
      %dma_wait3A_164 = arith.constant 0 : i32
      %dma_wait3A_165 = tpu.memref_slice %arg10[%add3A_154, %dma_wait3A_164] : memref<10240x32xf32, #tpu.memory_space<vmem_shared>> -> memref<160x32xf32, #tpu.memory_space<vmem_shared>>
      tpu.wait_dma2 semaphore(%run_scoped3A : memref<!tpu.dma_semaphore, #tpu.memory_space<semaphore_mem>>) src(%dma_wait3A_165 : memref<160x32xf32, #tpu.memory_space<vmem_shared>>) dst(%arg9 : memref<160x32xf32, #tpu.memory_space<vmem>>)
      tpu.yield
    }) : () -> ()
    %mul3A_155 = arith.constant 640 : i32
    %mul3A_156 = arith.muli %arg1, %mul3A_155 : i32
    %add3A_157 = arith.constant 480 : i32
    %add3A_158 = arith.addi %mul3A_156, %add3A_157 : i32
    "tpu.region"() ({
      %run_scoped3A = tpu.sem_alloc : memref<!tpu.dma_semaphore, #tpu.memory_space<semaphore_mem>>
      %dma_start3A_159 = arith.constant 0 : i32
      %dma_start3A_160 = tpu.memref_slice %arg5[%arg0, %add3A_158, %dma_start3A_159] : memref<2x10240x32xf32, #tpu.memory_space<hbm>> -> memref<1x160x32xf32, #tpu.memory_space<hbm>>
      %dma_start3A_161 = tpu.memref_squeeze %dma_start3A_160 : memref<1x160x32xf32, #tpu.memory_space<hbm>> -> memref<160x32xf32, #tpu.memory_space<hbm>>
      %dma_start3A_162 = arith.constant 0 : i32
      %dma_start3A_163 = tpu.memref_slice %arg5[%arg0, %add3A_158, %dma_start3A_162] : memref<2x10240x32xf32, #tpu.memory_space<hbm>> -> memref<1x160x32xf32, #tpu.memory_space<hbm>>
      %dma_start3A_164 = tpu.memref_squeeze %dma_start3A_163 : memref<1x160x32xf32, #tpu.memory_space<hbm>> -> memref<160x32xf32, #tpu.memory_space<hbm>>
      tpu.enqueue_dma source(%arg9 : memref<160x32xf32, #tpu.memory_space<vmem>>) target(%dma_start3A_164 : memref<160x32xf32, #tpu.memory_space<hbm>>) target_semaphore(%run_scoped3A : memref<!tpu.dma_semaphore, #tpu.memory_space<semaphore_mem>>)
      %dma_wait3A = arith.constant 0 : i32
      %dma_wait3A_165 = tpu.memref_slice %arg5[%arg0, %add3A_158, %dma_wait3A] : memref<2x10240x32xf32, #tpu.memory_space<hbm>> -> memref<1x160x32xf32, #tpu.memory_space<hbm>>
      %dma_wait3A_166 = tpu.memref_squeeze %dma_wait3A_165 : memref<1x160x32xf32, #tpu.memory_space<hbm>> -> memref<160x32xf32, #tpu.memory_space<hbm>>
      %dma_wait3A_167 = arith.constant 0 : i32
      %dma_wait3A_168 = tpu.memref_slice %arg5[%arg0, %add3A_158, %dma_wait3A_167] : memref<2x10240x32xf32, #tpu.memory_space<hbm>> -> memref<1x160x32xf32, #tpu.memory_space<hbm>>
      %dma_wait3A_169 = tpu.memref_squeeze %dma_wait3A_168 : memref<1x160x32xf32, #tpu.memory_space<hbm>> -> memref<160x32xf32, #tpu.memory_space<hbm>>
      tpu.wait_dma2 semaphore(%run_scoped3A : memref<!tpu.dma_semaphore, #tpu.memory_space<semaphore_mem>>) src(%arg9 : memref<160x32xf32, #tpu.memory_space<vmem>>) dst(%dma_wait3A_169 : memref<160x32xf32, #tpu.memory_space<hbm>>)
      tpu.yield
    }) : () -> ()
    return
  }
}

#map = affine_map<(d0, d1) -> (0, 0)>
#map1 = affine_map<(d0, d1) -> (0, 0, 0, 0)>
#map2 = affine_map<(d0, d1) -> (0, 0, 0)>
module attributes {stable_mosaic.version = 14 : i64} {
  func.func @agg(%arg0: i32, %arg1: i32, %arg2: memref<20000x32xf32, #tpu.memory_space<hbm>>, %arg3: memref<2x16x160x125xi32, #tpu.memory_space<hbm>>, %arg4: memref<2x16x160x125xi32, #tpu.memory_space<hbm>>, %arg5: memref<2x10240x32xf32, #tpu.memory_space<hbm>>, %arg6: memref<160x125xi32, #tpu.memory_space<vmem>>, %arg7: memref<160x125xi32, #tpu.memory_space<vmem>>, %arg8: memref<8x125x32xf32, #tpu.memory_space<vmem>>, %arg9: memref<160x32xf32, #tpu.memory_space<vmem>>, %arg10: memref<10240x32xf32, #tpu.memory_space<vmem_shared>>, %arg11: memref<!tpu.dma_semaphore, #tpu.memory_space<semaphore_mem>>, %arg12: memref<!tpu.dma_semaphore, #tpu.memory_space<semaphore_mem>>, %arg13: memref<!tpu.dma_semaphore, #tpu.memory_space<semaphore_mem>>, %arg14: memref<!tpu.dma_semaphore, #tpu.memory_space<semaphore_mem>>, %arg15: memref<!tpu.dma_semaphore, #tpu.memory_space<semaphore_mem>>, %arg16: memref<!tpu.dma_semaphore, #tpu.memory_space<semaphore_mem>>, %arg17: memref<!tpu.dma_semaphore, #tpu.memory_space<semaphore_mem>>, %arg18: memref<!tpu.dma_semaphore, #tpu.memory_space<semaphore_mem>>) attributes {dimension_semantics = [#tpu.dimension_semantics<core_parallel>, #tpu.dimension_semantics<subcore_parallel>], iteration_bounds = array<i64: 2, 16>, scalar_prefetch = 0 : i64, scratch_operands = 13 : i64, tpu.core_type = #tpu.core_type<sc_vector_subcore>, window_params = [{transform_indices = #map}, {transform_indices = #map1}, {transform_indices = #map1}, {transform_indices = #map2}]} {
    %broadcast_in_dim3A = arith.constant 0.000000e+00 : f32
    %broadcast_in_dim3A_0 = vector.broadcast %broadcast_in_dim3A : f32 to vector<16xf32>
    %scan3A = arith.constant 0 : i32
    %scan3A_1 = arith.constant 160 : i32
    %scan3A_2 = arith.addi %scan3A, %scan3A_1 : i32
    %scan3A_3 = arith.constant 1 : i32
    scf.for %scan3A_159 = %scan3A to %scan3A_2 step %scan3A_3  : i32 {
      %mul3A_160 = arith.constant 1 : i32
      %mul3A_161 = arith.muli %scan3A_159, %mul3A_160 : i32
      %add3A_162 = arith.constant 0 : i32
      %add3A_163 = arith.addi %add3A_162, %mul3A_161 : i32
      %swap3A = arith.index_cast %add3A_163 : i32 to index
      %swap3A_164 = arith.constant 0 : index
      %swap3A_165 = tpu.vector_load %arg9[%swap3A, %swap3A_164] {strides = array<i32>} : memref<160x32xf32, #tpu.memory_space<vmem>>, vector<1x16xf32>,
      %swap3A_166 = vector.shape_cast %swap3A_165 : vector<1x16xf32> to vector<16xf32>
      %swap3A_167 = vector.shape_cast %broadcast_in_dim3A_0 : vector<16xf32> to vector<1x16xf32>
      tpu.vector_store %arg9[%swap3A, %swap3A_164], %swap3A_167 {strides = array<i32>} : memref<160x32xf32, #tpu.memory_space<vmem>>, vector<1x16xf32>,
      %swap3A_168 = arith.index_cast %add3A_163 : i32 to index
      %swap3A_169 = arith.constant 16 : index
      %swap3A_170 = tpu.vector_load %arg9[%swap3A_168, %swap3A_169] {strides = array<i32>} : memref<160x32xf32, #tpu.memory_space<vmem>>, vector<1x16xf32>,
      %swap3A_171 = vector.shape_cast %swap3A_170 : vector<1x16xf32> to vector<16xf32>
      %swap3A_172 = vector.shape_cast %broadcast_in_dim3A_0 : vector<16xf32> to vector<1x16xf32>
      tpu.vector_store %arg9[%swap3A_168, %swap3A_169], %swap3A_172 {strides = array<i32>} : memref<160x32xf32, #tpu.memory_space<vmem>>, vector<1x16xf32>,
    }
    %scan3A_4 = arith.constant 160 : i32
    %mul3A = arith.constant 640 : i32
    %mul3A_5 = arith.muli %arg1, %mul3A : i32
    %add3A = arith.constant 0 : i32
    %add3A_6 = arith.addi %mul3A_5, %add3A : i32
    "tpu.region"() ({
      %run_scoped3A = tpu.sem_alloc : memref<!tpu.dma_semaphore, #tpu.memory_space<semaphore_mem>>
      %dma_start3A_159 = arith.constant 0 : i32
      %dma_start3A_160 = tpu.memref_slice %arg10[%add3A_6, %dma_start3A_159] : memref<10240x32xf32, #tpu.memory_space<vmem_shared>> -> memref<160x32xf32, #tpu.memory_space<vmem_shared>>
      %dma_start3A_161 = arith.constant 0 : i32
      %dma_start3A_162 = tpu.memref_slice %arg10[%add3A_6, %dma_start3A_161] : memref<10240x32xf32, #tpu.memory_space<vmem_shared>> -> memref<160x32xf32, #tpu.memory_space<vmem_shared>>
      tpu.enqueue_dma source(%arg9 : memref<160x32xf32, #tpu.memory_space<vmem>>) target(%dma_start3A_162 : memref<160x32xf32, #tpu.memory_space<vmem_shared>>) target_semaphore(%run_scoped3A : memref<!tpu.dma_semaphore, #tpu.memory_space<semaphore_mem>>)
      %dma_wait3A = arith.constant 0 : i32
      %dma_wait3A_163 = tpu.memref_slice %arg10[%add3A_6, %dma_wait3A] : memref<10240x32xf32, #tpu.memory_space<vmem_shared>> -> memref<160x32xf32, #tpu.memory_space<vmem_shared>>
      %dma_wait3A_164 = arith.constant 0 : i32
      %dma_wait3A_165 = tpu.memref_slice %arg10[%add3A_6, %dma_wait3A_164] : memref<10240x32xf32, #tpu.memory_space<vmem_shared>> -> memref<160x32xf32, #tpu.memory_space<vmem_shared>>
      tpu.wait_dma2 semaphore(%run_scoped3A : memref<!tpu.dma_semaphore, #tpu.memory_space<semaphore_mem>>) src(%arg9 : memref<160x32xf32, #tpu.memory_space<vmem>>) dst(%dma_wait3A_165 : memref<160x32xf32, #tpu.memory_space<vmem_shared>>)
      tpu.yield
    }) : () -> ()
    %mul3A_7 = arith.constant 640 : i32
    %mul3A_8 = arith.muli %arg1, %mul3A_7 : i32
    %add3A_9 = arith.constant 160 : i32
    %add3A_10 = arith.addi %mul3A_8, %add3A_9 : i32
    "tpu.region"() ({
      %run_scoped3A = tpu.sem_alloc : memref<!tpu.dma_semaphore, #tpu.memory_space<semaphore_mem>>
      %dma_start3A_159 = arith.constant 0 : i32
      %dma_start3A_160 = tpu.memref_slice %arg10[%add3A_10, %dma_start3A_159] : memref<10240x32xf32, #tpu.memory_space<vmem_shared>> -> memref<160x32xf32, #tpu.memory_space<vmem_shared>>
      %dma_start3A_161 = arith.constant 0 : i32
      %dma_start3A_162 = tpu.memref_slice %arg10[%add3A_10, %dma_start3A_161] : memref<10240x32xf32, #tpu.memory_space<vmem_shared>> -> memref<160x32xf32, #tpu.memory_space<vmem_shared>>
      tpu.enqueue_dma source(%arg9 : memref<160x32xf32, #tpu.memory_space<vmem>>) target(%dma_start3A_162 : memref<160x32xf32, #tpu.memory_space<vmem_shared>>) target_semaphore(%run_scoped3A : memref<!tpu.dma_semaphore, #tpu.memory_space<semaphore_mem>>)
      %dma_wait3A = arith.constant 0 : i32
      %dma_wait3A_163 = tpu.memref_slice %arg10[%add3A_10, %dma_wait3A] : memref<10240x32xf32, #tpu.memory_space<vmem_shared>> -> memref<160x32xf32, #tpu.memory_space<vmem_shared>>
      %dma_wait3A_164 = arith.constant 0 : i32
      %dma_wait3A_165 = tpu.memref_slice %arg10[%add3A_10, %dma_wait3A_164] : memref<10240x32xf32, #tpu.memory_space<vmem_shared>> -> memref<160x32xf32, #tpu.memory_space<vmem_shared>>
      tpu.wait_dma2 semaphore(%run_scoped3A : memref<!tpu.dma_semaphore, #tpu.memory_space<semaphore_mem>>) src(%arg9 : memref<160x32xf32, #tpu.memory_space<vmem>>) dst(%dma_wait3A_165 : memref<160x32xf32, #tpu.memory_space<vmem_shared>>)
      tpu.yield
    }) : () -> ()
    %mul3A_11 = arith.constant 640 : i32
    %mul3A_12 = arith.muli %arg1, %mul3A_11 : i32
    %add3A_13 = arith.constant 320 : i32
    %add3A_14 = arith.addi %mul3A_12, %add3A_13 : i32
    "tpu.region"() ({
      %run_scoped3A = tpu.sem_alloc : memref<!tpu.dma_semaphore, #tpu.memory_space<semaphore_mem>>
      %dma_start3A_159 = arith.constant 0 : i32
      %dma_start3A_160 = tpu.memref_slice %arg10[%add3A_14, %dma_start3A_159] : memref<10240x32xf32, #tpu.memory_space<vmem_shared>> -> memref<160x32xf32, #tpu.memory_space<vmem_shared>>
      %dma_start3A_161 = arith.constant 0 : i32
      %dma_start3A_162 = tpu.memref_slice %arg10[%add3A_14, %dma_start3A_161] : memref<10240x32xf32, #tpu.memory_space<vmem_shared>> -> memref<160x32xf32, #tpu.memory_space<vmem_shared>>
      tpu.enqueue_dma source(%arg9 : memref<160x32xf32, #tpu.memory_space<vmem>>) target(%dma_start3A_162 : memref<160x32xf32, #tpu.memory_space<vmem_shared>>) target_semaphore(%run_scoped3A : memref<!tpu.dma_semaphore, #tpu.memory_space<semaphore_mem>>)
      %dma_wait3A = arith.constant 0 : i32
      %dma_wait3A_163 = tpu.memref_slice %arg10[%add3A_14, %dma_wait3A] : memref<10240x32xf32, #tpu.memory_space<vmem_shared>> -> memref<160x32xf32, #tpu.memory_space<vmem_shared>>
      %dma_wait3A_164 = arith.constant 0 : i32
      %dma_wait3A_165 = tpu.memref_slice %arg10[%add3A_14, %dma_wait3A_164] : memref<10240x32xf32, #tpu.memory_space<vmem_shared>> -> memref<160x32xf32, #tpu.memory_space<vmem_shared>>
      tpu.wait_dma2 semaphore(%run_scoped3A : memref<!tpu.dma_semaphore, #tpu.memory_space<semaphore_mem>>) src(%arg9 : memref<160x32xf32, #tpu.memory_space<vmem>>) dst(%dma_wait3A_165 : memref<160x32xf32, #tpu.memory_space<vmem_shared>>)
      tpu.yield
    }) : () -> ()
    %mul3A_15 = arith.constant 640 : i32
    %mul3A_16 = arith.muli %arg1, %mul3A_15 : i32
    %add3A_17 = arith.constant 480 : i32
    %add3A_18 = arith.addi %mul3A_16, %add3A_17 : i32
    "tpu.region"() ({
      %run_scoped3A = tpu.sem_alloc : memref<!tpu.dma_semaphore, #tpu.memory_space<semaphore_mem>>
      %dma_start3A_159 = arith.constant 0 : i32
      %dma_start3A_160 = tpu.memref_slice %arg10[%add3A_18, %dma_start3A_159] : memref<10240x32xf32, #tpu.memory_space<vmem_shared>> -> memref<160x32xf32, #tpu.memory_space<vmem_shared>>
      %dma_start3A_161 = arith.constant 0 : i32
      %dma_start3A_162 = tpu.memref_slice %arg10[%add3A_18, %dma_start3A_161] : memref<10240x32xf32, #tpu.memory_space<vmem_shared>> -> memref<160x32xf32, #tpu.memory_space<vmem_shared>>
      tpu.enqueue_dma source(%arg9 : memref<160x32xf32, #tpu.memory_space<vmem>>) target(%dma_start3A_162 : memref<160x32xf32, #tpu.memory_space<vmem_shared>>) target_semaphore(%run_scoped3A : memref<!tpu.dma_semaphore, #tpu.memory_space<semaphore_mem>>)
      %dma_wait3A = arith.constant 0 : i32
      %dma_wait3A_163 = tpu.memref_slice %arg10[%add3A_18, %dma_wait3A] : memref<10240x32xf32, #tpu.memory_space<vmem_shared>> -> memref<160x32xf32, #tpu.memory_space<vmem_shared>>
      %dma_wait3A_164 = arith.constant 0 : i32
      %dma_wait3A_165 = tpu.memref_slice %arg10[%add3A_18, %dma_wait3A_164] : memref<10240x32xf32, #tpu.memory_space<vmem_shared>> -> memref<160x32xf32, #tpu.memory_space<vmem_shared>>
      tpu.wait_dma2 semaphore(%run_scoped3A : memref<!tpu.dma_semaphore, #tpu.memory_space<semaphore_mem>>) src(%arg9 : memref<160x32xf32, #tpu.memory_space<vmem>>) dst(%dma_wait3A_165 : memref<160x32xf32, #tpu.memory_space<vmem_shared>>)
      tpu.yield
    }) : () -> ()
    %barrier3A = arith.constant 0 : index
    tpu.barrier barrier_id(%barrier3A)
    %eq3A = arith.constant 0 : i32
    %eq3A_19 = arith.cmpi eq, %arg0, %eq3A : i32
    %convert_element_type3A = arith.extui %eq3A_19 : i1 to i32
    %cond3A = arith.constant 0 : i32
    %cond3A_20 = arith.cmpi ne, %convert_element_type3A, %cond3A : i32
    scf.if %cond3A_20 {
      %run_scoped3A = arith.constant 0 : i32
      "tpu.region"() ({
        %run_scoped3A_160 = tpu.sem_alloc : memref<!tpu.dma_semaphore, #tpu.memory_space<semaphore_mem>>
        %dma_start3A_161 = arith.constant 0 : i32
        %dma_start3A_162 = arith.constant 0 : i32
        %dma_start3A_163 = tpu.memref_slice %arg3[%run_scoped3A, %arg1, %dma_start3A_161, %dma_start3A_162] : memref<2x16x160x125xi32, #tpu.memory_space<hbm>> -> memref<1x1x160x125xi32, #tpu.memory_space<hbm>>
        %dma_start3A_164 = tpu.memref_squeeze %dma_start3A_163 : memref<1x1x160x125xi32, #tpu.memory_space<hbm>> -> memref<160x125xi32, #tpu.memory_space<hbm>>
        %dma_start3A_165 = arith.constant 0 : i32
        %dma_start3A_166 = arith.constant 0 : i32
        %dma_start3A_167 = tpu.memref_slice %arg3[%run_scoped3A, %arg1, %dma_start3A_165, %dma_start3A_166] : memref<2x16x160x125xi32, #tpu.memory_space<hbm>> -> memref<1x1x160x125xi32, #tpu.memory_space<hbm>>
        %dma_start3A_168 = tpu.memref_squeeze %dma_start3A_167 : memref<1x1x160x125xi32, #tpu.memory_space<hbm>> -> memref<160x125xi32, #tpu.memory_space<hbm>>
        tpu.enqueue_dma source(%dma_start3A_168 : memref<160x125xi32, #tpu.memory_space<hbm>>) target(%arg6 : memref<160x125xi32, #tpu.memory_space<vmem>>) target_semaphore(%run_scoped3A_160 : memref<!tpu.dma_semaphore, #tpu.memory_space<semaphore_mem>>)
        %dma_wait3A = arith.constant 0 : i32
        %dma_wait3A_169 = arith.constant 0 : i32
        %dma_wait3A_170 = tpu.memref_slice %arg3[%run_scoped3A, %arg1, %dma_wait3A, %dma_wait3A_169] : memref<2x16x160x125xi32, #tpu.memory_space<hbm>> -> memref<1x1x160x125xi32, #tpu.memory_space<hbm>>
        %dma_wait3A_171 = tpu.memref_squeeze %dma_wait3A_170 : memref<1x1x160x125xi32, #tpu.memory_space<hbm>> -> memref<160x125xi32, #tpu.memory_space<hbm>>
        %dma_wait3A_172 = arith.constant 0 : i32
        %dma_wait3A_173 = arith.constant 0 : i32
        %dma_wait3A_174 = tpu.memref_slice %arg3[%run_scoped3A, %arg1, %dma_wait3A_172, %dma_wait3A_173] : memref<2x16x160x125xi32, #tpu.memory_space<hbm>> -> memref<1x1x160x125xi32, #tpu.memory_space<hbm>>
        %dma_wait3A_175 = tpu.memref_squeeze %dma_wait3A_174 : memref<1x1x160x125xi32, #tpu.memory_space<hbm>> -> memref<160x125xi32, #tpu.memory_space<hbm>>
        tpu.wait_dma2 semaphore(%run_scoped3A_160 : memref<!tpu.dma_semaphore, #tpu.memory_space<semaphore_mem>>) src(%dma_wait3A_175 : memref<160x125xi32, #tpu.memory_space<hbm>>) dst(%arg6 : memref<160x125xi32, #tpu.memory_space<vmem>>)
        tpu.yield
      }) : () -> ()
      %run_scoped3A_159 = arith.constant 1 : i32
      "tpu.region"() ({
        %run_scoped3A_160 = tpu.sem_alloc : memref<!tpu.dma_semaphore, #tpu.memory_space<semaphore_mem>>
        %dma_start3A_161 = arith.constant 0 : i32
        %dma_start3A_162 = arith.constant 0 : i32
        %dma_start3A_163 = tpu.memref_slice %arg3[%run_scoped3A_159, %arg1, %dma_start3A_161, %dma_start3A_162] : memref<2x16x160x125xi32, #tpu.memory_space<hbm>> -> memref<1x1x160x125xi32, #tpu.memory_space<hbm>>
        %dma_start3A_164 = tpu.memref_squeeze %dma_start3A_163 : memref<1x1x160x125xi32, #tpu.memory_space<hbm>> -> memref<160x125xi32, #tpu.memory_space<hbm>>
        %dma_start3A_165 = arith.constant 0 : i32
        %dma_start3A_166 = arith.constant 0 : i32
        %dma_start3A_167 = tpu.memref_slice %arg3[%run_scoped3A_159, %arg1, %dma_start3A_165, %dma_start3A_166] : memref<2x16x160x125xi32, #tpu.memory_space<hbm>> -> memref<1x1x160x125xi32, #tpu.memory_space<hbm>>
        %dma_start3A_168 = tpu.memref_squeeze %dma_start3A_167 : memref<1x1x160x125xi32, #tpu.memory_space<hbm>> -> memref<160x125xi32, #tpu.memory_space<hbm>>
        tpu.enqueue_dma source(%dma_start3A_168 : memref<160x125xi32, #tpu.memory_space<hbm>>) target(%arg7 : memref<160x125xi32, #tpu.memory_space<vmem>>) target_semaphore(%run_scoped3A_160 : memref<!tpu.dma_semaphore, #tpu.memory_space<semaphore_mem>>)
        %dma_wait3A = arith.constant 0 : i32
        %dma_wait3A_169 = arith.constant 0 : i32
        %dma_wait3A_170 = tpu.memref_slice %arg3[%run_scoped3A_159, %arg1, %dma_wait3A, %dma_wait3A_169] : memref<2x16x160x125xi32, #tpu.memory_space<hbm>> -> memref<1x1x160x125xi32, #tpu.memory_space<hbm>>
        %dma_wait3A_171 = tpu.memref_squeeze %dma_wait3A_170 : memref<1x1x160x125xi32, #tpu.memory_space<hbm>> -> memref<160x125xi32, #tpu.memory_space<hbm>>
        %dma_wait3A_172 = arith.constant 0 : i32
        %dma_wait3A_173 = arith.constant 0 : i32
        %dma_wait3A_174 = tpu.memref_slice %arg3[%run_scoped3A_159, %arg1, %dma_wait3A_172, %dma_wait3A_173] : memref<2x16x160x125xi32, #tpu.memory_space<hbm>> -> memref<1x1x160x125xi32, #tpu.memory_space<hbm>>
        %dma_wait3A_175 = tpu.memref_squeeze %dma_wait3A_174 : memref<1x1x160x125xi32, #tpu.memory_space<hbm>> -> memref<160x125xi32, #tpu.memory_space<hbm>>
        tpu.wait_dma2 semaphore(%run_scoped3A_160 : memref<!tpu.dma_semaphore, #tpu.memory_space<semaphore_mem>>) src(%dma_wait3A_175 : memref<160x125xi32, #tpu.memory_space<hbm>>) dst(%arg7 : memref<160x125xi32, #tpu.memory_space<vmem>>)
        tpu.yield
      }) : () -> ()
    } else {
    }
    %eq3A_21 = arith.constant 1 : i32
    %eq3A_22 = arith.cmpi eq, %arg0, %eq3A_21 : i32
    %convert_element_type3A_23 = arith.extui %eq3A_22 : i1 to i32
    %cond3A_24 = arith.constant 0 : i32
    %cond3A_25 = arith.cmpi ne, %convert_element_type3A_23, %cond3A_24 : i32
    scf.if %cond3A_25 {
      %run_scoped3A = arith.constant 0 : i32
      "tpu.region"() ({
        %run_scoped3A_160 = tpu.sem_alloc : memref<!tpu.dma_semaphore, #tpu.memory_space<semaphore_mem>>
        %dma_start3A_161 = arith.constant 0 : i32
        %dma_start3A_162 = arith.constant 0 : i32
        %dma_start3A_163 = tpu.memref_slice %arg4[%run_scoped3A, %arg1, %dma_start3A_161, %dma_start3A_162] : memref<2x16x160x125xi32, #tpu.memory_space<hbm>> -> memref<1x1x160x125xi32, #tpu.memory_space<hbm>>
        %dma_start3A_164 = tpu.memref_squeeze %dma_start3A_163 : memref<1x1x160x125xi32, #tpu.memory_space<hbm>> -> memref<160x125xi32, #tpu.memory_space<hbm>>
        %dma_start3A_165 = arith.constant 0 : i32
        %dma_start3A_166 = arith.constant 0 : i32
        %dma_start3A_167 = tpu.memref_slice %arg4[%run_scoped3A, %arg1, %dma_start3A_165, %dma_start3A_166] : memref<2x16x160x125xi32, #tpu.memory_space<hbm>> -> memref<1x1x160x125xi32, #tpu.memory_space<hbm>>
        %dma_start3A_168 = tpu.memref_squeeze %dma_start3A_167 : memref<1x1x160x125xi32, #tpu.memory_space<hbm>> -> memref<160x125xi32, #tpu.memory_space<hbm>>
        tpu.enqueue_dma source(%dma_start3A_168 : memref<160x125xi32, #tpu.memory_space<hbm>>) target(%arg6 : memref<160x125xi32, #tpu.memory_space<vmem>>) target_semaphore(%run_scoped3A_160 : memref<!tpu.dma_semaphore, #tpu.memory_space<semaphore_mem>>)
        %dma_wait3A = arith.constant 0 : i32
        %dma_wait3A_169 = arith.constant 0 : i32
        %dma_wait3A_170 = tpu.memref_slice %arg4[%run_scoped3A, %arg1, %dma_wait3A, %dma_wait3A_169] : memref<2x16x160x125xi32, #tpu.memory_space<hbm>> -> memref<1x1x160x125xi32, #tpu.memory_space<hbm>>
        %dma_wait3A_171 = tpu.memref_squeeze %dma_wait3A_170 : memref<1x1x160x125xi32, #tpu.memory_space<hbm>> -> memref<160x125xi32, #tpu.memory_space<hbm>>
        %dma_wait3A_172 = arith.constant 0 : i32
        %dma_wait3A_173 = arith.constant 0 : i32
        %dma_wait3A_174 = tpu.memref_slice %arg4[%run_scoped3A, %arg1, %dma_wait3A_172, %dma_wait3A_173] : memref<2x16x160x125xi32, #tpu.memory_space<hbm>> -> memref<1x1x160x125xi32, #tpu.memory_space<hbm>>
        %dma_wait3A_175 = tpu.memref_squeeze %dma_wait3A_174 : memref<1x1x160x125xi32, #tpu.memory_space<hbm>> -> memref<160x125xi32, #tpu.memory_space<hbm>>
        tpu.wait_dma2 semaphore(%run_scoped3A_160 : memref<!tpu.dma_semaphore, #tpu.memory_space<semaphore_mem>>) src(%dma_wait3A_175 : memref<160x125xi32, #tpu.memory_space<hbm>>) dst(%arg6 : memref<160x125xi32, #tpu.memory_space<vmem>>)
        tpu.yield
      }) : () -> ()
      %run_scoped3A_159 = arith.constant 1 : i32
      "tpu.region"() ({
        %run_scoped3A_160 = tpu.sem_alloc : memref<!tpu.dma_semaphore, #tpu.memory_space<semaphore_mem>>
        %dma_start3A_161 = arith.constant 0 : i32
        %dma_start3A_162 = arith.constant 0 : i32
        %dma_start3A_163 = tpu.memref_slice %arg4[%run_scoped3A_159, %arg1, %dma_start3A_161, %dma_start3A_162] : memref<2x16x160x125xi32, #tpu.memory_space<hbm>> -> memref<1x1x160x125xi32, #tpu.memory_space<hbm>>
        %dma_start3A_164 = tpu.memref_squeeze %dma_start3A_163 : memref<1x1x160x125xi32, #tpu.memory_space<hbm>> -> memref<160x125xi32, #tpu.memory_space<hbm>>
        %dma_start3A_165 = arith.constant 0 : i32
        %dma_start3A_166 = arith.constant 0 : i32
        %dma_start3A_167 = tpu.memref_slice %arg4[%run_scoped3A_159, %arg1, %dma_start3A_165, %dma_start3A_166] : memref<2x16x160x125xi32, #tpu.memory_space<hbm>> -> memref<1x1x160x125xi32, #tpu.memory_space<hbm>>
        %dma_start3A_168 = tpu.memref_squeeze %dma_start3A_167 : memref<1x1x160x125xi32, #tpu.memory_space<hbm>> -> memref<160x125xi32, #tpu.memory_space<hbm>>
        tpu.enqueue_dma source(%dma_start3A_168 : memref<160x125xi32, #tpu.memory_space<hbm>>) target(%arg7 : memref<160x125xi32, #tpu.memory_space<vmem>>) target_semaphore(%run_scoped3A_160 : memref<!tpu.dma_semaphore, #tpu.memory_space<semaphore_mem>>)
        %dma_wait3A = arith.constant 0 : i32
        %dma_wait3A_169 = arith.constant 0 : i32
        %dma_wait3A_170 = tpu.memref_slice %arg4[%run_scoped3A_159, %arg1, %dma_wait3A, %dma_wait3A_169] : memref<2x16x160x125xi32, #tpu.memory_space<hbm>> -> memref<1x1x160x125xi32, #tpu.memory_space<hbm>>
        %dma_wait3A_171 = tpu.memref_squeeze %dma_wait3A_170 : memref<1x1x160x125xi32, #tpu.memory_space<hbm>> -> memref<160x125xi32, #tpu.memory_space<hbm>>
        %dma_wait3A_172 = arith.constant 0 : i32
        %dma_wait3A_173 = arith.constant 0 : i32
        %dma_wait3A_174 = tpu.memref_slice %arg4[%run_scoped3A_159, %arg1, %dma_wait3A_172, %dma_wait3A_173] : memref<2x16x160x125xi32, #tpu.memory_space<hbm>> -> memref<1x1x160x125xi32, #tpu.memory_space<hbm>>
        %dma_wait3A_175 = tpu.memref_squeeze %dma_wait3A_174 : memref<1x1x160x125xi32, #tpu.memory_space<hbm>> -> memref<160x125xi32, #tpu.memory_space<hbm>>
        tpu.wait_dma2 semaphore(%run_scoped3A_160 : memref<!tpu.dma_semaphore, #tpu.memory_space<semaphore_mem>>) src(%dma_wait3A_175 : memref<160x125xi32, #tpu.memory_space<hbm>>) dst(%arg7 : memref<160x125xi32, #tpu.memory_space<vmem>>)
        tpu.yield
      }) : () -> ()
    } else {
    }
    %dma_start3A = arith.constant 0 : i32
    %dma_start3A_26 = arith.constant 0 : i32
    %dma_start3A_27 = arith.constant 0 : i32
    %dma_start3A_28 = arith.constant 0 : i32
    %dma_start3A_29 = tpu.memref_slice %arg8[%dma_start3A_26, %dma_start3A_27, %dma_start3A_28] : memref<8x125x32xf32, #tpu.memory_space<vmem>> -> memref<1x125x32xf32, #tpu.memory_space<vmem>>
    %dma_start3A_30 = tpu.memref_squeeze %dma_start3A_29 : memref<1x125x32xf32, #tpu.memory_space<vmem>> -> memref<125x32xf32, #tpu.memory_space<vmem>>
    %dma_start3A_31 = arith.constant 0 : i32
    %dma_start3A_32 = tpu.memref_slice %arg6[%dma_start3A, %dma_start3A_31] : memref<160x125xi32, #tpu.memory_space<vmem>> -> memref<1x125xi32, #tpu.memory_space<vmem>>
    %dma_start3A_33 = tpu.memref_squeeze %dma_start3A_32 : memref<1x125xi32, #tpu.memory_space<vmem>> -> memref<125xi32, #tpu.memory_space<vmem>>
    %dma_start3A_34 = arith.constant 0 : i32
    %dma_start3A_35 = arith.constant 0 : i32
    %dma_start3A_36 = tpu.memref_slice %arg2[%dma_start3A_34, %dma_start3A_35] : memref<20000x32xf32, #tpu.memory_space<hbm>> -> memref<20000x32xf32, #tpu.memory_space<hbm>>
    tpu.enqueue_indirect_dma source(%dma_start3A_36 : memref<20000x32xf32, #tpu.memory_space<hbm>>) target(%dma_start3A_30 : memref<125x32xf32, #tpu.memory_space<vmem>>) offsets(%dma_start3A_33 : memref<125xi32, #tpu.memory_space<vmem>>) semaphore(%arg11 : memref<!tpu.dma_semaphore, #tpu.memory_space<semaphore_mem>>)
    %dma_start3A_37 = arith.constant 1 : i32
    %dma_start3A_38 = arith.constant 1 : i32
    %dma_start3A_39 = arith.constant 0 : i32
    %dma_start3A_40 = arith.constant 0 : i32
    %dma_start3A_41 = tpu.memref_slice %arg8[%dma_start3A_38, %dma_start3A_39, %dma_start3A_40] : memref<8x125x32xf32, #tpu.memory_space<vmem>> -> memref<1x125x32xf32, #tpu.memory_space<vmem>>
    %dma_start3A_42 = tpu.memref_squeeze %dma_start3A_41 : memref<1x125x32xf32, #tpu.memory_space<vmem>> -> memref<125x32xf32, #tpu.memory_space<vmem>>
    %dma_start3A_43 = arith.constant 0 : i32
    %dma_start3A_44 = tpu.memref_slice %arg6[%dma_start3A_37, %dma_start3A_43] : memref<160x125xi32, #tpu.memory_space<vmem>> -> memref<1x125xi32, #tpu.memory_space<vmem>>
    %dma_start3A_45 = tpu.memref_squeeze %dma_start3A_44 : memref<1x125xi32, #tpu.memory_space<vmem>> -> memref<125xi32, #tpu.memory_space<vmem>>
    %dma_start3A_46 = arith.constant 0 : i32
    %dma_start3A_47 = arith.constant 0 : i32
    %dma_start3A_48 = tpu.memref_slice %arg2[%dma_start3A_46, %dma_start3A_47] : memref<20000x32xf32, #tpu.memory_space<hbm>> -> memref<20000x32xf32, #tpu.memory_space<hbm>>
    tpu.enqueue_indirect_dma source(%dma_start3A_48 : memref<20000x32xf32, #tpu.memory_space<hbm>>) target(%dma_start3A_42 : memref<125x32xf32, #tpu.memory_space<vmem>>) offsets(%dma_start3A_45 : memref<125xi32, #tpu.memory_space<vmem>>) semaphore(%arg12 : memref<!tpu.dma_semaphore, #tpu.memory_space<semaphore_mem>>)
    %dma_start3A_49 = arith.constant 2 : i32
    %dma_start3A_50 = arith.constant 2 : i32
    %dma_start3A_51 = arith.constant 0 : i32
    %dma_start3A_52 = arith.constant 0 : i32
    %dma_start3A_53 = tpu.memref_slice %arg8[%dma_start3A_50, %dma_start3A_51, %dma_start3A_52] : memref<8x125x32xf32, #tpu.memory_space<vmem>> -> memref<1x125x32xf32, #tpu.memory_space<vmem>>
    %dma_start3A_54 = tpu.memref_squeeze %dma_start3A_53 : memref<1x125x32xf32, #tpu.memory_space<vmem>> -> memref<125x32xf32, #tpu.memory_space<vmem>>
    %dma_start3A_55 = arith.constant 0 : i32
    %dma_start3A_56 = tpu.memref_slice %arg6[%dma_start3A_49, %dma_start3A_55] : memref<160x125xi32, #tpu.memory_space<vmem>> -> memref<1x125xi32, #tpu.memory_space<vmem>>
    %dma_start3A_57 = tpu.memref_squeeze %dma_start3A_56 : memref<1x125xi32, #tpu.memory_space<vmem>> -> memref<125xi32, #tpu.memory_space<vmem>>
    %dma_start3A_58 = arith.constant 0 : i32
    %dma_start3A_59 = arith.constant 0 : i32
    %dma_start3A_60 = tpu.memref_slice %arg2[%dma_start3A_58, %dma_start3A_59] : memref<20000x32xf32, #tpu.memory_space<hbm>> -> memref<20000x32xf32, #tpu.memory_space<hbm>>
    tpu.enqueue_indirect_dma source(%dma_start3A_60 : memref<20000x32xf32, #tpu.memory_space<hbm>>) target(%dma_start3A_54 : memref<125x32xf32, #tpu.memory_space<vmem>>) offsets(%dma_start3A_57 : memref<125xi32, #tpu.memory_space<vmem>>) semaphore(%arg13 : memref<!tpu.dma_semaphore, #tpu.memory_space<semaphore_mem>>)
    %dma_start3A_61 = arith.constant 3 : i32
    %dma_start3A_62 = arith.constant 3 : i32
    %dma_start3A_63 = arith.constant 0 : i32
    %dma_start3A_64 = arith.constant 0 : i32
    %dma_start3A_65 = tpu.memref_slice %arg8[%dma_start3A_62, %dma_start3A_63, %dma_start3A_64] : memref<8x125x32xf32, #tpu.memory_space<vmem>> -> memref<1x125x32xf32, #tpu.memory_space<vmem>>
    %dma_start3A_66 = tpu.memref_squeeze %dma_start3A_65 : memref<1x125x32xf32, #tpu.memory_space<vmem>> -> memref<125x32xf32, #tpu.memory_space<vmem>>
    %dma_start3A_67 = arith.constant 0 : i32
    %dma_start3A_68 = tpu.memref_slice %arg6[%dma_start3A_61, %dma_start3A_67] : memref<160x125xi32, #tpu.memory_space<vmem>> -> memref<1x125xi32, #tpu.memory_space<vmem>>
    %dma_start3A_69 = tpu.memref_squeeze %dma_start3A_68 : memref<1x125xi32, #tpu.memory_space<vmem>> -> memref<125xi32, #tpu.memory_space<vmem>>
    %dma_start3A_70 = arith.constant 0 : i32
    %dma_start3A_71 = arith.constant 0 : i32
    %dma_start3A_72 = tpu.memref_slice %arg2[%dma_start3A_70, %dma_start3A_71] : memref<20000x32xf32, #tpu.memory_space<hbm>> -> memref<20000x32xf32, #tpu.memory_space<hbm>>
    tpu.enqueue_indirect_dma source(%dma_start3A_72 : memref<20000x32xf32, #tpu.memory_space<hbm>>) target(%dma_start3A_66 : memref<125x32xf32, #tpu.memory_space<vmem>>) offsets(%dma_start3A_69 : memref<125xi32, #tpu.memory_space<vmem>>) semaphore(%arg14 : memref<!tpu.dma_semaphore, #tpu.memory_space<semaphore_mem>>)
    %dma_start3A_73 = arith.constant 4 : i32
    %dma_start3A_74 = arith.constant 4 : i32
    %dma_start3A_75 = arith.constant 0 : i32
    %dma_start3A_76 = arith.constant 0 : i32
    %dma_start3A_77 = tpu.memref_slice %arg8[%dma_start3A_74, %dma_start3A_75, %dma_start3A_76] : memref<8x125x32xf32, #tpu.memory_space<vmem>> -> memref<1x125x32xf32, #tpu.memory_space<vmem>>
    %dma_start3A_78 = tpu.memref_squeeze %dma_start3A_77 : memref<1x125x32xf32, #tpu.memory_space<vmem>> -> memref<125x32xf32, #tpu.memory_space<vmem>>
    %dma_start3A_79 = arith.constant 0 : i32
    %dma_start3A_80 = tpu.memref_slice %arg6[%dma_start3A_73, %dma_start3A_79] : memref<160x125xi32, #tpu.memory_space<vmem>> -> memref<1x125xi32, #tpu.memory_space<vmem>>
    %dma_start3A_81 = tpu.memref_squeeze %dma_start3A_80 : memref<1x125xi32, #tpu.memory_space<vmem>> -> memref<125xi32, #tpu.memory_space<vmem>>
    %dma_start3A_82 = arith.constant 0 : i32
    %dma_start3A_83 = arith.constant 0 : i32
    %dma_start3A_84 = tpu.memref_slice %arg2[%dma_start3A_82, %dma_start3A_83] : memref<20000x32xf32, #tpu.memory_space<hbm>> -> memref<20000x32xf32, #tpu.memory_space<hbm>>
    tpu.enqueue_indirect_dma source(%dma_start3A_84 : memref<20000x32xf32, #tpu.memory_space<hbm>>) target(%dma_start3A_78 : memref<125x32xf32, #tpu.memory_space<vmem>>) offsets(%dma_start3A_81 : memref<125xi32, #tpu.memory_space<vmem>>) semaphore(%arg15 : memref<!tpu.dma_semaphore, #tpu.memory_space<semaphore_mem>>)
    %dma_start3A_85 = arith.constant 5 : i32
    %dma_start3A_86 = arith.constant 5 : i32
    %dma_start3A_87 = arith.constant 0 : i32
    %dma_start3A_88 = arith.constant 0 : i32
    %dma_start3A_89 = tpu.memref_slice %arg8[%dma_start3A_86, %dma_start3A_87, %dma_start3A_88] : memref<8x125x32xf32, #tpu.memory_space<vmem>> -> memref<1x125x32xf32, #tpu.memory_space<vmem>>
    %dma_start3A_90 = tpu.memref_squeeze %dma_start3A_89 : memref<1x125x32xf32, #tpu.memory_space<vmem>> -> memref<125x32xf32, #tpu.memory_space<vmem>>
    %dma_start3A_91 = arith.constant 0 : i32
    %dma_start3A_92 = tpu.memref_slice %arg6[%dma_start3A_85, %dma_start3A_91] : memref<160x125xi32, #tpu.memory_space<vmem>> -> memref<1x125xi32, #tpu.memory_space<vmem>>
    %dma_start3A_93 = tpu.memref_squeeze %dma_start3A_92 : memref<1x125xi32, #tpu.memory_space<vmem>> -> memref<125xi32, #tpu.memory_space<vmem>>
    %dma_start3A_94 = arith.constant 0 : i32
    %dma_start3A_95 = arith.constant 0 : i32
    %dma_start3A_96 = tpu.memref_slice %arg2[%dma_start3A_94, %dma_start3A_95] : memref<20000x32xf32, #tpu.memory_space<hbm>> -> memref<20000x32xf32, #tpu.memory_space<hbm>>
    tpu.enqueue_indirect_dma source(%dma_start3A_96 : memref<20000x32xf32, #tpu.memory_space<hbm>>) target(%dma_start3A_90 : memref<125x32xf32, #tpu.memory_space<vmem>>) offsets(%dma_start3A_93 : memref<125xi32, #tpu.memory_space<vmem>>) semaphore(%arg16 : memref<!tpu.dma_semaphore, #tpu.memory_space<semaphore_mem>>)
    %dma_start3A_97 = arith.constant 6 : i32
    %dma_start3A_98 = arith.constant 6 : i32
    %dma_start3A_99 = arith.constant 0 : i32
    %dma_start3A_100 = arith.constant 0 : i32
    %dma_start3A_101 = tpu.memref_slice %arg8[%dma_start3A_98, %dma_start3A_99, %dma_start3A_100] : memref<8x125x32xf32, #tpu.memory_space<vmem>> -> memref<1x125x32xf32, #tpu.memory_space<vmem>>
    %dma_start3A_102 = tpu.memref_squeeze %dma_start3A_101 : memref<1x125x32xf32, #tpu.memory_space<vmem>> -> memref<125x32xf32, #tpu.memory_space<vmem>>
    %dma_start3A_103 = arith.constant 0 : i32
    %dma_start3A_104 = tpu.memref_slice %arg6[%dma_start3A_97, %dma_start3A_103] : memref<160x125xi32, #tpu.memory_space<vmem>> -> memref<1x125xi32, #tpu.memory_space<vmem>>
    %dma_start3A_105 = tpu.memref_squeeze %dma_start3A_104 : memref<1x125xi32, #tpu.memory_space<vmem>> -> memref<125xi32, #tpu.memory_space<vmem>>
    %dma_start3A_106 = arith.constant 0 : i32
    %dma_start3A_107 = arith.constant 0 : i32
    %dma_start3A_108 = tpu.memref_slice %arg2[%dma_start3A_106, %dma_start3A_107] : memref<20000x32xf32, #tpu.memory_space<hbm>> -> memref<20000x32xf32, #tpu.memory_space<hbm>>
    tpu.enqueue_indirect_dma source(%dma_start3A_108 : memref<20000x32xf32, #tpu.memory_space<hbm>>) target(%dma_start3A_102 : memref<125x32xf32, #tpu.memory_space<vmem>>) offsets(%dma_start3A_105 : memref<125xi32, #tpu.memory_space<vmem>>) semaphore(%arg17 : memref<!tpu.dma_semaphore, #tpu.memory_space<semaphore_mem>>)
    %dma_start3A_109 = arith.constant 7 : i32
    %dma_start3A_110 = arith.constant 7 : i32
    %dma_start3A_111 = arith.constant 0 : i32
    %dma_start3A_112 = arith.constant 0 : i32
    %dma_start3A_113 = tpu.memref_slice %arg8[%dma_start3A_110, %dma_start3A_111, %dma_start3A_112] : memref<8x125x32xf32, #tpu.memory_space<vmem>> -> memref<1x125x32xf32, #tpu.memory_space<vmem>>
    %dma_start3A_114 = tpu.memref_squeeze %dma_start3A_113 : memref<1x125x32xf32, #tpu.memory_space<vmem>> -> memref<125x32xf32, #tpu.memory_space<vmem>>
    %dma_start3A_115 = arith.constant 0 : i32
    %dma_start3A_116 = tpu.memref_slice %arg6[%dma_start3A_109, %dma_start3A_115] : memref<160x125xi32, #tpu.memory_space<vmem>> -> memref<1x125xi32, #tpu.memory_space<vmem>>
    %dma_start3A_117 = tpu.memref_squeeze %dma_start3A_116 : memref<1x125xi32, #tpu.memory_space<vmem>> -> memref<125xi32, #tpu.memory_space<vmem>>
    %dma_start3A_118 = arith.constant 0 : i32
    %dma_start3A_119 = arith.constant 0 : i32
    %dma_start3A_120 = tpu.memref_slice %arg2[%dma_start3A_118, %dma_start3A_119] : memref<20000x32xf32, #tpu.memory_space<hbm>> -> memref<20000x32xf32, #tpu.memory_space<hbm>>
    tpu.enqueue_indirect_dma source(%dma_start3A_120 : memref<20000x32xf32, #tpu.memory_space<hbm>>) target(%dma_start3A_114 : memref<125x32xf32, #tpu.memory_space<vmem>>) offsets(%dma_start3A_117 : memref<125xi32, #tpu.memory_space<vmem>>) semaphore(%arg18 : memref<!tpu.dma_semaphore, #tpu.memory_space<semaphore_mem>>)
    %scan3A_121 = arith.constant 0 : i32
    %scan3A_122 = arith.constant 20 : i32
    %scan3A_123 = arith.addi %scan3A_121, %scan3A_122 : i32
    %scan3A_124 = arith.constant 1 : i32
    scf.for %scan3A_159 = %scan3A_121 to %scan3A_123 step %scan3A_124  : i32 {
      %mul3A_160 = arith.constant 1 : i32
      %mul3A_161 = arith.muli %scan3A_159, %mul3A_160 : i32
      %add3A_162 = arith.constant 0 : i32
      %add3A_163 = arith.addi %add3A_162, %mul3A_161 : i32
      %mul3A_164 = arith.constant 8 : i32
      %mul3A_165 = arith.muli %add3A_163, %mul3A_164 : i32
      %add3A_166 = arith.constant 0 : i32
      %add3A_167 = arith.addi %mul3A_165, %add3A_166 : i32
      %dma_wait3A = arith.constant 0 : i32
      %dma_wait3A_168 = arith.constant 0 : i32
      %dma_wait3A_169 = arith.constant 0 : i32
      %dma_wait3A_170 = tpu.memref_slice %arg8[%dma_wait3A, %dma_wait3A_168, %dma_wait3A_169] : memref<8x125x32xf32, #tpu.memory_space<vmem>> -> memref<1x125x32xf32, #tpu.memory_space<vmem>>
      %dma_wait3A_171 = tpu.memref_squeeze %dma_wait3A_170 : memref<1x125x32xf32, #tpu.memory_space<vmem>> -> memref<125x32xf32, #tpu.memory_space<vmem>>
      %dma_wait3A_172 = arith.constant 0 : i32
      %dma_wait3A_173 = arith.constant 0 : i32
      %dma_wait3A_174 = tpu.memref_slice %arg2[%dma_wait3A_172, %dma_wait3A_173] : memref<20000x32xf32, #tpu.memory_space<hbm>> -> memref<125x32xf32, #tpu.memory_space<hbm>>
      %dma_wait3A_175 = arith.constant 0 : i32
      %dma_wait3A_176 = arith.constant 0 : i32
      %dma_wait3A_177 = tpu.memref_slice %arg8[%dma_wait3A, %dma_wait3A_175, %dma_wait3A_176] : memref<8x125x32xf32, #tpu.memory_space<vmem>> -> memref<1x125x32xf32, #tpu.memory_space<vmem>>
      %dma_wait3A_178 = tpu.memref_squeeze %dma_wait3A_177 : memref<1x125x32xf32, #tpu.memory_space<vmem>> -> memref<125x32xf32, #tpu.memory_space<vmem>>
      %dma_wait3A_179 = arith.constant 0 : i32
      %dma_wait3A_180 = arith.constant 0 : i32
      %dma_wait3A_181 = tpu.memref_slice %arg2[%dma_wait3A_179, %dma_wait3A_180] : memref<20000x32xf32, #tpu.memory_space<hbm>> -> memref<125x32xf32, #tpu.memory_space<hbm>>
      tpu.wait_dma2 semaphore(%arg11 : memref<!tpu.dma_semaphore, #tpu.memory_space<semaphore_mem>>) src(%dma_wait3A_181 : memref<125x32xf32, #tpu.memory_space<hbm>>) dst(%dma_wait3A_178 : memref<125x32xf32, #tpu.memory_space<vmem>>)
      %run_scoped3A = arith.constant 0 : i32
      "tpu.region"() ({
        %run_scoped3A_363 = tpu.sem_alloc : memref<!tpu.dma_semaphore, #tpu.memory_space<semaphore_mem>>
        %dma_start3A_364 = arith.constant 0 : i32
        %dma_start3A_365 = arith.constant 0 : i32
        %dma_start3A_366 = tpu.memref_slice %arg8[%run_scoped3A, %dma_start3A_364, %dma_start3A_365] : memref<8x125x32xf32, #tpu.memory_space<vmem>> -> memref<1x125x32xf32, #tpu.memory_space<vmem>>
        %dma_start3A_367 = tpu.memref_squeeze %dma_start3A_366 : memref<1x125x32xf32, #tpu.memory_space<vmem>> -> memref<125x32xf32, #tpu.memory_space<vmem>>
        %dma_start3A_368 = arith.constant 0 : i32
        %dma_start3A_369 = tpu.memref_slice %arg7[%add3A_167, %dma_start3A_368] : memref<160x125xi32, #tpu.memory_space<vmem>> -> memref<1x125xi32, #tpu.memory_space<vmem>>
        %dma_start3A_370 = tpu.memref_squeeze %dma_start3A_369 : memref<1x125xi32, #tpu.memory_space<vmem>> -> memref<125xi32, #tpu.memory_space<vmem>>
        %dma_start3A_371 = arith.constant 0 : i32
        %dma_start3A_372 = arith.constant 0 : i32
        %dma_start3A_373 = tpu.memref_slice %arg10[%dma_start3A_371, %dma_start3A_372] : memref<10240x32xf32, #tpu.memory_space<vmem_shared>> -> memref<10240x32xf32, #tpu.memory_space<vmem_shared>>
        tpu.enqueue_indirect_dma source(%dma_start3A_367 : memref<125x32xf32, #tpu.memory_space<vmem>>) target(%dma_start3A_373 : memref<10240x32xf32, #tpu.memory_space<vmem_shared>>) offsets(%dma_start3A_370 : memref<125xi32, #tpu.memory_space<vmem>>) semaphore(%run_scoped3A_363 : memref<!tpu.dma_semaphore, #tpu.memory_space<semaphore_mem>>) {add = true}
        %dma_wait3A_374 = arith.constant 0 : i32
        %dma_wait3A_375 = arith.constant 0 : i32
        %dma_wait3A_376 = tpu.memref_slice %arg8[%run_scoped3A, %dma_wait3A_374, %dma_wait3A_375] : memref<8x125x32xf32, #tpu.memory_space<vmem>> -> memref<1x125x32xf32, #tpu.memory_space<vmem>>
        %dma_wait3A_377 = tpu.memref_squeeze %dma_wait3A_376 : memref<1x125x32xf32, #tpu.memory_space<vmem>> -> memref<125x32xf32, #tpu.memory_space<vmem>>
        %dma_wait3A_378 = arith.constant 0 : i32
        %dma_wait3A_379 = tpu.memref_slice %arg7[%add3A_167, %dma_wait3A_378] : memref<160x125xi32, #tpu.memory_space<vmem>> -> memref<1x125xi32, #tpu.memory_space<vmem>>
        %dma_wait3A_380 = tpu.memref_squeeze %dma_wait3A_379 : memref<1x125xi32, #tpu.memory_space<vmem>> -> memref<125xi32, #tpu.memory_space<vmem>>
        %dma_wait3A_381 = arith.constant 0 : i32
        %dma_wait3A_382 = arith.constant 0 : i32
        %dma_wait3A_383 = tpu.memref_slice %arg10[%dma_wait3A_381, %dma_wait3A_382] : memref<10240x32xf32, #tpu.memory_space<vmem_shared>> -> memref<10240x32xf32, #tpu.memory_space<vmem_shared>>
        tpu.wait_indirect_dma semaphore(%run_scoped3A_363 : memref<!tpu.dma_semaphore, #tpu.memory_space<semaphore_mem>>) src(%dma_wait3A_377 : memref<125x32xf32, #tpu.memory_space<vmem>>) dst(%dma_wait3A_383 : memref<10240x32xf32, #tpu.memory_space<vmem_shared>>)
        tpu.yield
      }) : () -> ()
      %add3A_182 = arith.constant 8 : i32
      %add3A_183 = arith.addi %add3A_167, %add3A_182 : i32
      %lt3A = arith.constant 160 : i32
      %lt3A_184 = arith.cmpi slt, %add3A_183, %lt3A : i32
      %convert_element_type3A_185 = arith.extui %lt3A_184 : i1 to i32
      %cond3A_186 = arith.constant 0 : i32
      %cond3A_187 = arith.cmpi ne, %convert_element_type3A_185, %cond3A_186 : i32
      scf.if %cond3A_187 {
        %add3A_363 = arith.constant 8 : i32
        %add3A_364 = arith.addi %add3A_167, %add3A_363 : i32
        %dma_start3A_365 = arith.constant 0 : i32
        %dma_start3A_366 = arith.constant 0 : i32
        %dma_start3A_367 = arith.constant 0 : i32
        %dma_start3A_368 = tpu.memref_slice %arg8[%dma_start3A_365, %dma_start3A_366, %dma_start3A_367] : memref<8x125x32xf32, #tpu.memory_space<vmem>> -> memref<1x125x32xf32, #tpu.memory_space<vmem>>
        %dma_start3A_369 = tpu.memref_squeeze %dma_start3A_368 : memref<1x125x32xf32, #tpu.memory_space<vmem>> -> memref<125x32xf32, #tpu.memory_space<vmem>>
        %dma_start3A_370 = arith.constant 0 : i32
        %dma_start3A_371 = tpu.memref_slice %arg6[%add3A_364, %dma_start3A_370] : memref<160x125xi32, #tpu.memory_space<vmem>> -> memref<1x125xi32, #tpu.memory_space<vmem>>
        %dma_start3A_372 = tpu.memref_squeeze %dma_start3A_371 : memref<1x125xi32, #tpu.memory_space<vmem>> -> memref<125xi32, #tpu.memory_space<vmem>>
        %dma_start3A_373 = arith.constant 0 : i32
        %dma_start3A_374 = arith.constant 0 : i32
        %dma_start3A_375 = tpu.memref_slice %arg2[%dma_start3A_373, %dma_start3A_374] : memref<20000x32xf32, #tpu.memory_space<hbm>> -> memref<20000x32xf32, #tpu.memory_space<hbm>>
        tpu.enqueue_indirect_dma source(%dma_start3A_375 : memref<20000x32xf32, #tpu.memory_space<hbm>>) target(%dma_start3A_369 : memref<125x32xf32, #tpu.memory_space<vmem>>) offsets(%dma_start3A_372 : memref<125xi32, #tpu.memory_space<vmem>>) semaphore(%arg11 : memref<!tpu.dma_semaphore, #tpu.memory_space<semaphore_mem>>)
      } else {
      }
      %add3A_188 = arith.constant 1 : i32
      %add3A_189 = arith.addi %mul3A_165, %add3A_188 : i32
      %dma_wait3A_190 = arith.constant 1 : i32
      %dma_wait3A_191 = arith.constant 0 : i32
      %dma_wait3A_192 = arith.constant 0 : i32
      %dma_wait3A_193 = tpu.memref_slice %arg8[%dma_wait3A_190, %dma_wait3A_191, %dma_wait3A_192] : memref<8x125x32xf32, #tpu.memory_space<vmem>> -> memref<1x125x32xf32, #tpu.memory_space<vmem>>
      %dma_wait3A_194 = tpu.memref_squeeze %dma_wait3A_193 : memref<1x125x32xf32, #tpu.memory_space<vmem>> -> memref<125x32xf32, #tpu.memory_space<vmem>>
      %dma_wait3A_195 = arith.constant 0 : i32
      %dma_wait3A_196 = arith.constant 0 : i32
      %dma_wait3A_197 = tpu.memref_slice %arg2[%dma_wait3A_195, %dma_wait3A_196] : memref<20000x32xf32, #tpu.memory_space<hbm>> -> memref<125x32xf32, #tpu.memory_space<hbm>>
      %dma_wait3A_198 = arith.constant 0 : i32
      %dma_wait3A_199 = arith.constant 0 : i32
      %dma_wait3A_200 = tpu.memref_slice %arg8[%dma_wait3A_190, %dma_wait3A_198, %dma_wait3A_199] : memref<8x125x32xf32, #tpu.memory_space<vmem>> -> memref<1x125x32xf32, #tpu.memory_space<vmem>>
      %dma_wait3A_201 = tpu.memref_squeeze %dma_wait3A_200 : memref<1x125x32xf32, #tpu.memory_space<vmem>> -> memref<125x32xf32, #tpu.memory_space<vmem>>
      %dma_wait3A_202 = arith.constant 0 : i32
      %dma_wait3A_203 = arith.constant 0 : i32
      %dma_wait3A_204 = tpu.memref_slice %arg2[%dma_wait3A_202, %dma_wait3A_203] : memref<20000x32xf32, #tpu.memory_space<hbm>> -> memref<125x32xf32, #tpu.memory_space<hbm>>
      tpu.wait_dma2 semaphore(%arg12 : memref<!tpu.dma_semaphore, #tpu.memory_space<semaphore_mem>>) src(%dma_wait3A_204 : memref<125x32xf32, #tpu.memory_space<hbm>>) dst(%dma_wait3A_201 : memref<125x32xf32, #tpu.memory_space<vmem>>)
      %run_scoped3A_205 = arith.constant 1 : i32
      "tpu.region"() ({
        %run_scoped3A_363 = tpu.sem_alloc : memref<!tpu.dma_semaphore, #tpu.memory_space<semaphore_mem>>
        %dma_start3A_364 = arith.constant 0 : i32
        %dma_start3A_365 = arith.constant 0 : i32
        %dma_start3A_366 = tpu.memref_slice %arg8[%run_scoped3A_205, %dma_start3A_364, %dma_start3A_365] : memref<8x125x32xf32, #tpu.memory_space<vmem>> -> memref<1x125x32xf32, #tpu.memory_space<vmem>>
        %dma_start3A_367 = tpu.memref_squeeze %dma_start3A_366 : memref<1x125x32xf32, #tpu.memory_space<vmem>> -> memref<125x32xf32, #tpu.memory_space<vmem>>
        %dma_start3A_368 = arith.constant 0 : i32
        %dma_start3A_369 = tpu.memref_slice %arg7[%add3A_189, %dma_start3A_368] : memref<160x125xi32, #tpu.memory_space<vmem>> -> memref<1x125xi32, #tpu.memory_space<vmem>>
        %dma_start3A_370 = tpu.memref_squeeze %dma_start3A_369 : memref<1x125xi32, #tpu.memory_space<vmem>> -> memref<125xi32, #tpu.memory_space<vmem>>
        %dma_start3A_371 = arith.constant 0 : i32
        %dma_start3A_372 = arith.constant 0 : i32
        %dma_start3A_373 = tpu.memref_slice %arg10[%dma_start3A_371, %dma_start3A_372] : memref<10240x32xf32, #tpu.memory_space<vmem_shared>> -> memref<10240x32xf32, #tpu.memory_space<vmem_shared>>
        tpu.enqueue_indirect_dma source(%dma_start3A_367 : memref<125x32xf32, #tpu.memory_space<vmem>>) target(%dma_start3A_373 : memref<10240x32xf32, #tpu.memory_space<vmem_shared>>) offsets(%dma_start3A_370 : memref<125xi32, #tpu.memory_space<vmem>>) semaphore(%run_scoped3A_363 : memref<!tpu.dma_semaphore, #tpu.memory_space<semaphore_mem>>) {add = true}
        %dma_wait3A_374 = arith.constant 0 : i32
        %dma_wait3A_375 = arith.constant 0 : i32
        %dma_wait3A_376 = tpu.memref_slice %arg8[%run_scoped3A_205, %dma_wait3A_374, %dma_wait3A_375] : memref<8x125x32xf32, #tpu.memory_space<vmem>> -> memref<1x125x32xf32, #tpu.memory_space<vmem>>
        %dma_wait3A_377 = tpu.memref_squeeze %dma_wait3A_376 : memref<1x125x32xf32, #tpu.memory_space<vmem>> -> memref<125x32xf32, #tpu.memory_space<vmem>>
        %dma_wait3A_378 = arith.constant 0 : i32
        %dma_wait3A_379 = tpu.memref_slice %arg7[%add3A_189, %dma_wait3A_378] : memref<160x125xi32, #tpu.memory_space<vmem>> -> memref<1x125xi32, #tpu.memory_space<vmem>>
        %dma_wait3A_380 = tpu.memref_squeeze %dma_wait3A_379 : memref<1x125xi32, #tpu.memory_space<vmem>> -> memref<125xi32, #tpu.memory_space<vmem>>
        %dma_wait3A_381 = arith.constant 0 : i32
        %dma_wait3A_382 = arith.constant 0 : i32
        %dma_wait3A_383 = tpu.memref_slice %arg10[%dma_wait3A_381, %dma_wait3A_382] : memref<10240x32xf32, #tpu.memory_space<vmem_shared>> -> memref<10240x32xf32, #tpu.memory_space<vmem_shared>>
        tpu.wait_indirect_dma semaphore(%run_scoped3A_363 : memref<!tpu.dma_semaphore, #tpu.memory_space<semaphore_mem>>) src(%dma_wait3A_377 : memref<125x32xf32, #tpu.memory_space<vmem>>) dst(%dma_wait3A_383 : memref<10240x32xf32, #tpu.memory_space<vmem_shared>>)
        tpu.yield
      }) : () -> ()
      %add3A_206 = arith.constant 8 : i32
      %add3A_207 = arith.addi %add3A_189, %add3A_206 : i32
      %lt3A_208 = arith.constant 160 : i32
      %lt3A_209 = arith.cmpi slt, %add3A_207, %lt3A_208 : i32
      %convert_element_type3A_210 = arith.extui %lt3A_209 : i1 to i32
      %cond3A_211 = arith.constant 0 : i32
      %cond3A_212 = arith.cmpi ne, %convert_element_type3A_210, %cond3A_211 : i32
      scf.if %cond3A_212 {
        %add3A_363 = arith.constant 8 : i32
        %add3A_364 = arith.addi %add3A_189, %add3A_363 : i32
        %dma_start3A_365 = arith.constant 1 : i32
        %dma_start3A_366 = arith.constant 0 : i32
        %dma_start3A_367 = arith.constant 0 : i32
        %dma_start3A_368 = tpu.memref_slice %arg8[%dma_start3A_365, %dma_start3A_366, %dma_start3A_367] : memref<8x125x32xf32, #tpu.memory_space<vmem>> -> memref<1x125x32xf32, #tpu.memory_space<vmem>>
        %dma_start3A_369 = tpu.memref_squeeze %dma_start3A_368 : memref<1x125x32xf32, #tpu.memory_space<vmem>> -> memref<125x32xf32, #tpu.memory_space<vmem>>
        %dma_start3A_370 = arith.constant 0 : i32
        %dma_start3A_371 = tpu.memref_slice %arg6[%add3A_364, %dma_start3A_370] : memref<160x125xi32, #tpu.memory_space<vmem>> -> memref<1x125xi32, #tpu.memory_space<vmem>>
        %dma_start3A_372 = tpu.memref_squeeze %dma_start3A_371 : memref<1x125xi32, #tpu.memory_space<vmem>> -> memref<125xi32, #tpu.memory_space<vmem>>
        %dma_start3A_373 = arith.constant 0 : i32
        %dma_start3A_374 = arith.constant 0 : i32
        %dma_start3A_375 = tpu.memref_slice %arg2[%dma_start3A_373, %dma_start3A_374] : memref<20000x32xf32, #tpu.memory_space<hbm>> -> memref<20000x32xf32, #tpu.memory_space<hbm>>
        tpu.enqueue_indirect_dma source(%dma_start3A_375 : memref<20000x32xf32, #tpu.memory_space<hbm>>) target(%dma_start3A_369 : memref<125x32xf32, #tpu.memory_space<vmem>>) offsets(%dma_start3A_372 : memref<125xi32, #tpu.memory_space<vmem>>) semaphore(%arg12 : memref<!tpu.dma_semaphore, #tpu.memory_space<semaphore_mem>>)
      } else {
      }
      %add3A_213 = arith.constant 2 : i32
      %add3A_214 = arith.addi %mul3A_165, %add3A_213 : i32
      %dma_wait3A_215 = arith.constant 2 : i32
      %dma_wait3A_216 = arith.constant 0 : i32
      %dma_wait3A_217 = arith.constant 0 : i32
      %dma_wait3A_218 = tpu.memref_slice %arg8[%dma_wait3A_215, %dma_wait3A_216, %dma_wait3A_217] : memref<8x125x32xf32, #tpu.memory_space<vmem>> -> memref<1x125x32xf32, #tpu.memory_space<vmem>>
      %dma_wait3A_219 = tpu.memref_squeeze %dma_wait3A_218 : memref<1x125x32xf32, #tpu.memory_space<vmem>> -> memref<125x32xf32, #tpu.memory_space<vmem>>
      %dma_wait3A_220 = arith.constant 0 : i32
      %dma_wait3A_221 = arith.constant 0 : i32
      %dma_wait3A_222 = tpu.memref_slice %arg2[%dma_wait3A_220, %dma_wait3A_221] : memref<20000x32xf32, #tpu.memory_space<hbm>> -> memref<125x32xf32, #tpu.memory_space<hbm>>
      %dma_wait3A_223 = arith.constant 0 : i32
      %dma_wait3A_224 = arith.constant 0 : i32
      %dma_wait3A_225 = tpu.memref_slice %arg8[%dma_wait3A_215, %dma_wait3A_223, %dma_wait3A_224] : memref<8x125x32xf32, #tpu.memory_space<vmem>> -> memref<1x125x32xf32, #tpu.memory_space<vmem>>
      %dma_wait3A_226 = tpu.memref_squeeze %dma_wait3A_225 : memref<1x125x32xf32, #tpu.memory_space<vmem>> -> memref<125x32xf32, #tpu.memory_space<vmem>>
      %dma_wait3A_227 = arith.constant 0 : i32
      %dma_wait3A_228 = arith.constant 0 : i32
      %dma_wait3A_229 = tpu.memref_slice %arg2[%dma_wait3A_227, %dma_wait3A_228] : memref<20000x32xf32, #tpu.memory_space<hbm>> -> memref<125x32xf32, #tpu.memory_space<hbm>>
      tpu.wait_dma2 semaphore(%arg13 : memref<!tpu.dma_semaphore, #tpu.memory_space<semaphore_mem>>) src(%dma_wait3A_229 : memref<125x32xf32, #tpu.memory_space<hbm>>) dst(%dma_wait3A_226 : memref<125x32xf32, #tpu.memory_space<vmem>>)
      %run_scoped3A_230 = arith.constant 2 : i32
      "tpu.region"() ({
        %run_scoped3A_363 = tpu.sem_alloc : memref<!tpu.dma_semaphore, #tpu.memory_space<semaphore_mem>>
        %dma_start3A_364 = arith.constant 0 : i32
        %dma_start3A_365 = arith.constant 0 : i32
        %dma_start3A_366 = tpu.memref_slice %arg8[%run_scoped3A_230, %dma_start3A_364, %dma_start3A_365] : memref<8x125x32xf32, #tpu.memory_space<vmem>> -> memref<1x125x32xf32, #tpu.memory_space<vmem>>
        %dma_start3A_367 = tpu.memref_squeeze %dma_start3A_366 : memref<1x125x32xf32, #tpu.memory_space<vmem>> -> memref<125x32xf32, #tpu.memory_space<vmem>>
        %dma_start3A_368 = arith.constant 0 : i32
        %dma_start3A_369 = tpu.memref_slice %arg7[%add3A_214, %dma_start3A_368] : memref<160x125xi32, #tpu.memory_space<vmem>> -> memref<1x125xi32, #tpu.memory_space<vmem>>
        %dma_start3A_370 = tpu.memref_squeeze %dma_start3A_369 : memref<1x125xi32, #tpu.memory_space<vmem>> -> memref<125xi32, #tpu.memory_space<vmem>>
        %dma_start3A_371 = arith.constant 0 : i32
        %dma_start3A_372 = arith.constant 0 : i32
        %dma_start3A_373 = tpu.memref_slice %arg10[%dma_start3A_371, %dma_start3A_372] : memref<10240x32xf32, #tpu.memory_space<vmem_shared>> -> memref<10240x32xf32, #tpu.memory_space<vmem_shared>>
        tpu.enqueue_indirect_dma source(%dma_start3A_367 : memref<125x32xf32, #tpu.memory_space<vmem>>) target(%dma_start3A_373 : memref<10240x32xf32, #tpu.memory_space<vmem_shared>>) offsets(%dma_start3A_370 : memref<125xi32, #tpu.memory_space<vmem>>) semaphore(%run_scoped3A_363 : memref<!tpu.dma_semaphore, #tpu.memory_space<semaphore_mem>>) {add = true}
        %dma_wait3A_374 = arith.constant 0 : i32
        %dma_wait3A_375 = arith.constant 0 : i32
        %dma_wait3A_376 = tpu.memref_slice %arg8[%run_scoped3A_230, %dma_wait3A_374, %dma_wait3A_375] : memref<8x125x32xf32, #tpu.memory_space<vmem>> -> memref<1x125x32xf32, #tpu.memory_space<vmem>>
        %dma_wait3A_377 = tpu.memref_squeeze %dma_wait3A_376 : memref<1x125x32xf32, #tpu.memory_space<vmem>> -> memref<125x32xf32, #tpu.memory_space<vmem>>
        %dma_wait3A_378 = arith.constant 0 : i32
        %dma_wait3A_379 = tpu.memref_slice %arg7[%add3A_214, %dma_wait3A_378] : memref<160x125xi32, #tpu.memory_space<vmem>> -> memref<1x125xi32, #tpu.memory_space<vmem>>
        %dma_wait3A_380 = tpu.memref_squeeze %dma_wait3A_379 : memref<1x125xi32, #tpu.memory_space<vmem>> -> memref<125xi32, #tpu.memory_space<vmem>>
        %dma_wait3A_381 = arith.constant 0 : i32
        %dma_wait3A_382 = arith.constant 0 : i32
        %dma_wait3A_383 = tpu.memref_slice %arg10[%dma_wait3A_381, %dma_wait3A_382] : memref<10240x32xf32, #tpu.memory_space<vmem_shared>> -> memref<10240x32xf32, #tpu.memory_space<vmem_shared>>
        tpu.wait_indirect_dma semaphore(%run_scoped3A_363 : memref<!tpu.dma_semaphore, #tpu.memory_space<semaphore_mem>>) src(%dma_wait3A_377 : memref<125x32xf32, #tpu.memory_space<vmem>>) dst(%dma_wait3A_383 : memref<10240x32xf32, #tpu.memory_space<vmem_shared>>)
        tpu.yield
      }) : () -> ()
      %add3A_231 = arith.constant 8 : i32
      %add3A_232 = arith.addi %add3A_214, %add3A_231 : i32
      %lt3A_233 = arith.constant 160 : i32
      %lt3A_234 = arith.cmpi slt, %add3A_232, %lt3A_233 : i32
      %convert_element_type3A_235 = arith.extui %lt3A_234 : i1 to i32
      %cond3A_236 = arith.constant 0 : i32
      %cond3A_237 = arith.cmpi ne, %convert_element_type3A_235, %cond3A_236 : i32
      scf.if %cond3A_237 {
        %add3A_363 = arith.constant 8 : i32
        %add3A_364 = arith.addi %add3A_214, %add3A_363 : i32
        %dma_start3A_365 = arith.constant 2 : i32
        %dma_start3A_366 = arith.constant 0 : i32
        %dma_start3A_367 = arith.constant 0 : i32
        %dma_start3A_368 = tpu.memref_slice %arg8[%dma_start3A_365, %dma_start3A_366, %dma_start3A_367] : memref<8x125x32xf32, #tpu.memory_space<vmem>> -> memref<1x125x32xf32, #tpu.memory_space<vmem>>
        %dma_start3A_369 = tpu.memref_squeeze %dma_start3A_368 : memref<1x125x32xf32, #tpu.memory_space<vmem>> -> memref<125x32xf32, #tpu.memory_space<vmem>>
        %dma_start3A_370 = arith.constant 0 : i32
        %dma_start3A_371 = tpu.memref_slice %arg6[%add3A_364, %dma_start3A_370] : memref<160x125xi32, #tpu.memory_space<vmem>> -> memref<1x125xi32, #tpu.memory_space<vmem>>
        %dma_start3A_372 = tpu.memref_squeeze %dma_start3A_371 : memref<1x125xi32, #tpu.memory_space<vmem>> -> memref<125xi32, #tpu.memory_space<vmem>>
        %dma_start3A_373 = arith.constant 0 : i32
        %dma_start3A_374 = arith.constant 0 : i32
        %dma_start3A_375 = tpu.memref_slice %arg2[%dma_start3A_373, %dma_start3A_374] : memref<20000x32xf32, #tpu.memory_space<hbm>> -> memref<20000x32xf32, #tpu.memory_space<hbm>>
        tpu.enqueue_indirect_dma source(%dma_start3A_375 : memref<20000x32xf32, #tpu.memory_space<hbm>>) target(%dma_start3A_369 : memref<125x32xf32, #tpu.memory_space<vmem>>) offsets(%dma_start3A_372 : memref<125xi32, #tpu.memory_space<vmem>>) semaphore(%arg13 : memref<!tpu.dma_semaphore, #tpu.memory_space<semaphore_mem>>)
      } else {
      }
      %add3A_238 = arith.constant 3 : i32
      %add3A_239 = arith.addi %mul3A_165, %add3A_238 : i32
      %dma_wait3A_240 = arith.constant 3 : i32
      %dma_wait3A_241 = arith.constant 0 : i32
      %dma_wait3A_242 = arith.constant 0 : i32
      %dma_wait3A_243 = tpu.memref_slice %arg8[%dma_wait3A_240, %dma_wait3A_241, %dma_wait3A_242] : memref<8x125x32xf32, #tpu.memory_space<vmem>> -> memref<1x125x32xf32, #tpu.memory_space<vmem>>
      %dma_wait3A_244 = tpu.memref_squeeze %dma_wait3A_243 : memref<1x125x32xf32, #tpu.memory_space<vmem>> -> memref<125x32xf32, #tpu.memory_space<vmem>>
      %dma_wait3A_245 = arith.constant 0 : i32
      %dma_wait3A_246 = arith.constant 0 : i32
      %dma_wait3A_247 = tpu.memref_slice %arg2[%dma_wait3A_245, %dma_wait3A_246] : memref<20000x32xf32, #tpu.memory_space<hbm>> -> memref<125x32xf32, #tpu.memory_space<hbm>>
      %dma_wait3A_248 = arith.constant 0 : i32
      %dma_wait3A_249 = arith.constant 0 : i32
      %dma_wait3A_250 = tpu.memref_slice %arg8[%dma_wait3A_240, %dma_wait3A_248, %dma_wait3A_249] : memref<8x125x32xf32, #tpu.memory_space<vmem>> -> memref<1x125x32xf32, #tpu.memory_space<vmem>>
      %dma_wait3A_251 = tpu.memref_squeeze %dma_wait3A_250 : memref<1x125x32xf32, #tpu.memory_space<vmem>> -> memref<125x32xf32, #tpu.memory_space<vmem>>
      %dma_wait3A_252 = arith.constant 0 : i32
      %dma_wait3A_253 = arith.constant 0 : i32
      %dma_wait3A_254 = tpu.memref_slice %arg2[%dma_wait3A_252, %dma_wait3A_253] : memref<20000x32xf32, #tpu.memory_space<hbm>> -> memref<125x32xf32, #tpu.memory_space<hbm>>
      tpu.wait_dma2 semaphore(%arg14 : memref<!tpu.dma_semaphore, #tpu.memory_space<semaphore_mem>>) src(%dma_wait3A_254 : memref<125x32xf32, #tpu.memory_space<hbm>>) dst(%dma_wait3A_251 : memref<125x32xf32, #tpu.memory_space<vmem>>)
      %run_scoped3A_255 = arith.constant 3 : i32
      "tpu.region"() ({
        %run_scoped3A_363 = tpu.sem_alloc : memref<!tpu.dma_semaphore, #tpu.memory_space<semaphore_mem>>
        %dma_start3A_364 = arith.constant 0 : i32
        %dma_start3A_365 = arith.constant 0 : i32
        %dma_start3A_366 = tpu.memref_slice %arg8[%run_scoped3A_255, %dma_start3A_364, %dma_start3A_365] : memref<8x125x32xf32, #tpu.memory_space<vmem>> -> memref<1x125x32xf32, #tpu.memory_space<vmem>>
        %dma_start3A_367 = tpu.memref_squeeze %dma_start3A_366 : memref<1x125x32xf32, #tpu.memory_space<vmem>> -> memref<125x32xf32, #tpu.memory_space<vmem>>
        %dma_start3A_368 = arith.constant 0 : i32
        %dma_start3A_369 = tpu.memref_slice %arg7[%add3A_239, %dma_start3A_368] : memref<160x125xi32, #tpu.memory_space<vmem>> -> memref<1x125xi32, #tpu.memory_space<vmem>>
        %dma_start3A_370 = tpu.memref_squeeze %dma_start3A_369 : memref<1x125xi32, #tpu.memory_space<vmem>> -> memref<125xi32, #tpu.memory_space<vmem>>
        %dma_start3A_371 = arith.constant 0 : i32
        %dma_start3A_372 = arith.constant 0 : i32
        %dma_start3A_373 = tpu.memref_slice %arg10[%dma_start3A_371, %dma_start3A_372] : memref<10240x32xf32, #tpu.memory_space<vmem_shared>> -> memref<10240x32xf32, #tpu.memory_space<vmem_shared>>
        tpu.enqueue_indirect_dma source(%dma_start3A_367 : memref<125x32xf32, #tpu.memory_space<vmem>>) target(%dma_start3A_373 : memref<10240x32xf32, #tpu.memory_space<vmem_shared>>) offsets(%dma_start3A_370 : memref<125xi32, #tpu.memory_space<vmem>>) semaphore(%run_scoped3A_363 : memref<!tpu.dma_semaphore, #tpu.memory_space<semaphore_mem>>) {add = true}
        %dma_wait3A_374 = arith.constant 0 : i32
        %dma_wait3A_375 = arith.constant 0 : i32
        %dma_wait3A_376 = tpu.memref_slice %arg8[%run_scoped3A_255, %dma_wait3A_374, %dma_wait3A_375] : memref<8x125x32xf32, #tpu.memory_space<vmem>> -> memref<1x125x32xf32, #tpu.memory_space<vmem>>
        %dma_wait3A_377 = tpu.memref_squeeze %dma_wait3A_376 : memref<1x125x32xf32, #tpu.memory_space<vmem>> -> memref<125x32xf32, #tpu.memory_space<vmem>>
        %dma_wait3A_378 = arith.constant 0 : i32
        %dma_wait3A_379 = tpu.memref_slice %arg7[%add3A_239, %dma_wait3A_378] : memref<160x125xi32, #tpu.memory_space<vmem>> -> memref<1x125xi32, #tpu.memory_space<vmem>>
        %dma_wait3A_380 = tpu.memref_squeeze %dma_wait3A_379 : memref<1x125xi32, #tpu.memory_space<vmem>> -> memref<125xi32, #tpu.memory_space<vmem>>
        %dma_wait3A_381 = arith.constant 0 : i32
        %dma_wait3A_382 = arith.constant 0 : i32
        %dma_wait3A_383 = tpu.memref_slice %arg10[%dma_wait3A_381, %dma_wait3A_382] : memref<10240x32xf32, #tpu.memory_space<vmem_shared>> -> memref<10240x32xf32, #tpu.memory_space<vmem_shared>>
        tpu.wait_indirect_dma semaphore(%run_scoped3A_363 : memref<!tpu.dma_semaphore, #tpu.memory_space<semaphore_mem>>) src(%dma_wait3A_377 : memref<125x32xf32, #tpu.memory_space<vmem>>) dst(%dma_wait3A_383 : memref<10240x32xf32, #tpu.memory_space<vmem_shared>>)
        tpu.yield
      }) : () -> ()
      %add3A_256 = arith.constant 8 : i32
      %add3A_257 = arith.addi %add3A_239, %add3A_256 : i32
      %lt3A_258 = arith.constant 160 : i32
      %lt3A_259 = arith.cmpi slt, %add3A_257, %lt3A_258 : i32
      %convert_element_type3A_260 = arith.extui %lt3A_259 : i1 to i32
      %cond3A_261 = arith.constant 0 : i32
      %cond3A_262 = arith.cmpi ne, %convert_element_type3A_260, %cond3A_261 : i32
      scf.if %cond3A_262 {
        %add3A_363 = arith.constant 8 : i32
        %add3A_364 = arith.addi %add3A_239, %add3A_363 : i32
        %dma_start3A_365 = arith.constant 3 : i32
        %dma_start3A_366 = arith.constant 0 : i32
        %dma_start3A_367 = arith.constant 0 : i32
        %dma_start3A_368 = tpu.memref_slice %arg8[%dma_start3A_365, %dma_start3A_366, %dma_start3A_367] : memref<8x125x32xf32, #tpu.memory_space<vmem>> -> memref<1x125x32xf32, #tpu.memory_space<vmem>>
        %dma_start3A_369 = tpu.memref_squeeze %dma_start3A_368 : memref<1x125x32xf32, #tpu.memory_space<vmem>> -> memref<125x32xf32, #tpu.memory_space<vmem>>
        %dma_start3A_370 = arith.constant 0 : i32
        %dma_start3A_371 = tpu.memref_slice %arg6[%add3A_364, %dma_start3A_370] : memref<160x125xi32, #tpu.memory_space<vmem>> -> memref<1x125xi32, #tpu.memory_space<vmem>>
        %dma_start3A_372 = tpu.memref_squeeze %dma_start3A_371 : memref<1x125xi32, #tpu.memory_space<vmem>> -> memref<125xi32, #tpu.memory_space<vmem>>
        %dma_start3A_373 = arith.constant 0 : i32
        %dma_start3A_374 = arith.constant 0 : i32
        %dma_start3A_375 = tpu.memref_slice %arg2[%dma_start3A_373, %dma_start3A_374] : memref<20000x32xf32, #tpu.memory_space<hbm>> -> memref<20000x32xf32, #tpu.memory_space<hbm>>
        tpu.enqueue_indirect_dma source(%dma_start3A_375 : memref<20000x32xf32, #tpu.memory_space<hbm>>) target(%dma_start3A_369 : memref<125x32xf32, #tpu.memory_space<vmem>>) offsets(%dma_start3A_372 : memref<125xi32, #tpu.memory_space<vmem>>) semaphore(%arg14 : memref<!tpu.dma_semaphore, #tpu.memory_space<semaphore_mem>>)
      } else {
      }
      %add3A_263 = arith.constant 4 : i32
      %add3A_264 = arith.addi %mul3A_165, %add3A_263 : i32
      %dma_wait3A_265 = arith.constant 4 : i32
      %dma_wait3A_266 = arith.constant 0 : i32
      %dma_wait3A_267 = arith.constant 0 : i32
      %dma_wait3A_268 = tpu.memref_slice %arg8[%dma_wait3A_265, %dma_wait3A_266, %dma_wait3A_267] : memref<8x125x32xf32, #tpu.memory_space<vmem>> -> memref<1x125x32xf32, #tpu.memory_space<vmem>>
      %dma_wait3A_269 = tpu.memref_squeeze %dma_wait3A_268 : memref<1x125x32xf32, #tpu.memory_space<vmem>> -> memref<125x32xf32, #tpu.memory_space<vmem>>
      %dma_wait3A_270 = arith.constant 0 : i32
      %dma_wait3A_271 = arith.constant 0 : i32
      %dma_wait3A_272 = tpu.memref_slice %arg2[%dma_wait3A_270, %dma_wait3A_271] : memref<20000x32xf32, #tpu.memory_space<hbm>> -> memref<125x32xf32, #tpu.memory_space<hbm>>
      %dma_wait3A_273 = arith.constant 0 : i32
      %dma_wait3A_274 = arith.constant 0 : i32
      %dma_wait3A_275 = tpu.memref_slice %arg8[%dma_wait3A_265, %dma_wait3A_273, %dma_wait3A_274] : memref<8x125x32xf32, #tpu.memory_space<vmem>> -> memref<1x125x32xf32, #tpu.memory_space<vmem>>
      %dma_wait3A_276 = tpu.memref_squeeze %dma_wait3A_275 : memref<1x125x32xf32, #tpu.memory_space<vmem>> -> memref<125x32xf32, #tpu.memory_space<vmem>>
      %dma_wait3A_277 = arith.constant 0 : i32
      %dma_wait3A_278 = arith.constant 0 : i32
      %dma_wait3A_279 = tpu.memref_slice %arg2[%dma_wait3A_277, %dma_wait3A_278] : memref<20000x32xf32, #tpu.memory_space<hbm>> -> memref<125x32xf32, #tpu.memory_space<hbm>>
      tpu.wait_dma2 semaphore(%arg15 : memref<!tpu.dma_semaphore, #tpu.memory_space<semaphore_mem>>) src(%dma_wait3A_279 : memref<125x32xf32, #tpu.memory_space<hbm>>) dst(%dma_wait3A_276 : memref<125x32xf32, #tpu.memory_space<vmem>>)
      %run_scoped3A_280 = arith.constant 4 : i32
      "tpu.region"() ({
        %run_scoped3A_363 = tpu.sem_alloc : memref<!tpu.dma_semaphore, #tpu.memory_space<semaphore_mem>>
        %dma_start3A_364 = arith.constant 0 : i32
        %dma_start3A_365 = arith.constant 0 : i32
        %dma_start3A_366 = tpu.memref_slice %arg8[%run_scoped3A_280, %dma_start3A_364, %dma_start3A_365] : memref<8x125x32xf32, #tpu.memory_space<vmem>> -> memref<1x125x32xf32, #tpu.memory_space<vmem>>
        %dma_start3A_367 = tpu.memref_squeeze %dma_start3A_366 : memref<1x125x32xf32, #tpu.memory_space<vmem>> -> memref<125x32xf32, #tpu.memory_space<vmem>>
        %dma_start3A_368 = arith.constant 0 : i32
        %dma_start3A_369 = tpu.memref_slice %arg7[%add3A_264, %dma_start3A_368] : memref<160x125xi32, #tpu.memory_space<vmem>> -> memref<1x125xi32, #tpu.memory_space<vmem>>
        %dma_start3A_370 = tpu.memref_squeeze %dma_start3A_369 : memref<1x125xi32, #tpu.memory_space<vmem>> -> memref<125xi32, #tpu.memory_space<vmem>>
        %dma_start3A_371 = arith.constant 0 : i32
        %dma_start3A_372 = arith.constant 0 : i32
        %dma_start3A_373 = tpu.memref_slice %arg10[%dma_start3A_371, %dma_start3A_372] : memref<10240x32xf32, #tpu.memory_space<vmem_shared>> -> memref<10240x32xf32, #tpu.memory_space<vmem_shared>>
        tpu.enqueue_indirect_dma source(%dma_start3A_367 : memref<125x32xf32, #tpu.memory_space<vmem>>) target(%dma_start3A_373 : memref<10240x32xf32, #tpu.memory_space<vmem_shared>>) offsets(%dma_start3A_370 : memref<125xi32, #tpu.memory_space<vmem>>) semaphore(%run_scoped3A_363 : memref<!tpu.dma_semaphore, #tpu.memory_space<semaphore_mem>>) {add = true}
        %dma_wait3A_374 = arith.constant 0 : i32
        %dma_wait3A_375 = arith.constant 0 : i32
        %dma_wait3A_376 = tpu.memref_slice %arg8[%run_scoped3A_280, %dma_wait3A_374, %dma_wait3A_375] : memref<8x125x32xf32, #tpu.memory_space<vmem>> -> memref<1x125x32xf32, #tpu.memory_space<vmem>>
        %dma_wait3A_377 = tpu.memref_squeeze %dma_wait3A_376 : memref<1x125x32xf32, #tpu.memory_space<vmem>> -> memref<125x32xf32, #tpu.memory_space<vmem>>
        %dma_wait3A_378 = arith.constant 0 : i32
        %dma_wait3A_379 = tpu.memref_slice %arg7[%add3A_264, %dma_wait3A_378] : memref<160x125xi32, #tpu.memory_space<vmem>> -> memref<1x125xi32, #tpu.memory_space<vmem>>
        %dma_wait3A_380 = tpu.memref_squeeze %dma_wait3A_379 : memref<1x125xi32, #tpu.memory_space<vmem>> -> memref<125xi32, #tpu.memory_space<vmem>>
        %dma_wait3A_381 = arith.constant 0 : i32
        %dma_wait3A_382 = arith.constant 0 : i32
        %dma_wait3A_383 = tpu.memref_slice %arg10[%dma_wait3A_381, %dma_wait3A_382] : memref<10240x32xf32, #tpu.memory_space<vmem_shared>> -> memref<10240x32xf32, #tpu.memory_space<vmem_shared>>
        tpu.wait_indirect_dma semaphore(%run_scoped3A_363 : memref<!tpu.dma_semaphore, #tpu.memory_space<semaphore_mem>>) src(%dma_wait3A_377 : memref<125x32xf32, #tpu.memory_space<vmem>>) dst(%dma_wait3A_383 : memref<10240x32xf32, #tpu.memory_space<vmem_shared>>)
        tpu.yield
      }) : () -> ()
      %add3A_281 = arith.constant 8 : i32
      %add3A_282 = arith.addi %add3A_264, %add3A_281 : i32
      %lt3A_283 = arith.constant 160 : i32
      %lt3A_284 = arith.cmpi slt, %add3A_282, %lt3A_283 : i32
      %convert_element_type3A_285 = arith.extui %lt3A_284 : i1 to i32
      %cond3A_286 = arith.constant 0 : i32
      %cond3A_287 = arith.cmpi ne, %convert_element_type3A_285, %cond3A_286 : i32
      scf.if %cond3A_287 {
        %add3A_363 = arith.constant 8 : i32
        %add3A_364 = arith.addi %add3A_264, %add3A_363 : i32
        %dma_start3A_365 = arith.constant 4 : i32
        %dma_start3A_366 = arith.constant 0 : i32
        %dma_start3A_367 = arith.constant 0 : i32
        %dma_start3A_368 = tpu.memref_slice %arg8[%dma_start3A_365, %dma_start3A_366, %dma_start3A_367] : memref<8x125x32xf32, #tpu.memory_space<vmem>> -> memref<1x125x32xf32, #tpu.memory_space<vmem>>
        %dma_start3A_369 = tpu.memref_squeeze %dma_start3A_368 : memref<1x125x32xf32, #tpu.memory_space<vmem>> -> memref<125x32xf32, #tpu.memory_space<vmem>>
        %dma_start3A_370 = arith.constant 0 : i32
        %dma_start3A_371 = tpu.memref_slice %arg6[%add3A_364, %dma_start3A_370] : memref<160x125xi32, #tpu.memory_space<vmem>> -> memref<1x125xi32, #tpu.memory_space<vmem>>
        %dma_start3A_372 = tpu.memref_squeeze %dma_start3A_371 : memref<1x125xi32, #tpu.memory_space<vmem>> -> memref<125xi32, #tpu.memory_space<vmem>>
        %dma_start3A_373 = arith.constant 0 : i32
        %dma_start3A_374 = arith.constant 0 : i32
        %dma_start3A_375 = tpu.memref_slice %arg2[%dma_start3A_373, %dma_start3A_374] : memref<20000x32xf32, #tpu.memory_space<hbm>> -> memref<20000x32xf32, #tpu.memory_space<hbm>>
        tpu.enqueue_indirect_dma source(%dma_start3A_375 : memref<20000x32xf32, #tpu.memory_space<hbm>>) target(%dma_start3A_369 : memref<125x32xf32, #tpu.memory_space<vmem>>) offsets(%dma_start3A_372 : memref<125xi32, #tpu.memory_space<vmem>>) semaphore(%arg15 : memref<!tpu.dma_semaphore, #tpu.memory_space<semaphore_mem>>)
      } else {
      }
      %add3A_288 = arith.constant 5 : i32
      %add3A_289 = arith.addi %mul3A_165, %add3A_288 : i32
      %dma_wait3A_290 = arith.constant 5 : i32
      %dma_wait3A_291 = arith.constant 0 : i32
      %dma_wait3A_292 = arith.constant 0 : i32
      %dma_wait3A_293 = tpu.memref_slice %arg8[%dma_wait3A_290, %dma_wait3A_291, %dma_wait3A_292] : memref<8x125x32xf32, #tpu.memory_space<vmem>> -> memref<1x125x32xf32, #tpu.memory_space<vmem>>
      %dma_wait3A_294 = tpu.memref_squeeze %dma_wait3A_293 : memref<1x125x32xf32, #tpu.memory_space<vmem>> -> memref<125x32xf32, #tpu.memory_space<vmem>>
      %dma_wait3A_295 = arith.constant 0 : i32
      %dma_wait3A_296 = arith.constant 0 : i32
      %dma_wait3A_297 = tpu.memref_slice %arg2[%dma_wait3A_295, %dma_wait3A_296] : memref<20000x32xf32, #tpu.memory_space<hbm>> -> memref<125x32xf32, #tpu.memory_space<hbm>>
      %dma_wait3A_298 = arith.constant 0 : i32
      %dma_wait3A_299 = arith.constant 0 : i32
      %dma_wait3A_300 = tpu.memref_slice %arg8[%dma_wait3A_290, %dma_wait3A_298, %dma_wait3A_299] : memref<8x125x32xf32, #tpu.memory_space<vmem>> -> memref<1x125x32xf32, #tpu.memory_space<vmem>>
      %dma_wait3A_301 = tpu.memref_squeeze %dma_wait3A_300 : memref<1x125x32xf32, #tpu.memory_space<vmem>> -> memref<125x32xf32, #tpu.memory_space<vmem>>
      %dma_wait3A_302 = arith.constant 0 : i32
      %dma_wait3A_303 = arith.constant 0 : i32
      %dma_wait3A_304 = tpu.memref_slice %arg2[%dma_wait3A_302, %dma_wait3A_303] : memref<20000x32xf32, #tpu.memory_space<hbm>> -> memref<125x32xf32, #tpu.memory_space<hbm>>
      tpu.wait_dma2 semaphore(%arg16 : memref<!tpu.dma_semaphore, #tpu.memory_space<semaphore_mem>>) src(%dma_wait3A_304 : memref<125x32xf32, #tpu.memory_space<hbm>>) dst(%dma_wait3A_301 : memref<125x32xf32, #tpu.memory_space<vmem>>)
      %run_scoped3A_305 = arith.constant 5 : i32
      "tpu.region"() ({
        %run_scoped3A_363 = tpu.sem_alloc : memref<!tpu.dma_semaphore, #tpu.memory_space<semaphore_mem>>
        %dma_start3A_364 = arith.constant 0 : i32
        %dma_start3A_365 = arith.constant 0 : i32
        %dma_start3A_366 = tpu.memref_slice %arg8[%run_scoped3A_305, %dma_start3A_364, %dma_start3A_365] : memref<8x125x32xf32, #tpu.memory_space<vmem>> -> memref<1x125x32xf32, #tpu.memory_space<vmem>>
        %dma_start3A_367 = tpu.memref_squeeze %dma_start3A_366 : memref<1x125x32xf32, #tpu.memory_space<vmem>> -> memref<125x32xf32, #tpu.memory_space<vmem>>
        %dma_start3A_368 = arith.constant 0 : i32
        %dma_start3A_369 = tpu.memref_slice %arg7[%add3A_289, %dma_start3A_368] : memref<160x125xi32, #tpu.memory_space<vmem>> -> memref<1x125xi32, #tpu.memory_space<vmem>>
        %dma_start3A_370 = tpu.memref_squeeze %dma_start3A_369 : memref<1x125xi32, #tpu.memory_space<vmem>> -> memref<125xi32, #tpu.memory_space<vmem>>
        %dma_start3A_371 = arith.constant 0 : i32
        %dma_start3A_372 = arith.constant 0 : i32
        %dma_start3A_373 = tpu.memref_slice %arg10[%dma_start3A_371, %dma_start3A_372] : memref<10240x32xf32, #tpu.memory_space<vmem_shared>> -> memref<10240x32xf32, #tpu.memory_space<vmem_shared>>
        tpu.enqueue_indirect_dma source(%dma_start3A_367 : memref<125x32xf32, #tpu.memory_space<vmem>>) target(%dma_start3A_373 : memref<10240x32xf32, #tpu.memory_space<vmem_shared>>) offsets(%dma_start3A_370 : memref<125xi32, #tpu.memory_space<vmem>>) semaphore(%run_scoped3A_363 : memref<!tpu.dma_semaphore, #tpu.memory_space<semaphore_mem>>) {add = true}
        %dma_wait3A_374 = arith.constant 0 : i32
        %dma_wait3A_375 = arith.constant 0 : i32
        %dma_wait3A_376 = tpu.memref_slice %arg8[%run_scoped3A_305, %dma_wait3A_374, %dma_wait3A_375] : memref<8x125x32xf32, #tpu.memory_space<vmem>> -> memref<1x125x32xf32, #tpu.memory_space<vmem>>
        %dma_wait3A_377 = tpu.memref_squeeze %dma_wait3A_376 : memref<1x125x32xf32, #tpu.memory_space<vmem>> -> memref<125x32xf32, #tpu.memory_space<vmem>>
        %dma_wait3A_378 = arith.constant 0 : i32
        %dma_wait3A_379 = tpu.memref_slice %arg7[%add3A_289, %dma_wait3A_378] : memref<160x125xi32, #tpu.memory_space<vmem>> -> memref<1x125xi32, #tpu.memory_space<vmem>>
        %dma_wait3A_380 = tpu.memref_squeeze %dma_wait3A_379 : memref<1x125xi32, #tpu.memory_space<vmem>> -> memref<125xi32, #tpu.memory_space<vmem>>
        %dma_wait3A_381 = arith.constant 0 : i32
        %dma_wait3A_382 = arith.constant 0 : i32
        %dma_wait3A_383 = tpu.memref_slice %arg10[%dma_wait3A_381, %dma_wait3A_382] : memref<10240x32xf32, #tpu.memory_space<vmem_shared>> -> memref<10240x32xf32, #tpu.memory_space<vmem_shared>>
        tpu.wait_indirect_dma semaphore(%run_scoped3A_363 : memref<!tpu.dma_semaphore, #tpu.memory_space<semaphore_mem>>) src(%dma_wait3A_377 : memref<125x32xf32, #tpu.memory_space<vmem>>) dst(%dma_wait3A_383 : memref<10240x32xf32, #tpu.memory_space<vmem_shared>>)
        tpu.yield
      }) : () -> ()
      %add3A_306 = arith.constant 8 : i32
      %add3A_307 = arith.addi %add3A_289, %add3A_306 : i32
      %lt3A_308 = arith.constant 160 : i32
      %lt3A_309 = arith.cmpi slt, %add3A_307, %lt3A_308 : i32
      %convert_element_type3A_310 = arith.extui %lt3A_309 : i1 to i32
      %cond3A_311 = arith.constant 0 : i32
      %cond3A_312 = arith.cmpi ne, %convert_element_type3A_310, %cond3A_311 : i32
      scf.if %cond3A_312 {
        %add3A_363 = arith.constant 8 : i32
        %add3A_364 = arith.addi %add3A_289, %add3A_363 : i32
        %dma_start3A_365 = arith.constant 5 : i32
        %dma_start3A_366 = arith.constant 0 : i32
        %dma_start3A_367 = arith.constant 0 : i32
        %dma_start3A_368 = tpu.memref_slice %arg8[%dma_start3A_365, %dma_start3A_366, %dma_start3A_367] : memref<8x125x32xf32, #tpu.memory_space<vmem>> -> memref<1x125x32xf32, #tpu.memory_space<vmem>>
        %dma_start3A_369 = tpu.memref_squeeze %dma_start3A_368 : memref<1x125x32xf32, #tpu.memory_space<vmem>> -> memref<125x32xf32, #tpu.memory_space<vmem>>
        %dma_start3A_370 = arith.constant 0 : i32
        %dma_start3A_371 = tpu.memref_slice %arg6[%add3A_364, %dma_start3A_370] : memref<160x125xi32, #tpu.memory_space<vmem>> -> memref<1x125xi32, #tpu.memory_space<vmem>>
        %dma_start3A_372 = tpu.memref_squeeze %dma_start3A_371 : memref<1x125xi32, #tpu.memory_space<vmem>> -> memref<125xi32, #tpu.memory_space<vmem>>
        %dma_start3A_373 = arith.constant 0 : i32
        %dma_start3A_374 = arith.constant 0 : i32
        %dma_start3A_375 = tpu.memref_slice %arg2[%dma_start3A_373, %dma_start3A_374] : memref<20000x32xf32, #tpu.memory_space<hbm>> -> memref<20000x32xf32, #tpu.memory_space<hbm>>
        tpu.enqueue_indirect_dma source(%dma_start3A_375 : memref<20000x32xf32, #tpu.memory_space<hbm>>) target(%dma_start3A_369 : memref<125x32xf32, #tpu.memory_space<vmem>>) offsets(%dma_start3A_372 : memref<125xi32, #tpu.memory_space<vmem>>) semaphore(%arg16 : memref<!tpu.dma_semaphore, #tpu.memory_space<semaphore_mem>>)
      } else {
      }
      %add3A_313 = arith.constant 6 : i32
      %add3A_314 = arith.addi %mul3A_165, %add3A_313 : i32
      %dma_wait3A_315 = arith.constant 6 : i32
      %dma_wait3A_316 = arith.constant 0 : i32
      %dma_wait3A_317 = arith.constant 0 : i32
      %dma_wait3A_318 = tpu.memref_slice %arg8[%dma_wait3A_315, %dma_wait3A_316, %dma_wait3A_317] : memref<8x125x32xf32, #tpu.memory_space<vmem>> -> memref<1x125x32xf32, #tpu.memory_space<vmem>>
      %dma_wait3A_319 = tpu.memref_squeeze %dma_wait3A_318 : memref<1x125x32xf32, #tpu.memory_space<vmem>> -> memref<125x32xf32, #tpu.memory_space<vmem>>
      %dma_wait3A_320 = arith.constant 0 : i32
      %dma_wait3A_321 = arith.constant 0 : i32
      %dma_wait3A_322 = tpu.memref_slice %arg2[%dma_wait3A_320, %dma_wait3A_321] : memref<20000x32xf32, #tpu.memory_space<hbm>> -> memref<125x32xf32, #tpu.memory_space<hbm>>
      %dma_wait3A_323 = arith.constant 0 : i32
      %dma_wait3A_324 = arith.constant 0 : i32
      %dma_wait3A_325 = tpu.memref_slice %arg8[%dma_wait3A_315, %dma_wait3A_323, %dma_wait3A_324] : memref<8x125x32xf32, #tpu.memory_space<vmem>> -> memref<1x125x32xf32, #tpu.memory_space<vmem>>
      %dma_wait3A_326 = tpu.memref_squeeze %dma_wait3A_325 : memref<1x125x32xf32, #tpu.memory_space<vmem>> -> memref<125x32xf32, #tpu.memory_space<vmem>>
      %dma_wait3A_327 = arith.constant 0 : i32
      %dma_wait3A_328 = arith.constant 0 : i32
      %dma_wait3A_329 = tpu.memref_slice %arg2[%dma_wait3A_327, %dma_wait3A_328] : memref<20000x32xf32, #tpu.memory_space<hbm>> -> memref<125x32xf32, #tpu.memory_space<hbm>>
      tpu.wait_dma2 semaphore(%arg17 : memref<!tpu.dma_semaphore, #tpu.memory_space<semaphore_mem>>) src(%dma_wait3A_329 : memref<125x32xf32, #tpu.memory_space<hbm>>) dst(%dma_wait3A_326 : memref<125x32xf32, #tpu.memory_space<vmem>>)
      %run_scoped3A_330 = arith.constant 6 : i32
      "tpu.region"() ({
        %run_scoped3A_363 = tpu.sem_alloc : memref<!tpu.dma_semaphore, #tpu.memory_space<semaphore_mem>>
        %dma_start3A_364 = arith.constant 0 : i32
        %dma_start3A_365 = arith.constant 0 : i32
        %dma_start3A_366 = tpu.memref_slice %arg8[%run_scoped3A_330, %dma_start3A_364, %dma_start3A_365] : memref<8x125x32xf32, #tpu.memory_space<vmem>> -> memref<1x125x32xf32, #tpu.memory_space<vmem>>
        %dma_start3A_367 = tpu.memref_squeeze %dma_start3A_366 : memref<1x125x32xf32, #tpu.memory_space<vmem>> -> memref<125x32xf32, #tpu.memory_space<vmem>>
        %dma_start3A_368 = arith.constant 0 : i32
        %dma_start3A_369 = tpu.memref_slice %arg7[%add3A_314, %dma_start3A_368] : memref<160x125xi32, #tpu.memory_space<vmem>> -> memref<1x125xi32, #tpu.memory_space<vmem>>
        %dma_start3A_370 = tpu.memref_squeeze %dma_start3A_369 : memref<1x125xi32, #tpu.memory_space<vmem>> -> memref<125xi32, #tpu.memory_space<vmem>>
        %dma_start3A_371 = arith.constant 0 : i32
        %dma_start3A_372 = arith.constant 0 : i32
        %dma_start3A_373 = tpu.memref_slice %arg10[%dma_start3A_371, %dma_start3A_372] : memref<10240x32xf32, #tpu.memory_space<vmem_shared>> -> memref<10240x32xf32, #tpu.memory_space<vmem_shared>>
        tpu.enqueue_indirect_dma source(%dma_start3A_367 : memref<125x32xf32, #tpu.memory_space<vmem>>) target(%dma_start3A_373 : memref<10240x32xf32, #tpu.memory_space<vmem_shared>>) offsets(%dma_start3A_370 : memref<125xi32, #tpu.memory_space<vmem>>) semaphore(%run_scoped3A_363 : memref<!tpu.dma_semaphore, #tpu.memory_space<semaphore_mem>>) {add = true}
        %dma_wait3A_374 = arith.constant 0 : i32
        %dma_wait3A_375 = arith.constant 0 : i32
        %dma_wait3A_376 = tpu.memref_slice %arg8[%run_scoped3A_330, %dma_wait3A_374, %dma_wait3A_375] : memref<8x125x32xf32, #tpu.memory_space<vmem>> -> memref<1x125x32xf32, #tpu.memory_space<vmem>>
        %dma_wait3A_377 = tpu.memref_squeeze %dma_wait3A_376 : memref<1x125x32xf32, #tpu.memory_space<vmem>> -> memref<125x32xf32, #tpu.memory_space<vmem>>
        %dma_wait3A_378 = arith.constant 0 : i32
        %dma_wait3A_379 = tpu.memref_slice %arg7[%add3A_314, %dma_wait3A_378] : memref<160x125xi32, #tpu.memory_space<vmem>> -> memref<1x125xi32, #tpu.memory_space<vmem>>
        %dma_wait3A_380 = tpu.memref_squeeze %dma_wait3A_379 : memref<1x125xi32, #tpu.memory_space<vmem>> -> memref<125xi32, #tpu.memory_space<vmem>>
        %dma_wait3A_381 = arith.constant 0 : i32
        %dma_wait3A_382 = arith.constant 0 : i32
        %dma_wait3A_383 = tpu.memref_slice %arg10[%dma_wait3A_381, %dma_wait3A_382] : memref<10240x32xf32, #tpu.memory_space<vmem_shared>> -> memref<10240x32xf32, #tpu.memory_space<vmem_shared>>
        tpu.wait_indirect_dma semaphore(%run_scoped3A_363 : memref<!tpu.dma_semaphore, #tpu.memory_space<semaphore_mem>>) src(%dma_wait3A_377 : memref<125x32xf32, #tpu.memory_space<vmem>>) dst(%dma_wait3A_383 : memref<10240x32xf32, #tpu.memory_space<vmem_shared>>)
        tpu.yield
      }) : () -> ()
      %add3A_331 = arith.constant 8 : i32
      %add3A_332 = arith.addi %add3A_314, %add3A_331 : i32
      %lt3A_333 = arith.constant 160 : i32
      %lt3A_334 = arith.cmpi slt, %add3A_332, %lt3A_333 : i32
      %convert_element_type3A_335 = arith.extui %lt3A_334 : i1 to i32
      %cond3A_336 = arith.constant 0 : i32
      %cond3A_337 = arith.cmpi ne, %convert_element_type3A_335, %cond3A_336 : i32
      scf.if %cond3A_337 {
        %add3A_363 = arith.constant 8 : i32
        %add3A_364 = arith.addi %add3A_314, %add3A_363 : i32
        %dma_start3A_365 = arith.constant 6 : i32
        %dma_start3A_366 = arith.constant 0 : i32
        %dma_start3A_367 = arith.constant 0 : i32
        %dma_start3A_368 = tpu.memref_slice %arg8[%dma_start3A_365, %dma_start3A_366, %dma_start3A_367] : memref<8x125x32xf32, #tpu.memory_space<vmem>> -> memref<1x125x32xf32, #tpu.memory_space<vmem>>
        %dma_start3A_369 = tpu.memref_squeeze %dma_start3A_368 : memref<1x125x32xf32, #tpu.memory_space<vmem>> -> memref<125x32xf32, #tpu.memory_space<vmem>>
        %dma_start3A_370 = arith.constant 0 : i32
        %dma_start3A_371 = tpu.memref_slice %arg6[%add3A_364, %dma_start3A_370] : memref<160x125xi32, #tpu.memory_space<vmem>> -> memref<1x125xi32, #tpu.memory_space<vmem>>
        %dma_start3A_372 = tpu.memref_squeeze %dma_start3A_371 : memref<1x125xi32, #tpu.memory_space<vmem>> -> memref<125xi32, #tpu.memory_space<vmem>>
        %dma_start3A_373 = arith.constant 0 : i32
        %dma_start3A_374 = arith.constant 0 : i32
        %dma_start3A_375 = tpu.memref_slice %arg2[%dma_start3A_373, %dma_start3A_374] : memref<20000x32xf32, #tpu.memory_space<hbm>> -> memref<20000x32xf32, #tpu.memory_space<hbm>>
        tpu.enqueue_indirect_dma source(%dma_start3A_375 : memref<20000x32xf32, #tpu.memory_space<hbm>>) target(%dma_start3A_369 : memref<125x32xf32, #tpu.memory_space<vmem>>) offsets(%dma_start3A_372 : memref<125xi32, #tpu.memory_space<vmem>>) semaphore(%arg17 : memref<!tpu.dma_semaphore, #tpu.memory_space<semaphore_mem>>)
      } else {
      }
      %add3A_338 = arith.constant 7 : i32
      %add3A_339 = arith.addi %mul3A_165, %add3A_338 : i32
      %dma_wait3A_340 = arith.constant 7 : i32
      %dma_wait3A_341 = arith.constant 0 : i32
      %dma_wait3A_342 = arith.constant 0 : i32
      %dma_wait3A_343 = tpu.memref_slice %arg8[%dma_wait3A_340, %dma_wait3A_341, %dma_wait3A_342] : memref<8x125x32xf32, #tpu.memory_space<vmem>> -> memref<1x125x32xf32, #tpu.memory_space<vmem>>
      %dma_wait3A_344 = tpu.memref_squeeze %dma_wait3A_343 : memref<1x125x32xf32, #tpu.memory_space<vmem>> -> memref<125x32xf32, #tpu.memory_space<vmem>>
      %dma_wait3A_345 = arith.constant 0 : i32
      %dma_wait3A_346 = arith.constant 0 : i32
      %dma_wait3A_347 = tpu.memref_slice %arg2[%dma_wait3A_345, %dma_wait3A_346] : memref<20000x32xf32, #tpu.memory_space<hbm>> -> memref<125x32xf32, #tpu.memory_space<hbm>>
      %dma_wait3A_348 = arith.constant 0 : i32
      %dma_wait3A_349 = arith.constant 0 : i32
      %dma_wait3A_350 = tpu.memref_slice %arg8[%dma_wait3A_340, %dma_wait3A_348, %dma_wait3A_349] : memref<8x125x32xf32, #tpu.memory_space<vmem>> -> memref<1x125x32xf32, #tpu.memory_space<vmem>>
      %dma_wait3A_351 = tpu.memref_squeeze %dma_wait3A_350 : memref<1x125x32xf32, #tpu.memory_space<vmem>> -> memref<125x32xf32, #tpu.memory_space<vmem>>
      %dma_wait3A_352 = arith.constant 0 : i32
      %dma_wait3A_353 = arith.constant 0 : i32
      %dma_wait3A_354 = tpu.memref_slice %arg2[%dma_wait3A_352, %dma_wait3A_353] : memref<20000x32xf32, #tpu.memory_space<hbm>> -> memref<125x32xf32, #tpu.memory_space<hbm>>
      tpu.wait_dma2 semaphore(%arg18 : memref<!tpu.dma_semaphore, #tpu.memory_space<semaphore_mem>>) src(%dma_wait3A_354 : memref<125x32xf32, #tpu.memory_space<hbm>>) dst(%dma_wait3A_351 : memref<125x32xf32, #tpu.memory_space<vmem>>)
      %run_scoped3A_355 = arith.constant 7 : i32
      "tpu.region"() ({
        %run_scoped3A_363 = tpu.sem_alloc : memref<!tpu.dma_semaphore, #tpu.memory_space<semaphore_mem>>
        %dma_start3A_364 = arith.constant 0 : i32
        %dma_start3A_365 = arith.constant 0 : i32
        %dma_start3A_366 = tpu.memref_slice %arg8[%run_scoped3A_355, %dma_start3A_364, %dma_start3A_365] : memref<8x125x32xf32, #tpu.memory_space<vmem>> -> memref<1x125x32xf32, #tpu.memory_space<vmem>>
        %dma_start3A_367 = tpu.memref_squeeze %dma_start3A_366 : memref<1x125x32xf32, #tpu.memory_space<vmem>> -> memref<125x32xf32, #tpu.memory_space<vmem>>
        %dma_start3A_368 = arith.constant 0 : i32
        %dma_start3A_369 = tpu.memref_slice %arg7[%add3A_339, %dma_start3A_368] : memref<160x125xi32, #tpu.memory_space<vmem>> -> memref<1x125xi32, #tpu.memory_space<vmem>>
        %dma_start3A_370 = tpu.memref_squeeze %dma_start3A_369 : memref<1x125xi32, #tpu.memory_space<vmem>> -> memref<125xi32, #tpu.memory_space<vmem>>
        %dma_start3A_371 = arith.constant 0 : i32
        %dma_start3A_372 = arith.constant 0 : i32
        %dma_start3A_373 = tpu.memref_slice %arg10[%dma_start3A_371, %dma_start3A_372] : memref<10240x32xf32, #tpu.memory_space<vmem_shared>> -> memref<10240x32xf32, #tpu.memory_space<vmem_shared>>
        tpu.enqueue_indirect_dma source(%dma_start3A_367 : memref<125x32xf32, #tpu.memory_space<vmem>>) target(%dma_start3A_373 : memref<10240x32xf32, #tpu.memory_space<vmem_shared>>) offsets(%dma_start3A_370 : memref<125xi32, #tpu.memory_space<vmem>>) semaphore(%run_scoped3A_363 : memref<!tpu.dma_semaphore, #tpu.memory_space<semaphore_mem>>) {add = true}
        %dma_wait3A_374 = arith.constant 0 : i32
        %dma_wait3A_375 = arith.constant 0 : i32
        %dma_wait3A_376 = tpu.memref_slice %arg8[%run_scoped3A_355, %dma_wait3A_374, %dma_wait3A_375] : memref<8x125x32xf32, #tpu.memory_space<vmem>> -> memref<1x125x32xf32, #tpu.memory_space<vmem>>
        %dma_wait3A_377 = tpu.memref_squeeze %dma_wait3A_376 : memref<1x125x32xf32, #tpu.memory_space<vmem>> -> memref<125x32xf32, #tpu.memory_space<vmem>>
        %dma_wait3A_378 = arith.constant 0 : i32
        %dma_wait3A_379 = tpu.memref_slice %arg7[%add3A_339, %dma_wait3A_378] : memref<160x125xi32, #tpu.memory_space<vmem>> -> memref<1x125xi32, #tpu.memory_space<vmem>>
        %dma_wait3A_380 = tpu.memref_squeeze %dma_wait3A_379 : memref<1x125xi32, #tpu.memory_space<vmem>> -> memref<125xi32, #tpu.memory_space<vmem>>
        %dma_wait3A_381 = arith.constant 0 : i32
        %dma_wait3A_382 = arith.constant 0 : i32
        %dma_wait3A_383 = tpu.memref_slice %arg10[%dma_wait3A_381, %dma_wait3A_382] : memref<10240x32xf32, #tpu.memory_space<vmem_shared>> -> memref<10240x32xf32, #tpu.memory_space<vmem_shared>>
        tpu.wait_indirect_dma semaphore(%run_scoped3A_363 : memref<!tpu.dma_semaphore, #tpu.memory_space<semaphore_mem>>) src(%dma_wait3A_377 : memref<125x32xf32, #tpu.memory_space<vmem>>) dst(%dma_wait3A_383 : memref<10240x32xf32, #tpu.memory_space<vmem_shared>>)
        tpu.yield
      }) : () -> ()
      %add3A_356 = arith.constant 8 : i32
      %add3A_357 = arith.addi %add3A_339, %add3A_356 : i32
      %lt3A_358 = arith.constant 160 : i32
      %lt3A_359 = arith.cmpi slt, %add3A_357, %lt3A_358 : i32
      %convert_element_type3A_360 = arith.extui %lt3A_359 : i1 to i32
      %cond3A_361 = arith.constant 0 : i32
      %cond3A_362 = arith.cmpi ne, %convert_element_type3A_360, %cond3A_361 : i32
      scf.if %cond3A_362 {
        %add3A_363 = arith.constant 8 : i32
        %add3A_364 = arith.addi %add3A_339, %add3A_363 : i32
        %dma_start3A_365 = arith.constant 7 : i32
        %dma_start3A_366 = arith.constant 0 : i32
        %dma_start3A_367 = arith.constant 0 : i32
        %dma_start3A_368 = tpu.memref_slice %arg8[%dma_start3A_365, %dma_start3A_366, %dma_start3A_367] : memref<8x125x32xf32, #tpu.memory_space<vmem>> -> memref<1x125x32xf32, #tpu.memory_space<vmem>>
        %dma_start3A_369 = tpu.memref_squeeze %dma_start3A_368 : memref<1x125x32xf32, #tpu.memory_space<vmem>> -> memref<125x32xf32, #tpu.memory_space<vmem>>
        %dma_start3A_370 = arith.constant 0 : i32
        %dma_start3A_371 = tpu.memref_slice %arg6[%add3A_364, %dma_start3A_370] : memref<160x125xi32, #tpu.memory_space<vmem>> -> memref<1x125xi32, #tpu.memory_space<vmem>>
        %dma_start3A_372 = tpu.memref_squeeze %dma_start3A_371 : memref<1x125xi32, #tpu.memory_space<vmem>> -> memref<125xi32, #tpu.memory_space<vmem>>
        %dma_start3A_373 = arith.constant 0 : i32
        %dma_start3A_374 = arith.constant 0 : i32
        %dma_start3A_375 = tpu.memref_slice %arg2[%dma_start3A_373, %dma_start3A_374] : memref<20000x32xf32, #tpu.memory_space<hbm>> -> memref<20000x32xf32, #tpu.memory_space<hbm>>
        tpu.enqueue_indirect_dma source(%dma_start3A_375 : memref<20000x32xf32, #tpu.memory_space<hbm>>) target(%dma_start3A_369 : memref<125x32xf32, #tpu.memory_space<vmem>>) offsets(%dma_start3A_372 : memref<125xi32, #tpu.memory_space<vmem>>) semaphore(%arg18 : memref<!tpu.dma_semaphore, #tpu.memory_space<semaphore_mem>>)
      } else {
      }
    }
    %scan3A_125 = arith.constant 20 : i32
    %barrier3A_126 = arith.constant 0 : index
    tpu.barrier barrier_id(%barrier3A_126)
    %mul3A_127 = arith.constant 640 : i32
    %mul3A_128 = arith.muli %arg1, %mul3A_127 : i32
    %add3A_129 = arith.constant 0 : i32
    %add3A_130 = arith.addi %mul3A_128, %add3A_129 : i32
    "tpu.region"() ({
      %run_scoped3A = tpu.sem_alloc : memref<!tpu.dma_semaphore, #tpu.memory_space<semaphore_mem>>
      %dma_start3A_159 = arith.constant 0 : i32
      %dma_start3A_160 = tpu.memref_slice %arg10[%add3A_130, %dma_start3A_159] : memref<10240x32xf32, #tpu.memory_space<vmem_shared>> -> memref<160x32xf32, #tpu.memory_space<vmem_shared>>
      %dma_start3A_161 = arith.constant 0 : i32
      %dma_start3A_162 = tpu.memref_slice %arg10[%add3A_130, %dma_start3A_161] : memref<10240x32xf32, #tpu.memory_space<vmem_shared>> -> memref<160x32xf32, #tpu.memory_space<vmem_shared>>
      tpu.enqueue_dma source(%dma_start3A_162 : memref<160x32xf32, #tpu.memory_space<vmem_shared>>) target(%arg9 : memref<160x32xf32, #tpu.memory_space<vmem>>) target_semaphore(%run_scoped3A : memref<!tpu.dma_semaphore, #tpu.memory_space<semaphore_mem>>)
      %dma_wait3A = arith.constant 0 : i32
      %dma_wait3A_163 = tpu.memref_slice %arg10[%add3A_130, %dma_wait3A] : memref<10240x32xf32, #tpu.memory_space<vmem_shared>> -> memref<160x32xf32, #tpu.memory_space<vmem_shared>>
      %dma_wait3A_164 = arith.constant 0 : i32
      %dma_wait3A_165 = tpu.memref_slice %arg10[%add3A_130, %dma_wait3A_164] : memref<10240x32xf32, #tpu.memory_space<vmem_shared>> -> memref<160x32xf32, #tpu.memory_space<vmem_shared>>
      tpu.wait_dma2 semaphore(%run_scoped3A : memref<!tpu.dma_semaphore, #tpu.memory_space<semaphore_mem>>) src(%dma_wait3A_165 : memref<160x32xf32, #tpu.memory_space<vmem_shared>>) dst(%arg9 : memref<160x32xf32, #tpu.memory_space<vmem>>)
      tpu.yield
    }) : () -> ()
    %mul3A_131 = arith.constant 640 : i32
    %mul3A_132 = arith.muli %arg1, %mul3A_131 : i32
    %add3A_133 = arith.constant 0 : i32
    %add3A_134 = arith.addi %mul3A_132, %add3A_133 : i32
    "tpu.region"() ({
      %run_scoped3A = tpu.sem_alloc : memref<!tpu.dma_semaphore, #tpu.memory_space<semaphore_mem>>
      %dma_start3A_159 = arith.constant 0 : i32
      %dma_start3A_160 = tpu.memref_slice %arg5[%arg0, %add3A_134, %dma_start3A_159] : memref<2x10240x32xf32, #tpu.memory_space<hbm>> -> memref<1x160x32xf32, #tpu.memory_space<hbm>>
      %dma_start3A_161 = tpu.memref_squeeze %dma_start3A_160 : memref<1x160x32xf32, #tpu.memory_space<hbm>> -> memref<160x32xf32, #tpu.memory_space<hbm>>
      %dma_start3A_162 = arith.constant 0 : i32
      %dma_start3A_163 = tpu.memref_slice %arg5[%arg0, %add3A_134, %dma_start3A_162] : memref<2x10240x32xf32, #tpu.memory_space<hbm>> -> memref<1x160x32xf32, #tpu.memory_space<hbm>>
      %dma_start3A_164 = tpu.memref_squeeze %dma_start3A_163 : memref<1x160x32xf32, #tpu.memory_space<hbm>> -> memref<160x32xf32, #tpu.memory_space<hbm>>
      tpu.enqueue_dma source(%arg9 : memref<160x32xf32, #tpu.memory_space<vmem>>) target(%dma_start3A_164 : memref<160x32xf32, #tpu.memory_space<hbm>>) target_semaphore(%run_scoped3A : memref<!tpu.dma_semaphore, #tpu.memory_space<semaphore_mem>>)
      %dma_wait3A = arith.constant 0 : i32
      %dma_wait3A_165 = tpu.memref_slice %arg5[%arg0, %add3A_134, %dma_wait3A] : memref<2x10240x32xf32, #tpu.memory_space<hbm>> -> memref<1x160x32xf32, #tpu.memory_space<hbm>>
      %dma_wait3A_166 = tpu.memref_squeeze %dma_wait3A_165 : memref<1x160x32xf32, #tpu.memory_space<hbm>> -> memref<160x32xf32, #tpu.memory_space<hbm>>
      %dma_wait3A_167 = arith.constant 0 : i32
      %dma_wait3A_168 = tpu.memref_slice %arg5[%arg0, %add3A_134, %dma_wait3A_167] : memref<2x10240x32xf32, #tpu.memory_space<hbm>> -> memref<1x160x32xf32, #tpu.memory_space<hbm>>
      %dma_wait3A_169 = tpu.memref_squeeze %dma_wait3A_168 : memref<1x160x32xf32, #tpu.memory_space<hbm>> -> memref<160x32xf32, #tpu.memory_space<hbm>>
      tpu.wait_dma2 semaphore(%run_scoped3A : memref<!tpu.dma_semaphore, #tpu.memory_space<semaphore_mem>>) src(%arg9 : memref<160x32xf32, #tpu.memory_space<vmem>>) dst(%dma_wait3A_169 : memref<160x32xf32, #tpu.memory_space<hbm>>)
      tpu.yield
    }) : () -> ()
    %mul3A_135 = arith.constant 640 : i32
    %mul3A_136 = arith.muli %arg1, %mul3A_135 : i32
    %add3A_137 = arith.constant 160 : i32
    %add3A_138 = arith.addi %mul3A_136, %add3A_137 : i32
    "tpu.region"() ({
      %run_scoped3A = tpu.sem_alloc : memref<!tpu.dma_semaphore, #tpu.memory_space<semaphore_mem>>
      %dma_start3A_159 = arith.constant 0 : i32
      %dma_start3A_160 = tpu.memref_slice %arg10[%add3A_138, %dma_start3A_159] : memref<10240x32xf32, #tpu.memory_space<vmem_shared>> -> memref<160x32xf32, #tpu.memory_space<vmem_shared>>
      %dma_start3A_161 = arith.constant 0 : i32
      %dma_start3A_162 = tpu.memref_slice %arg10[%add3A_138, %dma_start3A_161] : memref<10240x32xf32, #tpu.memory_space<vmem_shared>> -> memref<160x32xf32, #tpu.memory_space<vmem_shared>>
      tpu.enqueue_dma source(%dma_start3A_162 : memref<160x32xf32, #tpu.memory_space<vmem_shared>>) target(%arg9 : memref<160x32xf32, #tpu.memory_space<vmem>>) target_semaphore(%run_scoped3A : memref<!tpu.dma_semaphore, #tpu.memory_space<semaphore_mem>>)
      %dma_wait3A = arith.constant 0 : i32
      %dma_wait3A_163 = tpu.memref_slice %arg10[%add3A_138, %dma_wait3A] : memref<10240x32xf32, #tpu.memory_space<vmem_shared>> -> memref<160x32xf32, #tpu.memory_space<vmem_shared>>
      %dma_wait3A_164 = arith.constant 0 : i32
      %dma_wait3A_165 = tpu.memref_slice %arg10[%add3A_138, %dma_wait3A_164] : memref<10240x32xf32, #tpu.memory_space<vmem_shared>> -> memref<160x32xf32, #tpu.memory_space<vmem_shared>>
      tpu.wait_dma2 semaphore(%run_scoped3A : memref<!tpu.dma_semaphore, #tpu.memory_space<semaphore_mem>>) src(%dma_wait3A_165 : memref<160x32xf32, #tpu.memory_space<vmem_shared>>) dst(%arg9 : memref<160x32xf32, #tpu.memory_space<vmem>>)
      tpu.yield
    }) : () -> ()
    %mul3A_139 = arith.constant 640 : i32
    %mul3A_140 = arith.muli %arg1, %mul3A_139 : i32
    %add3A_141 = arith.constant 160 : i32
    %add3A_142 = arith.addi %mul3A_140, %add3A_141 : i32
    "tpu.region"() ({
      %run_scoped3A = tpu.sem_alloc : memref<!tpu.dma_semaphore, #tpu.memory_space<semaphore_mem>>
      %dma_start3A_159 = arith.constant 0 : i32
      %dma_start3A_160 = tpu.memref_slice %arg5[%arg0, %add3A_142, %dma_start3A_159] : memref<2x10240x32xf32, #tpu.memory_space<hbm>> -> memref<1x160x32xf32, #tpu.memory_space<hbm>>
      %dma_start3A_161 = tpu.memref_squeeze %dma_start3A_160 : memref<1x160x32xf32, #tpu.memory_space<hbm>> -> memref<160x32xf32, #tpu.memory_space<hbm>>
      %dma_start3A_162 = arith.constant 0 : i32
      %dma_start3A_163 = tpu.memref_slice %arg5[%arg0, %add3A_142, %dma_start3A_162] : memref<2x10240x32xf32, #tpu.memory_space<hbm>> -> memref<1x160x32xf32, #tpu.memory_space<hbm>>
      %dma_start3A_164 = tpu.memref_squeeze %dma_start3A_163 : memref<1x160x32xf32, #tpu.memory_space<hbm>> -> memref<160x32xf32, #tpu.memory_space<hbm>>
      tpu.enqueue_dma source(%arg9 : memref<160x32xf32, #tpu.memory_space<vmem>>) target(%dma_start3A_164 : memref<160x32xf32, #tpu.memory_space<hbm>>) target_semaphore(%run_scoped3A : memref<!tpu.dma_semaphore, #tpu.memory_space<semaphore_mem>>)
      %dma_wait3A = arith.constant 0 : i32
      %dma_wait3A_165 = tpu.memref_slice %arg5[%arg0, %add3A_142, %dma_wait3A] : memref<2x10240x32xf32, #tpu.memory_space<hbm>> -> memref<1x160x32xf32, #tpu.memory_space<hbm>>
      %dma_wait3A_166 = tpu.memref_squeeze %dma_wait3A_165 : memref<1x160x32xf32, #tpu.memory_space<hbm>> -> memref<160x32xf32, #tpu.memory_space<hbm>>
      %dma_wait3A_167 = arith.constant 0 : i32
      %dma_wait3A_168 = tpu.memref_slice %arg5[%arg0, %add3A_142, %dma_wait3A_167] : memref<2x10240x32xf32, #tpu.memory_space<hbm>> -> memref<1x160x32xf32, #tpu.memory_space<hbm>>
      %dma_wait3A_169 = tpu.memref_squeeze %dma_wait3A_168 : memref<1x160x32xf32, #tpu.memory_space<hbm>> -> memref<160x32xf32, #tpu.memory_space<hbm>>
      tpu.wait_dma2 semaphore(%run_scoped3A : memref<!tpu.dma_semaphore, #tpu.memory_space<semaphore_mem>>) src(%arg9 : memref<160x32xf32, #tpu.memory_space<vmem>>) dst(%dma_wait3A_169 : memref<160x32xf32, #tpu.memory_space<hbm>>)
      tpu.yield
    }) : () -> ()
    %mul3A_143 = arith.constant 640 : i32
    %mul3A_144 = arith.muli %arg1, %mul3A_143 : i32
    %add3A_145 = arith.constant 320 : i32
    %add3A_146 = arith.addi %mul3A_144, %add3A_145 : i32
    "tpu.region"() ({
      %run_scoped3A = tpu.sem_alloc : memref<!tpu.dma_semaphore, #tpu.memory_space<semaphore_mem>>
      %dma_start3A_159 = arith.constant 0 : i32
      %dma_start3A_160 = tpu.memref_slice %arg10[%add3A_146, %dma_start3A_159] : memref<10240x32xf32, #tpu.memory_space<vmem_shared>> -> memref<160x32xf32, #tpu.memory_space<vmem_shared>>
      %dma_start3A_161 = arith.constant 0 : i32
      %dma_start3A_162 = tpu.memref_slice %arg10[%add3A_146, %dma_start3A_161] : memref<10240x32xf32, #tpu.memory_space<vmem_shared>> -> memref<160x32xf32, #tpu.memory_space<vmem_shared>>
      tpu.enqueue_dma source(%dma_start3A_162 : memref<160x32xf32, #tpu.memory_space<vmem_shared>>) target(%arg9 : memref<160x32xf32, #tpu.memory_space<vmem>>) target_semaphore(%run_scoped3A : memref<!tpu.dma_semaphore, #tpu.memory_space<semaphore_mem>>)
      %dma_wait3A = arith.constant 0 : i32
      %dma_wait3A_163 = tpu.memref_slice %arg10[%add3A_146, %dma_wait3A] : memref<10240x32xf32, #tpu.memory_space<vmem_shared>> -> memref<160x32xf32, #tpu.memory_space<vmem_shared>>
      %dma_wait3A_164 = arith.constant 0 : i32
      %dma_wait3A_165 = tpu.memref_slice %arg10[%add3A_146, %dma_wait3A_164] : memref<10240x32xf32, #tpu.memory_space<vmem_shared>> -> memref<160x32xf32, #tpu.memory_space<vmem_shared>>
      tpu.wait_dma2 semaphore(%run_scoped3A : memref<!tpu.dma_semaphore, #tpu.memory_space<semaphore_mem>>) src(%dma_wait3A_165 : memref<160x32xf32, #tpu.memory_space<vmem_shared>>) dst(%arg9 : memref<160x32xf32, #tpu.memory_space<vmem>>)
      tpu.yield
    }) : () -> ()
    %mul3A_147 = arith.constant 640 : i32
    %mul3A_148 = arith.muli %arg1, %mul3A_147 : i32
    %add3A_149 = arith.constant 320 : i32
    %add3A_150 = arith.addi %mul3A_148, %add3A_149 : i32
    "tpu.region"() ({
      %run_scoped3A = tpu.sem_alloc : memref<!tpu.dma_semaphore, #tpu.memory_space<semaphore_mem>>
      %dma_start3A_159 = arith.constant 0 : i32
      %dma_start3A_160 = tpu.memref_slice %arg5[%arg0, %add3A_150, %dma_start3A_159] : memref<2x10240x32xf32, #tpu.memory_space<hbm>> -> memref<1x160x32xf32, #tpu.memory_space<hbm>>
      %dma_start3A_161 = tpu.memref_squeeze %dma_start3A_160 : memref<1x160x32xf32, #tpu.memory_space<hbm>> -> memref<160x32xf32, #tpu.memory_space<hbm>>
      %dma_start3A_162 = arith.constant 0 : i32
      %dma_start3A_163 = tpu.memref_slice %arg5[%arg0, %add3A_150, %dma_start3A_162] : memref<2x10240x32xf32, #tpu.memory_space<hbm>> -> memref<1x160x32xf32, #tpu.memory_space<hbm>>
      %dma_start3A_164 = tpu.memref_squeeze %dma_start3A_163 : memref<1x160x32xf32, #tpu.memory_space<hbm>> -> memref<160x32xf32, #tpu.memory_space<hbm>>
      tpu.enqueue_dma source(%arg9 : memref<160x32xf32, #tpu.memory_space<vmem>>) target(%dma_start3A_164 : memref<160x32xf32, #tpu.memory_space<hbm>>) target_semaphore(%run_scoped3A : memref<!tpu.dma_semaphore, #tpu.memory_space<semaphore_mem>>)
      %dma_wait3A = arith.constant 0 : i32
      %dma_wait3A_165 = tpu.memref_slice %arg5[%arg0, %add3A_150, %dma_wait3A] : memref<2x10240x32xf32, #tpu.memory_space<hbm>> -> memref<1x160x32xf32, #tpu.memory_space<hbm>>
      %dma_wait3A_166 = tpu.memref_squeeze %dma_wait3A_165 : memref<1x160x32xf32, #tpu.memory_space<hbm>> -> memref<160x32xf32, #tpu.memory_space<hbm>>
      %dma_wait3A_167 = arith.constant 0 : i32
      %dma_wait3A_168 = tpu.memref_slice %arg5[%arg0, %add3A_150, %dma_wait3A_167] : memref<2x10240x32xf32, #tpu.memory_space<hbm>> -> memref<1x160x32xf32, #tpu.memory_space<hbm>>
      %dma_wait3A_169 = tpu.memref_squeeze %dma_wait3A_168 : memref<1x160x32xf32, #tpu.memory_space<hbm>> -> memref<160x32xf32, #tpu.memory_space<hbm>>
      tpu.wait_dma2 semaphore(%run_scoped3A : memref<!tpu.dma_semaphore, #tpu.memory_space<semaphore_mem>>) src(%arg9 : memref<160x32xf32, #tpu.memory_space<vmem>>) dst(%dma_wait3A_169 : memref<160x32xf32, #tpu.memory_space<hbm>>)
      tpu.yield
    }) : () -> ()
    %mul3A_151 = arith.constant 640 : i32
    %mul3A_152 = arith.muli %arg1, %mul3A_151 : i32
    %add3A_153 = arith.constant 480 : i32
    %add3A_154 = arith.addi %mul3A_152, %add3A_153 : i32
    "tpu.region"() ({
      %run_scoped3A = tpu.sem_alloc : memref<!tpu.dma_semaphore, #tpu.memory_space<semaphore_mem>>
      %dma_start3A_159 = arith.constant 0 : i32
      %dma_start3A_160 = tpu.memref_slice %arg10[%add3A_154, %dma_start3A_159] : memref<10240x32xf32, #tpu.memory_space<vmem_shared>> -> memref<160x32xf32, #tpu.memory_space<vmem_shared>>
      %dma_start3A_161 = arith.constant 0 : i32
      %dma_start3A_162 = tpu.memref_slice %arg10[%add3A_154, %dma_start3A_161] : memref<10240x32xf32, #tpu.memory_space<vmem_shared>> -> memref<160x32xf32, #tpu.memory_space<vmem_shared>>
      tpu.enqueue_dma source(%dma_start3A_162 : memref<160x32xf32, #tpu.memory_space<vmem_shared>>) target(%arg9 : memref<160x32xf32, #tpu.memory_space<vmem>>) target_semaphore(%run_scoped3A : memref<!tpu.dma_semaphore, #tpu.memory_space<semaphore_mem>>)
      %dma_wait3A = arith.constant 0 : i32
      %dma_wait3A_163 = tpu.memref_slice %arg10[%add3A_154, %dma_wait3A] : memref<10240x32xf32, #tpu.memory_space<vmem_shared>> -> memref<160x32xf32, #tpu.memory_space<vmem_shared>>
      %dma_wait3A_164 = arith.constant 0 : i32
      %dma_wait3A_165 = tpu.memref_slice %arg10[%add3A_154, %dma_wait3A_164] : memref<10240x32xf32, #tpu.memory_space<vmem_shared>> -> memref<160x32xf32, #tpu.memory_space<vmem_shared>>
      tpu.wait_dma2 semaphore(%run_scoped3A : memref<!tpu.dma_semaphore, #tpu.memory_space<semaphore_mem>>) src(%dma_wait3A_165 : memref<160x32xf32, #tpu.memory_space<vmem_shared>>) dst(%arg9 : memref<160x32xf32, #tpu.memory_space<vmem>>)
      tpu.yield
    }) : () -> ()
    %mul3A_155 = arith.constant 640 : i32
    %mul3A_156 = arith.muli %arg1, %mul3A_155 : i32
    %add3A_157 = arith.constant 480 : i32
    %add3A_158 = arith.addi %mul3A_156, %add3A_157 : i32
    "tpu.region"() ({
      %run_scoped3A = tpu.sem_alloc : memref<!tpu.dma_semaphore, #tpu.memory_space<semaphore_mem>>
      %dma_start3A_159 = arith.constant 0 : i32
      %dma_start3A_160 = tpu.memref_slice %arg5[%arg0, %add3A_158, %dma_start3A_159] : memref<2x10240x32xf32, #tpu.memory_space<hbm>> -> memref<1x160x32xf32, #tpu.memory_space<hbm>>
      %dma_start3A_161 = tpu.memref_squeeze %dma_start3A_160 : memref<1x160x32xf32, #tpu.memory_space<hbm>> -> memref<160x32xf32, #tpu.memory_space<hbm>>
      %dma_start3A_162 = arith.constant 0 : i32
      %dma_start3A_163 = tpu.memref_slice %arg5[%arg0, %add3A_158, %dma_start3A_162] : memref<2x10240x32xf32, #tpu.memory_space<hbm>> -> memref<1x160x32xf32, #tpu.memory_space<hbm>>
      %dma_start3A_164 = tpu.memref_squeeze %dma_start3A_163 : memref<1x160x32xf32, #tpu.memory_space<hbm>> -> memref<160x32xf32, #tpu.memory_space<hbm>>
      tpu.enqueue_dma source(%arg9 : memref<160x32xf32, #tpu.memory_space<vmem>>) target(%dma_start3A_164 : memref<160x32xf32, #tpu.memory_space<hbm>>) target_semaphore(%run_scoped3A : memref<!tpu.dma_semaphore, #tpu.memory_space<semaphore_mem>>)
      %dma_wait3A = arith.constant 0 : i32
      %dma_wait3A_165 = tpu.memref_slice %arg5[%arg0, %add3A_158, %dma_wait3A] : memref<2x10240x32xf32, #tpu.memory_space<hbm>> -> memref<1x160x32xf32, #tpu.memory_space<hbm>>
      %dma_wait3A_166 = tpu.memref_squeeze %dma_wait3A_165 : memref<1x160x32xf32, #tpu.memory_space<hbm>> -> memref<160x32xf32, #tpu.memory_space<hbm>>
      %dma_wait3A_167 = arith.constant 0 : i32
      %dma_wait3A_168 = tpu.memref_slice %arg5[%arg0, %add3A_158, %dma_wait3A_167] : memref<2x10240x32xf32, #tpu.memory_space<hbm>> -> memref<1x160x32xf32, #tpu.memory_space<hbm>>
      %dma_wait3A_169 = tpu.memref_squeeze %dma_wait3A_168 : memref<1x160x32xf32, #tpu.memory_space<hbm>> -> memref<160x32xf32, #tpu.memory_space<hbm>>
      tpu.wait_dma2 semaphore(%run_scoped3A : memref<!tpu.dma_semaphore, #tpu.memory_space<semaphore_mem>>) src(%arg9 : memref<160x32xf32, #tpu.memory_space<vmem>>) dst(%dma_wait3A_169 : memref<160x32xf32, #tpu.memory_space<hbm>>)
      tpu.yield
    }) : () -> ()
    return
  }
}

module attributes {stable_mosaic.version = 14 : i64} {
  func.func @body(%arg0: i32, %arg1: i32, %arg2: memref<2000x128xf32, #tpu.memory_space<vmem>>, %arg3: memref<2000x128xf32, #tpu.memory_space<vmem>>, %arg4: memref<1x128x32xf32, #tpu.memory_space<vmem>>, %arg5: memref<1x128x32xf32, #tpu.memory_space<vmem>>, %arg6: memref<1x1x32xf32, #tpu.memory_space<vmem>>, %arg7: memref<1x2000x32xf32, #tpu.memory_space<vmem>>, %arg8: memref<1x2000x32xf32, #tpu.memory_space<vmem>>) attributes {dimension_semantics = [#tpu.dimension_semantics<arbitrary>, #tpu.dimension_semantics<arbitrary>], iteration_bounds = array<i64: 2, 5>, scalar_prefetch = 0 : i64, scratch_operands = 0 : i64, tpu.core_type = #tpu.core_type<tc>, window_params = [{transform_indices = @transform_0, window_bounds = array<i64: 2000, 128>}, {transform_indices = @transform_1, window_bounds = array<i64: 2000, 128>}, {transform_indices = @transform_2, window_bounds = array<i64: 1, 128, 32>}, {transform_indices = @transform_3, window_bounds = array<i64: 1, 128, 32>}, {transform_indices = @transform_4, window_bounds = array<i64: 1, 1, 32>}, {transform_indices = @transform_5, window_bounds = array<i64: 1, 2000, 32>}, {transform_indices = @transform_6, window_bounds = array<i64: 1, 2000, 32>}]} {
    %eq3A = arith.constant 0 : i32
    %eq3A_0 = arith.cmpi eq, %arg0, %eq3A : i32
    %get3A = arith.constant 0 : index
    %get3A_1 = arith.constant 0 : index
    %get3A_2 = vector.load %arg2[%get3A, %get3A_1] : memref<2000x128xf32, #tpu.memory_space<vmem>>, vector<2000x128xf32>
    %get3A_3 = arith.constant 0 : index
    %get3A_4 = arith.constant 0 : index
    %get3A_5 = vector.load %arg3[%get3A_3, %get3A_4] : memref<2000x128xf32, #tpu.memory_space<vmem>>, vector<2000x128xf32>
    %select_n3A = arith.select %eq3A_0, %get3A_2, %get3A_5 : vector<2000x128xf32>
    %get3A_6 = arith.constant 0 : index
    %get3A_7 = arith.constant 0 : index
    %get3A_8 = arith.constant 0 : index
    %get3A_9 = vector.load %arg4[%get3A_6, %get3A_7, %get3A_8] : memref<1x128x32xf32, #tpu.memory_space<vmem>>, vector<1x128x32xf32>
    %get3A_10 = vector.shape_cast %get3A_9 : vector<1x128x32xf32> to vector<128x32xf32>
    %dot_general3A = arith.constant dense<0.000000e+00> : vector<2000x32xf32>
    %dot_general3A_11 = tpu.matmul %select_n3A, %get3A_10, %dot_general3A {dimension_numbers = #tpu.dot_dimension_numbers<[1], [0], [0], [1], [0, 0, 1, 1], [], []>, transpose_lhs_hint = false} : vector<2000x128xf32>, vector<128x32xf32>, vector<2000x32xf32> -> vector<2000x32xf32>
    %swap3A = arith.constant 0 : index
    %swap3A_12 = arith.constant 0 : index
    %swap3A_13 = arith.constant 0 : index
    %swap3A_14 = vector.load %arg7[%swap3A, %swap3A_12, %swap3A_13] : memref<1x2000x32xf32, #tpu.memory_space<vmem>>, vector<1x2000x32xf32>
    %swap3A_15 = vector.shape_cast %swap3A_14 : vector<1x2000x32xf32> to vector<2000x32xf32>
    %swap3A_16 = vector.shape_cast %dot_general3A_11 : vector<2000x32xf32> to vector<1x2000x32xf32>
    tpu.vector_store %arg7[%swap3A, %swap3A_12, %swap3A_13], %swap3A_16 {strides = array<i32>} : memref<1x2000x32xf32, #tpu.memory_space<vmem>>, vector<1x2000x32xf32>,
    %get3A_17 = arith.constant 0 : index
    %get3A_18 = arith.constant 0 : index
    %get3A_19 = arith.constant 0 : index
    %get3A_20 = vector.load %arg5[%get3A_17, %get3A_18, %get3A_19] : memref<1x128x32xf32, #tpu.memory_space<vmem>>, vector<1x128x32xf32>
    %get3A_21 = vector.shape_cast %get3A_20 : vector<1x128x32xf32> to vector<128x32xf32>
    %dot_general3A_22 = arith.constant dense<0.000000e+00> : vector<2000x32xf32>
    %dot_general3A_23 = tpu.matmul %select_n3A, %get3A_21, %dot_general3A_22 {dimension_numbers = #tpu.dot_dimension_numbers<[1], [0], [0], [1], [0, 0, 1, 1], [], []>, transpose_lhs_hint = false} : vector<2000x128xf32>, vector<128x32xf32>, vector<2000x32xf32> -> vector<2000x32xf32>
    %get3A_24 = arith.constant 0 : index
    %get3A_25 = arith.constant 0 : index
    %get3A_26 = arith.constant 0 : index
    %get3A_27 = vector.load %arg6[%get3A_24, %get3A_25, %get3A_26] : memref<1x1x32xf32, #tpu.memory_space<vmem>>, vector<1x1x32xf32>
    %get3A_28 = vector.shape_cast %get3A_27 : vector<1x1x32xf32> to vector<1x32xf32>
    %add3A = vector.broadcast %get3A_28 : vector<1x32xf32> to vector<2000x32xf32>
    %add3A_29 = arith.addf %dot_general3A_23, %add3A : vector<2000x32xf32>
    %max3A = arith.constant 0.000000e+00 : f32
    %max3A_30 = vector.broadcast %max3A : f32 to vector<2000x32xf32>
    %max3A_31 = arith.maximumf %add3A_29, %max3A_30 : vector<2000x32xf32>
    %swap3A_32 = arith.constant 0 : index
    %swap3A_33 = arith.constant 0 : index
    %swap3A_34 = arith.constant 0 : index
    %swap3A_35 = vector.load %arg8[%swap3A_32, %swap3A_33, %swap3A_34] : memref<1x2000x32xf32, #tpu.memory_space<vmem>>, vector<1x2000x32xf32>
    %swap3A_36 = vector.shape_cast %swap3A_35 : vector<1x2000x32xf32> to vector<2000x32xf32>
    %swap3A_37 = vector.shape_cast %max3A_31 : vector<2000x32xf32> to vector<1x2000x32xf32>
    tpu.vector_store %arg8[%swap3A_32, %swap3A_33, %swap3A_34], %swap3A_37 {strides = array<i32>} : memref<1x2000x32xf32, #tpu.memory_space<vmem>>, vector<1x2000x32xf32>,
    return
  }
  func.func @transform_0(%arg0: i32, %arg1: i32) -> (i32, i32) {
    %sub3A = arith.constant 1 : i32
    %sub3A_0 = arith.subi %sub3A, %arg0 : i32
    %mul3A = arith.muli %sub3A_0, %arg1 : i32
    %c0_i32 = arith.constant 0 : i32
    %c0_i32_1 = arith.constant 0 : i32
    return %mul3A, %c0_i32 : i32, i32
  }
  func.func @transform_1(%arg0: i32, %arg1: i32) -> (i32, i32) {
    %mul3A = arith.muli %arg0, %arg1 : i32
    %c0_i32 = arith.constant 0 : i32
    %c0_i32_0 = arith.constant 0 : i32
    return %mul3A, %c0_i32 : i32, i32
  }
  func.func @transform_2(%arg0: i32, %arg1: i32) -> (i32, i32, i32) {
    %c0_i32 = arith.constant 0 : i32
    %c0_i32_0 = arith.constant 0 : i32
    %c0_i32_1 = arith.constant 0 : i32
    return %arg0, %c0_i32, %c0_i32_0 : i32, i32, i32
  }
  func.func @transform_3(%arg0: i32, %arg1: i32) -> (i32, i32, i32) {
    %c0_i32 = arith.constant 0 : i32
    %c0_i32_0 = arith.constant 0 : i32
    %c0_i32_1 = arith.constant 0 : i32
    return %arg0, %c0_i32, %c0_i32_0 : i32, i32, i32
  }
  func.func @transform_4(%arg0: i32, %arg1: i32) -> (i32, i32, i32) {
    %c0_i32 = arith.constant 0 : i32
    %c0_i32_0 = arith.constant 0 : i32
    %c0_i32_1 = arith.constant 0 : i32
    return %arg0, %c0_i32, %c0_i32_0 : i32, i32, i32
  }
  func.func @transform_5(%arg0: i32, %arg1: i32) -> (i32, i32, i32) {
    %c0_i32 = arith.constant 0 : i32
    %c0_i32_0 = arith.constant 0 : i32
    return %arg0, %arg1, %c0_i32 : i32, i32, i32
  }
  func.func @transform_6(%arg0: i32, %arg1: i32) -> (i32, i32, i32) {
    %c0_i32 = arith.constant 0 : i32
    %c0_i32_0 = arith.constant 0 : i32
    return %arg0, %arg1, %c0_i32 : i32, i32, i32
  }
}

module attributes {stable_mosaic.version = 14 : i64} {
  func.func @body(%arg0: i32, %arg1: i32, %arg2: memref<1x2000x32xf32, #tpu.memory_space<vmem>>, %arg3: memref<1x2000x32xf32, #tpu.memory_space<vmem>>, %arg4: memref<1x1x32xf32, #tpu.memory_space<vmem>>, %arg5: memref<1x1x32xf32, #tpu.memory_space<vmem>>, %arg6: memref<1x1x32xf32, #tpu.memory_space<vmem>>, %arg7: memref<1x32x32xf32, #tpu.memory_space<vmem>>, %arg8: memref<1x32x32xf32, #tpu.memory_space<vmem>>, %arg9: memref<1x1x32xf32, #tpu.memory_space<vmem>>, %arg10: memref<1x2000x32xf32, #tpu.memory_space<vmem>>, %arg11: memref<1x2000x32xf32, #tpu.memory_space<vmem>>) attributes {dimension_semantics = [#tpu.dimension_semantics<arbitrary>, #tpu.dimension_semantics<arbitrary>], iteration_bounds = array<i64: 2, 5>, scalar_prefetch = 0 : i64, scratch_operands = 0 : i64, tpu.core_type = #tpu.core_type<tc>, window_params = [{transform_indices = @transform_0, window_bounds = array<i64: 1, 2000, 32>}, {transform_indices = @transform_1, window_bounds = array<i64: 1, 2000, 32>}, {transform_indices = @transform_2, window_bounds = array<i64: 1, 1, 32>}, {transform_indices = @transform_3, window_bounds = array<i64: 1, 1, 32>}, {transform_indices = @transform_4, window_bounds = array<i64: 1, 1, 32>}, {transform_indices = @transform_5, window_bounds = array<i64: 1, 32, 32>}, {transform_indices = @transform_6, window_bounds = array<i64: 1, 32, 32>}, {transform_indices = @transform_7, window_bounds = array<i64: 1, 1, 32>}, {transform_indices = @transform_8, window_bounds = array<i64: 1, 2000, 32>}, {transform_indices = @transform_9, window_bounds = array<i64: 1, 2000, 32>}]} {
    %get3A = arith.constant 0 : index
    %get3A_0 = arith.constant 0 : index
    %get3A_1 = arith.constant 0 : index
    %get3A_2 = vector.load %arg2[%get3A, %get3A_0, %get3A_1] : memref<1x2000x32xf32, #tpu.memory_space<vmem>>, vector<1x2000x32xf32>
    %get3A_3 = vector.shape_cast %get3A_2 : vector<1x2000x32xf32> to vector<2000x32xf32>
    %get3A_4 = arith.constant 0 : index
    %get3A_5 = arith.constant 0 : index
    %get3A_6 = arith.constant 0 : index
    %get3A_7 = vector.load %arg4[%get3A_4, %get3A_5, %get3A_6] : memref<1x1x32xf32, #tpu.memory_space<vmem>>, vector<1x1x32xf32>
    %get3A_8 = vector.shape_cast %get3A_7 : vector<1x1x32xf32> to vector<1x32xf32>
    %add3A = vector.broadcast %get3A_8 : vector<1x32xf32> to vector<2000x32xf32>
    %add3A_9 = arith.addf %get3A_3, %add3A : vector<2000x32xf32>
    %max3A = arith.constant 0.000000e+00 : f32
    %max3A_10 = vector.broadcast %max3A : f32 to vector<2000x32xf32>
    %max3A_11 = arith.maximumf %add3A_9, %max3A_10 : vector<2000x32xf32>
    %get3A_12 = arith.constant 0 : index
    %get3A_13 = arith.constant 0 : index
    %get3A_14 = arith.constant 0 : index
    %get3A_15 = vector.load %arg3[%get3A_12, %get3A_13, %get3A_14] : memref<1x2000x32xf32, #tpu.memory_space<vmem>>, vector<1x2000x32xf32>
    %get3A_16 = vector.shape_cast %get3A_15 : vector<1x2000x32xf32> to vector<2000x32xf32>
    %add3A_17 = arith.addf %max3A_11, %get3A_16 : vector<2000x32xf32>
    %get3A_18 = arith.constant 0 : index
    %get3A_19 = arith.constant 0 : index
    %get3A_20 = arith.constant 0 : index
    %get3A_21 = vector.load %arg5[%get3A_18, %get3A_19, %get3A_20] : memref<1x1x32xf32, #tpu.memory_space<vmem>>, vector<1x1x32xf32>
    %get3A_22 = vector.shape_cast %get3A_21 : vector<1x1x32xf32> to vector<1x32xf32>
    %mul3A = arith.constant 0.999994993 : f32
    %mul3A_23 = vector.broadcast %mul3A : f32 to vector<1x32xf32>
    %mul3A_24 = arith.mulf %get3A_22, %mul3A_23 : vector<1x32xf32>
    %mul3A_25 = vector.broadcast %mul3A_24 : vector<1x32xf32> to vector<2000x32xf32>
    %mul3A_26 = arith.mulf %add3A_17, %mul3A_25 : vector<2000x32xf32>
    %get3A_27 = arith.constant 0 : index
    %get3A_28 = arith.constant 0 : index
    %get3A_29 = arith.constant 0 : index
    %get3A_30 = vector.load %arg6[%get3A_27, %get3A_28, %get3A_29] : memref<1x1x32xf32, #tpu.memory_space<vmem>>, vector<1x1x32xf32>
    %get3A_31 = vector.shape_cast %get3A_30 : vector<1x1x32xf32> to vector<1x32xf32>
    %add3A_32 = vector.broadcast %get3A_31 : vector<1x32xf32> to vector<2000x32xf32>
    %add3A_33 = arith.addf %mul3A_26, %add3A_32 : vector<2000x32xf32>
    %get3A_34 = arith.constant 0 : index
    %get3A_35 = arith.constant 0 : index
    %get3A_36 = arith.constant 0 : index
    %get3A_37 = vector.load %arg7[%get3A_34, %get3A_35, %get3A_36] : memref<1x32x32xf32, #tpu.memory_space<vmem>>, vector<1x32x32xf32>
    %get3A_38 = vector.shape_cast %get3A_37 : vector<1x32x32xf32> to vector<32x32xf32>
    %dot_general3A = arith.constant dense<0.000000e+00> : vector<2000x32xf32>
    %dot_general3A_39 = tpu.matmul %add3A_33, %get3A_38, %dot_general3A {dimension_numbers = #tpu.dot_dimension_numbers<[1], [0], [0], [1], [0, 0, 1, 1], [], []>, transpose_lhs_hint = false} : vector<2000x32xf32>, vector<32x32xf32>, vector<2000x32xf32> -> vector<2000x32xf32>
    %swap3A = arith.constant 0 : index
    %swap3A_40 = arith.constant 0 : index
    %swap3A_41 = arith.constant 0 : index
    %swap3A_42 = vector.load %arg10[%swap3A, %swap3A_40, %swap3A_41] : memref<1x2000x32xf32, #tpu.memory_space<vmem>>, vector<1x2000x32xf32>
    %swap3A_43 = vector.shape_cast %swap3A_42 : vector<1x2000x32xf32> to vector<2000x32xf32>
    %swap3A_44 = vector.shape_cast %dot_general3A_39 : vector<2000x32xf32> to vector<1x2000x32xf32>
    tpu.vector_store %arg10[%swap3A, %swap3A_40, %swap3A_41], %swap3A_44 {strides = array<i32>} : memref<1x2000x32xf32, #tpu.memory_space<vmem>>, vector<1x2000x32xf32>,
    %get3A_45 = arith.constant 0 : index
    %get3A_46 = arith.constant 0 : index
    %get3A_47 = arith.constant 0 : index
    %get3A_48 = vector.load %arg8[%get3A_45, %get3A_46, %get3A_47] : memref<1x32x32xf32, #tpu.memory_space<vmem>>, vector<1x32x32xf32>
    %get3A_49 = vector.shape_cast %get3A_48 : vector<1x32x32xf32> to vector<32x32xf32>
    %dot_general3A_50 = arith.constant dense<0.000000e+00> : vector<2000x32xf32>
    %dot_general3A_51 = tpu.matmul %add3A_33, %get3A_49, %dot_general3A_50 {dimension_numbers = #tpu.dot_dimension_numbers<[1], [0], [0], [1], [0, 0, 1, 1], [], []>, transpose_lhs_hint = false} : vector<2000x32xf32>, vector<32x32xf32>, vector<2000x32xf32> -> vector<2000x32xf32>
    %get3A_52 = arith.constant 0 : index
    %get3A_53 = arith.constant 0 : index
    %get3A_54 = arith.constant 0 : index
    %get3A_55 = vector.load %arg9[%get3A_52, %get3A_53, %get3A_54] : memref<1x1x32xf32, #tpu.memory_space<vmem>>, vector<1x1x32xf32>
    %get3A_56 = vector.shape_cast %get3A_55 : vector<1x1x32xf32> to vector<1x32xf32>
    %add3A_57 = vector.broadcast %get3A_56 : vector<1x32xf32> to vector<2000x32xf32>
    %add3A_58 = arith.addf %dot_general3A_51, %add3A_57 : vector<2000x32xf32>
    %max3A_59 = arith.constant 0.000000e+00 : f32
    %max3A_60 = vector.broadcast %max3A_59 : f32 to vector<2000x32xf32>
    %max3A_61 = arith.maximumf %add3A_58, %max3A_60 : vector<2000x32xf32>
    %swap3A_62 = arith.constant 0 : index
    %swap3A_63 = arith.constant 0 : index
    %swap3A_64 = arith.constant 0 : index
    %swap3A_65 = vector.load %arg11[%swap3A_62, %swap3A_63, %swap3A_64] : memref<1x2000x32xf32, #tpu.memory_space<vmem>>, vector<1x2000x32xf32>
    %swap3A_66 = vector.shape_cast %swap3A_65 : vector<1x2000x32xf32> to vector<2000x32xf32>
    %swap3A_67 = vector.shape_cast %max3A_61 : vector<2000x32xf32> to vector<1x2000x32xf32>
    tpu.vector_store %arg11[%swap3A_62, %swap3A_63, %swap3A_64], %swap3A_67 {strides = array<i32>} : memref<1x2000x32xf32, #tpu.memory_space<vmem>>, vector<1x2000x32xf32>,
    return
  }
  func.func @transform_0(%arg0: i32, %arg1: i32) -> (i32, i32, i32) {
    %c0_i32 = arith.constant 0 : i32
    %c0_i32_0 = arith.constant 0 : i32
    return %arg0, %arg1, %c0_i32 : i32, i32, i32
  }
  func.func @transform_1(%arg0: i32, %arg1: i32) -> (i32, i32, i32) {
    %c0_i32 = arith.constant 0 : i32
    %c0_i32_0 = arith.constant 0 : i32
    return %arg0, %arg1, %c0_i32 : i32, i32, i32
  }
  func.func @transform_2(%arg0: i32, %arg1: i32) -> (i32, i32, i32) {
    %c0_i32 = arith.constant 0 : i32
    %c0_i32_0 = arith.constant 0 : i32
    %c0_i32_1 = arith.constant 0 : i32
    return %arg0, %c0_i32, %c0_i32_0 : i32, i32, i32
  }
  func.func @transform_3(%arg0: i32, %arg1: i32) -> (i32, i32, i32) {
    %c0_i32 = arith.constant 0 : i32
    %c0_i32_0 = arith.constant 0 : i32
    %c0_i32_1 = arith.constant 0 : i32
    return %arg0, %c0_i32, %c0_i32_0 : i32, i32, i32
  }
  func.func @transform_4(%arg0: i32, %arg1: i32) -> (i32, i32, i32) {
    %c0_i32 = arith.constant 0 : i32
    %c0_i32_0 = arith.constant 0 : i32
    %c0_i32_1 = arith.constant 0 : i32
    return %arg0, %c0_i32, %c0_i32_0 : i32, i32, i32
  }
  func.func @transform_5(%arg0: i32, %arg1: i32) -> (i32, i32, i32) {
    %c0_i32 = arith.constant 0 : i32
    %c0_i32_0 = arith.constant 0 : i32
    %c0_i32_1 = arith.constant 0 : i32
    return %arg0, %c0_i32, %c0_i32_0 : i32, i32, i32
  }
  func.func @transform_6(%arg0: i32, %arg1: i32) -> (i32, i32, i32) {
    %c0_i32 = arith.constant 0 : i32
    %c0_i32_0 = arith.constant 0 : i32
    %c0_i32_1 = arith.constant 0 : i32
    return %arg0, %c0_i32, %c0_i32_0 : i32, i32, i32
  }
  func.func @transform_7(%arg0: i32, %arg1: i32) -> (i32, i32, i32) {
    %c0_i32 = arith.constant 0 : i32
    %c0_i32_0 = arith.constant 0 : i32
    %c0_i32_1 = arith.constant 0 : i32
    return %arg0, %c0_i32, %c0_i32_0 : i32, i32, i32
  }
  func.func @transform_8(%arg0: i32, %arg1: i32) -> (i32, i32, i32) {
    %c0_i32 = arith.constant 0 : i32
    %c0_i32_0 = arith.constant 0 : i32
    return %arg0, %arg1, %c0_i32 : i32, i32, i32
  }
  func.func @transform_9(%arg0: i32, %arg1: i32) -> (i32, i32, i32) {
    %c0_i32 = arith.constant 0 : i32
    %c0_i32_0 = arith.constant 0 : i32
    return %arg0, %arg1, %c0_i32 : i32, i32, i32
  }
}

module attributes {stable_mosaic.version = 14 : i64} {
  func.func @body(%arg0: i32, %arg1: i32, %arg2: memref<1x2000x32xf32, #tpu.memory_space<vmem>>, %arg3: memref<1x2000x32xf32, #tpu.memory_space<vmem>>, %arg4: memref<1x1x32xf32, #tpu.memory_space<vmem>>, %arg5: memref<1x1x32xf32, #tpu.memory_space<vmem>>, %arg6: memref<1x1x32xf32, #tpu.memory_space<vmem>>, %arg7: memref<1x1x32xf32, #tpu.memory_space<vmem>>, %arg8: memref<1x1x1xf32, #tpu.memory_space<vmem>>, %arg9: memref<1x2000x1xi32, #tpu.memory_space<vmem>>, %arg10: memref<1x256x32xf32, #tpu.memory_space<vmem>>, %arg11: memref<1x256x32xf32, #tpu.memory_space<vmem>>) attributes {dimension_semantics = [#tpu.dimension_semantics<arbitrary>, #tpu.dimension_semantics<arbitrary>], iteration_bounds = array<i64: 2, 5>, scalar_prefetch = 0 : i64, scratch_operands = 0 : i64, tpu.core_type = #tpu.core_type<tc>, window_params = [{transform_indices = @transform_0, window_bounds = array<i64: 1, 2000, 32>}, {transform_indices = @transform_1, window_bounds = array<i64: 1, 2000, 32>}, {transform_indices = @transform_2, window_bounds = array<i64: 1, 1, 32>}, {transform_indices = @transform_3, window_bounds = array<i64: 1, 1, 32>}, {transform_indices = @transform_4, window_bounds = array<i64: 1, 1, 32>}, {transform_indices = @transform_5, window_bounds = array<i64: 1, 1, 32>}, {transform_indices = @transform_6, window_bounds = array<i64: 1, 1, 1>}, {transform_indices = @transform_7, window_bounds = array<i64: 1, 2000, 1>}, {transform_indices = @transform_8, window_bounds = array<i64: 1, 256, 32>}, {transform_indices = @transform_9, window_bounds = array<i64: 1, 256, 32>}]} {
    %get3A = arith.constant 0 : index
    %get3A_0 = arith.constant 0 : index
    %get3A_1 = arith.constant 0 : index
    %get3A_2 = vector.load %arg2[%get3A, %get3A_0, %get3A_1] : memref<1x2000x32xf32, #tpu.memory_space<vmem>>, vector<1x2000x32xf32>
    %get3A_3 = vector.shape_cast %get3A_2 : vector<1x2000x32xf32> to vector<2000x32xf32>
    %get3A_4 = arith.constant 0 : index
    %get3A_5 = arith.constant 0 : index
    %get3A_6 = arith.constant 0 : index
    %get3A_7 = vector.load %arg4[%get3A_4, %get3A_5, %get3A_6] : memref<1x1x32xf32, #tpu.memory_space<vmem>>, vector<1x1x32xf32>
    %get3A_8 = vector.shape_cast %get3A_7 : vector<1x1x32xf32> to vector<1x32xf32>
    %add3A = vector.broadcast %get3A_8 : vector<1x32xf32> to vector<2000x32xf32>
    %add3A_9 = arith.addf %get3A_3, %add3A : vector<2000x32xf32>
    %max3A = arith.constant 0.000000e+00 : f32
    %max3A_10 = vector.broadcast %max3A : f32 to vector<2000x32xf32>
    %max3A_11 = arith.maximumf %add3A_9, %max3A_10 : vector<2000x32xf32>
    %get3A_12 = arith.constant 0 : index
    %get3A_13 = arith.constant 0 : index
    %get3A_14 = arith.constant 0 : index
    %get3A_15 = vector.load %arg3[%get3A_12, %get3A_13, %get3A_14] : memref<1x2000x32xf32, #tpu.memory_space<vmem>>, vector<1x2000x32xf32>
    %get3A_16 = vector.shape_cast %get3A_15 : vector<1x2000x32xf32> to vector<2000x32xf32>
    %add3A_17 = arith.addf %max3A_11, %get3A_16 : vector<2000x32xf32>
    %get3A_18 = arith.constant 0 : index
    %get3A_19 = arith.constant 0 : index
    %get3A_20 = arith.constant 0 : index
    %get3A_21 = vector.load %arg5[%get3A_18, %get3A_19, %get3A_20] : memref<1x1x32xf32, #tpu.memory_space<vmem>>, vector<1x1x32xf32>
    %get3A_22 = vector.shape_cast %get3A_21 : vector<1x1x32xf32> to vector<1x32xf32>
    %mul3A = arith.constant 0.999994993 : f32
    %mul3A_23 = vector.broadcast %mul3A : f32 to vector<1x32xf32>
    %mul3A_24 = arith.mulf %get3A_22, %mul3A_23 : vector<1x32xf32>
    %mul3A_25 = vector.broadcast %mul3A_24 : vector<1x32xf32> to vector<2000x32xf32>
    %mul3A_26 = arith.mulf %add3A_17, %mul3A_25 : vector<2000x32xf32>
    %get3A_27 = arith.constant 0 : index
    %get3A_28 = arith.constant 0 : index
    %get3A_29 = arith.constant 0 : index
    %get3A_30 = vector.load %arg6[%get3A_27, %get3A_28, %get3A_29] : memref<1x1x32xf32, #tpu.memory_space<vmem>>, vector<1x1x32xf32>
    %get3A_31 = vector.shape_cast %get3A_30 : vector<1x1x32xf32> to vector<1x32xf32>
    %add3A_32 = vector.broadcast %get3A_31 : vector<1x32xf32> to vector<2000x32xf32>
    %add3A_33 = arith.addf %mul3A_26, %add3A_32 : vector<2000x32xf32>
    %convert_element_type3A = arith.truncf %add3A_33 : vector<2000x32xf32> to vector<2000x32xbf16>
    %convert_element_type3A_34 = arith.extf %convert_element_type3A : vector<2000x32xbf16> to vector<2000x32xf32>
    %get3A_35 = arith.constant 0 : index
    %get3A_36 = arith.constant 0 : index
    %get3A_37 = arith.constant 0 : index
    %get3A_38 = vector.load %arg7[%get3A_35, %get3A_36, %get3A_37] : memref<1x1x32xf32, #tpu.memory_space<vmem>>, vector<1x1x32xf32>
    %get3A_39 = vector.shape_cast %get3A_38 : vector<1x1x32xf32> to vector<1x32xf32>
    %convert_element_type3A_40 = arith.truncf %get3A_39 : vector<1x32xf32> to vector<1x32xbf16>
    %convert_element_type3A_41 = arith.extf %convert_element_type3A_40 : vector<1x32xbf16> to vector<1x32xf32>
    %mul3A_42 = vector.broadcast %convert_element_type3A_41 : vector<1x32xf32> to vector<2000x32xf32>
    %mul3A_43 = arith.mulf %convert_element_type3A_34, %mul3A_42 : vector<2000x32xf32>
    %reduce_sum3A = arith.constant dense<0.000000e+00> : vector<2000xf32>
    %reduce_sum3A_44 = vector.multi_reduction <add>, %mul3A_43, %reduce_sum3A [1] : vector<2000x32xf32> to vector<2000xf32>
    %broadcast_in_dim3A = vector.shape_cast %reduce_sum3A_44 : vector<2000xf32> to vector<2000x1xf32>
    %get3A_45 = arith.constant 0 : index
    %get3A_46 = arith.constant 0 : index
    %get3A_47 = arith.constant 0 : index
    %get3A_48 = vector.load %arg8[%get3A_45, %get3A_46, %get3A_47] : memref<1x1x1xf32, #tpu.memory_space<vmem>>, vector<1x1x1xf32>
    %get3A_49 = vector.shape_cast %get3A_48 : vector<1x1x1xf32> to vector<1x1xf32>
    %add3A_50 = vector.broadcast %get3A_49 : vector<1x1xf32> to vector<2000x1xf32>
    %add3A_51 = arith.addf %broadcast_in_dim3A, %add3A_50 : vector<2000x1xf32>
    %logistic3A = arith.negf %add3A_51 : vector<2000x1xf32>
    %logistic3A_52 = math.exp %logistic3A : vector<2000x1xf32>
    %logistic3A_53 = arith.constant 1.000000e+00 : f32
    %logistic3A_54 = vector.broadcast %logistic3A_53 : f32 to vector<2000x1xf32>
    %logistic3A_55 = arith.addf %logistic3A_54, %logistic3A_52 : vector<2000x1xf32>
    %logistic3A_56 = arith.divf %logistic3A_54, %logistic3A_55 : vector<2000x1xf32>
    %mul3A_57 = vector.broadcast %logistic3A_56 : vector<2000x1xf32> to vector<2000x32xf32>
    %mul3A_58 = arith.mulf %mul3A_57, %add3A_33 : vector<2000x32xf32>
    %get3A_59 = arith.constant 0 : index
    %get3A_60 = arith.constant 0 : index
    %get3A_61 = arith.constant 0 : index
    %get3A_62 = vector.load %arg9[%get3A_59, %get3A_60, %get3A_61] : memref<1x2000x1xi32, #tpu.memory_space<vmem>>, vector<1x2000x1xi32>
    %get3A_63 = vector.shape_cast %get3A_62 : vector<1x2000x1xi32> to vector<2000x1xi32>
    %iota3A = tpu.iota {dimensions = array<i32: 1>} : vector<1x256xi32>
    %eq3A = vector.broadcast %get3A_63 : vector<2000x1xi32> to vector<2000x256xi32>
    %eq3A_64 = vector.broadcast %iota3A : vector<1x256xi32> to vector<2000x256xi32>
    %eq3A_65 = arith.cmpi eq, %eq3A, %eq3A_64 : vector<2000x256xi32>
    %convert_element_type3A_66 = arith.extui %eq3A_65 : vector<2000x256xi1> to vector<2000x256xi32>
    %convert_element_type3A_67 = arith.sitofp %convert_element_type3A_66 : vector<2000x256xi32> to vector<2000x256xf32>
    %dot_general3A = arith.constant dense<0.000000e+00> : vector<256x32xf32>
    %dot_general3A_68 = tpu.matmul %convert_element_type3A_67, %mul3A_58, %dot_general3A {dimension_numbers = #tpu.dot_dimension_numbers<[0], [0], [1], [1], [0, 1, 1, 1], [], []>, precision = #tpu.contract_precision<fp32>, transpose_lhs_hint = false} : vector<2000x256xf32>, vector<2000x32xf32>, vector<256x32xf32> -> vector<256x32xf32>
    %broadcast_in_dim3A_69 = arith.constant 0xFF800000 : f32
    %broadcast_in_dim3A_70 = vector.broadcast %broadcast_in_dim3A_69 : f32 to vector<1x32xf32>
    %slice3A = vector.extract_strided_slice %add3A_33 {offsets = [0, 0], sizes = [1999, 32], strides = [1, 1]} : vector<2000x32xf32> to vector<1999x32xf32>
    %concatenate3A = tpu.concatenate %broadcast_in_dim3A_70, %slice3A in 0 : vector<1x32xf32>, vector<1999x32xf32> -> vector<2000x32xf32>
    %broadcast_in_dim3A_71 = arith.constant -1 : i32
    %broadcast_in_dim3A_72 = vector.broadcast %broadcast_in_dim3A_71 : i32 to vector<1x1xi32>
    %slice3A_73 = vector.extract_strided_slice %get3A_63 {offsets = [0, 0], sizes = [1999, 1], strides = [1, 1]} : vector<2000x1xi32> to vector<1999x1xi32>
    %concatenate3A_74 = tpu.concatenate %broadcast_in_dim3A_72, %slice3A_73 in 0 : vector<1x1xi32>, vector<1999x1xi32> -> vector<2000x1xi32>
    %eq3A_75 = arith.cmpi eq, %concatenate3A_74, %get3A_63 : vector<2000x1xi32>
    %jit3A = arith.constant 0xFF800000 : f32
    %broadcast_in_dim3A_76 = vector.shape_cast %eq3A_75 : vector<2000x1xi1> to vector<2000x1xi1>
    %broadcast_in_dim3A_77 = vector.broadcast %broadcast_in_dim3A_76 : vector<2000x1xi1> to vector<2000x32xi1>
    %broadcast_in_dim3A_78 = vector.broadcast %jit3A : f32 to vector<2000x32xf32>
    %select_n3A = arith.select %broadcast_in_dim3A_77, %concatenate3A, %broadcast_in_dim3A_78 : vector<2000x32xi1>, vector<2000x32xf32>
    %max3A_79 = arith.maximumf %add3A_33, %select_n3A : vector<2000x32xf32>
    %broadcast_in_dim3A_80 = arith.constant 0xFF800000 : f32
    %broadcast_in_dim3A_81 = vector.broadcast %broadcast_in_dim3A_80 : f32 to vector<2x32xf32>
    %slice3A_82 = vector.extract_strided_slice %max3A_79 {offsets = [0, 0], sizes = [1998, 32], strides = [1, 1]} : vector<2000x32xf32> to vector<1998x32xf32>
    %concatenate3A_83 = tpu.concatenate %broadcast_in_dim3A_81, %slice3A_82 in 0 : vector<2x32xf32>, vector<1998x32xf32> -> vector<2000x32xf32>
    %broadcast_in_dim3A_84 = arith.constant -1 : i32
    %broadcast_in_dim3A_85 = vector.broadcast %broadcast_in_dim3A_84 : i32 to vector<2x1xi32>
    %slice3A_86 = vector.extract_strided_slice %get3A_63 {offsets = [0, 0], sizes = [1998, 1], strides = [1, 1]} : vector<2000x1xi32> to vector<1998x1xi32>
    %concatenate3A_87 = tpu.concatenate %broadcast_in_dim3A_85, %slice3A_86 in 0 : vector<2x1xi32>, vector<1998x1xi32> -> vector<2000x1xi32>
    %eq3A_88 = arith.cmpi eq, %concatenate3A_87, %get3A_63 : vector<2000x1xi32>
    %jit3A_89 = arith.constant 0xFF800000 : f32
    %broadcast_in_dim3A_90 = vector.shape_cast %eq3A_88 : vector<2000x1xi1> to vector<2000x1xi1>
    %broadcast_in_dim3A_91 = vector.broadcast %broadcast_in_dim3A_90 : vector<2000x1xi1> to vector<2000x32xi1>
    %broadcast_in_dim3A_92 = vector.broadcast %jit3A_89 : f32 to vector<2000x32xf32>
    %select_n3A_93 = arith.select %broadcast_in_dim3A_91, %concatenate3A_83, %broadcast_in_dim3A_92 : vector<2000x32xi1>, vector<2000x32xf32>
    %max3A_94 = arith.maximumf %max3A_79, %select_n3A_93 : vector<2000x32xf32>
    %broadcast_in_dim3A_95 = arith.constant 0xFF800000 : f32
    %broadcast_in_dim3A_96 = vector.broadcast %broadcast_in_dim3A_95 : f32 to vector<4x32xf32>
    %slice3A_97 = vector.extract_strided_slice %max3A_94 {offsets = [0, 0], sizes = [1996, 32], strides = [1, 1]} : vector<2000x32xf32> to vector<1996x32xf32>
    %concatenate3A_98 = tpu.concatenate %broadcast_in_dim3A_96, %slice3A_97 in 0 : vector<4x32xf32>, vector<1996x32xf32> -> vector<2000x32xf32>
    %broadcast_in_dim3A_99 = arith.constant -1 : i32
    %broadcast_in_dim3A_100 = vector.broadcast %broadcast_in_dim3A_99 : i32 to vector<4x1xi32>
    %slice3A_101 = vector.extract_strided_slice %get3A_63 {offsets = [0, 0], sizes = [1996, 1], strides = [1, 1]} : vector<2000x1xi32> to vector<1996x1xi32>
    %concatenate3A_102 = tpu.concatenate %broadcast_in_dim3A_100, %slice3A_101 in 0 : vector<4x1xi32>, vector<1996x1xi32> -> vector<2000x1xi32>
    %eq3A_103 = arith.cmpi eq, %concatenate3A_102, %get3A_63 : vector<2000x1xi32>
    %jit3A_104 = arith.constant 0xFF800000 : f32
    %broadcast_in_dim3A_105 = vector.shape_cast %eq3A_103 : vector<2000x1xi1> to vector<2000x1xi1>
    %broadcast_in_dim3A_106 = vector.broadcast %broadcast_in_dim3A_105 : vector<2000x1xi1> to vector<2000x32xi1>
    %broadcast_in_dim3A_107 = vector.broadcast %jit3A_104 : f32 to vector<2000x32xf32>
    %select_n3A_108 = arith.select %broadcast_in_dim3A_106, %concatenate3A_98, %broadcast_in_dim3A_107 : vector<2000x32xi1>, vector<2000x32xf32>
    %max3A_109 = arith.maximumf %max3A_94, %select_n3A_108 : vector<2000x32xf32>
    %broadcast_in_dim3A_110 = arith.constant 0xFF800000 : f32
    %broadcast_in_dim3A_111 = vector.broadcast %broadcast_in_dim3A_110 : f32 to vector<8x32xf32>
    %slice3A_112 = vector.extract_strided_slice %max3A_109 {offsets = [0, 0], sizes = [1992, 32], strides = [1, 1]} : vector<2000x32xf32> to vector<1992x32xf32>
    %concatenate3A_113 = tpu.concatenate %broadcast_in_dim3A_111, %slice3A_112 in 0 : vector<8x32xf32>, vector<1992x32xf32> -> vector<2000x32xf32>
    %broadcast_in_dim3A_114 = arith.constant -1 : i32
    %broadcast_in_dim3A_115 = vector.broadcast %broadcast_in_dim3A_114 : i32 to vector<8x1xi32>
    %slice3A_116 = vector.extract_strided_slice %get3A_63 {offsets = [0, 0], sizes = [1992, 1], strides = [1, 1]} : vector<2000x1xi32> to vector<1992x1xi32>
    %concatenate3A_117 = tpu.concatenate %broadcast_in_dim3A_115, %slice3A_116 in 0 : vector<8x1xi32>, vector<1992x1xi32> -> vector<2000x1xi32>
    %eq3A_118 = arith.cmpi eq, %concatenate3A_117, %get3A_63 : vector<2000x1xi32>
    %jit3A_119 = arith.constant 0xFF800000 : f32
    %broadcast_in_dim3A_120 = vector.shape_cast %eq3A_118 : vector<2000x1xi1> to vector<2000x1xi1>
    %broadcast_in_dim3A_121 = vector.broadcast %broadcast_in_dim3A_120 : vector<2000x1xi1> to vector<2000x32xi1>
    %broadcast_in_dim3A_122 = vector.broadcast %jit3A_119 : f32 to vector<2000x32xf32>
    %select_n3A_123 = arith.select %broadcast_in_dim3A_121, %concatenate3A_113, %broadcast_in_dim3A_122 : vector<2000x32xi1>, vector<2000x32xf32>
    %max3A_124 = arith.maximumf %max3A_109, %select_n3A_123 : vector<2000x32xf32>
    %broadcast_in_dim3A_125 = arith.constant 0xFF800000 : f32
    %broadcast_in_dim3A_126 = vector.broadcast %broadcast_in_dim3A_125 : f32 to vector<16x32xf32>
    %slice3A_127 = vector.extract_strided_slice %max3A_124 {offsets = [0, 0], sizes = [1984, 32], strides = [1, 1]} : vector<2000x32xf32> to vector<1984x32xf32>
    %concatenate3A_128 = tpu.concatenate %broadcast_in_dim3A_126, %slice3A_127 in 0 : vector<16x32xf32>, vector<1984x32xf32> -> vector<2000x32xf32>
    %broadcast_in_dim3A_129 = arith.constant -1 : i32
    %broadcast_in_dim3A_130 = vector.broadcast %broadcast_in_dim3A_129 : i32 to vector<16x1xi32>
    %slice3A_131 = vector.extract_strided_slice %get3A_63 {offsets = [0, 0], sizes = [1984, 1], strides = [1, 1]} : vector<2000x1xi32> to vector<1984x1xi32>
    %concatenate3A_132 = tpu.concatenate %broadcast_in_dim3A_130, %slice3A_131 in 0 : vector<16x1xi32>, vector<1984x1xi32> -> vector<2000x1xi32>
    %eq3A_133 = arith.cmpi eq, %concatenate3A_132, %get3A_63 : vector<2000x1xi32>
    %jit3A_134 = arith.constant 0xFF800000 : f32
    %broadcast_in_dim3A_135 = vector.shape_cast %eq3A_133 : vector<2000x1xi1> to vector<2000x1xi1>
    %broadcast_in_dim3A_136 = vector.broadcast %broadcast_in_dim3A_135 : vector<2000x1xi1> to vector<2000x32xi1>
    %broadcast_in_dim3A_137 = vector.broadcast %jit3A_134 : f32 to vector<2000x32xf32>
    %select_n3A_138 = arith.select %broadcast_in_dim3A_136, %concatenate3A_128, %broadcast_in_dim3A_137 : vector<2000x32xi1>, vector<2000x32xf32>
    %max3A_139 = arith.maximumf %max3A_124, %select_n3A_138 : vector<2000x32xf32>
    %broadcast_in_dim3A_140 = arith.constant 0xFF800000 : f32
    %broadcast_in_dim3A_141 = vector.broadcast %broadcast_in_dim3A_140 : f32 to vector<32x32xf32>
    %slice3A_142 = vector.extract_strided_slice %max3A_139 {offsets = [0, 0], sizes = [1968, 32], strides = [1, 1]} : vector<2000x32xf32> to vector<1968x32xf32>
    %concatenate3A_143 = tpu.concatenate %broadcast_in_dim3A_141, %slice3A_142 in 0 : vector<32x32xf32>, vector<1968x32xf32> -> vector<2000x32xf32>
    %broadcast_in_dim3A_144 = arith.constant -1 : i32
    %broadcast_in_dim3A_145 = vector.broadcast %broadcast_in_dim3A_144 : i32 to vector<32x1xi32>
    %slice3A_146 = vector.extract_strided_slice %get3A_63 {offsets = [0, 0], sizes = [1968, 1], strides = [1, 1]} : vector<2000x1xi32> to vector<1968x1xi32>
    %concatenate3A_147 = tpu.concatenate %broadcast_in_dim3A_145, %slice3A_146 in 0 : vector<32x1xi32>, vector<1968x1xi32> -> vector<2000x1xi32>
    %eq3A_148 = arith.cmpi eq, %concatenate3A_147, %get3A_63 : vector<2000x1xi32>
    %jit3A_149 = arith.constant 0xFF800000 : f32
    %broadcast_in_dim3A_150 = vector.shape_cast %eq3A_148 : vector<2000x1xi1> to vector<2000x1xi1>
    %broadcast_in_dim3A_151 = vector.broadcast %broadcast_in_dim3A_150 : vector<2000x1xi1> to vector<2000x32xi1>
    %broadcast_in_dim3A_152 = vector.broadcast %jit3A_149 : f32 to vector<2000x32xf32>
    %select_n3A_153 = arith.select %broadcast_in_dim3A_151, %concatenate3A_143, %broadcast_in_dim3A_152 : vector<2000x32xi1>, vector<2000x32xf32>
    %max3A_154 = arith.maximumf %max3A_139, %select_n3A_153 : vector<2000x32xf32>
    %broadcast_in_dim3A_155 = arith.constant 0xFF800000 : f32
    %broadcast_in_dim3A_156 = vector.broadcast %broadcast_in_dim3A_155 : f32 to vector<64x32xf32>
    %slice3A_157 = vector.extract_strided_slice %max3A_154 {offsets = [0, 0], sizes = [1936, 32], strides = [1, 1]} : vector<2000x32xf32> to vector<1936x32xf32>
    %concatenate3A_158 = tpu.concatenate %broadcast_in_dim3A_156, %slice3A_157 in 0 : vector<64x32xf32>, vector<1936x32xf32> -> vector<2000x32xf32>
    %broadcast_in_dim3A_159 = arith.constant -1 : i32
    %broadcast_in_dim3A_160 = vector.broadcast %broadcast_in_dim3A_159 : i32 to vector<64x1xi32>
    %slice3A_161 = vector.extract_strided_slice %get3A_63 {offsets = [0, 0], sizes = [1936, 1], strides = [1, 1]} : vector<2000x1xi32> to vector<1936x1xi32>
    %concatenate3A_162 = tpu.concatenate %broadcast_in_dim3A_160, %slice3A_161 in 0 : vector<64x1xi32>, vector<1936x1xi32> -> vector<2000x1xi32>
    %eq3A_163 = arith.cmpi eq, %concatenate3A_162, %get3A_63 : vector<2000x1xi32>
    %jit3A_164 = arith.constant 0xFF800000 : f32
    %broadcast_in_dim3A_165 = vector.shape_cast %eq3A_163 : vector<2000x1xi1> to vector<2000x1xi1>
    %broadcast_in_dim3A_166 = vector.broadcast %broadcast_in_dim3A_165 : vector<2000x1xi1> to vector<2000x32xi1>
    %broadcast_in_dim3A_167 = vector.broadcast %jit3A_164 : f32 to vector<2000x32xf32>
    %select_n3A_168 = arith.select %broadcast_in_dim3A_166, %concatenate3A_158, %broadcast_in_dim3A_167 : vector<2000x32xi1>, vector<2000x32xf32>
    %max3A_169 = arith.maximumf %max3A_154, %select_n3A_168 : vector<2000x32xf32>
    %broadcast_in_dim3A_170 = arith.constant 0xFF800000 : f32
    %broadcast_in_dim3A_171 = vector.broadcast %broadcast_in_dim3A_170 : f32 to vector<128x32xf32>
    %slice3A_172 = vector.extract_strided_slice %max3A_169 {offsets = [0, 0], sizes = [1872, 32], strides = [1, 1]} : vector<2000x32xf32> to vector<1872x32xf32>
    %concatenate3A_173 = tpu.concatenate %broadcast_in_dim3A_171, %slice3A_172 in 0 : vector<128x32xf32>, vector<1872x32xf32> -> vector<2000x32xf32>
    %broadcast_in_dim3A_174 = arith.constant -1 : i32
    %broadcast_in_dim3A_175 = vector.broadcast %broadcast_in_dim3A_174 : i32 to vector<128x1xi32>
    %slice3A_176 = vector.extract_strided_slice %get3A_63 {offsets = [0, 0], sizes = [1872, 1], strides = [1, 1]} : vector<2000x1xi32> to vector<1872x1xi32>
    %concatenate3A_177 = tpu.concatenate %broadcast_in_dim3A_175, %slice3A_176 in 0 : vector<128x1xi32>, vector<1872x1xi32> -> vector<2000x1xi32>
    %eq3A_178 = arith.cmpi eq, %concatenate3A_177, %get3A_63 : vector<2000x1xi32>
    %jit3A_179 = arith.constant 0xFF800000 : f32
    %broadcast_in_dim3A_180 = vector.shape_cast %eq3A_178 : vector<2000x1xi1> to vector<2000x1xi1>
    %broadcast_in_dim3A_181 = vector.broadcast %broadcast_in_dim3A_180 : vector<2000x1xi1> to vector<2000x32xi1>
    %broadcast_in_dim3A_182 = vector.broadcast %jit3A_179 : f32 to vector<2000x32xf32>
    %select_n3A_183 = arith.select %broadcast_in_dim3A_181, %concatenate3A_173, %broadcast_in_dim3A_182 : vector<2000x32xi1>, vector<2000x32xf32>
    %max3A_184 = arith.maximumf %max3A_169, %select_n3A_183 : vector<2000x32xf32>
    %broadcast_in_dim3A_185 = arith.constant 0xFF800000 : f32
    %broadcast_in_dim3A_186 = vector.broadcast %broadcast_in_dim3A_185 : f32 to vector<256x32xf32>
    %slice3A_187 = vector.extract_strided_slice %max3A_184 {offsets = [0, 0], sizes = [1744, 32], strides = [1, 1]} : vector<2000x32xf32> to vector<1744x32xf32>
    %concatenate3A_188 = tpu.concatenate %broadcast_in_dim3A_186, %slice3A_187 in 0 : vector<256x32xf32>, vector<1744x32xf32> -> vector<2000x32xf32>
    %broadcast_in_dim3A_189 = arith.constant -1 : i32
    %broadcast_in_dim3A_190 = vector.broadcast %broadcast_in_dim3A_189 : i32 to vector<256x1xi32>
    %slice3A_191 = vector.extract_strided_slice %get3A_63 {offsets = [0, 0], sizes = [1744, 1], strides = [1, 1]} : vector<2000x1xi32> to vector<1744x1xi32>
    %concatenate3A_192 = tpu.concatenate %broadcast_in_dim3A_190, %slice3A_191 in 0 : vector<256x1xi32>, vector<1744x1xi32> -> vector<2000x1xi32>
    %eq3A_193 = arith.cmpi eq, %concatenate3A_192, %get3A_63 : vector<2000x1xi32>
    %jit3A_194 = arith.constant 0xFF800000 : f32
    %broadcast_in_dim3A_195 = vector.shape_cast %eq3A_193 : vector<2000x1xi1> to vector<2000x1xi1>
    %broadcast_in_dim3A_196 = vector.broadcast %broadcast_in_dim3A_195 : vector<2000x1xi1> to vector<2000x32xi1>
    %broadcast_in_dim3A_197 = vector.broadcast %jit3A_194 : f32 to vector<2000x32xf32>
    %select_n3A_198 = arith.select %broadcast_in_dim3A_196, %concatenate3A_188, %broadcast_in_dim3A_197 : vector<2000x32xi1>, vector<2000x32xf32>
    %max3A_199 = arith.maximumf %max3A_184, %select_n3A_198 : vector<2000x32xf32>
    %broadcast_in_dim3A_200 = arith.constant 0xFF800000 : f32
    %broadcast_in_dim3A_201 = vector.broadcast %broadcast_in_dim3A_200 : f32 to vector<512x32xf32>
    %slice3A_202 = vector.extract_strided_slice %max3A_199 {offsets = [0, 0], sizes = [1488, 32], strides = [1, 1]} : vector<2000x32xf32> to vector<1488x32xf32>
    %concatenate3A_203 = tpu.concatenate %broadcast_in_dim3A_201, %slice3A_202 in 0 : vector<512x32xf32>, vector<1488x32xf32> -> vector<2000x32xf32>
    %broadcast_in_dim3A_204 = arith.constant -1 : i32
    %broadcast_in_dim3A_205 = vector.broadcast %broadcast_in_dim3A_204 : i32 to vector<512x1xi32>
    %slice3A_206 = vector.extract_strided_slice %get3A_63 {offsets = [0, 0], sizes = [1488, 1], strides = [1, 1]} : vector<2000x1xi32> to vector<1488x1xi32>
    %concatenate3A_207 = tpu.concatenate %broadcast_in_dim3A_205, %slice3A_206 in 0 : vector<512x1xi32>, vector<1488x1xi32> -> vector<2000x1xi32>
    %eq3A_208 = arith.cmpi eq, %concatenate3A_207, %get3A_63 : vector<2000x1xi32>
    %jit3A_209 = arith.constant 0xFF800000 : f32
    %broadcast_in_dim3A_210 = vector.shape_cast %eq3A_208 : vector<2000x1xi1> to vector<2000x1xi1>
    %broadcast_in_dim3A_211 = vector.broadcast %broadcast_in_dim3A_210 : vector<2000x1xi1> to vector<2000x32xi1>
    %broadcast_in_dim3A_212 = vector.broadcast %jit3A_209 : f32 to vector<2000x32xf32>
    %select_n3A_213 = arith.select %broadcast_in_dim3A_211, %concatenate3A_203, %broadcast_in_dim3A_212 : vector<2000x32xi1>, vector<2000x32xf32>
    %max3A_214 = arith.maximumf %max3A_199, %select_n3A_213 : vector<2000x32xf32>
    %broadcast_in_dim3A_215 = arith.constant 0xFF800000 : f32
    %broadcast_in_dim3A_216 = vector.broadcast %broadcast_in_dim3A_215 : f32 to vector<1024x32xf32>
    %slice3A_217 = vector.extract_strided_slice %max3A_214 {offsets = [0, 0], sizes = [976, 32], strides = [1, 1]} : vector<2000x32xf32> to vector<976x32xf32>
    %concatenate3A_218 = tpu.concatenate %broadcast_in_dim3A_216, %slice3A_217 in 0 : vector<1024x32xf32>, vector<976x32xf32> -> vector<2000x32xf32>
    %broadcast_in_dim3A_219 = arith.constant -1 : i32
    %broadcast_in_dim3A_220 = vector.broadcast %broadcast_in_dim3A_219 : i32 to vector<1024x1xi32>
    %slice3A_221 = vector.extract_strided_slice %get3A_63 {offsets = [0, 0], sizes = [976, 1], strides = [1, 1]} : vector<2000x1xi32> to vector<976x1xi32>
    %concatenate3A_222 = tpu.concatenate %broadcast_in_dim3A_220, %slice3A_221 in 0 : vector<1024x1xi32>, vector<976x1xi32> -> vector<2000x1xi32>
    %eq3A_223 = arith.cmpi eq, %concatenate3A_222, %get3A_63 : vector<2000x1xi32>
    %jit3A_224 = arith.constant 0xFF800000 : f32
    %broadcast_in_dim3A_225 = vector.shape_cast %eq3A_223 : vector<2000x1xi1> to vector<2000x1xi1>
    %broadcast_in_dim3A_226 = vector.broadcast %broadcast_in_dim3A_225 : vector<2000x1xi1> to vector<2000x32xi1>
    %broadcast_in_dim3A_227 = vector.broadcast %jit3A_224 : f32 to vector<2000x32xf32>
    %select_n3A_228 = arith.select %broadcast_in_dim3A_226, %concatenate3A_218, %broadcast_in_dim3A_227 : vector<2000x32xi1>, vector<2000x32xf32>
    %max3A_229 = arith.maximumf %max3A_214, %select_n3A_228 : vector<2000x32xf32>
    %slice3A_230 = vector.extract_strided_slice %get3A_63 {offsets = [1, 0], sizes = [1999, 1], strides = [1, 1]} : vector<2000x1xi32> to vector<1999x1xi32>
    %broadcast_in_dim3A_231 = arith.constant -2 : i32
    %broadcast_in_dim3A_232 = vector.broadcast %broadcast_in_dim3A_231 : i32 to vector<1x1xi32>
    %concatenate3A_233 = tpu.concatenate %slice3A_230, %broadcast_in_dim3A_232 in 0 : vector<1999x1xi32>, vector<1x1xi32> -> vector<2000x1xi32>
    %ne3A = arith.cmpi ne, %get3A_63, %concatenate3A_233 : vector<2000x1xi32>
    %convert_element_type3A_234 = arith.extui %ne3A : vector<2000x1xi1> to vector<2000x1xi32>
    %convert_element_type3A_235 = arith.sitofp %convert_element_type3A_234 : vector<2000x1xi32> to vector<2000x1xf32>
    %mul3A_236 = vector.broadcast %convert_element_type3A_235 : vector<2000x1xf32> to vector<2000x256xf32>
    %mul3A_237 = arith.mulf %convert_element_type3A_67, %mul3A_236 : vector<2000x256xf32>
    %broadcast_in_dim3A_238 = arith.constant 1.000000e+00 : f32
    %broadcast_in_dim3A_239 = vector.broadcast %broadcast_in_dim3A_238 : f32 to vector<2000x1xf32>
    %concatenate3A_240 = tpu.concatenate %max3A_229, %broadcast_in_dim3A_239 in 1 : vector<2000x32xf32>, vector<2000x1xf32> -> vector<2000x33xf32>
    %dot_general3A_241 = arith.constant dense<0.000000e+00> : vector<256x33xf32>
    %dot_general3A_242 = tpu.matmul %mul3A_237, %concatenate3A_240, %dot_general3A_241 {dimension_numbers = #tpu.dot_dimension_numbers<[0], [0], [1], [1], [0, 1, 1, 1], [], []>, precision = #tpu.contract_precision<fp32>, transpose_lhs_hint = false} : vector<2000x256xf32>, vector<2000x33xf32>, vector<256x33xf32> -> vector<256x33xf32>
    %slice3A_243 = vector.extract_strided_slice %dot_general3A_242 {offsets = [0, 32], sizes = [256, 1], strides = [1, 1]} : vector<256x33xf32> to vector<256x1xf32>
    %gt3A = arith.constant 0.000000e+00 : f32
    %gt3A_244 = vector.broadcast %gt3A : f32 to vector<256x1xf32>
    %gt3A_245 = arith.cmpf ogt, %slice3A_243, %gt3A_244 : vector<256x1xf32>
    %slice3A_246 = vector.extract_strided_slice %dot_general3A_242 {offsets = [0, 0], sizes = [256, 32], strides = [1, 1]} : vector<256x33xf32> to vector<256x32xf32>
    %jit3A_247 = arith.constant 0xFF800000 : f32
    %broadcast_in_dim3A_248 = vector.shape_cast %gt3A_245 : vector<256x1xi1> to vector<256x1xi1>
    %broadcast_in_dim3A_249 = vector.broadcast %broadcast_in_dim3A_248 : vector<256x1xi1> to vector<256x32xi1>
    %broadcast_in_dim3A_250 = vector.broadcast %jit3A_247 : f32 to vector<256x32xf32>
    %select_n3A_251 = arith.select %broadcast_in_dim3A_249, %slice3A_246, %broadcast_in_dim3A_250 : vector<256x32xi1>, vector<256x32xf32>
    %eq3A_252 = arith.constant 0 : i32
    %eq3A_253 = arith.cmpi eq, %arg1, %eq3A_252 : i32
    %convert_element_type3A_254 = arith.extui %eq3A_253 : i1 to i32
    %cond3A = arith.constant 0 : i32
    %cond3A_255 = arith.cmpi ne, %convert_element_type3A_254, %cond3A : i32
    scf.if %cond3A_255 {
      %swap3A = arith.constant 0 : index
      %swap3A_261 = arith.constant 0 : index
      %swap3A_262 = arith.constant 0 : index
      %swap3A_263 = vector.load %arg10[%swap3A, %swap3A_261, %swap3A_262] : memref<1x256x32xf32, #tpu.memory_space<vmem>>, vector<1x256x32xf32>
      %swap3A_264 = vector.shape_cast %swap3A_263 : vector<1x256x32xf32> to vector<256x32xf32>
      %swap3A_265 = vector.shape_cast %dot_general3A_68 : vector<256x32xf32> to vector<1x256x32xf32>
      tpu.vector_store %arg10[%swap3A, %swap3A_261, %swap3A_262], %swap3A_265 {strides = array<i32>} : memref<1x256x32xf32, #tpu.memory_space<vmem>>, vector<1x256x32xf32>,
      %swap3A_266 = arith.constant 0 : index
      %swap3A_267 = arith.constant 0 : index
      %swap3A_268 = arith.constant 0 : index
      %swap3A_269 = vector.load %arg11[%swap3A_266, %swap3A_267, %swap3A_268] : memref<1x256x32xf32, #tpu.memory_space<vmem>>, vector<1x256x32xf32>
      %swap3A_270 = vector.shape_cast %swap3A_269 : vector<1x256x32xf32> to vector<256x32xf32>
      %swap3A_271 = vector.shape_cast %select_n3A_251 : vector<256x32xf32> to vector<1x256x32xf32>
      tpu.vector_store %arg11[%swap3A_266, %swap3A_267, %swap3A_268], %swap3A_271 {strides = array<i32>} : memref<1x256x32xf32, #tpu.memory_space<vmem>>, vector<1x256x32xf32>,
    } else {
    }
    %ne3A_256 = arith.constant 0 : i32
    %ne3A_257 = arith.cmpi ne, %arg1, %ne3A_256 : i32
    %convert_element_type3A_258 = arith.extui %ne3A_257 : i1 to i32
    %cond3A_259 = arith.constant 0 : i32
    %cond3A_260 = arith.cmpi ne, %convert_element_type3A_258, %cond3A_259 : i32
    scf.if %cond3A_260 {
      %get3A_261 = arith.constant 0 : index
      %get3A_262 = arith.constant 0 : index
      %get3A_263 = arith.constant 0 : index
      %get3A_264 = vector.load %arg10[%get3A_261, %get3A_262, %get3A_263] : memref<1x256x32xf32, #tpu.memory_space<vmem>>, vector<1x256x32xf32>
      %get3A_265 = vector.shape_cast %get3A_264 : vector<1x256x32xf32> to vector<256x32xf32>
      %add3A_266 = arith.addf %get3A_265, %dot_general3A_68 : vector<256x32xf32>
      %swap3A = arith.constant 0 : index
      %swap3A_267 = arith.constant 0 : index
      %swap3A_268 = arith.constant 0 : index
      %swap3A_269 = vector.load %arg10[%swap3A, %swap3A_267, %swap3A_268] : memref<1x256x32xf32, #tpu.memory_space<vmem>>, vector<1x256x32xf32>
      %swap3A_270 = vector.shape_cast %swap3A_269 : vector<1x256x32xf32> to vector<256x32xf32>
      %swap3A_271 = vector.shape_cast %add3A_266 : vector<256x32xf32> to vector<1x256x32xf32>
      tpu.vector_store %arg10[%swap3A, %swap3A_267, %swap3A_268], %swap3A_271 {strides = array<i32>} : memref<1x256x32xf32, #tpu.memory_space<vmem>>, vector<1x256x32xf32>,
      %get3A_272 = arith.constant 0 : index
      %get3A_273 = arith.constant 0 : index
      %get3A_274 = arith.constant 0 : index
      %get3A_275 = vector.load %arg11[%get3A_272, %get3A_273, %get3A_274] : memref<1x256x32xf32, #tpu.memory_space<vmem>>, vector<1x256x32xf32>
      %get3A_276 = vector.shape_cast %get3A_275 : vector<1x256x32xf32> to vector<256x32xf32>
      %max3A_277 = arith.maximumf %get3A_276, %select_n3A_251 : vector<256x32xf32>
      %swap3A_278 = arith.constant 0 : index
      %swap3A_279 = arith.constant 0 : index
      %swap3A_280 = arith.constant 0 : index
      %swap3A_281 = vector.load %arg11[%swap3A_278, %swap3A_279, %swap3A_280] : memref<1x256x32xf32, #tpu.memory_space<vmem>>, vector<1x256x32xf32>
      %swap3A_282 = vector.shape_cast %swap3A_281 : vector<1x256x32xf32> to vector<256x32xf32>
      %swap3A_283 = vector.shape_cast %max3A_277 : vector<256x32xf32> to vector<1x256x32xf32>
      tpu.vector_store %arg11[%swap3A_278, %swap3A_279, %swap3A_280], %swap3A_283 {strides = array<i32>} : memref<1x256x32xf32, #tpu.memory_space<vmem>>, vector<1x256x32xf32>,
    } else {
    }
    return
  }
  func.func @transform_0(%arg0: i32, %arg1: i32) -> (i32, i32, i32) {
    %c0_i32 = arith.constant 0 : i32
    %c0_i32_0 = arith.constant 0 : i32
    return %arg0, %arg1, %c0_i32 : i32, i32, i32
  }
  func.func @transform_1(%arg0: i32, %arg1: i32) -> (i32, i32, i32) {
    %c0_i32 = arith.constant 0 : i32
    %c0_i32_0 = arith.constant 0 : i32
    return %arg0, %arg1, %c0_i32 : i32, i32, i32
  }
  func.func @transform_2(%arg0: i32, %arg1: i32) -> (i32, i32, i32) {
    %c0_i32 = arith.constant 0 : i32
    %c0_i32_0 = arith.constant 0 : i32
    %c0_i32_1 = arith.constant 0 : i32
    return %arg0, %c0_i32, %c0_i32_0 : i32, i32, i32
  }
  func.func @transform_3(%arg0: i32, %arg1: i32) -> (i32, i32, i32) {
    %c0_i32 = arith.constant 0 : i32
    %c0_i32_0 = arith.constant 0 : i32
    %c0_i32_1 = arith.constant 0 : i32
    return %arg0, %c0_i32, %c0_i32_0 : i32, i32, i32
  }
  func.func @transform_4(%arg0: i32, %arg1: i32) -> (i32, i32, i32) {
    %c0_i32 = arith.constant 0 : i32
    %c0_i32_0 = arith.constant 0 : i32
    %c0_i32_1 = arith.constant 0 : i32
    return %arg0, %c0_i32, %c0_i32_0 : i32, i32, i32
  }
  func.func @transform_5(%arg0: i32, %arg1: i32) -> (i32, i32, i32) {
    %c0_i32 = arith.constant 0 : i32
    %c0_i32_0 = arith.constant 0 : i32
    %c0_i32_1 = arith.constant 0 : i32
    return %arg0, %c0_i32, %c0_i32_0 : i32, i32, i32
  }
  func.func @transform_6(%arg0: i32, %arg1: i32) -> (i32, i32, i32) {
    %c0_i32 = arith.constant 0 : i32
    %c0_i32_0 = arith.constant 0 : i32
    %c0_i32_1 = arith.constant 0 : i32
    return %arg0, %c0_i32, %c0_i32_0 : i32, i32, i32
  }
  func.func @transform_7(%arg0: i32, %arg1: i32) -> (i32, i32, i32) {
    %c0_i32 = arith.constant 0 : i32
    %c0_i32_0 = arith.constant 0 : i32
    return %arg0, %arg1, %c0_i32 : i32, i32, i32
  }
  func.func @transform_8(%arg0: i32, %arg1: i32) -> (i32, i32, i32) {
    %c0_i32 = arith.constant 0 : i32
    %c0_i32_0 = arith.constant 0 : i32
    %c0_i32_1 = arith.constant 0 : i32
    return %arg0, %c0_i32, %c0_i32_0 : i32, i32, i32
  }
  func.func @transform_9(%arg0: i32, %arg1: i32) -> (i32, i32, i32) {
    %c0_i32 = arith.constant 0 : i32
    %c0_i32_0 = arith.constant 0 : i32
    %c0_i32_1 = arith.constant 0 : i32
    return %arg0, %c0_i32, %c0_i32_0 : i32, i32, i32
  }
}

module attributes {stable_mosaic.version = 14 : i64} {
  func.func @body(%arg0: memref<2x256x32xf32, #tpu.memory_space<vmem>>, %arg1: memref<2x256x32xf32, #tpu.memory_space<vmem>>, %arg2: memref<2x64x32xf32, #tpu.memory_space<vmem>>, %arg3: memref<2x1x32xf32, #tpu.memory_space<vmem>>, %arg4: memref<2x1x32xf32, #tpu.memory_space<vmem>>, %arg5: memref<2x1x32xf32, #tpu.memory_space<vmem>>, %arg6: memref<2x32x64xf32, #tpu.memory_space<vmem>>, %arg7: memref<2x1x64xf32, #tpu.memory_space<vmem>>, %arg8: memref<128x64xf32, #tpu.memory_space<vmem>>, %arg9: memref<1x64xf32, #tpu.memory_space<vmem>>, %arg10: memref<1x64xf32, #tpu.memory_space<vmem>>, %arg11: memref<1x1xf32, #tpu.memory_space<vmem>>, %arg12: memref<256x1xf32, #tpu.memory_space<vmem>>) attributes {dimension_semantics = [], scalar_prefetch = 0 : i64, scratch_operands = 0 : i64, tpu.core_type = #tpu.core_type<tc>} {
    %get3A = arith.constant 0 : index
    %get3A_0 = arith.constant 0 : index
    %get3A_1 = arith.constant 0 : index
    %get3A_2 = vector.load %arg0[%get3A, %get3A_0, %get3A_1] : memref<2x256x32xf32, #tpu.memory_space<vmem>>, vector<1x256x32xf32>
    %get3A_3 = vector.shape_cast %get3A_2 : vector<1x256x32xf32> to vector<256x32xf32>
    %get3A_4 = arith.constant 0 : index
    %get3A_5 = arith.constant 0 : index
    %get3A_6 = arith.constant 0 : index
    %get3A_7 = vector.load %arg1[%get3A_4, %get3A_5, %get3A_6] : memref<2x256x32xf32, #tpu.memory_space<vmem>>, vector<1x256x32xf32>
    %get3A_8 = vector.shape_cast %get3A_7 : vector<1x256x32xf32> to vector<256x32xf32>
    %gt3A = arith.constant 0xFF800000 : f32
    %gt3A_9 = vector.broadcast %gt3A : f32 to vector<256x32xf32>
    %gt3A_10 = arith.cmpf ogt, %get3A_8, %gt3A_9 : vector<256x32xf32>
    %jit3A = arith.constant 0.000000e+00 : f32
    %broadcast_in_dim3A = vector.broadcast %jit3A : f32 to vector<256x32xf32>
    %select_n3A = arith.select %gt3A_10, %get3A_8, %broadcast_in_dim3A : vector<256x32xi1>, vector<256x32xf32>
    %get3A_11 = arith.constant 0 : index
    %get3A_12 = arith.constant 0 : index
    %get3A_13 = arith.constant 0 : index
    %get3A_14 = vector.load %arg2[%get3A_11, %get3A_12, %get3A_13] : memref<2x64x32xf32, #tpu.memory_space<vmem>>, vector<1x32x32xf32>
    %get3A_15 = vector.shape_cast %get3A_14 : vector<1x32x32xf32> to vector<32x32xf32>
    %dot_general3A = arith.constant dense<0.000000e+00> : vector<256x32xf32>
    %dot_general3A_16 = tpu.matmul %get3A_3, %get3A_15, %dot_general3A {dimension_numbers = #tpu.dot_dimension_numbers<[1], [0], [0], [1], [0, 0, 1, 1], [], []>, transpose_lhs_hint = false} : vector<256x32xf32>, vector<32x32xf32>, vector<256x32xf32> -> vector<256x32xf32>
    %get3A_17 = arith.constant 0 : index
    %get3A_18 = arith.constant 32 : index
    %get3A_19 = arith.constant 0 : index
    %get3A_20 = vector.load %arg2[%get3A_17, %get3A_18, %get3A_19] : memref<2x64x32xf32, #tpu.memory_space<vmem>>, vector<1x32x32xf32>
    %get3A_21 = vector.shape_cast %get3A_20 : vector<1x32x32xf32> to vector<32x32xf32>
    %dot_general3A_22 = arith.constant dense<0.000000e+00> : vector<256x32xf32>
    %dot_general3A_23 = tpu.matmul %select_n3A, %get3A_21, %dot_general3A_22 {dimension_numbers = #tpu.dot_dimension_numbers<[1], [0], [0], [1], [0, 0, 1, 1], [], []>, transpose_lhs_hint = false} : vector<256x32xf32>, vector<32x32xf32>, vector<256x32xf32> -> vector<256x32xf32>
    %add3A = arith.addf %dot_general3A_16, %dot_general3A_23 : vector<256x32xf32>
    %get3A_24 = arith.constant 0 : index
    %get3A_25 = arith.constant 0 : index
    %get3A_26 = arith.constant 0 : index
    %get3A_27 = vector.load %arg3[%get3A_24, %get3A_25, %get3A_26] : memref<2x1x32xf32, #tpu.memory_space<vmem>>, vector<1x1x32xf32>
    %get3A_28 = vector.shape_cast %get3A_27 : vector<1x1x32xf32> to vector<1x32xf32>
    %add3A_29 = vector.broadcast %get3A_28 : vector<1x32xf32> to vector<256x32xf32>
    %add3A_30 = arith.addf %add3A, %add3A_29 : vector<256x32xf32>
    %max3A = arith.constant 0.000000e+00 : f32
    %max3A_31 = vector.broadcast %max3A : f32 to vector<256x32xf32>
    %max3A_32 = arith.maximumf %add3A_30, %max3A_31 : vector<256x32xf32>
    %get3A_33 = arith.constant 0 : index
    %get3A_34 = arith.constant 0 : index
    %get3A_35 = arith.constant 0 : index
    %get3A_36 = vector.load %arg4[%get3A_33, %get3A_34, %get3A_35] : memref<2x1x32xf32, #tpu.memory_space<vmem>>, vector<1x1x32xf32>
    %get3A_37 = vector.shape_cast %get3A_36 : vector<1x1x32xf32> to vector<1x32xf32>
    %mul3A = arith.constant 0.999994993 : f32
    %mul3A_38 = vector.broadcast %mul3A : f32 to vector<1x32xf32>
    %mul3A_39 = arith.mulf %get3A_37, %mul3A_38 : vector<1x32xf32>
    %mul3A_40 = vector.broadcast %mul3A_39 : vector<1x32xf32> to vector<256x32xf32>
    %mul3A_41 = arith.mulf %max3A_32, %mul3A_40 : vector<256x32xf32>
    %get3A_42 = arith.constant 0 : index
    %get3A_43 = arith.constant 0 : index
    %get3A_44 = arith.constant 0 : index
    %get3A_45 = vector.load %arg5[%get3A_42, %get3A_43, %get3A_44] : memref<2x1x32xf32, #tpu.memory_space<vmem>>, vector<1x1x32xf32>
    %get3A_46 = vector.shape_cast %get3A_45 : vector<1x1x32xf32> to vector<1x32xf32>
    %add3A_47 = vector.broadcast %get3A_46 : vector<1x32xf32> to vector<256x32xf32>
    %add3A_48 = arith.addf %mul3A_41, %add3A_47 : vector<256x32xf32>
    %get3A_49 = arith.constant 0 : index
    %get3A_50 = arith.constant 0 : index
    %get3A_51 = arith.constant 0 : index
    %get3A_52 = vector.load %arg6[%get3A_49, %get3A_50, %get3A_51] : memref<2x32x64xf32, #tpu.memory_space<vmem>>, vector<1x32x64xf32>
    %get3A_53 = vector.shape_cast %get3A_52 : vector<1x32x64xf32> to vector<32x64xf32>
    %dot_general3A_54 = arith.constant dense<0.000000e+00> : vector<256x64xf32>
    %dot_general3A_55 = tpu.matmul %add3A_48, %get3A_53, %dot_general3A_54 {dimension_numbers = #tpu.dot_dimension_numbers<[1], [0], [0], [1], [0, 0, 1, 1], [], []>, transpose_lhs_hint = false} : vector<256x32xf32>, vector<32x64xf32>, vector<256x64xf32> -> vector<256x64xf32>
    %get3A_56 = arith.constant 0 : index
    %get3A_57 = arith.constant 0 : index
    %get3A_58 = arith.constant 0 : index
    %get3A_59 = vector.load %arg7[%get3A_56, %get3A_57, %get3A_58] : memref<2x1x64xf32, #tpu.memory_space<vmem>>, vector<1x1x64xf32>
    %get3A_60 = vector.shape_cast %get3A_59 : vector<1x1x64xf32> to vector<1x64xf32>
    %add3A_61 = vector.broadcast %get3A_60 : vector<1x64xf32> to vector<256x64xf32>
    %add3A_62 = arith.addf %dot_general3A_55, %add3A_61 : vector<256x64xf32>
    %get3A_63 = arith.constant 1 : index
    %get3A_64 = arith.constant 0 : index
    %get3A_65 = arith.constant 0 : index
    %get3A_66 = vector.load %arg0[%get3A_63, %get3A_64, %get3A_65] : memref<2x256x32xf32, #tpu.memory_space<vmem>>, vector<1x256x32xf32>
    %get3A_67 = vector.shape_cast %get3A_66 : vector<1x256x32xf32> to vector<256x32xf32>
    %get3A_68 = arith.constant 1 : index
    %get3A_69 = arith.constant 0 : index
    %get3A_70 = arith.constant 0 : index
    %get3A_71 = vector.load %arg1[%get3A_68, %get3A_69, %get3A_70] : memref<2x256x32xf32, #tpu.memory_space<vmem>>, vector<1x256x32xf32>
    %get3A_72 = vector.shape_cast %get3A_71 : vector<1x256x32xf32> to vector<256x32xf32>
    %gt3A_73 = arith.constant 0xFF800000 : f32
    %gt3A_74 = vector.broadcast %gt3A_73 : f32 to vector<256x32xf32>
    %gt3A_75 = arith.cmpf ogt, %get3A_72, %gt3A_74 : vector<256x32xf32>
    %jit3A_76 = arith.constant 0.000000e+00 : f32
    %broadcast_in_dim3A_77 = vector.broadcast %jit3A_76 : f32 to vector<256x32xf32>
    %select_n3A_78 = arith.select %gt3A_75, %get3A_72, %broadcast_in_dim3A_77 : vector<256x32xi1>, vector<256x32xf32>
    %get3A_79 = arith.constant 1 : index
    %get3A_80 = arith.constant 0 : index
    %get3A_81 = arith.constant 0 : index
    %get3A_82 = vector.load %arg2[%get3A_79, %get3A_80, %get3A_81] : memref<2x64x32xf32, #tpu.memory_space<vmem>>, vector<1x32x32xf32>
    %get3A_83 = vector.shape_cast %get3A_82 : vector<1x32x32xf32> to vector<32x32xf32>
    %dot_general3A_84 = arith.constant dense<0.000000e+00> : vector<256x32xf32>
    %dot_general3A_85 = tpu.matmul %get3A_67, %get3A_83, %dot_general3A_84 {dimension_numbers = #tpu.dot_dimension_numbers<[1], [0], [0], [1], [0, 0, 1, 1], [], []>, transpose_lhs_hint = false} : vector<256x32xf32>, vector<32x32xf32>, vector<256x32xf32> -> vector<256x32xf32>
    %get3A_86 = arith.constant 1 : index
    %get3A_87 = arith.constant 32 : index
    %get3A_88 = arith.constant 0 : index
    %get3A_89 = vector.load %arg2[%get3A_86, %get3A_87, %get3A_88] : memref<2x64x32xf32, #tpu.memory_space<vmem>>, vector<1x32x32xf32>
    %get3A_90 = vector.shape_cast %get3A_89 : vector<1x32x32xf32> to vector<32x32xf32>
    %dot_general3A_91 = arith.constant dense<0.000000e+00> : vector<256x32xf32>
    %dot_general3A_92 = tpu.matmul %select_n3A_78, %get3A_90, %dot_general3A_91 {dimension_numbers = #tpu.dot_dimension_numbers<[1], [0], [0], [1], [0, 0, 1, 1], [], []>, transpose_lhs_hint = false} : vector<256x32xf32>, vector<32x32xf32>, vector<256x32xf32> -> vector<256x32xf32>
    %add3A_93 = arith.addf %dot_general3A_85, %dot_general3A_92 : vector<256x32xf32>
    %get3A_94 = arith.constant 1 : index
    %get3A_95 = arith.constant 0 : index
    %get3A_96 = arith.constant 0 : index
    %get3A_97 = vector.load %arg3[%get3A_94, %get3A_95, %get3A_96] : memref<2x1x32xf32, #tpu.memory_space<vmem>>, vector<1x1x32xf32>
    %get3A_98 = vector.shape_cast %get3A_97 : vector<1x1x32xf32> to vector<1x32xf32>
    %add3A_99 = vector.broadcast %get3A_98 : vector<1x32xf32> to vector<256x32xf32>
    %add3A_100 = arith.addf %add3A_93, %add3A_99 : vector<256x32xf32>
    %max3A_101 = arith.constant 0.000000e+00 : f32
    %max3A_102 = vector.broadcast %max3A_101 : f32 to vector<256x32xf32>
    %max3A_103 = arith.maximumf %add3A_100, %max3A_102 : vector<256x32xf32>
    %get3A_104 = arith.constant 1 : index
    %get3A_105 = arith.constant 0 : index
    %get3A_106 = arith.constant 0 : index
    %get3A_107 = vector.load %arg4[%get3A_104, %get3A_105, %get3A_106] : memref<2x1x32xf32, #tpu.memory_space<vmem>>, vector<1x1x32xf32>
    %get3A_108 = vector.shape_cast %get3A_107 : vector<1x1x32xf32> to vector<1x32xf32>
    %mul3A_109 = arith.constant 0.999994993 : f32
    %mul3A_110 = vector.broadcast %mul3A_109 : f32 to vector<1x32xf32>
    %mul3A_111 = arith.mulf %get3A_108, %mul3A_110 : vector<1x32xf32>
    %mul3A_112 = vector.broadcast %mul3A_111 : vector<1x32xf32> to vector<256x32xf32>
    %mul3A_113 = arith.mulf %max3A_103, %mul3A_112 : vector<256x32xf32>
    %get3A_114 = arith.constant 1 : index
    %get3A_115 = arith.constant 0 : index
    %get3A_116 = arith.constant 0 : index
    %get3A_117 = vector.load %arg5[%get3A_114, %get3A_115, %get3A_116] : memref<2x1x32xf32, #tpu.memory_space<vmem>>, vector<1x1x32xf32>
    %get3A_118 = vector.shape_cast %get3A_117 : vector<1x1x32xf32> to vector<1x32xf32>
    %add3A_119 = vector.broadcast %get3A_118 : vector<1x32xf32> to vector<256x32xf32>
    %add3A_120 = arith.addf %mul3A_113, %add3A_119 : vector<256x32xf32>
    %get3A_121 = arith.constant 1 : index
    %get3A_122 = arith.constant 0 : index
    %get3A_123 = arith.constant 0 : index
    %get3A_124 = vector.load %arg6[%get3A_121, %get3A_122, %get3A_123] : memref<2x32x64xf32, #tpu.memory_space<vmem>>, vector<1x32x64xf32>
    %get3A_125 = vector.shape_cast %get3A_124 : vector<1x32x64xf32> to vector<32x64xf32>
    %dot_general3A_126 = arith.constant dense<0.000000e+00> : vector<256x64xf32>
    %dot_general3A_127 = tpu.matmul %add3A_120, %get3A_125, %dot_general3A_126 {dimension_numbers = #tpu.dot_dimension_numbers<[1], [0], [0], [1], [0, 0, 1, 1], [], []>, transpose_lhs_hint = false} : vector<256x32xf32>, vector<32x64xf32>, vector<256x64xf32> -> vector<256x64xf32>
    %get3A_128 = arith.constant 1 : index
    %get3A_129 = arith.constant 0 : index
    %get3A_130 = arith.constant 0 : index
    %get3A_131 = vector.load %arg7[%get3A_128, %get3A_129, %get3A_130] : memref<2x1x64xf32, #tpu.memory_space<vmem>>, vector<1x1x64xf32>
    %get3A_132 = vector.shape_cast %get3A_131 : vector<1x1x64xf32> to vector<1x64xf32>
    %add3A_133 = vector.broadcast %get3A_132 : vector<1x64xf32> to vector<256x64xf32>
    %add3A_134 = arith.addf %dot_general3A_127, %add3A_133 : vector<256x64xf32>
    %concatenate3A = tpu.concatenate %add3A_62, %add3A_134 in 1 : vector<256x64xf32>, vector<256x64xf32> -> vector<256x128xf32>
    %get3A_135 = arith.constant 0 : index
    %get3A_136 = arith.constant 0 : index
    %get3A_137 = vector.load %arg8[%get3A_135, %get3A_136] : memref<128x64xf32, #tpu.memory_space<vmem>>, vector<128x64xf32>
    %dot_general3A_138 = arith.constant dense<0.000000e+00> : vector<256x64xf32>
    %dot_general3A_139 = tpu.matmul %concatenate3A, %get3A_137, %dot_general3A_138 {dimension_numbers = #tpu.dot_dimension_numbers<[1], [0], [0], [1], [0, 0, 1, 1], [], []>, transpose_lhs_hint = false} : vector<256x128xf32>, vector<128x64xf32>, vector<256x64xf32> -> vector<256x64xf32>
    %get3A_140 = arith.constant 0 : index
    %get3A_141 = arith.constant 0 : index
    %get3A_142 = vector.load %arg9[%get3A_140, %get3A_141] : memref<1x64xf32, #tpu.memory_space<vmem>>, vector<1x64xf32>
    %add3A_143 = vector.broadcast %get3A_142 : vector<1x64xf32> to vector<256x64xf32>
    %add3A_144 = arith.addf %dot_general3A_139, %add3A_143 : vector<256x64xf32>
    %max3A_145 = arith.constant 0.000000e+00 : f32
    %max3A_146 = vector.broadcast %max3A_145 : f32 to vector<256x64xf32>
    %max3A_147 = arith.maximumf %add3A_144, %max3A_146 : vector<256x64xf32>
    %convert_element_type3A = arith.truncf %max3A_147 : vector<256x64xf32> to vector<256x64xbf16>
    %convert_element_type3A_148 = arith.extf %convert_element_type3A : vector<256x64xbf16> to vector<256x64xf32>
    %get3A_149 = arith.constant 0 : index
    %get3A_150 = arith.constant 0 : index
    %get3A_151 = vector.load %arg10[%get3A_149, %get3A_150] : memref<1x64xf32, #tpu.memory_space<vmem>>, vector<1x64xf32>
    %convert_element_type3A_152 = arith.truncf %get3A_151 : vector<1x64xf32> to vector<1x64xbf16>
    %convert_element_type3A_153 = arith.extf %convert_element_type3A_152 : vector<1x64xbf16> to vector<1x64xf32>
    %mul3A_154 = vector.broadcast %convert_element_type3A_153 : vector<1x64xf32> to vector<256x64xf32>
    %mul3A_155 = arith.mulf %convert_element_type3A_148, %mul3A_154 : vector<256x64xf32>
    %reduce_sum3A = arith.constant dense<0.000000e+00> : vector<256xf32>
    %reduce_sum3A_156 = vector.multi_reduction <add>, %mul3A_155, %reduce_sum3A [1] : vector<256x64xf32> to vector<256xf32>
    %broadcast_in_dim3A_157 = vector.shape_cast %reduce_sum3A_156 : vector<256xf32> to vector<256x1xf32>
    %get3A_158 = arith.constant 0 : index
    %get3A_159 = arith.constant 0 : index
    %get3A_160 = vector.load %arg11[%get3A_158, %get3A_159] : memref<1x1xf32, #tpu.memory_space<vmem>>, vector<1x1xf32>
    %add3A_161 = vector.broadcast %get3A_160 : vector<1x1xf32> to vector<256x1xf32>
    %add3A_162 = arith.addf %broadcast_in_dim3A_157, %add3A_161 : vector<256x1xf32>
    %swap3A = arith.constant 0 : index
    %swap3A_163 = arith.constant 0 : index
    %swap3A_164 = vector.load %arg12[%swap3A, %swap3A_163] : memref<256x1xf32, #tpu.memory_space<vmem>>, vector<256x1xf32>
    tpu.vector_store %arg12[%swap3A, %swap3A_163], %add3A_162 {strides = array<i32>} : memref<256x1xf32, #tpu.memory_space<vmem>>, vector<256x1xf32>,
    return
  }
}

</mosaic_0001>

<sc_bundles>
// kernel: kernel.11.cloned.1.call-start
scs
__scs_entry_jumppad:
0x0: {  	(pc) =	sbr.rel $0x88, $3  }
0x1: {  	(tag) =	ssettag $0x0;
	lr =	simm.s32 $0x1  }
0x2: {  	[smem:$0x3F6F] =	sst lr;
	_ =	strace $0xD0000000  }
0x3: {  	_ = 	snop  }
0x4: {  	_ = 	snop  }
0x5: {  	_ = 	snop  }
0x6: {  	_ = 	snop  }
0x7: {  	_ = 	snop  }
__scs_overlays_trampoline_lowered:
0x8: {  	[smem:$0x3F7E] =	sst s0  }
0x9: {  	[smem:$0x3F7F] =	sst s1  }
0xa: {  	[smem:$0x3F80] =	sst s2  }
0xb: {  	[smem:$0x3F81] =	sst s3  }
0xc: {  	[smem:$0x3F82] =	sst s4  }
0xd: {  	[smem:$0x3F83] =	sst s5  }
0xe: {  	[smem:$0x3F84] =	sst s6  }
0xf: {  	[smem:$0x3F85] =	sst s7  }
0x10: {  	[smem:$0x3F86] =	sst s8  }
0x11: {  	[smem:$0x3F87] =	sst s9;
	s0 =	simm.s32 @!p0 $0x0  }
0x12: {  	s1 =	sld [smem:$0x3F6D];
	s0 =	simm.s32 @p0 $0x1  }
0x13: {  	[smem:$0x3F88] =	sst s0;
	s0 =	simm.s32 @!p1 $0x0  }
0x14: {  	s2 =	sld [smem:$0x3F6C];
	s0 =	simm.s32 @p1 $0x1  }
0x15: {  	[smem:$0x3F89] =	sst s0;
	s0 =	simm.s32 @!p2 $0x0  }
0x16: {  	s3 =	sld [smem:$0x3FDB];
	s0 =	simm.s32 @p2 $0x1  }
0x17: {  	s4 =	simm.s32 $0x1BF5;
	[smem:$0x3F8B] =	sst s0  }
0x18: {  	s0 =	sld [smem:$0x3F6E];
	_ =	swait.ge [sflag:s4], $0x0  }
0x19: {  	s7 =	sld [smem:$0x3F6F]  }
0x1a: {  	s8 =	sadd.s32 $0xFFFFE003, lr  }
0x1b: {  	s9 =	sadd.s32 $0xFFFFFEF7, lr;
	s5 =	simm.s32 $0xFFFFFFFF;
	p2 =	slt.u32 s8, $0xFFFFF086  }
0x1c: {  	p1 =	slt.u32 s9, $0xF7A;
	s5 =	simm.s32 @!p2 $0x0  }
0x1d: {  	s5 =	simm.s32 @p1 $0x1;
	p0 =	seq.s32 s7, s2  }
0x1e: {  	s7 =	smul.u32 @!p0 $0xF7A, s2;
	p2 =	seq.s32 @!p0 s5, $0x0  }
0x1f: {  	s9 =	smul.u32 $0xF7A, s1;
	s8 =	simm.s32 @!p0 $0x1BF5;
	p2 =	por !p2, p0  }
0x20: {  	[sflag:s8] =	ssyncset.s32 @!p0 $0xFFFFF086;
	s6 =	sadd.s32 @!p0 s3, s7;
	s7 =	simm.s32 @!p0 $0x108  }
0x21: {  	s3 =	sadd.s32 s3, s9;
	s6 =	sadd.s32 @!p0 $0x88, s6;
	s7 =	simm.s32 @p2 $0x1082  }
0x22: {  	[simem:s7], [sflag:s8] =	dma.local @!p0 [hbm:s6], $0xF7A  }
0x23: {  	s9 =	sor.u32 $0xD0000000, s2;
	s6 =	simm.s32 $0x108;
	_ =	swait.ge @!p0 [sflag:s8], $0x0  }
0x24: {  	s3 =	sadd.s32 $0x88, s3;
	s6 =	simm.s32 @!p1 $0x1082;
	[sflag:s4] =	ssyncset.s32 $0xFFFFF086  }
0x25: {  	[simem:s6], [sflag:s4] =	dma.local [hbm:s3], $0xF7A  }
0x26: {  	[smem:$0x3F6F] =	sst s1;
	(tag) =	ssettag s2;
	_ =	strace s9  }
0x27: {  	s1 =	sld [smem:$0x3F7F]  }
0x28: {  	s2 =	sld [smem:$0x3F80]  }
0x29: {  	s4 =	sld [smem:$0x3F82]  }
0x2a: {  	p0 =	seq.s32 s5, $0x0;
	s5 =	sld [smem:$0x3F83]  }
0x2b: {  	s6 =	sld [smem:$0x3F84]  }
0x2c: {  	s7 =	sld [smem:$0x3F85]  }
0x2d: {  	s3 =	simm.s32 $0x108;
	s8 =	sld [smem:$0x3F86]  }
0x2e: {  	s3 =	simm.s32 @!p0 $0x1082;
	s9 =	sld [smem:$0x3F87]  }
0x2f: {  	lr =	sadd.s32 s0, s3;
	s0 =	sld [smem:$0x3F7E]  }
0x30: {  	s3 =	sld [smem:$0x3F81]  }
0x31: {  	[smem:$0x3F8A] =	sst s10  }
0x32: {  	s10 =	sld [smem:$0x3F88];
	_ =	sdelay $0x3  }
0x33: {  	p0 =	seq.s32 s10, $0x1;
	s10 =	sld [smem:$0x3F8A];
	_ =	sdelay $0x3  }
0x34: {  	[smem:$0x3F8A] =	sst s10  }
0x35: {  	s10 =	sld [smem:$0x3F89];
	_ =	sdelay $0x3  }
0x36: {  	p1 =	seq.s32 s10, $0x1;
	s10 =	sld [smem:$0x3F8A];
	_ =	sdelay $0x3  }
0x37: {  	[smem:$0x3F8A] =	sst s10  }
0x38: {  	s10 =	sld [smem:$0x3F8B]  }
0x39: {  	_ = 	snop;
	(pc) =	sbr.ind lr, $3  }
0x3a: {  	_ = 	snop  }
0x3b: {  	_ = 	snop  }
0x3c: {  	p2 =	seq.s32 s10, $0x1;
	s10 =	sld [smem:$0x3F8A]  }
0x3d: {  	_ =	shalt  }
0x3e: {  	_ =	shalt  }
0x3f: {  	_ =	shalt  }
0x40: {  	_ =	shalt  }
0x41: {  	_ =	shalt  }
0x42: {  	_ =	shalt  }
0x43: {  	_ =	shalt  }
0x44: {  	_ =	shalt  }
0x45: {  	_ =	shalt  }
0x46: {  	_ =	shalt  }
0x47: {  	_ =	shalt  }
0x48: {  	_ =	shalt  }
0x49: {  	_ =	shalt  }
0x4a: {  	_ =	shalt  }
0x4b: {  	_ =	shalt  }
0x4c: {  	_ =	shalt  }
0x4d: {  	_ =	shalt  }
0x4e: {  	_ =	shalt  }
0x4f: {  	_ =	shalt  }
0x50: {  	_ =	shalt  }
0x51: {  	_ =	shalt  }
0x52: {  	_ =	shalt  }
0x53: {  	_ =	shalt  }
0x54: {  	_ =	shalt  }
0x55: {  	_ =	shalt  }
0x56: {  	_ =	shalt  }
0x57: {  	_ =	shalt  }
0x58: {  	_ =	shalt  }
0x59: {  	_ =	shalt  }
0x5a: {  	_ =	shalt  }
0x5b: {  	_ =	shalt  }
0x5c: {  	_ =	shalt  }
0x5d: {  	_ =	shalt  }
0x5e: {  	_ =	shalt  }
0x5f: {  	_ =	shalt  }
0x60: {  	_ =	shalt  }
0x61: {  	_ =	shalt  }
0x62: {  	_ =	shalt  }
0x63: {  	_ =	shalt  }
0x64: {  	_ =	shalt  }
0x65: {  	_ =	shalt  }
0x66: {  	_ =	shalt  }
0x67: {  	_ =	shalt  }
0x68: {  	_ =	shalt  }
0x69: {  	_ =	shalt  }
0x6a: {  	_ =	shalt  }
0x6b: {  	_ =	shalt  }
0x6c: {  	_ =	shalt  }
0x6d: {  	_ =	shalt  }
0x6e: {  	_ =	shalt  }
0x6f: {  	_ =	shalt  }
0x70: {  	_ =	shalt  }
0x71: {  	_ =	shalt  }
0x72: {  	_ =	shalt  }
0x73: {  	_ =	shalt  }
0x74: {  	_ =	shalt  }
0x75: {  	_ =	shalt  }
0x76: {  	_ =	shalt  }
0x77: {  	_ =	shalt  }
0x78: {  	_ =	shalt  }
0x79: {  	_ =	shalt  }
0x7a: {  	_ =	shalt  }
0x7b: {  	_ =	shalt  }
0x7c: {  	_ =	shalt  }
0x7d: {  	_ =	shalt  }
0x7e: {  	_ =	shalt  }
0x7f: {  	_ =	shalt  }
0x80: {  	_ =	shalt  }
0x81: {  	_ =	shalt  }
0x82: {  	_ =	shalt  }
0x83: {  	_ =	shalt  }
0x84: {  	_ =	shalt  }
0x85: {  	_ =	shalt  }
0x86: {  	_ =	shalt  }
0x87: {  	_ =	shalt  }
.Lfunc_end0:
.L_simem_size_0:
called_computation.1_lowered:
.L_overlay_start_0:
0x88: {  	s2 =	sld [smem:$0x3FD9]  }
0x89: {  	s3 =	sld [smem:$0x3FFE];
	_ =	sdelay $0x1  }
0x8a: {  	s1 =	srdreg.scid  }
0x8b: {  	s0 =	sand.u32 $0x1, s1  }
0x8c: {  	s16 =	sshll.u32 s0, $0xA;
	s2 =	sadd.s32 s3, s2  }
0x8d: {  	s2 =	sadd.s32 s2, s16  }
0x8e: {  	[smem:$0x3F96] =	sst s2  }
0x8f: {  	_ = 	snop  }
0x90: {  	(tm) =	ssettm $0x1  }
0x91: {  	s17 =	sld [smem:$0x3FFB];
	_ =	sdelay $0x3  }
0x92: {  	_ =	strace s17  }
0x93: {  	s2 =	sld [smem:$0x3FFC];
	_ =	sdelay $0x3  }
0x94: {  	_ =	strace s2  }
0x95: {  	s2 =	sld [smem:$0x3FFD];
	_ =	sdelay $0x3  }
0x96: {  	_ =	strace s2  }
0x97: {  	_ =	strace $0x8FFFFFFF  }
0x98: {  	s18 =	sld [smem:$0x3FDB];
	_ =	sdelay $0x1  }
0x99: {  	s19 =	simm.s32 $_scs_section_size  }
0x9a: {  	s4 =	simm.s32 $_size__tile_overlayer_lowered;
	s5 =	simm.s32 $_tile_overlayer_lowered  }
0x9b: {  	s22 =	simm.s32 $0x1BFF;
	s21 =	sshll.u32 s5, $0x1;
	s2 =	sadd.s32 s19, s18  }
0x9c: {  	s6 =	simm.s32 $0x0;
	s20 =	sshll.u32 s4, $0x1;
	s4 =	sadd.s32 s21, s2  }
0x9d: {  	[timem:s6], [sflag:s22] =	dma.local [hbm:s4], s20  }
0x9e: {  	_ =	swait.ge [sflag:s22], s20  }
0x9f: {  	s3 =	ssub.s32 $0x0, s20;
	[sflag:s22] =	ssyncset.done $0x0  }
0xa0: {  	[sflag:s22] =	ssyncadd.s32 s3;
	_ =	sdelay $0x1  }
0xa1: {  	s23 =	simm.s32 $0x1B8B  }
0xa2: {  	_ =	swait.ge [sflag:s23], $0x1  }
0xa3: {  	[sflag:s23] =	ssyncset.done $0x0  }
0xa4: {  	s25 =	simm.s32 $0x1B8E;
	s24 =	sld [smem:$0x3FFE];
	[sflag:s23] =	ssyncadd.s32 $0xFFFFFFFF  }
0xa5: {  	s26 =	simm.s32 $execute0_lowered;
	[smem:$0x3FD2] =	sst s25  }
0xa6: {  	s4 =	sshll.u32 s26, $0x1;
	_ =	strace $0x80000049;
	[dreg:$0x1] =	wrdreg $0xFFFFFFFF  }
0xa7: {  	s28 =	simm.s32 $_size_execute0_lowered;
	s2 =	sadd.s32 s2, s4;
	[dreg:$0x0] =	wrdreg $0x0  }
0xa8: {  	s4 =	sshll.u32 s28, $0x1;
	[dreg:$0x2] =	wrdreg s2  }
0xa9: {  	[dreg:$0x3] =	wrdreg s4  }
0xaa: {  	[dreg:$0x4] =	wrdreg $0xC0  }
0xab: {  	_ =	task [dreg:s6], $0x5FFFF  }
0xac: {  	[dreg:$0x1] =	wrdreg $0xFFFFFFFF  }
0xad: {  	[dreg:$0x0] =	wrdreg $0x60  }
0xae: {  	[dreg:$0x2] =	wrdreg s24  }
0xaf: {  	[dreg:$0x3] =	wrdreg $0x131000  }
0xb0: {  	[dreg:$0x4] =	wrdreg $0x9  }
0xb1: {  	_ =	task.clear_ibuf [dreg:s6], $0x5FFFF;
	_ =	strace $0x90000049  }
0xb2: {  	s29 =	simm.s32 $0x9;
	_ =	strace $0x8000004B  }
0xb3: {  	_ =	swait.ge [sflag:s29], $0x1  }
0xb4: {  	[sflag:s29] =	ssyncadd.s32 $0xFFFFFFFF  }
0xb5: {  	_ =	strace $0x9000004B  }
0xb6: {  	_ =	sfence  }
0xb7: {  	s30 =	sld [smem:$0x0];
	_ =	sdelay $0x2  }
0xb8: {  	s31 =	sshll.u32 s1, $0xD;
	s1 =	sshrl.u32 s1, $0x2  }
0xb9: {  	s3 =	sand.u32 $0x4000, s31;
	s1 =	sadd.s32 s1, s30  }
0xba: {  	s0 =	sor.u32 s3, s0;
	s1 =	sshll.u32 s1, $0x11  }
0xbb: {  	s0 =	sor.u32 s1, s0  }
0xbc: {  	s0 =	sadd.s32 $0x8F2B, s0  }
0xbd: {  	[sflag:s0] =	ssyncadd.remote.s32 $0x1  }
0xbe: {  	_ =	sfence.sel $0xFFFF  }
0xbf: {  	[dreg:$0x0] =	wrdreg $0xFFFFFFFF;
	(pc) =	sbr.abs _section_cstart, $3  }
0xc0: {  	[dreg:$0x1] =	wrdreg $0xFFFFFFFF  }
0xc1: {  	_ =	task.clear_ibuf [dreg:s6], $0x2FFFF;
	_ =	strace $0x9FFFFFFF  }
0xc2: {  	(tm) =	ssettm $0x7FFFFFFF  }
0xc3: {  	_ =	shalt  }
tec
execute0_lowered:
.L_overlay_start_1:
0x0: {  	(tag) =	ssettag $0x1  }
0x1: {  	s0 =	rddreg [dreg:$0x0]  }
0x2: {  	s1 =	rddreg [dreg:$0x1];
	s3 =	simm.s32 $0x0;
	s2 =	srdreg.scid  }
0x3: {  	s4 =	stileid.u32;
	s16 =	simm.s32 $0x11D00;
	s17 =	simm.s32 $0x9  }
0x4: {  	s19 =	simm.s32 $0x7D;
	s20 =	simm.s32 $0xA000;
	s29 =	simm.s32 $0xDE80  }
0x5: {  	s28 =	simm.s32 $0x8;
	s30 =	simm.s32 $0x0;
	[smem:$0x7FF] =	sst s3  }
0x6: {  	s2 =	sand.u32 $0x1, s2;
	s9 =	smul.u32 $0x5000, s4;
	s4 =	sadd.s32 $0x6400, s0  }
0x7: {  	s10 =	sadd.s32 $0x19E00, s0;
	_ =	strace $0x8000004A;
	s5 =	ssub.s32 $0x2, s2  }
0x8: {  	s15 =	smul.u32 $0x50000, s2;
	p0 =	seq.s32 s2, $0x1;
	s6 =	sshrl.u32 s5, $0x1  }
0x9: {  	s12 =	sadd.s32 $0x1400, s9;
	s13 =	sadd.s32 $0x2800, s9;
	s14 =	sadd.s32 $0x3C00, s9  }
0xa: {  	s11 =	ssub.s32 s5, s6;
	s5 =	sadd.s32 s9, s1;
	s6 =	sadd.s32 s12, s1  }
0xb: {  	s7 =	sadd.s32 s13, s1;
	s8 =	sadd.s32 s14, s1;
	s21 =	sadd.s32 s9, s15  }
0xc: {  	s12 =	sadd.s32 s15, s12;
	s9 =	sshrl.u32 s9, $0x3;
	s23 =	sadd.s32 s15, s13  }
0xd: {  	s24 =	sadd.s32 s15, s14;
	s2 =	sshrl.u32 s21, $0x3;
	s12 =	sshrl.u32 s12, $0x3  }
0xe: {  	s13 =	sshrl.u32 s24, $0x3;
	s31 =	smax.u32 s11, $0x1;
	s24 =	simm.s32 $0xBF40  }
0xf: {  	s21 =	simm.s32 $0x10D60;
	s2 =	sadd.s32 s10, s2;
	s22 =	sadd.s32 s10, s12  }
0x10: {  	s12 =	sshrl.u32 s23, $0x3;
	s26 =	sadd.s32 s10, s13;
	[dreg:$0x8] =	wrdreg s31  }
0x11: {  	s23 =	simm.s32 $0x3;
	[dreg:$0x3] =	wrdreg s2;
	s2 =	simm.s32 $0x68000  }
.Ltmp0:
0x12: {  	[dreg:$0x4] =	wrdreg s22;
	s2 =	simm.s32 @!p0 $0x7C000;
	(pc) =	sbr.rel .LBB2_1-.Ltmp0, $4  }
0x13: {  	s25 =	sadd.s32 s10, s12;
	[dreg:$0x6] =	wrdreg s26;
	s0 =	sadd.s32 s2, s0  }
0x14: {  	s22 =	simm.s32 $0x1;
	[dreg:$0x5] =	wrdreg s25;
	s0 =	sadd.s32 s0, s9  }
0x15: {  	s26 =	simm.s32 $0x7;
	[dreg:$0x7] =	wrdreg s0;
	s0 =	sadd.s32 $0xA000, s0  }
0x16: {  	v0 =	vimm.f32 $0.0e+00;
	s25 =	simm.s32 $0x5;
	s2 =	simm.s32 $0xFDC0;
	[dreg:$0x9] =	wrdreg s0  }
.LBB2_6:
0x17: {  	_ =	swait.ge [sflag:s28], $0xFA0  }
0x18: {  	[sflag:s28] =	ssyncset.done $0x0  }
0x19: {  	[sflag:s28] =	ssyncadd.s32 $0xFFFFF060  }
0x1a: {  	[spmem:s1] =	stream.indirect.scatter.add.f32 [tilespmem:s21], [sflag:$0x9], $0x20, s9, s19, $0xb8;
	[tilespmem:$0x18100] =	vst v63  }
0x1b: {  	_ =	swait.ge [sflag:s17], $0xFA0  }
0x1c: {  	[sflag:s17] =	ssyncset.done $0x0  }
0x1d: {  	[sflag:s17] =	ssyncadd.s32 $0xFFFFF060  }
0x1e: {  	[bflag:$0x0] =	sbarrier.arrive $0xFFFF  }
0x1f: {  	[tilespmem:s16], [sflag:$0x9] =	stream.linear.gather [spmem:s5], $0x1400, $0x38;
	[tilespmem:$0x18100] =	vst v63  }
0x20: {  	_ =	swait.ge [sflag:s17], $0x1400  }
0x21: {  	[sflag:s17] =	ssyncset.done $0x0  }
0x22: {  	s0 =	rddreg [dreg:$0x3];
	[sflag:s17] =	ssyncadd.s32 $0xFFFFEC00  }
0x23: {  	[hbm4b:s0+s3] =	stream.linear.scatter [tilespmem:s16], [sflag:$0x9], $0x1400, $0x38;
	[tilespmem:$0x18100] =	vst v63  }
0x24: {  	_ =	swait.ge [sflag:s17], $0x1400  }
0x25: {  	[sflag:s17] =	ssyncset.done $0x0  }
0x26: {  	[sflag:s17] =	ssyncadd.s32 $0xFFFFEC00  }
0x27: {  	[tilespmem:s16], [sflag:$0x9] =	stream.linear.gather [spmem:s6], $0x1400, $0x38;
	[tilespmem:$0x18100] =	vst v63  }
0x28: {  	_ =	swait.ge [sflag:s17], $0x1400  }
0x29: {  	[sflag:s17] =	ssyncset.done $0x0  }
0x2a: {  	s14 =	rddreg [dreg:$0x4];
	[sflag:s17] =	ssyncadd.s32 $0xFFFFEC00  }
0x2b: {  	[hbm4b:s14+s3] =	stream.linear.scatter [tilespmem:s16], [sflag:$0x9], $0x1400, $0x38;
	[tilespmem:$0x18100] =	vst v63  }
0x2c: {  	_ =	swait.ge [sflag:s17], $0x1400  }
0x2d: {  	[sflag:s17] =	ssyncset.done $0x0  }
0x2e: {  	[sflag:s17] =	ssyncadd.s32 $0xFFFFEC00  }
0x2f: {  	[tilespmem:s16], [sflag:$0x9] =	stream.linear.gather [spmem:s7], $0x1400, $0x38;
	[tilespmem:$0x18100] =	vst v63  }
0x30: {  	_ =	swait.ge [sflag:s17], $0x1400  }
0x31: {  	[sflag:s17] =	ssyncset.done $0x0  }
0x32: {  	s15 =	rddreg [dreg:$0x5];
	[sflag:s17] =	ssyncadd.s32 $0xFFFFEC00  }
0x33: {  	[hbm4b:s15+s3] =	stream.linear.scatter [tilespmem:s16], [sflag:$0x9], $0x1400, $0x38;
	[tilespmem:$0x18100] =	vst v63  }
0x34: {  	_ =	swait.ge [sflag:s17], $0x1400  }
0x35: {  	[sflag:s17] =	ssyncset.done $0x0  }
0x36: {  	[sflag:s17] =	ssyncadd.s32 $0xFFFFEC00  }
0x37: {  	[tilespmem:s16], [sflag:$0x9] =	stream.linear.gather [spmem:s8], $0x1400, $0x38;
	[tilespmem:$0x18100] =	vst v63  }
0x38: {  	_ =	swait.ge [sflag:s17], $0x1400  }
0x39: {  	[sflag:s17] =	ssyncset.done $0x0  }
0x3a: {  	s18 =	rddreg [dreg:$0x6];
	[sflag:s17] =	ssyncadd.s32 $0xFFFFEC00  }
0x3b: {  	[hbm4b:s18+s3] =	stream.linear.scatter [tilespmem:s16], [sflag:$0x9], $0x1400, $0x38;
	[tilespmem:$0x18100] =	vst v63  }
0x3c: {  	_ =	swait.ge [sflag:s17], $0x1400  }
0x3d: {  	s30 =	sadd.s32 $0x1, s30;
	s31 =	rddreg [dreg:$0x8]  }
0x3e: {  	p0 =	sne.s32 s30, s31  }
.Ltmp1:
0x3f: {  	_ = 	snop;
	(pc) =	sbr.rel @!p0 .LBB2_7-.Ltmp1, $3  }
0x40: {  	_ =	sdelay $0x1  }
0x41: {  	[sflag:s17] =	ssyncset.done $0x0  }
0x42: {  	[sflag:s17] =	ssyncadd.s32 $0xFFFFEC00  }
.LBB2_1:
0x43: {  	s0 =	simm.s32 $0x80;
	s9 =	simm.s32 $0x0  }
.LBB2_2:
0x44: {  	p0 =	sne.s32 s0, $0x4F80;
	[tilespmem:s9+$0x11D00] =	vst v0;
	s10 =	smov.u32 s0;
	s0 =	sadd.s32 $0x80, s0  }
.Ltmp2:
0x45: {  	[tilespmem:s9+$0x11D10] =	vst v0;
	(pc) =	sbr.rel @p0 .LBB2_2-.Ltmp2, $2  }
0x46: {  	_ =	sdelay $0x2  }
0x47: {  	s9 =	sshra.s32 s10, $0x2  }
0x48: {  	[tilespmem:s9+$0x11D00] =	vst v0  }
0x49: {  	[tilespmem:s9+$0x11D10] =	vst v0  }
0x4a: {  	[spmem:s5] =	stream.linear.scatter [tilespmem:s16], [sflag:$0x9], $0x1400, $0x38;
	[tilespmem:$0x18100] =	vst v63  }
0x4b: {  	_ =	swait.ge [sflag:s17], $0x1400  }
0x4c: {  	[sflag:s17] =	ssyncset.done $0x0  }
0x4d: {  	[sflag:s17] =	ssyncadd.s32 $0xFFFFEC00  }
0x4e: {  	[spmem:s6] =	stream.linear.scatter [tilespmem:s16], [sflag:$0x9], $0x1400, $0x38;
	[tilespmem:$0x18100] =	vst v63  }
0x4f: {  	_ =	swait.ge [sflag:s17], $0x1400  }
0x50: {  	[sflag:s17] =	ssyncset.done $0x0  }
0x51: {  	[sflag:s17] =	ssyncadd.s32 $0xFFFFEC00  }
0x52: {  	[spmem:s7] =	stream.linear.scatter [tilespmem:s16], [sflag:$0x9], $0x1400, $0x38;
	[tilespmem:$0x18100] =	vst v63  }
0x53: {  	_ =	swait.ge [sflag:s17], $0x1400  }
0x54: {  	[sflag:s17] =	ssyncset.done $0x0  }
0x55: {  	[sflag:s17] =	ssyncadd.s32 $0xFFFFEC00  }
0x56: {  	[spmem:s8] =	stream.linear.scatter [tilespmem:s16], [sflag:$0x9], $0x1400, $0x38;
	[tilespmem:$0x18100] =	vst v63  }
0x57: {  	_ =	swait.ge [sflag:s17], $0x1400  }
0x58: {  	[sflag:s17] =	ssyncset.done $0x0  }
0x59: {  	[sflag:s17] =	ssyncadd.s32 $0xFFFFEC00  }
0x5a: {  	[bflag:$0x0] =	sbarrier.arrive $0xFFFF  }
0x5b: {  	s31 =	simm.s32 $0x0;
	s0 =	rddreg [dreg:$0x7]  }
0x5c: {  	[tilespmem:s31], [sflag:$0x9] =	stream.linear.gather [hbm4b:s0+s31], $0x5000, $0x38;
	[tilespmem:$0x18100] =	vst v63  }
0x5d: {  	_ =	swait.ge [sflag:s17], $0x5000  }
0x5e: {  	[sflag:s17] =	ssyncset.done $0x0  }
0x5f: {  	s14 =	simm.s32 $0x5000;
	s13 =	rddreg [dreg:$0x9];
	[sflag:s17] =	ssyncadd.s32 $0xFFFFB000  }
0x60: {  	[tilespmem:s14], [sflag:$0x9] =	stream.linear.gather [hbm4b:s13+s31], $0x5000, $0x38;
	[tilespmem:$0x18100] =	vst v63  }
0x61: {  	_ =	swait.ge [sflag:s17], $0x5000  }
0x62: {  	[sflag:s17] =	ssyncset.done $0x0  }
0x63: {  	[sflag:s17] =	ssyncadd.s32 $0xFFFFB000  }
0x64: {  	[tilespmem:s20], [sflag:$0x1] =	stream.indirect.gather [hbm4b:s4+s19], $0x20, s31, s19, $0xb8;
	[tilespmem:$0x18100] =	vst v63  }
0x65: {  	s15 =	simm.s32 $0x80;
	s18 =	simm.s32 $0xAFA0  }
0x66: {  	[tilespmem:s18], [sflag:$0x2] =	stream.indirect.gather [hbm4b:s4+s19], $0x20, s15, s19, $0xb8;
	[tilespmem:$0x18100] =	vst v63  }
0x67: {  	s9 =	simm.s32 $0x100  }
0x68: {  	[tilespmem:s24], [sflag:$0x3] =	stream.indirect.gather [hbm4b:s4+s19], $0x20, s9, s19, $0xb8;
	[tilespmem:$0x18100] =	vst v63  }
0x69: {  	s10 =	simm.s32 $0x180;
	s11 =	simm.s32 $0xCEE0  }
0x6a: {  	[tilespmem:s11], [sflag:$0x4] =	stream.indirect.gather [hbm4b:s4+s19], $0x20, s10, s19, $0xb8;
	[tilespmem:$0x18100] =	vst v63  }
0x6b: {  	s12 =	simm.s32 $0x200  }
0x6c: {  	[tilespmem:s29], [sflag:$0x5] =	stream.indirect.gather [hbm4b:s4+s19], $0x20, s12, s19, $0xb8;
	[tilespmem:$0x18100] =	vst v63  }
0x6d: {  	s13 =	simm.s32 $0x280;
	s14 =	simm.s32 $0xEE20  }
0x6e: {  	[tilespmem:s14], [sflag:$0x6] =	stream.indirect.gather [hbm4b:s4+s19], $0x20, s13, s19, $0xb8;
	[tilespmem:$0x18100] =	vst v63  }
0x6f: {  	s15 =	simm.s32 $0x300  }
0x70: {  	[tilespmem:s2], [sflag:$0x7] =	stream.indirect.gather [hbm4b:s4+s19], $0x20, s15, s19, $0xb8;
	[tilespmem:$0x18100] =	vst v63  }
0x71: {  	s18 =	simm.s32 $0x380  }
0x72: {  	[tilespmem:s21], [sflag:$0x8] =	stream.indirect.gather [hbm4b:s4+s19], $0x20, s18, s19, $0xb8;
	[tilespmem:$0x18100] =	vst v63  }
.LBB2_4:
0x73: {  	_ =	swait.ge [sflag:s22], $0xFA0  }
0x74: {  	s0 =	sshra.s32 s31, $0x2;
	[sflag:s22] =	ssyncset.done $0x0  }
0x75: {  	s9 =	sadd.s32 $0x5000, s0;
	[sflag:s22] =	ssyncadd.s32 $0xFFFFF060  }
0x76: {  	[spmem:s1] =	stream.indirect.scatter.add.f32 [tilespmem:s20], [sflag:$0x9], $0x20, s9, s19, $0xb8;
	[tilespmem:$0x18100] =	vst v63  }
0x77: {  	_ =	swait.ge [sflag:s17], $0xFA0  }
0x78: {  	p0 =	seq.s32 s31, $0x13000;
	[sflag:s17] =	ssyncset.done $0x0  }
0x79: {  	s9 =	simm.s32 @p0 $0x2;
	[sflag:s17] =	ssyncadd.s32 $0xFFFFF060  }
0x7a: {  	_ =	swait.ge @p0 [sflag:s9], $0xFA0  }
0x7b: {  	s10 =	sshra.s32 @p0 s31, $0x2;
	s11 =	simm.s32 @p0 $0x7D;
	[sflag:s9] =	ssyncset.done @p0 $0x0  }
0x7c: {  	s12 =	simm.s32 @p0 $0xAFA0;
	[sflag:s9] =	ssyncadd.s32 @p0 $0xFFFFF060;
	s9 =	sadd.s32 @p0 $0x5080, s10  }
0x7d: {  	[spmem:s1] =	stream.indirect.scatter.add.f32 @p0 [tilespmem:s12], [sflag:$0x9], $0x20, s9, s11, $0xb8;
	[tilespmem:$0x18100] =	vst v63  }
0x7e: {  	s12 =	simm.s32 @p0 $0x9  }
0x7f: {  	_ =	swait.ge @p0 [sflag:s12], $0xFA0  }
0x80: {  	s18 =	sshra.s32 @!p0 s31, $0x2;
	s15 =	simm.s32 @!p0 $0xA000;
	[sflag:s12] =	ssyncset.done @p0 $0x0  }
0x81: {  	s14 =	sadd.s32 @!p0 $0x400, s18;
	s9 =	simm.s32 @!p0 $0x7D;
	[sflag:s12] =	ssyncadd.s32 @p0 $0xFFFFF060  }
0x82: {  	[tilespmem:s15], [sflag:$0x1] =	stream.indirect.gather @!p0 [hbm4b:s4+s9], $0x20, s14, s9, $0xb8;
	[tilespmem:$0x18100] =	vst v63  }
0x83: {  	s14 =	simm.s32 @!p0 $0x2  }
0x84: {  	_ =	swait.ge @!p0 [sflag:s14], $0xFA0  }
0x85: {  	[sflag:s14] =	ssyncset.done @!p0 $0x0  }
0x86: {  	s15 =	simm.s32 @!p0 $0xAFA0;
	[sflag:s14] =	ssyncadd.s32 @!p0 $0xFFFFF060;
	s14 =	sadd.s32 @!p0 $0x5080, s18  }
0x87: {  	[spmem:s1] =	stream.indirect.scatter.add.f32 @!p0 [tilespmem:s15], [sflag:$0x9], $0x20, s14, s9, $0xb8;
	[tilespmem:$0x18100] =	vst v63  }
0x88: {  	s14 =	simm.s32 @!p0 $0x9  }
0x89: {  	_ =	swait.ge @!p0 [sflag:s14], $0xFA0  }
0x8a: {  	[sflag:s14] =	ssyncset.done @!p0 $0x0  }
0x8b: {  	s13 =	sadd.s32 @!p0 $0x480, s18;
	[sflag:s14] =	ssyncadd.s32 @!p0 $0xFFFFF060  }
0x8c: {  	[tilespmem:s15], [sflag:$0x2] =	stream.indirect.gather @!p0 [hbm4b:s4+s9], $0x20, s13, s9, $0xb8;
	[tilespmem:$0x18100] =	vst v63  }
0x8d: {  	_ =	swait.ge [sflag:s23], $0xFA0  }
0x8e: {  	[sflag:s23] =	ssyncset.done $0x0  }
0x8f: {  	s15 =	sadd.s32 $0x5100, s0;
	[sflag:s23] =	ssyncadd.s32 $0xFFFFF060  }
0x90: {  	[spmem:s1] =	stream.indirect.scatter.add.f32 [tilespmem:s24], [sflag:$0x9], $0x20, s15, s19, $0xb8;
	[tilespmem:$0x18100] =	vst v63  }
0x91: {  	_ =	swait.ge [sflag:s17], $0xFA0  }
0x92: {  	[sflag:s17] =	ssyncset.done $0x0  }
0x93: {  	s13 =	simm.s32 @p0 $0x4;
	[sflag:s17] =	ssyncadd.s32 $0xFFFFF060  }
0x94: {  	_ =	swait.ge @p0 [sflag:s13], $0xFA0  }
0x95: {  	[sflag:s13] =	ssyncset.done @p0 $0x0  }
0x96: {  	s15 =	simm.s32 @p0 $0xCEE0;
	[sflag:s13] =	ssyncadd.s32 @p0 $0xFFFFF060;
	s13 =	sadd.s32 @p0 $0x5180, s10  }
0x97: {  	[spmem:s1] =	stream.indirect.scatter.add.f32 @p0 [tilespmem:s15], [sflag:$0x9], $0x20, s13, s11, $0xb8;
	[tilespmem:$0x18100] =	vst v63  }
0x98: {  	_ =	swait.ge @p0 [sflag:s12], $0xFA0  }
0x99: {  	[sflag:s12] =	ssyncset.done @p0 $0x0  }
0x9a: {  	s13 =	sadd.s32 @!p0 $0x500, s18;
	s15 =	simm.s32 @!p0 $0xBF40;
	[sflag:s12] =	ssyncadd.s32 @p0 $0xFFFFF060  }
0x9b: {  	[tilespmem:s15], [sflag:$0x3] =	stream.indirect.gather @!p0 [hbm4b:s4+s9], $0x20, s13, s9, $0xb8;
	[tilespmem:$0x18100] =	vst v63  }
0x9c: {  	s13 =	simm.s32 @!p0 $0x4  }
0x9d: {  	_ =	swait.ge @!p0 [sflag:s13], $0xFA0  }
0x9e: {  	[sflag:s13] =	ssyncset.done @!p0 $0x0  }
0x9f: {  	s15 =	simm.s32 @!p0 $0xCEE0;
	[sflag:s13] =	ssyncadd.s32 @!p0 $0xFFFFF060;
	s13 =	sadd.s32 @!p0 $0x5180, s18  }
0xa0: {  	[spmem:s1] =	stream.indirect.scatter.add.f32 @!p0 [tilespmem:s15], [sflag:$0x9], $0x20, s13, s9, $0xb8;
	[tilespmem:$0x18100] =	vst v63  }
0xa1: {  	_ =	swait.ge @!p0 [sflag:s14], $0xFA0  }
0xa2: {  	[sflag:s14] =	ssyncset.done @!p0 $0x0  }
0xa3: {  	s13 =	sadd.s32 @!p0 $0x580, s18;
	[sflag:s14] =	ssyncadd.s32 @!p0 $0xFFFFF060  }
0xa4: {  	[tilespmem:s15], [sflag:$0x4] =	stream.indirect.gather @!p0 [hbm4b:s4+s9], $0x20, s13, s9, $0xb8;
	[tilespmem:$0x18100] =	vst v63  }
0xa5: {  	_ =	swait.ge [sflag:s25], $0xFA0  }
0xa6: {  	[sflag:s25] =	ssyncset.done $0x0  }
0xa7: {  	s15 =	sadd.s32 $0x5200, s0;
	[sflag:s25] =	ssyncadd.s32 $0xFFFFF060  }
0xa8: {  	[spmem:s1] =	stream.indirect.scatter.add.f32 [tilespmem:s29], [sflag:$0x9], $0x20, s15, s19, $0xb8;
	[tilespmem:$0x18100] =	vst v63  }
0xa9: {  	_ =	swait.ge [sflag:s17], $0xFA0  }
0xaa: {  	[sflag:s17] =	ssyncset.done $0x0  }
0xab: {  	s13 =	simm.s32 @p0 $0x6;
	[sflag:s17] =	ssyncadd.s32 $0xFFFFF060  }
0xac: {  	_ =	swait.ge @p0 [sflag:s13], $0xFA0  }
0xad: {  	[sflag:s13] =	ssyncset.done @p0 $0x0  }
0xae: {  	s10 =	sadd.s32 @p0 $0x5280, s10;
	[sflag:s13] =	ssyncadd.s32 @p0 $0xFFFFF060;
	s13 =	simm.s32 @p0 $0xEE20  }
0xaf: {  	[spmem:s1] =	stream.indirect.scatter.add.f32 @p0 [tilespmem:s13], [sflag:$0x9], $0x20, s10, s11, $0xb8;
	[tilespmem:$0x18100] =	vst v63  }
0xb0: {  	_ =	swait.ge @p0 [sflag:s12], $0xFA0  }
0xb1: {  	[sflag:s12] =	ssyncset.done @p0 $0x0  }
0xb2: {  	s10 =	sadd.s32 @!p0 $0x600, s18;
	s11 =	simm.s32 @!p0 $0xDE80;
	[sflag:s12] =	ssyncadd.s32 @p0 $0xFFFFF060  }
0xb3: {  	[tilespmem:s11], [sflag:$0x5] =	stream.indirect.gather @!p0 [hbm4b:s4+s9], $0x20, s10, s9, $0xb8;
	[tilespmem:$0x18100] =	vst v63  }
0xb4: {  	s10 =	simm.s32 @!p0 $0x6  }
0xb5: {  	_ =	swait.ge @!p0 [sflag:s10], $0xFA0  }
0xb6: {  	[sflag:s10] =	ssyncset.done @!p0 $0x0  }
0xb7: {  	s11 =	simm.s32 @!p0 $0xEE20;
	[sflag:s10] =	ssyncadd.s32 @!p0 $0xFFFFF060;
	s10 =	sadd.s32 @!p0 $0x5280, s18  }
0xb8: {  	[spmem:s1] =	stream.indirect.scatter.add.f32 @!p0 [tilespmem:s11], [sflag:$0x9], $0x20, s10, s9, $0xb8;
	[tilespmem:$0x18100] =	vst v63  }
0xb9: {  	_ =	swait.ge @!p0 [sflag:s14], $0xFA0  }
0xba: {  	[sflag:s14] =	ssyncset.done @!p0 $0x0  }
0xbb: {  	s10 =	sadd.s32 @!p0 $0x680, s18;
	[sflag:s14] =	ssyncadd.s32 @!p0 $0xFFFFF060  }
0xbc: {  	[tilespmem:s11], [sflag:$0x6] =	stream.indirect.gather @!p0 [hbm4b:s4+s9], $0x20, s10, s9, $0xb8;
	[tilespmem:$0x18100] =	vst v63  }
0xbd: {  	_ =	swait.ge [sflag:s26], $0xFA0  }
0xbe: {  	[sflag:s26] =	ssyncset.done $0x0  }
.Ltmp3:
0xbf: {  	s18 =	sadd.s32 $0x5300, s0;
	[sflag:s26] =	ssyncadd.s32 $0xFFFFF060;
	(pc) =	sbr.rel @p0 .LBB2_6-.Ltmp3, $4  }
0xc0: {  	[spmem:s1] =	stream.indirect.scatter.add.f32 [tilespmem:s2], [sflag:$0x9], $0x20, s18, s19, $0xb8;
	[tilespmem:$0x18100] =	vst v63  }
0xc1: {  	_ =	swait.ge [sflag:s17], $0xFA0  }
0xc2: {  	[sflag:s17] =	ssyncset.done $0x0  }
0xc3: {  	s9 =	sadd.s32 $0x5380, s0;
	[sflag:s17] =	ssyncadd.s32 $0xFFFFF060  }
0xc4: {  	s10 =	sadd.s32 $0x700, s0  }
0xc5: {  	[tilespmem:s2], [sflag:$0x7] =	stream.indirect.gather [hbm4b:s4+s19], $0x20, s10, s19, $0xb8;
	[tilespmem:$0x18100] =	vst v63  }
0xc6: {  	_ =	swait.ge [sflag:s28], $0xFA0  }
0xc7: {  	[sflag:s28] =	ssyncset.done $0x0  }
0xc8: {  	[sflag:s28] =	ssyncadd.s32 $0xFFFFF060  }
0xc9: {  	[spmem:s1] =	stream.indirect.scatter.add.f32 [tilespmem:s21], [sflag:$0x9], $0x20, s9, s19, $0xb8;
	[tilespmem:$0x18100] =	vst v63  }
.Ltmp4:
0xca: {  	_ = 	snop;
	(pc) =	sbr.rel .LBB2_4-.Ltmp4, $4  }
0xcb: {  	_ =	swait.ge [sflag:s17], $0xFA0  }
0xcc: {  	[sflag:s17] =	ssyncset.done $0x0  }
0xcd: {  	s18 =	sadd.s32 $0x780, s0;
	s31 =	sadd.s32 $0x1000, s31;
	[sflag:s17] =	ssyncadd.s32 $0xFFFFF060  }
0xce: {  	[tilespmem:s21], [sflag:$0x8] =	stream.indirect.gather [hbm4b:s4+s19], $0x20, s18, s19, $0xb8;
	[tilespmem:$0x18100] =	vst v63  }
.LBB2_7:
0xcf: {  	_ =	sfence.sel $0x180000  }
0xd0: {  	[bflag:$0x0] =	sbarrier.arrive $0xFFFF  }
0xd1: {  	_ =	strace $0x9000004A  }
0xd2: {  	s0 =	stileid.u32;
	[bflag:$0x2] =	sbarrier.arrive $0xFFFF  }
0xd3: {  	p0 =	sne.s32 s0, $0x0;
	s0 =	rddreg [dreg:$0x2]  }
0xd4: {  	s0 =	sadd.s32 @!p0 $0x100000, s0  }
0xd5: {  	[sflag:s0] =	ssyncadd.tile.s32 @!p0 $0x1;
	_ =	shalt  }
.Lfunc_end2:
_tile_overlayer_lowered:
.L_overlay_start_2:
0xd6: {  	(tag) =	ssettag $0x2  }
0xd7: {  	s0 =	rddreg [dreg:$0x0];
	s2 =	stileid.u32  }
0xd8: {  	s1 =	rddreg [dreg:$0x1];
	p0 =	sne.s32 s2, $0x0  }
0xd9: {  	s3 =	rddreg [dreg:$0x2];
	[bflag:$0x3] =	sbarrier.arrive $0xFFFF;
	s2 =	simm.s32 @!p0 $0x1C09  }
0xda: {  	[timem:s3], [sflag:s2] =	dma.local @!p0 [hbm:s0], s1  }
0xdb: {  	s0 =	simm.s32 @!p0 $0x9  }
0xdc: {  	_ =	swait.ge @!p0 [sflag:s0], s1  }
0xdd: {  	s1 =	ssub.s32 @!p0 $0x0, s1;
	[sflag:s0] =	ssyncset.done @!p0 $0x0  }
0xde: {  	[sflag:s0] =	ssyncadd.s32 @!p0 s1  }
0xdf: {  	[bflag:$0x3] =	sbarrier.arrive $0xFFFF  }
0xe0: {  	_ =	shalt  }

// kernel: kernel.8.cloned.1.call-start
scs
__scs_entry_jumppad:
0x0: {  	(pc) =	sbr.rel $0x88, $3  }
0x1: {  	(tag) =	ssettag $0x0;
	lr =	simm.s32 $0x1  }
0x2: {  	[smem:$0x3F6F] =	sst lr;
	_ =	strace $0xD0000000  }
0x3: {  	_ = 	snop  }
0x4: {  	_ = 	snop  }
0x5: {  	_ = 	snop  }
0x6: {  	_ = 	snop  }
0x7: {  	_ = 	snop  }
__scs_overlays_trampoline_lowered:
0x8: {  	[smem:$0x3F7E] =	sst s0  }
0x9: {  	[smem:$0x3F7F] =	sst s1  }
0xa: {  	[smem:$0x3F80] =	sst s2  }
0xb: {  	[smem:$0x3F81] =	sst s3  }
0xc: {  	[smem:$0x3F82] =	sst s4  }
0xd: {  	[smem:$0x3F83] =	sst s5  }
0xe: {  	[smem:$0x3F84] =	sst s6  }
0xf: {  	[smem:$0x3F85] =	sst s7  }
0x10: {  	[smem:$0x3F86] =	sst s8  }
0x11: {  	[smem:$0x3F87] =	sst s9;
	s0 =	simm.s32 @!p0 $0x0  }
0x12: {  	s1 =	sld [smem:$0x3F6D];
	s0 =	simm.s32 @p0 $0x1  }
0x13: {  	[smem:$0x3F88] =	sst s0;
	s0 =	simm.s32 @!p1 $0x0  }
0x14: {  	s2 =	sld [smem:$0x3F6C];
	s0 =	simm.s32 @p1 $0x1  }
0x15: {  	[smem:$0x3F89] =	sst s0;
	s0 =	simm.s32 @!p2 $0x0  }
0x16: {  	s3 =	sld [smem:$0x3FDB];
	s0 =	simm.s32 @p2 $0x1  }
0x17: {  	s4 =	simm.s32 $0x1BF5;
	[smem:$0x3F8B] =	sst s0  }
0x18: {  	s0 =	sld [smem:$0x3F6E];
	_ =	swait.ge [sflag:s4], $0x0  }
0x19: {  	s7 =	sld [smem:$0x3F6F]  }
0x1a: {  	s8 =	sadd.s32 $0xFFFFE003, lr  }
0x1b: {  	s9 =	sadd.s32 $0xFFFFFEF7, lr;
	s5 =	simm.s32 $0xFFFFFFFF;
	p2 =	slt.u32 s8, $0xFFFFF086  }
0x1c: {  	p1 =	slt.u32 s9, $0xF7A;
	s5 =	simm.s32 @!p2 $0x0  }
0x1d: {  	s5 =	simm.s32 @p1 $0x1;
	p0 =	seq.s32 s7, s2  }
0x1e: {  	s7 =	smul.u32 @!p0 $0xF7A, s2;
	p2 =	seq.s32 @!p0 s5, $0x0  }
0x1f: {  	s9 =	smul.u32 $0xF7A, s1;
	s8 =	simm.s32 @!p0 $0x1BF5;
	p2 =	por !p2, p0  }
0x20: {  	[sflag:s8] =	ssyncset.s32 @!p0 $0xFFFFF086;
	s6 =	sadd.s32 @!p0 s3, s7;
	s7 =	simm.s32 @!p0 $0x108  }
0x21: {  	s3 =	sadd.s32 s3, s9;
	s6 =	sadd.s32 @!p0 $0x88, s6;
	s7 =	simm.s32 @p2 $0x1082  }
0x22: {  	[simem:s7], [sflag:s8] =	dma.local @!p0 [hbm:s6], $0xF7A  }
0x23: {  	s9 =	sor.u32 $0xD0000000, s2;
	s6 =	simm.s32 $0x108;
	_ =	swait.ge @!p0 [sflag:s8], $0x0  }
0x24: {  	s3 =	sadd.s32 $0x88, s3;
	s6 =	simm.s32 @!p1 $0x1082;
	[sflag:s4] =	ssyncset.s32 $0xFFFFF086  }
0x25: {  	[simem:s6], [sflag:s4] =	dma.local [hbm:s3], $0xF7A  }
0x26: {  	[smem:$0x3F6F] =	sst s1;
	(tag) =	ssettag s2;
	_ =	strace s9  }
0x27: {  	s1 =	sld [smem:$0x3F7F]  }
0x28: {  	s2 =	sld [smem:$0x3F80]  }
0x29: {  	s4 =	sld [smem:$0x3F82]  }
0x2a: {  	p0 =	seq.s32 s5, $0x0;
	s5 =	sld [smem:$0x3F83]  }
0x2b: {  	s6 =	sld [smem:$0x3F84]  }
0x2c: {  	s7 =	sld [smem:$0x3F85]  }
0x2d: {  	s3 =	simm.s32 $0x108;
	s8 =	sld [smem:$0x3F86]  }
0x2e: {  	s3 =	simm.s32 @!p0 $0x1082;
	s9 =	sld [smem:$0x3F87]  }
0x2f: {  	lr =	sadd.s32 s0, s3;
	s0 =	sld [smem:$0x3F7E]  }
0x30: {  	s3 =	sld [smem:$0x3F81]  }
0x31: {  	[smem:$0x3F8A] =	sst s10  }
0x32: {  	s10 =	sld [smem:$0x3F88];
	_ =	sdelay $0x3  }
0x33: {  	p0 =	seq.s32 s10, $0x1;
	s10 =	sld [smem:$0x3F8A];
	_ =	sdelay $0x3  }
0x34: {  	[smem:$0x3F8A] =	sst s10  }
0x35: {  	s10 =	sld [smem:$0x3F89];
	_ =	sdelay $0x3  }
0x36: {  	p1 =	seq.s32 s10, $0x1;
	s10 =	sld [smem:$0x3F8A];
	_ =	sdelay $0x3  }
0x37: {  	[smem:$0x3F8A] =	sst s10  }
0x38: {  	s10 =	sld [smem:$0x3F8B]  }
0x39: {  	_ = 	snop;
	(pc) =	sbr.ind lr, $3  }
0x3a: {  	_ = 	snop  }
0x3b: {  	_ = 	snop  }
0x3c: {  	p2 =	seq.s32 s10, $0x1;
	s10 =	sld [smem:$0x3F8A]  }
0x3d: {  	_ =	shalt  }
0x3e: {  	_ =	shalt  }
0x3f: {  	_ =	shalt  }
0x40: {  	_ =	shalt  }
0x41: {  	_ =	shalt  }
0x42: {  	_ =	shalt  }
0x43: {  	_ =	shalt  }
0x44: {  	_ =	shalt  }
0x45: {  	_ =	shalt  }
0x46: {  	_ =	shalt  }
0x47: {  	_ =	shalt  }
0x48: {  	_ =	shalt  }
0x49: {  	_ =	shalt  }
0x4a: {  	_ =	shalt  }
0x4b: {  	_ =	shalt  }
0x4c: {  	_ =	shalt  }
0x4d: {  	_ =	shalt  }
0x4e: {  	_ =	shalt  }
0x4f: {  	_ =	shalt  }
0x50: {  	_ =	shalt  }
0x51: {  	_ =	shalt  }
0x52: {  	_ =	shalt  }
0x53: {  	_ =	shalt  }
0x54: {  	_ =	shalt  }
0x55: {  	_ =	shalt  }
0x56: {  	_ =	shalt  }
0x57: {  	_ =	shalt  }
0x58: {  	_ =	shalt  }
0x59: {  	_ =	shalt  }
0x5a: {  	_ =	shalt  }
0x5b: {  	_ =	shalt  }
0x5c: {  	_ =	shalt  }
0x5d: {  	_ =	shalt  }
0x5e: {  	_ =	shalt  }
0x5f: {  	_ =	shalt  }
0x60: {  	_ =	shalt  }
0x61: {  	_ =	shalt  }
0x62: {  	_ =	shalt  }
0x63: {  	_ =	shalt  }
0x64: {  	_ =	shalt  }
0x65: {  	_ =	shalt  }
0x66: {  	_ =	shalt  }
0x67: {  	_ =	shalt  }
0x68: {  	_ =	shalt  }
0x69: {  	_ =	shalt  }
0x6a: {  	_ =	shalt  }
0x6b: {  	_ =	shalt  }
0x6c: {  	_ =	shalt  }
0x6d: {  	_ =	shalt  }
0x6e: {  	_ =	shalt  }
0x6f: {  	_ =	shalt  }
0x70: {  	_ =	shalt  }
0x71: {  	_ =	shalt  }
0x72: {  	_ =	shalt  }
0x73: {  	_ =	shalt  }
0x74: {  	_ =	shalt  }
0x75: {  	_ =	shalt  }
0x76: {  	_ =	shalt  }
0x77: {  	_ =	shalt  }
0x78: {  	_ =	shalt  }
0x79: {  	_ =	shalt  }
0x7a: {  	_ =	shalt  }
0x7b: {  	_ =	shalt  }
0x7c: {  	_ =	shalt  }
0x7d: {  	_ =	shalt  }
0x7e: {  	_ =	shalt  }
0x7f: {  	_ =	shalt  }
0x80: {  	_ =	shalt  }
0x81: {  	_ =	shalt  }
0x82: {  	_ =	shalt  }
0x83: {  	_ =	shalt  }
0x84: {  	_ =	shalt  }
0x85: {  	_ =	shalt  }
0x86: {  	_ =	shalt  }
0x87: {  	_ =	shalt  }
.Lfunc_end0:
.L_simem_size_0:
called_computation_lowered:
.L_overlay_start_0:
0x88: {  	s2 =	sld [smem:$0x3FD9]  }
0x89: {  	s3 =	sld [smem:$0x3FFE];
	_ =	sdelay $0x1  }
0x8a: {  	s1 =	srdreg.scid  }
0x8b: {  	s0 =	sand.u32 $0x1, s1  }
0x8c: {  	s16 =	sshll.u32 s0, $0xA;
	s2 =	sadd.s32 s3, s2  }
0x8d: {  	s2 =	sadd.s32 s2, s16  }
0x8e: {  	[smem:$0x3F96] =	sst s2  }
0x8f: {  	_ = 	snop  }
0x90: {  	(tm) =	ssettm $0x1  }
0x91: {  	s17 =	sld [smem:$0x3FFB];
	_ =	sdelay $0x3  }
0x92: {  	_ =	strace s17  }
0x93: {  	s2 =	sld [smem:$0x3FFC];
	_ =	sdelay $0x3  }
0x94: {  	_ =	strace s2  }
0x95: {  	s2 =	sld [smem:$0x3FFD];
	_ =	sdelay $0x3  }
0x96: {  	_ =	strace s2  }
0x97: {  	_ =	strace $0x8FFFFFFF  }
0x98: {  	s18 =	sld [smem:$0x3FDB];
	_ =	sdelay $0x1  }
0x99: {  	s19 =	simm.s32 $_scs_section_size  }
0x9a: {  	s4 =	simm.s32 $_size__tile_overlayer_lowered;
	s5 =	simm.s32 $_tile_overlayer_lowered  }
0x9b: {  	s22 =	simm.s32 $0x1BFF;
	s21 =	sshll.u32 s5, $0x1;
	s2 =	sadd.s32 s19, s18  }
0x9c: {  	s6 =	simm.s32 $0x0;
	s20 =	sshll.u32 s4, $0x1;
	s4 =	sadd.s32 s21, s2  }
0x9d: {  	[timem:s6], [sflag:s22] =	dma.local [hbm:s4], s20  }
0x9e: {  	_ =	swait.ge [sflag:s22], s20  }
0x9f: {  	s3 =	ssub.s32 $0x0, s20;
	[sflag:s22] =	ssyncset.done $0x0  }
0xa0: {  	[sflag:s22] =	ssyncadd.s32 s3;
	_ =	sdelay $0x1  }
0xa1: {  	s23 =	simm.s32 $0x1B8B  }
0xa2: {  	_ =	swait.ge [sflag:s23], $0x1  }
0xa3: {  	[sflag:s23] =	ssyncset.done $0x0  }
0xa4: {  	s25 =	simm.s32 $0x1B8E;
	s24 =	sld [smem:$0x3FFE];
	[sflag:s23] =	ssyncadd.s32 $0xFFFFFFFF  }
0xa5: {  	s26 =	simm.s32 $execute0_lowered;
	[smem:$0x3FD2] =	sst s25  }
0xa6: {  	s4 =	sshll.u32 s26, $0x1;
	_ =	strace $0x80000046;
	[dreg:$0x1] =	wrdreg $0xFFFFFFFF  }
0xa7: {  	s28 =	simm.s32 $_size_execute0_lowered;
	s2 =	sadd.s32 s2, s4;
	[dreg:$0x0] =	wrdreg $0x0  }
0xa8: {  	s4 =	sshll.u32 s28, $0x1;
	[dreg:$0x2] =	wrdreg s2  }
0xa9: {  	[dreg:$0x3] =	wrdreg s4  }
0xaa: {  	[dreg:$0x4] =	wrdreg $0xC0  }
0xab: {  	_ =	task [dreg:s6], $0x5FFFF  }
0xac: {  	[dreg:$0x1] =	wrdreg $0xFFFFFFFF  }
0xad: {  	[dreg:$0x0] =	wrdreg $0x60  }
0xae: {  	[dreg:$0x2] =	wrdreg s24  }
0xaf: {  	[dreg:$0x3] =	wrdreg $0x131000  }
0xb0: {  	[dreg:$0x4] =	wrdreg $0x9  }
0xb1: {  	_ =	task.clear_ibuf [dreg:s6], $0x5FFFF;
	_ =	strace $0x90000046  }
0xb2: {  	s29 =	simm.s32 $0x9;
	_ =	strace $0x80000048  }
0xb3: {  	_ =	swait.ge [sflag:s29], $0x1  }
0xb4: {  	[sflag:s29] =	ssyncadd.s32 $0xFFFFFFFF  }
0xb5: {  	_ =	strace $0x90000048  }
0xb6: {  	_ =	sfence  }
0xb7: {  	s30 =	sld [smem:$0x0];
	_ =	sdelay $0x2  }
0xb8: {  	s31 =	sshll.u32 s1, $0xD;
	s1 =	sshrl.u32 s1, $0x2  }
0xb9: {  	s3 =	sand.u32 $0x4000, s31;
	s1 =	sadd.s32 s1, s30  }
0xba: {  	s0 =	sor.u32 s3, s0;
	s1 =	sshll.u32 s1, $0x11  }
0xbb: {  	s0 =	sor.u32 s1, s0  }
0xbc: {  	s0 =	sadd.s32 $0x8F2B, s0  }
0xbd: {  	[sflag:s0] =	ssyncadd.remote.s32 $0x1  }
0xbe: {  	_ =	sfence.sel $0xFFFF  }
0xbf: {  	[dreg:$0x0] =	wrdreg $0xFFFFFFFF;
	(pc) =	sbr.abs _section_cstart, $3  }
0xc0: {  	[dreg:$0x1] =	wrdreg $0xFFFFFFFF  }
0xc1: {  	_ =	task.clear_ibuf [dreg:s6], $0x2FFFF;
	_ =	strace $0x9FFFFFFF  }
0xc2: {  	(tm) =	ssettm $0x7FFFFFFF  }
0xc3: {  	_ =	shalt  }
tec
execute0_lowered:
.L_overlay_start_1:
0x0: {  	(tag) =	ssettag $0x1  }
0x1: {  	s0 =	rddreg [dreg:$0x0]  }
0x2: {  	s1 =	rddreg [dreg:$0x1];
	s3 =	simm.s32 $0x0;
	s2 =	srdreg.scid  }
0x3: {  	s4 =	stileid.u32;
	s16 =	simm.s32 $0x11D00;
	s17 =	simm.s32 $0x9  }
0x4: {  	s19 =	simm.s32 $0x7D;
	s20 =	simm.s32 $0xA000;
	s29 =	simm.s32 $0xDE80  }
0x5: {  	s28 =	simm.s32 $0x8;
	s30 =	simm.s32 $0x0;
	[smem:$0x7FF] =	sst s3  }
0x6: {  	s2 =	sand.u32 $0x1, s2;
	s9 =	smul.u32 $0x5000, s4;
	s4 =	sadd.s32 $0x54600, s0  }
0x7: {  	s10 =	sadd.s32 $0x90000, s0;
	_ =	strace $0x80000047;
	s5 =	ssub.s32 $0x2, s2  }
0x8: {  	s15 =	smul.u32 $0x50000, s2;
	p0 =	seq.s32 s2, $0x1;
	s6 =	sshrl.u32 s5, $0x1  }
0x9: {  	s12 =	sadd.s32 $0x1400, s9;
	s13 =	sadd.s32 $0x2800, s9;
	s14 =	sadd.s32 $0x3C00, s9  }
0xa: {  	s11 =	ssub.s32 s5, s6;
	s5 =	sadd.s32 s9, s1;
	s6 =	sadd.s32 s12, s1  }
0xb: {  	s7 =	sadd.s32 s13, s1;
	s8 =	sadd.s32 s14, s1;
	s21 =	sadd.s32 s9, s15  }
0xc: {  	s12 =	sadd.s32 s15, s12;
	s9 =	sshrl.u32 s9, $0x3;
	s23 =	sadd.s32 s15, s13  }
0xd: {  	s24 =	sadd.s32 s15, s14;
	s2 =	sshrl.u32 s21, $0x3;
	s12 =	sshrl.u32 s12, $0x3  }
0xe: {  	s13 =	sshrl.u32 s24, $0x3;
	s31 =	smax.u32 s11, $0x1;
	s24 =	simm.s32 $0xBF40  }
0xf: {  	s21 =	simm.s32 $0x10D60;
	s2 =	sadd.s32 s10, s2;
	s22 =	sadd.s32 s10, s12  }
0x10: {  	s12 =	sshrl.u32 s23, $0x3;
	s26 =	sadd.s32 s10, s13;
	[dreg:$0x8] =	wrdreg s31  }
0x11: {  	s23 =	simm.s32 $0x3;
	[dreg:$0x3] =	wrdreg s2;
	s2 =	simm.s32 $0x68000  }
.Ltmp0:
0x12: {  	[dreg:$0x4] =	wrdreg s22;
	s2 =	simm.s32 @!p0 $0x7C000;
	(pc) =	sbr.rel .LBB2_1-.Ltmp0, $4  }
0x13: {  	s25 =	sadd.s32 s10, s12;
	[dreg:$0x6] =	wrdreg s26;
	s0 =	sadd.s32 s2, s0  }
0x14: {  	s22 =	simm.s32 $0x1;
	[dreg:$0x5] =	wrdreg s25;
	s0 =	sadd.s32 s0, s9  }
0x15: {  	s26 =	simm.s32 $0x7;
	[dreg:$0x7] =	wrdreg s0;
	s0 =	sadd.s32 $0xA000, s0  }
0x16: {  	v0 =	vimm.f32 $0.0e+00;
	s25 =	simm.s32 $0x5;
	s2 =	simm.s32 $0xFDC0;
	[dreg:$0x9] =	wrdreg s0  }
.LBB2_6:
0x17: {  	_ =	swait.ge [sflag:s28], $0xFA0  }
0x18: {  	[sflag:s28] =	ssyncset.done $0x0  }
0x19: {  	[sflag:s28] =	ssyncadd.s32 $0xFFFFF060  }
0x1a: {  	[spmem:s1] =	stream.indirect.scatter.add.f32 [tilespmem:s21], [sflag:$0x9], $0x20, s9, s19, $0xb8;
	[tilespmem:$0x18100] =	vst v63  }
0x1b: {  	_ =	swait.ge [sflag:s17], $0xFA0  }
0x1c: {  	[sflag:s17] =	ssyncset.done $0x0  }
0x1d: {  	[sflag:s17] =	ssyncadd.s32 $0xFFFFF060  }
0x1e: {  	[bflag:$0x0] =	sbarrier.arrive $0xFFFF  }
0x1f: {  	[tilespmem:s16], [sflag:$0x9] =	stream.linear.gather [spmem:s5], $0x1400, $0x38;
	[tilespmem:$0x18100] =	vst v63  }
0x20: {  	_ =	swait.ge [sflag:s17], $0x1400  }
0x21: {  	[sflag:s17] =	ssyncset.done $0x0  }
0x22: {  	s0 =	rddreg [dreg:$0x3];
	[sflag:s17] =	ssyncadd.s32 $0xFFFFEC00  }
0x23: {  	[hbm4b:s0+s3] =	stream.linear.scatter [tilespmem:s16], [sflag:$0x9], $0x1400, $0x38;
	[tilespmem:$0x18100] =	vst v63  }
0x24: {  	_ =	swait.ge [sflag:s17], $0x1400  }
0x25: {  	[sflag:s17] =	ssyncset.done $0x0  }
0x26: {  	[sflag:s17] =	ssyncadd.s32 $0xFFFFEC00  }
0x27: {  	[tilespmem:s16], [sflag:$0x9] =	stream.linear.gather [spmem:s6], $0x1400, $0x38;
	[tilespmem:$0x18100] =	vst v63  }
0x28: {  	_ =	swait.ge [sflag:s17], $0x1400  }
0x29: {  	[sflag:s17] =	ssyncset.done $0x0  }
0x2a: {  	s14 =	rddreg [dreg:$0x4];
	[sflag:s17] =	ssyncadd.s32 $0xFFFFEC00  }
0x2b: {  	[hbm4b:s14+s3] =	stream.linear.scatter [tilespmem:s16], [sflag:$0x9], $0x1400, $0x38;
	[tilespmem:$0x18100] =	vst v63  }
0x2c: {  	_ =	swait.ge [sflag:s17], $0x1400  }
0x2d: {  	[sflag:s17] =	ssyncset.done $0x0  }
0x2e: {  	[sflag:s17] =	ssyncadd.s32 $0xFFFFEC00  }
0x2f: {  	[tilespmem:s16], [sflag:$0x9] =	stream.linear.gather [spmem:s7], $0x1400, $0x38;
	[tilespmem:$0x18100] =	vst v63  }
0x30: {  	_ =	swait.ge [sflag:s17], $0x1400  }
0x31: {  	[sflag:s17] =	ssyncset.done $0x0  }
0x32: {  	s15 =	rddreg [dreg:$0x5];
	[sflag:s17] =	ssyncadd.s32 $0xFFFFEC00  }
0x33: {  	[hbm4b:s15+s3] =	stream.linear.scatter [tilespmem:s16], [sflag:$0x9], $0x1400, $0x38;
	[tilespmem:$0x18100] =	vst v63  }
0x34: {  	_ =	swait.ge [sflag:s17], $0x1400  }
0x35: {  	[sflag:s17] =	ssyncset.done $0x0  }
0x36: {  	[sflag:s17] =	ssyncadd.s32 $0xFFFFEC00  }
0x37: {  	[tilespmem:s16], [sflag:$0x9] =	stream.linear.gather [spmem:s8], $0x1400, $0x38;
	[tilespmem:$0x18100] =	vst v63  }
0x38: {  	_ =	swait.ge [sflag:s17], $0x1400  }
0x39: {  	[sflag:s17] =	ssyncset.done $0x0  }
0x3a: {  	s18 =	rddreg [dreg:$0x6];
	[sflag:s17] =	ssyncadd.s32 $0xFFFFEC00  }
0x3b: {  	[hbm4b:s18+s3] =	stream.linear.scatter [tilespmem:s16], [sflag:$0x9], $0x1400, $0x38;
	[tilespmem:$0x18100] =	vst v63  }
0x3c: {  	_ =	swait.ge [sflag:s17], $0x1400  }
0x3d: {  	s30 =	sadd.s32 $0x1, s30;
	s31 =	rddreg [dreg:$0x8]  }
0x3e: {  	p0 =	sne.s32 s30, s31  }
.Ltmp1:
0x3f: {  	_ = 	snop;
	(pc) =	sbr.rel @!p0 .LBB2_7-.Ltmp1, $3  }
0x40: {  	_ =	sdelay $0x1  }
0x41: {  	[sflag:s17] =	ssyncset.done $0x0  }
0x42: {  	[sflag:s17] =	ssyncadd.s32 $0xFFFFEC00  }
.LBB2_1:
0x43: {  	s0 =	simm.s32 $0x80;
	s9 =	simm.s32 $0x0  }
.LBB2_2:
0x44: {  	p0 =	sne.s32 s0, $0x4F80;
	[tilespmem:s9+$0x11D00] =	vst v0;
	s10 =	smov.u32 s0;
	s0 =	sadd.s32 $0x80, s0  }
.Ltmp2:
0x45: {  	[tilespmem:s9+$0x11D10] =	vst v0;
	(pc) =	sbr.rel @p0 .LBB2_2-.Ltmp2, $2  }
0x46: {  	_ =	sdelay $0x2  }
0x47: {  	s9 =	sshra.s32 s10, $0x2  }
0x48: {  	[tilespmem:s9+$0x11D00] =	vst v0  }
0x49: {  	[tilespmem:s9+$0x11D10] =	vst v0  }
0x4a: {  	[spmem:s5] =	stream.linear.scatter [tilespmem:s16], [sflag:$0x9], $0x1400, $0x38;
	[tilespmem:$0x18100] =	vst v63  }
0x4b: {  	_ =	swait.ge [sflag:s17], $0x1400  }
0x4c: {  	[sflag:s17] =	ssyncset.done $0x0  }
0x4d: {  	[sflag:s17] =	ssyncadd.s32 $0xFFFFEC00  }
0x4e: {  	[spmem:s6] =	stream.linear.scatter [tilespmem:s16], [sflag:$0x9], $0x1400, $0x38;
	[tilespmem:$0x18100] =	vst v63  }
0x4f: {  	_ =	swait.ge [sflag:s17], $0x1400  }
0x50: {  	[sflag:s17] =	ssyncset.done $0x0  }
0x51: {  	[sflag:s17] =	ssyncadd.s32 $0xFFFFEC00  }
0x52: {  	[spmem:s7] =	stream.linear.scatter [tilespmem:s16], [sflag:$0x9], $0x1400, $0x38;
	[tilespmem:$0x18100] =	vst v63  }
0x53: {  	_ =	swait.ge [sflag:s17], $0x1400  }
0x54: {  	[sflag:s17] =	ssyncset.done $0x0  }
0x55: {  	[sflag:s17] =	ssyncadd.s32 $0xFFFFEC00  }
0x56: {  	[spmem:s8] =	stream.linear.scatter [tilespmem:s16], [sflag:$0x9], $0x1400, $0x38;
	[tilespmem:$0x18100] =	vst v63  }
0x57: {  	_ =	swait.ge [sflag:s17], $0x1400  }
0x58: {  	[sflag:s17] =	ssyncset.done $0x0  }
0x59: {  	[sflag:s17] =	ssyncadd.s32 $0xFFFFEC00  }
0x5a: {  	[bflag:$0x0] =	sbarrier.arrive $0xFFFF  }
0x5b: {  	s31 =	simm.s32 $0x0;
	s0 =	rddreg [dreg:$0x7]  }
0x5c: {  	[tilespmem:s31], [sflag:$0x9] =	stream.linear.gather [hbm4b:s0+s31], $0x5000, $0x38;
	[tilespmem:$0x18100] =	vst v63  }
0x5d: {  	_ =	swait.ge [sflag:s17], $0x5000  }
0x5e: {  	[sflag:s17] =	ssyncset.done $0x0  }
0x5f: {  	s14 =	simm.s32 $0x5000;
	s13 =	rddreg [dreg:$0x9];
	[sflag:s17] =	ssyncadd.s32 $0xFFFFB000  }
0x60: {  	[tilespmem:s14], [sflag:$0x9] =	stream.linear.gather [hbm4b:s13+s31], $0x5000, $0x38;
	[tilespmem:$0x18100] =	vst v63  }
0x61: {  	_ =	swait.ge [sflag:s17], $0x5000  }
0x62: {  	[sflag:s17] =	ssyncset.done $0x0  }
0x63: {  	[sflag:s17] =	ssyncadd.s32 $0xFFFFB000  }
0x64: {  	[tilespmem:s20], [sflag:$0x1] =	stream.indirect.gather [hbm4b:s4+s19], $0x20, s31, s19, $0xb8;
	[tilespmem:$0x18100] =	vst v63  }
0x65: {  	s15 =	simm.s32 $0x80;
	s18 =	simm.s32 $0xAFA0  }
0x66: {  	[tilespmem:s18], [sflag:$0x2] =	stream.indirect.gather [hbm4b:s4+s19], $0x20, s15, s19, $0xb8;
	[tilespmem:$0x18100] =	vst v63  }
0x67: {  	s9 =	simm.s32 $0x100  }
0x68: {  	[tilespmem:s24], [sflag:$0x3] =	stream.indirect.gather [hbm4b:s4+s19], $0x20, s9, s19, $0xb8;
	[tilespmem:$0x18100] =	vst v63  }
0x69: {  	s10 =	simm.s32 $0x180;
	s11 =	simm.s32 $0xCEE0  }
0x6a: {  	[tilespmem:s11], [sflag:$0x4] =	stream.indirect.gather [hbm4b:s4+s19], $0x20, s10, s19, $0xb8;
	[tilespmem:$0x18100] =	vst v63  }
0x6b: {  	s12 =	simm.s32 $0x200  }
0x6c: {  	[tilespmem:s29], [sflag:$0x5] =	stream.indirect.gather [hbm4b:s4+s19], $0x20, s12, s19, $0xb8;
	[tilespmem:$0x18100] =	vst v63  }
0x6d: {  	s13 =	simm.s32 $0x280;
	s14 =	simm.s32 $0xEE20  }
0x6e: {  	[tilespmem:s14], [sflag:$0x6] =	stream.indirect.gather [hbm4b:s4+s19], $0x20, s13, s19, $0xb8;
	[tilespmem:$0x18100] =	vst v63  }
0x6f: {  	s15 =	simm.s32 $0x300  }
0x70: {  	[tilespmem:s2], [sflag:$0x7] =	stream.indirect.gather [hbm4b:s4+s19], $0x20, s15, s19, $0xb8;
	[tilespmem:$0x18100] =	vst v63  }
0x71: {  	s18 =	simm.s32 $0x380  }
0x72: {  	[tilespmem:s21], [sflag:$0x8] =	stream.indirect.gather [hbm4b:s4+s19], $0x20, s18, s19, $0xb8;
	[tilespmem:$0x18100] =	vst v63  }
.LBB2_4:
0x73: {  	_ =	swait.ge [sflag:s22], $0xFA0  }
0x74: {  	s0 =	sshra.s32 s31, $0x2;
	[sflag:s22] =	ssyncset.done $0x0  }
0x75: {  	s9 =	sadd.s32 $0x5000, s0;
	[sflag:s22] =	ssyncadd.s32 $0xFFFFF060  }
0x76: {  	[spmem:s1] =	stream.indirect.scatter.add.f32 [tilespmem:s20], [sflag:$0x9], $0x20, s9, s19, $0xb8;
	[tilespmem:$0x18100] =	vst v63  }
0x77: {  	_ =	swait.ge [sflag:s17], $0xFA0  }
0x78: {  	p0 =	seq.s32 s31, $0x13000;
	[sflag:s17] =	ssyncset.done $0x0  }
0x79: {  	s9 =	simm.s32 @p0 $0x2;
	[sflag:s17] =	ssyncadd.s32 $0xFFFFF060  }
0x7a: {  	_ =	swait.ge @p0 [sflag:s9], $0xFA0  }
0x7b: {  	s10 =	sshra.s32 @p0 s31, $0x2;
	s11 =	simm.s32 @p0 $0x7D;
	[sflag:s9] =	ssyncset.done @p0 $0x0  }
0x7c: {  	s12 =	simm.s32 @p0 $0xAFA0;
	[sflag:s9] =	ssyncadd.s32 @p0 $0xFFFFF060;
	s9 =	sadd.s32 @p0 $0x5080, s10  }
0x7d: {  	[spmem:s1] =	stream.indirect.scatter.add.f32 @p0 [tilespmem:s12], [sflag:$0x9], $0x20, s9, s11, $0xb8;
	[tilespmem:$0x18100] =	vst v63  }
0x7e: {  	s12 =	simm.s32 @p0 $0x9  }
0x7f: {  	_ =	swait.ge @p0 [sflag:s12], $0xFA0  }
0x80: {  	s18 =	sshra.s32 @!p0 s31, $0x2;
	s15 =	simm.s32 @!p0 $0xA000;
	[sflag:s12] =	ssyncset.done @p0 $0x0  }
0x81: {  	s14 =	sadd.s32 @!p0 $0x400, s18;
	s9 =	simm.s32 @!p0 $0x7D;
	[sflag:s12] =	ssyncadd.s32 @p0 $0xFFFFF060  }
0x82: {  	[tilespmem:s15], [sflag:$0x1] =	stream.indirect.gather @!p0 [hbm4b:s4+s9], $0x20, s14, s9, $0xb8;
	[tilespmem:$0x18100] =	vst v63  }
0x83: {  	s14 =	simm.s32 @!p0 $0x2  }
0x84: {  	_ =	swait.ge @!p0 [sflag:s14], $0xFA0  }
0x85: {  	[sflag:s14] =	ssyncset.done @!p0 $0x0  }
0x86: {  	s15 =	simm.s32 @!p0 $0xAFA0;
	[sflag:s14] =	ssyncadd.s32 @!p0 $0xFFFFF060;
	s14 =	sadd.s32 @!p0 $0x5080, s18  }
0x87: {  	[spmem:s1] =	stream.indirect.scatter.add.f32 @!p0 [tilespmem:s15], [sflag:$0x9], $0x20, s14, s9, $0xb8;
	[tilespmem:$0x18100] =	vst v63  }
0x88: {  	s14 =	simm.s32 @!p0 $0x9  }
0x89: {  	_ =	swait.ge @!p0 [sflag:s14], $0xFA0  }
0x8a: {  	[sflag:s14] =	ssyncset.done @!p0 $0x0  }
0x8b: {  	s13 =	sadd.s32 @!p0 $0x480, s18;
	[sflag:s14] =	ssyncadd.s32 @!p0 $0xFFFFF060  }
0x8c: {  	[tilespmem:s15], [sflag:$0x2] =	stream.indirect.gather @!p0 [hbm4b:s4+s9], $0x20, s13, s9, $0xb8;
	[tilespmem:$0x18100] =	vst v63  }
0x8d: {  	_ =	swait.ge [sflag:s23], $0xFA0  }
0x8e: {  	[sflag:s23] =	ssyncset.done $0x0  }
0x8f: {  	s15 =	sadd.s32 $0x5100, s0;
	[sflag:s23] =	ssyncadd.s32 $0xFFFFF060  }
0x90: {  	[spmem:s1] =	stream.indirect.scatter.add.f32 [tilespmem:s24], [sflag:$0x9], $0x20, s15, s19, $0xb8;
	[tilespmem:$0x18100] =	vst v63  }
0x91: {  	_ =	swait.ge [sflag:s17], $0xFA0  }
0x92: {  	[sflag:s17] =	ssyncset.done $0x0  }
0x93: {  	s13 =	simm.s32 @p0 $0x4;
	[sflag:s17] =	ssyncadd.s32 $0xFFFFF060  }
0x94: {  	_ =	swait.ge @p0 [sflag:s13], $0xFA0  }
0x95: {  	[sflag:s13] =	ssyncset.done @p0 $0x0  }
0x96: {  	s15 =	simm.s32 @p0 $0xCEE0;
	[sflag:s13] =	ssyncadd.s32 @p0 $0xFFFFF060;
	s13 =	sadd.s32 @p0 $0x5180, s10  }
0x97: {  	[spmem:s1] =	stream.indirect.scatter.add.f32 @p0 [tilespmem:s15], [sflag:$0x9], $0x20, s13, s11, $0xb8;
	[tilespmem:$0x18100] =	vst v63  }
0x98: {  	_ =	swait.ge @p0 [sflag:s12], $0xFA0  }
0x99: {  	[sflag:s12] =	ssyncset.done @p0 $0x0  }
0x9a: {  	s13 =	sadd.s32 @!p0 $0x500, s18;
	s15 =	simm.s32 @!p0 $0xBF40;
	[sflag:s12] =	ssyncadd.s32 @p0 $0xFFFFF060  }
0x9b: {  	[tilespmem:s15], [sflag:$0x3] =	stream.indirect.gather @!p0 [hbm4b:s4+s9], $0x20, s13, s9, $0xb8;
	[tilespmem:$0x18100] =	vst v63  }
0x9c: {  	s13 =	simm.s32 @!p0 $0x4  }
0x9d: {  	_ =	swait.ge @!p0 [sflag:s13], $0xFA0  }
0x9e: {  	[sflag:s13] =	ssyncset.done @!p0 $0x0  }
0x9f: {  	s15 =	simm.s32 @!p0 $0xCEE0;
	[sflag:s13] =	ssyncadd.s32 @!p0 $0xFFFFF060;
	s13 =	sadd.s32 @!p0 $0x5180, s18  }
0xa0: {  	[spmem:s1] =	stream.indirect.scatter.add.f32 @!p0 [tilespmem:s15], [sflag:$0x9], $0x20, s13, s9, $0xb8;
	[tilespmem:$0x18100] =	vst v63  }
0xa1: {  	_ =	swait.ge @!p0 [sflag:s14], $0xFA0  }
0xa2: {  	[sflag:s14] =	ssyncset.done @!p0 $0x0  }
0xa3: {  	s13 =	sadd.s32 @!p0 $0x580, s18;
	[sflag:s14] =	ssyncadd.s32 @!p0 $0xFFFFF060  }
0xa4: {  	[tilespmem:s15], [sflag:$0x4] =	stream.indirect.gather @!p0 [hbm4b:s4+s9], $0x20, s13, s9, $0xb8;
	[tilespmem:$0x18100] =	vst v63  }
0xa5: {  	_ =	swait.ge [sflag:s25], $0xFA0  }
0xa6: {  	[sflag:s25] =	ssyncset.done $0x0  }
0xa7: {  	s15 =	sadd.s32 $0x5200, s0;
	[sflag:s25] =	ssyncadd.s32 $0xFFFFF060  }
0xa8: {  	[spmem:s1] =	stream.indirect.scatter.add.f32 [tilespmem:s29], [sflag:$0x9], $0x20, s15, s19, $0xb8;
	[tilespmem:$0x18100] =	vst v63  }
0xa9: {  	_ =	swait.ge [sflag:s17], $0xFA0  }
0xaa: {  	[sflag:s17] =	ssyncset.done $0x0  }
0xab: {  	s13 =	simm.s32 @p0 $0x6;
	[sflag:s17] =	ssyncadd.s32 $0xFFFFF060  }
0xac: {  	_ =	swait.ge @p0 [sflag:s13], $0xFA0  }
0xad: {  	[sflag:s13] =	ssyncset.done @p0 $0x0  }
0xae: {  	s10 =	sadd.s32 @p0 $0x5280, s10;
	[sflag:s13] =	ssyncadd.s32 @p0 $0xFFFFF060;
	s13 =	simm.s32 @p0 $0xEE20  }
0xaf: {  	[spmem:s1] =	stream.indirect.scatter.add.f32 @p0 [tilespmem:s13], [sflag:$0x9], $0x20, s10, s11, $0xb8;
	[tilespmem:$0x18100] =	vst v63  }
0xb0: {  	_ =	swait.ge @p0 [sflag:s12], $0xFA0  }
0xb1: {  	[sflag:s12] =	ssyncset.done @p0 $0x0  }
0xb2: {  	s10 =	sadd.s32 @!p0 $0x600, s18;
	s11 =	simm.s32 @!p0 $0xDE80;
	[sflag:s12] =	ssyncadd.s32 @p0 $0xFFFFF060  }
0xb3: {  	[tilespmem:s11], [sflag:$0x5] =	stream.indirect.gather @!p0 [hbm4b:s4+s9], $0x20, s10, s9, $0xb8;
	[tilespmem:$0x18100] =	vst v63  }
0xb4: {  	s10 =	simm.s32 @!p0 $0x6  }
0xb5: {  	_ =	swait.ge @!p0 [sflag:s10], $0xFA0  }
0xb6: {  	[sflag:s10] =	ssyncset.done @!p0 $0x0  }
0xb7: {  	s11 =	simm.s32 @!p0 $0xEE20;
	[sflag:s10] =	ssyncadd.s32 @!p0 $0xFFFFF060;
	s10 =	sadd.s32 @!p0 $0x5280, s18  }
0xb8: {  	[spmem:s1] =	stream.indirect.scatter.add.f32 @!p0 [tilespmem:s11], [sflag:$0x9], $0x20, s10, s9, $0xb8;
	[tilespmem:$0x18100] =	vst v63  }
0xb9: {  	_ =	swait.ge @!p0 [sflag:s14], $0xFA0  }
0xba: {  	[sflag:s14] =	ssyncset.done @!p0 $0x0  }
0xbb: {  	s10 =	sadd.s32 @!p0 $0x680, s18;
	[sflag:s14] =	ssyncadd.s32 @!p0 $0xFFFFF060  }
0xbc: {  	[tilespmem:s11], [sflag:$0x6] =	stream.indirect.gather @!p0 [hbm4b:s4+s9], $0x20, s10, s9, $0xb8;
	[tilespmem:$0x18100] =	vst v63  }
0xbd: {  	_ =	swait.ge [sflag:s26], $0xFA0  }
0xbe: {  	[sflag:s26] =	ssyncset.done $0x0  }
.Ltmp3:
0xbf: {  	s18 =	sadd.s32 $0x5300, s0;
	[sflag:s26] =	ssyncadd.s32 $0xFFFFF060;
	(pc) =	sbr.rel @p0 .LBB2_6-.Ltmp3, $4  }
0xc0: {  	[spmem:s1] =	stream.indirect.scatter.add.f32 [tilespmem:s2], [sflag:$0x9], $0x20, s18, s19, $0xb8;
	[tilespmem:$0x18100] =	vst v63  }
0xc1: {  	_ =	swait.ge [sflag:s17], $0xFA0  }
0xc2: {  	[sflag:s17] =	ssyncset.done $0x0  }
0xc3: {  	s9 =	sadd.s32 $0x5380, s0;
	[sflag:s17] =	ssyncadd.s32 $0xFFFFF060  }
0xc4: {  	s10 =	sadd.s32 $0x700, s0  }
0xc5: {  	[tilespmem:s2], [sflag:$0x7] =	stream.indirect.gather [hbm4b:s4+s19], $0x20, s10, s19, $0xb8;
	[tilespmem:$0x18100] =	vst v63  }
0xc6: {  	_ =	swait.ge [sflag:s28], $0xFA0  }
0xc7: {  	[sflag:s28] =	ssyncset.done $0x0  }
0xc8: {  	[sflag:s28] =	ssyncadd.s32 $0xFFFFF060  }
0xc9: {  	[spmem:s1] =	stream.indirect.scatter.add.f32 [tilespmem:s21], [sflag:$0x9], $0x20, s9, s19, $0xb8;
	[tilespmem:$0x18100] =	vst v63  }
.Ltmp4:
0xca: {  	_ = 	snop;
	(pc) =	sbr.rel .LBB2_4-.Ltmp4, $4  }
0xcb: {  	_ =	swait.ge [sflag:s17], $0xFA0  }
0xcc: {  	[sflag:s17] =	ssyncset.done $0x0  }
0xcd: {  	s18 =	sadd.s32 $0x780, s0;
	s31 =	sadd.s32 $0x1000, s31;
	[sflag:s17] =	ssyncadd.s32 $0xFFFFF060  }
0xce: {  	[tilespmem:s21], [sflag:$0x8] =	stream.indirect.gather [hbm4b:s4+s19], $0x20, s18, s19, $0xb8;
	[tilespmem:$0x18100] =	vst v63  }
.LBB2_7:
0xcf: {  	_ =	sfence.sel $0x180000  }
0xd0: {  	[bflag:$0x0] =	sbarrier.arrive $0xFFFF  }
0xd1: {  	_ =	strace $0x90000047  }
0xd2: {  	s0 =	stileid.u32;
	[bflag:$0x2] =	sbarrier.arrive $0xFFFF  }
0xd3: {  	p0 =	sne.s32 s0, $0x0;
	s0 =	rddreg [dreg:$0x2]  }
0xd4: {  	s0 =	sadd.s32 @!p0 $0x100000, s0  }
0xd5: {  	[sflag:s0] =	ssyncadd.tile.s32 @!p0 $0x1;
	_ =	shalt  }
.Lfunc_end2:
_tile_overlayer_lowered:
.L_overlay_start_2:
0xd6: {  	(tag) =	ssettag $0x2  }
0xd7: {  	s0 =	rddreg [dreg:$0x0];
	s2 =	stileid.u32  }
0xd8: {  	s1 =	rddreg [dreg:$0x1];
	p0 =	sne.s32 s2, $0x0  }
0xd9: {  	s3 =	rddreg [dreg:$0x2];
	[bflag:$0x3] =	sbarrier.arrive $0xFFFF;
	s2 =	simm.s32 @!p0 $0x1C09  }
0xda: {  	[timem:s3], [sflag:s2] =	dma.local @!p0 [hbm:s0], s1  }
0xdb: {  	s0 =	simm.s32 @!p0 $0x9  }
0xdc: {  	_ =	swait.ge @!p0 [sflag:s0], s1  }
0xdd: {  	s1 =	ssub.s32 @!p0 $0x0, s1;
	[sflag:s0] =	ssyncset.done @!p0 $0x0  }
0xde: {  	[sflag:s0] =	ssyncadd.s32 @!p0 s1  }
0xdf: {  	[bflag:$0x3] =	sbarrier.arrive $0xFFFF  }
0xe0: {  	_ =	shalt  }

</sc_bundles>
